<compile_context>
chip_gen: v7x
topology: tpu7x:2x2x1
jax: 0.10.2.dev20260603
libtpu: 0.0.44.dev20260713+nightly
codegen_flags: <defaults>
</compile_context>

<pallas_src>
import functools

import jax
import jax.numpy as jnp
from jax import lax
from jax.experimental import pallas as pl
from jax.experimental.pallas import tpu as pltpu
from jax.experimental.pallas import tpu_sc as plsc

NC, NS, L = 2, 16, 16



def _mm_body(x_ref, w_ref, o_ref):
  o_ref[...] = jnp.dot(x_ref[...], w_ref[...],
                       preferred_element_type=jnp.float32)


def _matmul(x, w, bn):
  n, f = x.shape
  k = w.shape[1]
  return pl.pallas_call(
      _mm_body,
      grid=(n // bn,),
      in_specs=[pl.BlockSpec((bn, f), lambda i: (i, 0)),
                pl.BlockSpec((f, k), lambda i: (0, 0))],
      out_specs=pl.BlockSpec((bn, k), lambda i: (i, 0)),
      out_shape=jax.ShapeDtypeStruct((n, k), jnp.float32),
  )(x, w)


def _elu(x):
  return jnp.where(x > 0, x, jnp.exp(jnp.minimum(x, 0.0)) - 1.0)


def _l1_combine_body(acc_ref, s_ref, w_ref, o_ref):
  a = acc_ref[0] + acc_ref[1]
  msg = a[:, 0:64]
  dn = a[:, 64:72]
  den = jnp.dot(dn, s_ref[...], preferred_element_type=jnp.float32) + 1e-9
  x1 = _elu(msg / den)
  o_ref[...] = jnp.dot(x1, w_ref[...], preferred_element_type=jnp.float32)


def _l2_combine_body(acc_a_ref, acc_b_ref, s2_ref, r_ref, o_ref):
  tot = None
  for acc_ref in (acc_a_ref, acc_b_ref):
    a = acc_ref[0] + acc_ref[1]
    msg = a[:, 0:128]
    dn = a[:, 128:132]
    den = jnp.dot(dn, s2_ref[...], preferred_element_type=jnp.float32) + 1e-9
    agg = msg / den
    tot = agg if tot is None else tot + agg
  x2 = jnp.dot(tot, r_ref[...], preferred_element_type=jnp.float32) * 0.125
  o_ref[...] = _elu(x2)



def _sc_mesh():
  return plsc.VectorSubcoreMesh(core_axis_name="c", subcore_axis_name="s",
                                num_cores=NC, num_subcores=NS)


def _make_edge_pass(n_nodes, n_edges, d, w, shifts, ch):
  epw = n_edges // (NC * NS)
  nchunks = epw // ch
  npairs = (nchunks - 1) // 2
  stripe = (n_nodes // NS) // 8 * 8
  tail = n_nodes - NS * stripe
  nregs = d // 16

  @functools.partial(
      pl.kernel,
      mesh=_sc_mesh(),
      compiler_params=pltpu.CompilerParams(use_tc_tiling_on_sc=False),
      out_type=jax.ShapeDtypeStruct((NC, n_nodes, w), jnp.float32),
      scratch_types=[
          pltpu.VMEM_SHARED((n_nodes, w), jnp.float32),
          pltpu.VMEM((nchunks, 2 * ch), jnp.int32),
          pltpu.VMEM((2, ch), jnp.int32),
          pltpu.VMEM((2 * ch, d), jnp.float32),
          pltpu.VMEM((2 * ch, d), jnp.float32),
          pltpu.VMEM((ch, w), jnp.float32),
          pltpu.VMEM((d,), jnp.float32),
          pltpu.VMEM((32,), jnp.float32),
          pltpu.SemaphoreType.DMA,
          pltpu.SemaphoreType.DMA,
      ],
  )
  def edge_pass(il_hbm, tgt_hbm, tab_hbm, av_hbm, zer_hbm, out_hbm,
                acc_sh, il_v, tgt_v, g_a, g_b, row_v, a_v, buf_v,
                sem_a, sem_b):
    c = lax.axis_index("c")
    s = lax.axis_index("s")
    wid = s * NC + c
    pltpu.sync_copy(zer_hbm.at[pl.ds(0, stripe)],
                    acc_sh.at[pl.ds(s * stripe, stripe)])
    @pl.when(s == 0)
    def _():
      pltpu.sync_copy(zer_hbm.at[pl.ds(0, tail)],
                      acc_sh.at[pl.ds(NS * stripe, tail)])
    pltpu.sync_copy(av_hbm, a_v)
    pltpu.sync_copy(il_hbm.at[wid], il_v)
    plsc.subcore_barrier()

    a_regs = [a_v[pl.ds(j * 16, 16)] for j in range(nregs)]
    slots = ((g_a, sem_a, 0), (g_b, sem_b, 1))

    def issue(ci, slot):
      g_v, sem, k = slot
      pltpu.async_copy(tab_hbm.at[il_v.at[ci]], g_v, sem)
      pltpu.async_copy(tgt_hbm.at[wid, ci], tgt_v.at[k], sem)

    def drain(slot):
      g_v, sem, k = slot
      pltpu.make_async_copy(tab_hbm.at[pl.ds(0, 2 * ch)], g_v, sem).wait()
      pltpu.make_async_copy(tgt_hbm.at[0, 0], tgt_v.at[k], sem).wait()

    def compute(ci, slot):
      g_v, _, k = slot

      def edge(i, ecarry):
        t = None
        gs_regs = []
        for j in range(nregs):
          gt = g_v[2 * i, pl.ds(j * 16, 16)]
          gv = g_v[2 * i + 1, pl.ds(j * 16, 16)]
          gs_regs.append(gv)
          f = gt + gv
          f = jnp.maximum(f, 0.2 * f)
          p = f * a_regs[j]
          t = p if t is None else t + p
        for sh in shifts:
          buf_v[pl.ds(0, 16)] = t
          buf_v[pl.ds(16, 16)] = t
          t = t + buf_v[pl.ds(sh, 16)]
        ex = jnp.exp(t)
        for j in range(nregs):
          row_v[i, pl.ds(j * 16, 16)] = ex * gs_regs[j]
        row_v[i, pl.ds(d, 16)] = ex
        return ecarry

      lax.fori_loop(0, ch, edge, 0)
      pltpu.sync_copy(row_v, acc_sh.at[tgt_v.at[k]], add=True)

    issue(0, slots[0])

    def pair(p, carry):
      ci0 = 2 * p
      issue(ci0 + 1, slots[1])
      drain(slots[0])
      compute(ci0, slots[0])
      issue(ci0 + 2, slots[0])
      drain(slots[1])
      compute(ci0 + 1, slots[1])
      return carry

    lax.fori_loop(0, npairs, pair, 0)
    drain(slots[0])
    compute(nchunks - 1, slots[0])

    plsc.subcore_barrier()
    pltpu.sync_copy(acc_sh.at[pl.ds(s * stripe, stripe)],
                    out_hbm.at[c, pl.ds(s * stripe, stripe)])
    @pl.when(s == 0)
    def _():
      pltpu.sync_copy(acc_sh.at[pl.ds(NS * stripe, tail)],
                      out_hbm.at[c, pl.ds(NS * stripe, tail)])

  return edge_pass



def kernel(node_states, edges, indices, W1, a1, W2, a2):
  n, feat = node_states.shape
  e = edges.shape[0]
  h, _, u = W1.shape
  out = W2.shape[2]

  tgt = edges[:, 0]
  src = edges[:, 1]

  w1r = jnp.transpose(W1, (1, 2, 0)).reshape(feat, u * h)
  a1p = jnp.transpose(a1).reshape(u * h)
  w2r = jnp.transpose(W2.reshape(2, 4, h, u, out), (3, 2, 0, 4, 1))
  w2r = w2r.reshape(h * u, 2 * out * 4)
  a2p = jnp.transpose(a2.reshape(2, 4, out), (0, 2, 1)).reshape(2, 4 * out)

  s1 = (jnp.arange(64)[None, :] % 8 == jnp.arange(8)[:, None]).astype(
      jnp.float32)
  s2 = (jnp.arange(128)[None, :] % 4 == jnp.arange(4)[:, None]).astype(
      jnp.float32)
  rmat = (jnp.arange(128)[:, None] // 4 == jnp.arange(out)[None, :]).astype(
      jnp.float32)

  stripe = n // NS
  z1 = jnp.zeros((stripe, 80), jnp.float32)
  z2 = jnp.zeros((stripe, 144), jnp.float32)

  ch = 40
  nw = NC * NS
  il = edges.reshape(nw, (e // nw) // ch, 2 * ch)
  tgtc = tgt.reshape(nw, (e // nw) // ch, ch)

  g1 = _matmul(node_states, w1r, 1000)
  acc1 = _make_edge_pass(n, e, 64, 80, (8,), ch)(
      il, tgtc, g1, a1p, z1)
  g2t = pl.pallas_call(
      _l1_combine_body,
      grid=(10,),
      in_specs=[pl.BlockSpec((2, 1000, 80), lambda i: (0, i, 0)),
                pl.BlockSpec((8, 64), lambda i: (0, 0)),
                pl.BlockSpec((64, 256), lambda i: (0, 0))],
      out_specs=pl.BlockSpec((1000, 256), lambda i: (i, 0)),
      out_shape=jax.ShapeDtypeStruct((n, 256), jnp.float32),
  )(acc1, s1, w2r)

  l2_pass = _make_edge_pass(n, e, 128, 144, (8, 4), ch)
  acc2a = l2_pass(il, tgtc, g2t[:, 0:128], a2p[0], z2)
  acc2b = l2_pass(il, tgtc, g2t[:, 128:256], a2p[1], z2)

  x2 = pl.pallas_call(
      _l2_combine_body,
      grid=(10,),
      in_specs=[pl.BlockSpec((2, 1000, 144), lambda i: (0, i, 0)),
                pl.BlockSpec((2, 1000, 144), lambda i: (0, i, 0)),
                pl.BlockSpec((4, 128), lambda i: (0, 0)),
                pl.BlockSpec((128, 32), lambda i: (0, 0))],
      out_specs=pl.BlockSpec((1000, 32), lambda i: (i, 0)),
      out_shape=jax.ShapeDtypeStruct((n, out), jnp.float32),
  )(acc2a, acc2b, s2, rmat)

  return jnp.take(x2, indices, axis=0)

# --- scband reference (transcript-rebuilt; emitter-appended) ---
"""Pipeline reference for scband-graph-attention-network-transductive2-6648609374461 (READ-ONLY COPY).

The authoritative reference and input builder live on the scoring server;
editing this copy changes nothing except your own understanding.
"""

import jax, jax.numpy as jnp
import numpy as np

N, E, F, H, U, OUT, B = 10000, 160000, 256, 8, 8, 32, 1000


def setup_inputs(seed: int = 0) -> dict:
    key = jax.random.key(seed)
    ks = jax.random.split(key, 7)
    node_states = jax.random.normal(ks[0], (N, F), dtype=jnp.float32)
    edges = jax.random.randint(ks[1], (E, 2), 0, N, dtype=jnp.int32)
    indices = jax.random.randint(ks[2], (B,), 0, N, dtype=jnp.int32)
    W1 = jax.random.normal(ks[3], (H, F, U), dtype=jnp.float32) * 0.1
    a1 = jax.random.normal(ks[4], (H, U), dtype=jnp.float32) * 0.1
    W2 = jax.random.normal(ks[5], (H, H * U, OUT), dtype=jnp.float32) * 0.1
    a2 = jax.random.normal(ks[6], (H, OUT), dtype=jnp.float32) * 0.1
    return {"node_states": node_states, "edges": edges, "indices": indices,
            "W1": W1, "a1": a1, "W2": W2, "a2": a2}


def _gatv2_layer(x, edges, W, a, merge):
    # GATv2 multi-head attention (use_v2=True, repeat=True -> shared kernel for src/dst)
    n = x.shape[0]
    tgt = edges[:, 0]
    src = edges[:, 1]
    g = jnp.einsum('nf,hfu->hnu', x, W)                      # per-head projection [H, N, U]
    feat = jax.nn.leaky_relu(g[:, tgt, :] + g[:, src, :], negative_slope=0.2)  # [H, E, U]
    e = jnp.einsum('heu,hu->eh', feat, a)                    # attention logits [E, H]
    seg_max = jax.ops.segment_max(e, tgt, num_segments=n)    # [N, H]
    seg_max = jnp.where(jnp.isfinite(seg_max), seg_max, 0.0)
    ex = jnp.exp(e - seg_max[tgt])                           # [E, H]
    denom = jax.ops.segment_sum(ex, tgt, num_segments=n)     # [N, H]
    alpha = ex / (denom[tgt] + 1e-9)                         # softmax over incoming edges
    msg = jnp.transpose(g[:, src, :], (1, 0, 2)) * alpha[:, :, None]  # [E, H, U]
    agg = jax.ops.segment_sum(msg, tgt, num_segments=n)      # [N, H, U]
    if merge == 'concat':
        return agg.reshape(n, -1)
    return agg.mean(axis=1)


def reference(node_states, edges, indices, W1, a1, W2, a2):
    # dropout_rate is inactive in inference mode (training=False)
    x1 = jax.nn.elu(_gatv2_layer(node_states, edges, W1, a1, 'concat'))  # [N, 64]
    x2 = jax.nn.elu(_gatv2_layer(x1, edges, W2, a2, 'avg'))              # [N, OUT]
    return jnp.take(x2, indices, axis=0)

if __name__ == "__main__":
    import jax
    _d = setup_inputs()
    print(jax.jit(kernel)(*tuple(_d.values())))

</pallas_src>

<mosaic_0001>
#map = affine_map<(d0, d1) -> (0, 0, 0)>
#map1 = affine_map<(d0, d1) -> (0, 0)>
#map2 = affine_map<(d0, d1) -> (0)>
module attributes {stable_mosaic.version = 14 : i64} {
  func.func @edge_pass(%arg0: i32, %arg1: i32, %arg2: memref<32x125x80xi32, #tpu.memory_space<hbm>>, %arg3: memref<32x125x40xi32, #tpu.memory_space<hbm>>, %arg4: memref<10000x64xf32, #tpu.memory_space<hbm>>, %arg5: memref<64xf32, #tpu.memory_space<hbm>>, %arg6: memref<625x80xf32, #tpu.memory_space<hbm>>, %arg7: memref<2x10000x80xf32, #tpu.memory_space<hbm>>, %arg8: memref<10000x80xf32, #tpu.memory_space<vmem_shared>>, %arg9: memref<125x80xi32, #tpu.memory_space<vmem>>, %arg10: memref<2x40xi32, #tpu.memory_space<vmem>>, %arg11: memref<80x64xf32, #tpu.memory_space<vmem>>, %arg12: memref<80x64xf32, #tpu.memory_space<vmem>>, %arg13: memref<40x80xf32, #tpu.memory_space<vmem>>, %arg14: memref<64xf32, #tpu.memory_space<vmem>>, %arg15: memref<32xf32, #tpu.memory_space<vmem>>, %arg16: memref<!tpu.dma_semaphore, #tpu.memory_space<semaphore_mem>>, %arg17: memref<!tpu.dma_semaphore, #tpu.memory_space<semaphore_mem>>) attributes {dimension_semantics = [#tpu.dimension_semantics<core_parallel>, #tpu.dimension_semantics<subcore_parallel>], iteration_bounds = array<i64: 2, 16>, scalar_prefetch = 0 : i64, scratch_operands = 10 : i64, tpu.core_type = #tpu.core_type<sc_vector_subcore>, window_params = [{transform_indices = #map}, {transform_indices = #map}, {transform_indices = #map1}, {transform_indices = #map2}, {transform_indices = #map1}, {transform_indices = #map}]} {
    %mul3A = arith.constant 2 : i32
    %mul3A_0 = arith.muli %arg1, %mul3A : i32
    %add3A = arith.addi %mul3A_0, %arg0 : i32
    %mul3A_1 = arith.constant 624 : i32
    %mul3A_2 = arith.muli %arg1, %mul3A_1 : i32
    "tpu.region"() ({
      %run_scoped3A_77 = tpu.sem_alloc : memref<!tpu.dma_semaphore, #tpu.memory_space<semaphore_mem>>
      %dma_start3A_78 = arith.constant 0 : i32
      %dma_start3A_79 = tpu.memref_slice %arg8[%mul3A_2, %dma_start3A_78] : memref<10000x80xf32, #tpu.memory_space<vmem_shared>> -> memref<624x80xf32, #tpu.memory_space<vmem_shared>>
      %dma_start3A_80 = arith.constant 0 : i32
      %dma_start3A_81 = arith.constant 0 : i32
      %dma_start3A_82 = tpu.memref_slice %arg6[%dma_start3A_80, %dma_start3A_81] : memref<625x80xf32, #tpu.memory_space<hbm>> -> memref<624x80xf32, #tpu.memory_space<hbm>>
      tpu.enqueue_dma source(%dma_start3A_82 : memref<624x80xf32, #tpu.memory_space<hbm>>) target(%dma_start3A_79 : memref<624x80xf32, #tpu.memory_space<vmem_shared>>) target_semaphore(%run_scoped3A_77 : memref<!tpu.dma_semaphore, #tpu.memory_space<semaphore_mem>>)
      %dma_wait3A_83 = arith.constant 0 : i32
      %dma_wait3A_84 = tpu.memref_slice %arg8[%mul3A_2, %dma_wait3A_83] : memref<10000x80xf32, #tpu.memory_space<vmem_shared>> -> memref<624x80xf32, #tpu.memory_space<vmem_shared>>
      %dma_wait3A_85 = arith.constant 0 : i32
      %dma_wait3A_86 = arith.constant 0 : i32
      %dma_wait3A_87 = tpu.memref_slice %arg6[%dma_wait3A_85, %dma_wait3A_86] : memref<625x80xf32, #tpu.memory_space<hbm>> -> memref<624x80xf32, #tpu.memory_space<hbm>>
      tpu.wait_dma2 semaphore(%run_scoped3A_77 : memref<!tpu.dma_semaphore, #tpu.memory_space<semaphore_mem>>) src(%dma_wait3A_87 : memref<624x80xf32, #tpu.memory_space<hbm>>) dst(%dma_wait3A_84 : memref<624x80xf32, #tpu.memory_space<vmem_shared>>)
      tpu.yield
    }) : () -> ()
    %eq3A = arith.constant 0 : i32
    %eq3A_3 = arith.cmpi eq, %arg1, %eq3A : i32
    %convert_element_type3A = arith.extui %eq3A_3 : i1 to i32
    %cond3A = arith.constant 0 : i32
    %cond3A_4 = arith.cmpi ne, %convert_element_type3A, %cond3A : i32
    scf.if %cond3A_4 {
      "tpu.region"() ({
        %run_scoped3A_77 = tpu.sem_alloc : memref<!tpu.dma_semaphore, #tpu.memory_space<semaphore_mem>>
        %dma_start3A_78 = arith.constant 9984 : i32
        %dma_start3A_79 = arith.constant 0 : i32
        %dma_start3A_80 = tpu.memref_slice %arg8[%dma_start3A_78, %dma_start3A_79] : memref<10000x80xf32, #tpu.memory_space<vmem_shared>> -> memref<16x80xf32, #tpu.memory_space<vmem_shared>>
        %dma_start3A_81 = arith.constant 0 : i32
        %dma_start3A_82 = arith.constant 0 : i32
        %dma_start3A_83 = tpu.memref_slice %arg6[%dma_start3A_81, %dma_start3A_82] : memref<625x80xf32, #tpu.memory_space<hbm>> -> memref<16x80xf32, #tpu.memory_space<hbm>>
        tpu.enqueue_dma source(%dma_start3A_83 : memref<16x80xf32, #tpu.memory_space<hbm>>) target(%dma_start3A_80 : memref<16x80xf32, #tpu.memory_space<vmem_shared>>) target_semaphore(%run_scoped3A_77 : memref<!tpu.dma_semaphore, #tpu.memory_space<semaphore_mem>>)
        %dma_wait3A_84 = arith.constant 9984 : i32
        %dma_wait3A_85 = arith.constant 0 : i32
        %dma_wait3A_86 = tpu.memref_slice %arg8[%dma_wait3A_84, %dma_wait3A_85] : memref<10000x80xf32, #tpu.memory_space<vmem_shared>> -> memref<16x80xf32, #tpu.memory_space<vmem_shared>>
        %dma_wait3A_87 = arith.constant 0 : i32
        %dma_wait3A_88 = arith.constant 0 : i32
        %dma_wait3A_89 = tpu.memref_slice %arg6[%dma_wait3A_87, %dma_wait3A_88] : memref<625x80xf32, #tpu.memory_space<hbm>> -> memref<16x80xf32, #tpu.memory_space<hbm>>
        tpu.wait_dma2 semaphore(%run_scoped3A_77 : memref<!tpu.dma_semaphore, #tpu.memory_space<semaphore_mem>>) src(%dma_wait3A_89 : memref<16x80xf32, #tpu.memory_space<hbm>>) dst(%dma_wait3A_86 : memref<16x80xf32, #tpu.memory_space<vmem_shared>>)
        tpu.yield
      }) : () -> ()
    } else {
    }
    "tpu.region"() ({
      %run_scoped3A_77 = tpu.sem_alloc : memref<!tpu.dma_semaphore, #tpu.memory_space<semaphore_mem>>
      tpu.enqueue_dma source(%arg5 : memref<64xf32, #tpu.memory_space<hbm>>) target(%arg14 : memref<64xf32, #tpu.memory_space<vmem>>) target_semaphore(%run_scoped3A_77 : memref<!tpu.dma_semaphore, #tpu.memory_space<semaphore_mem>>)
      tpu.wait_dma2 semaphore(%run_scoped3A_77 : memref<!tpu.dma_semaphore, #tpu.memory_space<semaphore_mem>>) src(%arg5 : memref<64xf32, #tpu.memory_space<hbm>>) dst(%arg14 : memref<64xf32, #tpu.memory_space<vmem>>)
      tpu.yield
    }) : () -> ()
    "tpu.region"() ({
      %run_scoped3A_77 = tpu.sem_alloc : memref<!tpu.dma_semaphore, #tpu.memory_space<semaphore_mem>>
      %dma_start3A_78 = arith.constant 0 : i32
      %dma_start3A_79 = arith.constant 0 : i32
      %dma_start3A_80 = tpu.memref_slice %arg2[%add3A, %dma_start3A_78, %dma_start3A_79] : memref<32x125x80xi32, #tpu.memory_space<hbm>> -> memref<1x125x80xi32, #tpu.memory_space<hbm>>
      %dma_start3A_81 = tpu.memref_squeeze %dma_start3A_80 : memref<1x125x80xi32, #tpu.memory_space<hbm>> -> memref<125x80xi32, #tpu.memory_space<hbm>>
      %dma_start3A_82 = arith.constant 0 : i32
      %dma_start3A_83 = arith.constant 0 : i32
      %dma_start3A_84 = tpu.memref_slice %arg2[%add3A, %dma_start3A_82, %dma_start3A_83] : memref<32x125x80xi32, #tpu.memory_space<hbm>> -> memref<1x125x80xi32, #tpu.memory_space<hbm>>
      %dma_start3A_85 = tpu.memref_squeeze %dma_start3A_84 : memref<1x125x80xi32, #tpu.memory_space<hbm>> -> memref<125x80xi32, #tpu.memory_space<hbm>>
      tpu.enqueue_dma source(%dma_start3A_85 : memref<125x80xi32, #tpu.memory_space<hbm>>) target(%arg9 : memref<125x80xi32, #tpu.memory_space<vmem>>) target_semaphore(%run_scoped3A_77 : memref<!tpu.dma_semaphore, #tpu.memory_space<semaphore_mem>>)
      %dma_wait3A_86 = arith.constant 0 : i32
      %dma_wait3A_87 = arith.constant 0 : i32
      %dma_wait3A_88 = tpu.memref_slice %arg2[%add3A, %dma_wait3A_86, %dma_wait3A_87] : memref<32x125x80xi32, #tpu.memory_space<hbm>> -> memref<1x125x80xi32, #tpu.memory_space<hbm>>
      %dma_wait3A_89 = tpu.memref_squeeze %dma_wait3A_88 : memref<1x125x80xi32, #tpu.memory_space<hbm>> -> memref<125x80xi32, #tpu.memory_space<hbm>>
      %dma_wait3A_90 = arith.constant 0 : i32
      %dma_wait3A_91 = arith.constant 0 : i32
      %dma_wait3A_92 = tpu.memref_slice %arg2[%add3A, %dma_wait3A_90, %dma_wait3A_91] : memref<32x125x80xi32, #tpu.memory_space<hbm>> -> memref<1x125x80xi32, #tpu.memory_space<hbm>>
      %dma_wait3A_93 = tpu.memref_squeeze %dma_wait3A_92 : memref<1x125x80xi32, #tpu.memory_space<hbm>> -> memref<125x80xi32, #tpu.memory_space<hbm>>
      tpu.wait_dma2 semaphore(%run_scoped3A_77 : memref<!tpu.dma_semaphore, #tpu.memory_space<semaphore_mem>>) src(%dma_wait3A_93 : memref<125x80xi32, #tpu.memory_space<hbm>>) dst(%arg9 : memref<125x80xi32, #tpu.memory_space<vmem>>)
      tpu.yield
    }) : () -> ()
    %barrier3A = arith.constant 0 : index
    tpu.barrier barrier_id(%barrier3A)
    %get3A = arith.constant 0 : index
    %get3A_5 = tpu.vector_load %arg14[%get3A] {strides = array<i32>} : memref<64xf32, #tpu.memory_space<vmem>>, vector<16xf32>,
    %get3A_6 = vector.shape_cast %get3A_5 : vector<16xf32> to vector<16xf32>
    %get3A_7 = arith.constant 16 : index
    %get3A_8 = tpu.vector_load %arg14[%get3A_7] {strides = array<i32>} : memref<64xf32, #tpu.memory_space<vmem>>, vector<16xf32>,
    %get3A_9 = vector.shape_cast %get3A_8 : vector<16xf32> to vector<16xf32>
    %get3A_10 = arith.constant 32 : index
    %get3A_11 = tpu.vector_load %arg14[%get3A_10] {strides = array<i32>} : memref<64xf32, #tpu.memory_space<vmem>>, vector<16xf32>,
    %get3A_12 = vector.shape_cast %get3A_11 : vector<16xf32> to vector<16xf32>
    %get3A_13 = arith.constant 48 : index
    %get3A_14 = tpu.vector_load %arg14[%get3A_13] {strides = array<i32>} : memref<64xf32, #tpu.memory_space<vmem>>, vector<16xf32>,
    %get3A_15 = vector.shape_cast %get3A_14 : vector<16xf32> to vector<16xf32>
    %dma_start3A = arith.constant 0 : i32
    %dma_start3A_16 = arith.constant 0 : i32
    %dma_start3A_17 = tpu.memref_slice %arg9[%dma_start3A, %dma_start3A_16] : memref<125x80xi32, #tpu.memory_space<vmem>> -> memref<1x80xi32, #tpu.memory_space<vmem>>
    %dma_start3A_18 = tpu.memref_squeeze %dma_start3A_17 : memref<1x80xi32, #tpu.memory_space<vmem>> -> memref<80xi32, #tpu.memory_space<vmem>>
    %dma_start3A_19 = arith.constant 0 : i32
    %dma_start3A_20 = arith.constant 0 : i32
    %dma_start3A_21 = tpu.memref_slice %arg4[%dma_start3A_19, %dma_start3A_20] : memref<10000x64xf32, #tpu.memory_space<hbm>> -> memref<10000x64xf32, #tpu.memory_space<hbm>>
    tpu.enqueue_indirect_dma source(%dma_start3A_21 : memref<10000x64xf32, #tpu.memory_space<hbm>>) target(%arg11 : memref<80x64xf32, #tpu.memory_space<vmem>>) offsets(%dma_start3A_18 : memref<80xi32, #tpu.memory_space<vmem>>) semaphore(%arg16 : memref<!tpu.dma_semaphore, #tpu.memory_space<semaphore_mem>>)
    %dma_start3A_22 = arith.constant 0 : i32
    %dma_start3A_23 = arith.constant 0 : i32
    %dma_start3A_24 = arith.constant 0 : i32
    %dma_start3A_25 = tpu.memref_slice %arg10[%dma_start3A_23, %dma_start3A_24] : memref<2x40xi32, #tpu.memory_space<vmem>> -> memref<1x40xi32, #tpu.memory_space<vmem>>
    %dma_start3A_26 = tpu.memref_squeeze %dma_start3A_25 : memref<1x40xi32, #tpu.memory_space<vmem>> -> memref<40xi32, #tpu.memory_space<vmem>>
    %dma_start3A_27 = arith.constant 0 : i32
    %dma_start3A_28 = tpu.memref_slice %arg3[%add3A, %dma_start3A_22, %dma_start3A_27] : memref<32x125x40xi32, #tpu.memory_space<hbm>> -> memref<1x1x40xi32, #tpu.memory_space<hbm>>
    %dma_start3A_29 = tpu.memref_squeeze %dma_start3A_28 : memref<1x1x40xi32, #tpu.memory_space<hbm>> -> memref<40xi32, #tpu.memory_space<hbm>>
    %dma_start3A_30 = arith.constant 0 : i32
    %dma_start3A_31 = tpu.memref_slice %arg10[%dma_start3A_23, %dma_start3A_30] : memref<2x40xi32, #tpu.memory_space<vmem>> -> memref<1x40xi32, #tpu.memory_space<vmem>>
    %dma_start3A_32 = tpu.memref_squeeze %dma_start3A_31 : memref<1x40xi32, #tpu.memory_space<vmem>> -> memref<40xi32, #tpu.memory_space<vmem>>
    %dma_start3A_33 = arith.constant 0 : i32
    %dma_start3A_34 = tpu.memref_slice %arg3[%add3A, %dma_start3A_22, %dma_start3A_33] : memref<32x125x40xi32, #tpu.memory_space<hbm>> -> memref<1x1x40xi32, #tpu.memory_space<hbm>>
    %dma_start3A_35 = tpu.memref_squeeze %dma_start3A_34 : memref<1x1x40xi32, #tpu.memory_space<hbm>> -> memref<40xi32, #tpu.memory_space<hbm>>
    tpu.enqueue_dma source(%dma_start3A_35 : memref<40xi32, #tpu.memory_space<hbm>>) target(%dma_start3A_32 : memref<40xi32, #tpu.memory_space<vmem>>) target_semaphore(%arg16 : memref<!tpu.dma_semaphore, #tpu.memory_space<semaphore_mem>>)
    %scan3A = arith.constant 0 : i32
    %scan3A_36 = arith.constant 0 : i32
    %scan3A_37 = arith.constant 62 : i32
    %scan3A_38 = arith.addi %scan3A_36, %scan3A_37 : i32
    %scan3A_39 = arith.constant 1 : i32
    scf.for %scan3A_77 = %scan3A_36 to %scan3A_38 step %scan3A_39  : i32 {
      %mul3A_78 = arith.constant 2 : i32
      %mul3A_79 = arith.muli %mul3A_78, %scan3A_77 : i32
      %add3A_80 = arith.constant 1 : i32
      %add3A_81 = arith.addi %mul3A_79, %add3A_80 : i32
      %dma_start3A_82 = arith.constant 0 : i32
      %dma_start3A_83 = tpu.memref_slice %arg9[%add3A_81, %dma_start3A_82] : memref<125x80xi32, #tpu.memory_space<vmem>> -> memref<1x80xi32, #tpu.memory_space<vmem>>
      %dma_start3A_84 = tpu.memref_squeeze %dma_start3A_83 : memref<1x80xi32, #tpu.memory_space<vmem>> -> memref<80xi32, #tpu.memory_space<vmem>>
      %dma_start3A_85 = arith.constant 0 : i32
      %dma_start3A_86 = arith.constant 0 : i32
      %dma_start3A_87 = tpu.memref_slice %arg4[%dma_start3A_85, %dma_start3A_86] : memref<10000x64xf32, #tpu.memory_space<hbm>> -> memref<10000x64xf32, #tpu.memory_space<hbm>>
      tpu.enqueue_indirect_dma source(%dma_start3A_87 : memref<10000x64xf32, #tpu.memory_space<hbm>>) target(%arg12 : memref<80x64xf32, #tpu.memory_space<vmem>>) offsets(%dma_start3A_84 : memref<80xi32, #tpu.memory_space<vmem>>) semaphore(%arg17 : memref<!tpu.dma_semaphore, #tpu.memory_space<semaphore_mem>>)
      %dma_start3A_88 = arith.constant 1 : i32
      %dma_start3A_89 = arith.constant 0 : i32
      %dma_start3A_90 = tpu.memref_slice %arg10[%dma_start3A_88, %dma_start3A_89] : memref<2x40xi32, #tpu.memory_space<vmem>> -> memref<1x40xi32, #tpu.memory_space<vmem>>
      %dma_start3A_91 = tpu.memref_squeeze %dma_start3A_90 : memref<1x40xi32, #tpu.memory_space<vmem>> -> memref<40xi32, #tpu.memory_space<vmem>>
      %dma_start3A_92 = arith.constant 0 : i32
      %dma_start3A_93 = tpu.memref_slice %arg3[%add3A, %add3A_81, %dma_start3A_92] : memref<32x125x40xi32, #tpu.memory_space<hbm>> -> memref<1x1x40xi32, #tpu.memory_space<hbm>>
      %dma_start3A_94 = tpu.memref_squeeze %dma_start3A_93 : memref<1x1x40xi32, #tpu.memory_space<hbm>> -> memref<40xi32, #tpu.memory_space<hbm>>
      %dma_start3A_95 = arith.constant 0 : i32
      %dma_start3A_96 = tpu.memref_slice %arg10[%dma_start3A_88, %dma_start3A_95] : memref<2x40xi32, #tpu.memory_space<vmem>> -> memref<1x40xi32, #tpu.memory_space<vmem>>
      %dma_start3A_97 = tpu.memref_squeeze %dma_start3A_96 : memref<1x40xi32, #tpu.memory_space<vmem>> -> memref<40xi32, #tpu.memory_space<vmem>>
      %dma_start3A_98 = arith.constant 0 : i32
      %dma_start3A_99 = tpu.memref_slice %arg3[%add3A, %add3A_81, %dma_start3A_98] : memref<32x125x40xi32, #tpu.memory_space<hbm>> -> memref<1x1x40xi32, #tpu.memory_space<hbm>>
      %dma_start3A_100 = tpu.memref_squeeze %dma_start3A_99 : memref<1x1x40xi32, #tpu.memory_space<hbm>> -> memref<40xi32, #tpu.memory_space<hbm>>
      tpu.enqueue_dma source(%dma_start3A_100 : memref<40xi32, #tpu.memory_space<hbm>>) target(%dma_start3A_97 : memref<40xi32, #tpu.memory_space<vmem>>) target_semaphore(%arg17 : memref<!tpu.dma_semaphore, #tpu.memory_space<semaphore_mem>>)
      %dma_wait3A_101 = arith.constant 0 : i32
      %dma_wait3A_102 = arith.constant 0 : i32
      %dma_wait3A_103 = tpu.memref_slice %arg4[%dma_wait3A_101, %dma_wait3A_102] : memref<10000x64xf32, #tpu.memory_space<hbm>> -> memref<80x64xf32, #tpu.memory_space<hbm>>
      %dma_wait3A_104 = arith.constant 0 : i32
      %dma_wait3A_105 = arith.constant 0 : i32
      %dma_wait3A_106 = tpu.memref_slice %arg4[%dma_wait3A_104, %dma_wait3A_105] : memref<10000x64xf32, #tpu.memory_space<hbm>> -> memref<80x64xf32, #tpu.memory_space<hbm>>
      tpu.wait_dma2 semaphore(%arg16 : memref<!tpu.dma_semaphore, #tpu.memory_space<semaphore_mem>>) src(%dma_wait3A_106 : memref<80x64xf32, #tpu.memory_space<hbm>>) dst(%arg11 : memref<80x64xf32, #tpu.memory_space<vmem>>)
      %dma_wait3A_107 = arith.constant 0 : i32
      %dma_wait3A_108 = arith.constant 0 : i32
      %dma_wait3A_109 = arith.constant 0 : i32
      %dma_wait3A_110 = arith.constant 0 : i32
      %dma_wait3A_111 = tpu.memref_slice %arg10[%dma_wait3A_109, %dma_wait3A_110] : memref<2x40xi32, #tpu.memory_space<vmem>> -> memref<1x40xi32, #tpu.memory_space<vmem>>
      %dma_wait3A_112 = tpu.memref_squeeze %dma_wait3A_111 : memref<1x40xi32, #tpu.memory_space<vmem>> -> memref<40xi32, #tpu.memory_space<vmem>>
      %dma_wait3A_113 = arith.constant 0 : i32
      %dma_wait3A_114 = tpu.memref_slice %arg3[%dma_wait3A_107, %dma_wait3A_108, %dma_wait3A_113] : memref<32x125x40xi32, #tpu.memory_space<hbm>> -> memref<1x1x40xi32, #tpu.memory_space<hbm>>
      %dma_wait3A_115 = tpu.memref_squeeze %dma_wait3A_114 : memref<1x1x40xi32, #tpu.memory_space<hbm>> -> memref<40xi32, #tpu.memory_space<hbm>>
      %dma_wait3A_116 = arith.constant 0 : i32
      %dma_wait3A_117 = tpu.memref_slice %arg10[%dma_wait3A_109, %dma_wait3A_116] : memref<2x40xi32, #tpu.memory_space<vmem>> -> memref<1x40xi32, #tpu.memory_space<vmem>>
      %dma_wait3A_118 = tpu.memref_squeeze %dma_wait3A_117 : memref<1x40xi32, #tpu.memory_space<vmem>> -> memref<40xi32, #tpu.memory_space<vmem>>
      %dma_wait3A_119 = arith.constant 0 : i32
      %dma_wait3A_120 = tpu.memref_slice %arg3[%dma_wait3A_107, %dma_wait3A_108, %dma_wait3A_119] : memref<32x125x40xi32, #tpu.memory_space<hbm>> -> memref<1x1x40xi32, #tpu.memory_space<hbm>>
      %dma_wait3A_121 = tpu.memref_squeeze %dma_wait3A_120 : memref<1x1x40xi32, #tpu.memory_space<hbm>> -> memref<40xi32, #tpu.memory_space<hbm>>
      tpu.wait_dma2 semaphore(%arg16 : memref<!tpu.dma_semaphore, #tpu.memory_space<semaphore_mem>>) src(%dma_wait3A_121 : memref<40xi32, #tpu.memory_space<hbm>>) dst(%dma_wait3A_118 : memref<40xi32, #tpu.memory_space<vmem>>)
      %scan3A_122 = arith.constant 0 : i32
      %scan3A_123 = arith.constant 0 : i32
      %scan3A_124 = arith.constant 40 : i32
      %scan3A_125 = arith.addi %scan3A_123, %scan3A_124 : i32
      %scan3A_126 = arith.constant 1 : i32
      scf.for %scan3A_180 = %scan3A_123 to %scan3A_125 step %scan3A_126  : i32 {
        %mul3A_181 = arith.constant 2 : i32
        %mul3A_182 = arith.muli %mul3A_181, %scan3A_180 : i32
        %get3A_183 = arith.index_cast %mul3A_182 : i32 to index
        %get3A_184 = arith.constant 0 : index
        %get3A_185 = tpu.vector_load %arg11[%get3A_183, %get3A_184] {strides = array<i32>} : memref<80x64xf32, #tpu.memory_space<vmem>>, vector<1x16xf32>,
        %get3A_186 = vector.shape_cast %get3A_185 : vector<1x16xf32> to vector<16xf32>
        %mul3A_187 = arith.constant 2 : i32
        %mul3A_188 = arith.muli %mul3A_187, %scan3A_180 : i32
        %add3A_189 = arith.constant 1 : i32
        %add3A_190 = arith.addi %mul3A_188, %add3A_189 : i32
        %get3A_191 = arith.index_cast %add3A_190 : i32 to index
        %get3A_192 = arith.constant 0 : index
        %get3A_193 = tpu.vector_load %arg11[%get3A_191, %get3A_192] {strides = array<i32>} : memref<80x64xf32, #tpu.memory_space<vmem>>, vector<1x16xf32>,
        %get3A_194 = vector.shape_cast %get3A_193 : vector<1x16xf32> to vector<16xf32>
        %add3A_195 = arith.addf %get3A_186, %get3A_194 : vector<16xf32>
        %mul3A_196 = arith.constant 2.000000e-01 : f32
        %mul3A_197 = vector.broadcast %mul3A_196 : f32 to vector<16xf32>
        %mul3A_198 = arith.mulf %mul3A_197, %add3A_195 : vector<16xf32>
        %max3A = arith.maximumf %add3A_195, %mul3A_198 : vector<16xf32>
        %mul3A_199 = arith.mulf %max3A, %get3A_6 : vector<16xf32>
        %mul3A_200 = arith.constant 2 : i32
        %mul3A_201 = arith.muli %mul3A_200, %scan3A_180 : i32
        %get3A_202 = arith.index_cast %mul3A_201 : i32 to index
        %get3A_203 = arith.constant 16 : index
        %get3A_204 = tpu.vector_load %arg11[%get3A_202, %get3A_203] {strides = array<i32>} : memref<80x64xf32, #tpu.memory_space<vmem>>, vector<1x16xf32>,
        %get3A_205 = vector.shape_cast %get3A_204 : vector<1x16xf32> to vector<16xf32>
        %mul3A_206 = arith.constant 2 : i32
        %mul3A_207 = arith.muli %mul3A_206, %scan3A_180 : i32
        %add3A_208 = arith.constant 1 : i32
        %add3A_209 = arith.addi %mul3A_207, %add3A_208 : i32
        %get3A_210 = arith.index_cast %add3A_209 : i32 to index
        %get3A_211 = arith.constant 16 : index
        %get3A_212 = tpu.vector_load %arg11[%get3A_210, %get3A_211] {strides = array<i32>} : memref<80x64xf32, #tpu.memory_space<vmem>>, vector<1x16xf32>,
        %get3A_213 = vector.shape_cast %get3A_212 : vector<1x16xf32> to vector<16xf32>
        %add3A_214 = arith.addf %get3A_205, %get3A_213 : vector<16xf32>
        %mul3A_215 = arith.constant 2.000000e-01 : f32
        %mul3A_216 = vector.broadcast %mul3A_215 : f32 to vector<16xf32>
        %mul3A_217 = arith.mulf %mul3A_216, %add3A_214 : vector<16xf32>
        %max3A_218 = arith.maximumf %add3A_214, %mul3A_217 : vector<16xf32>
        %mul3A_219 = arith.mulf %max3A_218, %get3A_9 : vector<16xf32>
        %add3A_220 = arith.addf %mul3A_199, %mul3A_219 : vector<16xf32>
        %mul3A_221 = arith.constant 2 : i32
        %mul3A_222 = arith.muli %mul3A_221, %scan3A_180 : i32
        %get3A_223 = arith.index_cast %mul3A_222 : i32 to index
        %get3A_224 = arith.constant 32 : index
        %get3A_225 = tpu.vector_load %arg11[%get3A_223, %get3A_224] {strides = array<i32>} : memref<80x64xf32, #tpu.memory_space<vmem>>, vector<1x16xf32>,
        %get3A_226 = vector.shape_cast %get3A_225 : vector<1x16xf32> to vector<16xf32>
        %mul3A_227 = arith.constant 2 : i32
        %mul3A_228 = arith.muli %mul3A_227, %scan3A_180 : i32
        %add3A_229 = arith.constant 1 : i32
        %add3A_230 = arith.addi %mul3A_228, %add3A_229 : i32
        %get3A_231 = arith.index_cast %add3A_230 : i32 to index
        %get3A_232 = arith.constant 32 : index
        %get3A_233 = tpu.vector_load %arg11[%get3A_231, %get3A_232] {strides = array<i32>} : memref<80x64xf32, #tpu.memory_space<vmem>>, vector<1x16xf32>,
        %get3A_234 = vector.shape_cast %get3A_233 : vector<1x16xf32> to vector<16xf32>
        %add3A_235 = arith.addf %get3A_226, %get3A_234 : vector<16xf32>
        %mul3A_236 = arith.constant 2.000000e-01 : f32
        %mul3A_237 = vector.broadcast %mul3A_236 : f32 to vector<16xf32>
        %mul3A_238 = arith.mulf %mul3A_237, %add3A_235 : vector<16xf32>
        %max3A_239 = arith.maximumf %add3A_235, %mul3A_238 : vector<16xf32>
        %mul3A_240 = arith.mulf %max3A_239, %get3A_12 : vector<16xf32>
        %add3A_241 = arith.addf %add3A_220, %mul3A_240 : vector<16xf32>
        %mul3A_242 = arith.constant 2 : i32
        %mul3A_243 = arith.muli %mul3A_242, %scan3A_180 : i32
        %get3A_244 = arith.index_cast %mul3A_243 : i32 to index
        %get3A_245 = arith.constant 48 : index
        %get3A_246 = tpu.vector_load %arg11[%get3A_244, %get3A_245] {strides = array<i32>} : memref<80x64xf32, #tpu.memory_space<vmem>>, vector<1x16xf32>,
        %get3A_247 = vector.shape_cast %get3A_246 : vector<1x16xf32> to vector<16xf32>
        %mul3A_248 = arith.constant 2 : i32
        %mul3A_249 = arith.muli %mul3A_248, %scan3A_180 : i32
        %add3A_250 = arith.constant 1 : i32
        %add3A_251 = arith.addi %mul3A_249, %add3A_250 : i32
        %get3A_252 = arith.index_cast %add3A_251 : i32 to index
        %get3A_253 = arith.constant 48 : index
        %get3A_254 = tpu.vector_load %arg11[%get3A_252, %get3A_253] {strides = array<i32>} : memref<80x64xf32, #tpu.memory_space<vmem>>, vector<1x16xf32>,
        %get3A_255 = vector.shape_cast %get3A_254 : vector<1x16xf32> to vector<16xf32>
        %add3A_256 = arith.addf %get3A_247, %get3A_255 : vector<16xf32>
        %mul3A_257 = arith.constant 2.000000e-01 : f32
        %mul3A_258 = vector.broadcast %mul3A_257 : f32 to vector<16xf32>
        %mul3A_259 = arith.mulf %mul3A_258, %add3A_256 : vector<16xf32>
        %max3A_260 = arith.maximumf %add3A_256, %mul3A_259 : vector<16xf32>
        %mul3A_261 = arith.mulf %max3A_260, %get3A_15 : vector<16xf32>
        %add3A_262 = arith.addf %add3A_241, %mul3A_261 : vector<16xf32>
        %swap3A = arith.constant 0 : index
        %swap3A_263 = tpu.vector_load %arg15[%swap3A] {strides = array<i32>} : memref<32xf32, #tpu.memory_space<vmem>>, vector<16xf32>,
        %swap3A_264 = vector.shape_cast %swap3A_263 : vector<16xf32> to vector<16xf32>
        %swap3A_265 = vector.shape_cast %add3A_262 : vector<16xf32> to vector<16xf32>
        tpu.vector_store %arg15[%swap3A], %swap3A_265 {strides = array<i32>} : memref<32xf32, #tpu.memory_space<vmem>>, vector<16xf32>,
        %swap3A_266 = arith.constant 16 : index
        %swap3A_267 = tpu.vector_load %arg15[%swap3A_266] {strides = array<i32>} : memref<32xf32, #tpu.memory_space<vmem>>, vector<16xf32>,
        %swap3A_268 = vector.shape_cast %swap3A_267 : vector<16xf32> to vector<16xf32>
        %swap3A_269 = vector.shape_cast %add3A_262 : vector<16xf32> to vector<16xf32>
        tpu.vector_store %arg15[%swap3A_266], %swap3A_269 {strides = array<i32>} : memref<32xf32, #tpu.memory_space<vmem>>, vector<16xf32>,
        %get3A_270 = arith.constant 8 : index
        %get3A_271 = tpu.vector_load %arg15[%get3A_270] {strides = array<i32>} : memref<32xf32, #tpu.memory_space<vmem>>, vector<16xf32>,
        %get3A_272 = vector.shape_cast %get3A_271 : vector<16xf32> to vector<16xf32>
        %add3A_273 = arith.addf %add3A_262, %get3A_272 : vector<16xf32>
        %exp3A = math.exp %add3A_273 : vector<16xf32>
        %mul3A_274 = arith.mulf %exp3A, %get3A_194 : vector<16xf32>
        %swap3A_275 = arith.index_cast %scan3A_180 : i32 to index
        %swap3A_276 = arith.constant 0 : index
        %swap3A_277 = tpu.vector_load %arg13[%swap3A_275, %swap3A_276] {strides = array<i32>} : memref<40x80xf32, #tpu.memory_space<vmem>>, vector<1x16xf32>,
        %swap3A_278 = vector.shape_cast %swap3A_277 : vector<1x16xf32> to vector<16xf32>
        %swap3A_279 = vector.shape_cast %mul3A_274 : vector<16xf32> to vector<1x16xf32>
        tpu.vector_store %arg13[%swap3A_275, %swap3A_276], %swap3A_279 {strides = array<i32>} : memref<40x80xf32, #tpu.memory_space<vmem>>, vector<1x16xf32>,
        %mul3A_280 = arith.mulf %exp3A, %get3A_213 : vector<16xf32>
        %swap3A_281 = arith.index_cast %scan3A_180 : i32 to index
        %swap3A_282 = arith.constant 16 : index
        %swap3A_283 = tpu.vector_load %arg13[%swap3A_281, %swap3A_282] {strides = array<i32>} : memref<40x80xf32, #tpu.memory_space<vmem>>, vector<1x16xf32>,
        %swap3A_284 = vector.shape_cast %swap3A_283 : vector<1x16xf32> to vector<16xf32>
        %swap3A_285 = vector.shape_cast %mul3A_280 : vector<16xf32> to vector<1x16xf32>
        tpu.vector_store %arg13[%swap3A_281, %swap3A_282], %swap3A_285 {strides = array<i32>} : memref<40x80xf32, #tpu.memory_space<vmem>>, vector<1x16xf32>,
        %mul3A_286 = arith.mulf %exp3A, %get3A_234 : vector<16xf32>
        %swap3A_287 = arith.index_cast %scan3A_180 : i32 to index
        %swap3A_288 = arith.constant 32 : index
        %swap3A_289 = tpu.vector_load %arg13[%swap3A_287, %swap3A_288] {strides = array<i32>} : memref<40x80xf32, #tpu.memory_space<vmem>>, vector<1x16xf32>,
        %swap3A_290 = vector.shape_cast %swap3A_289 : vector<1x16xf32> to vector<16xf32>
        %swap3A_291 = vector.shape_cast %mul3A_286 : vector<16xf32> to vector<1x16xf32>
        tpu.vector_store %arg13[%swap3A_287, %swap3A_288], %swap3A_291 {strides = array<i32>} : memref<40x80xf32, #tpu.memory_space<vmem>>, vector<1x16xf32>,
        %mul3A_292 = arith.mulf %exp3A, %get3A_255 : vector<16xf32>
        %swap3A_293 = arith.index_cast %scan3A_180 : i32 to index
        %swap3A_294 = arith.constant 48 : index
        %swap3A_295 = tpu.vector_load %arg13[%swap3A_293, %swap3A_294] {strides = array<i32>} : memref<40x80xf32, #tpu.memory_space<vmem>>, vector<1x16xf32>,
        %swap3A_296 = vector.shape_cast %swap3A_295 : vector<1x16xf32> to vector<16xf32>
        %swap3A_297 = vector.shape_cast %mul3A_292 : vector<16xf32> to vector<1x16xf32>
        tpu.vector_store %arg13[%swap3A_293, %swap3A_294], %swap3A_297 {strides = array<i32>} : memref<40x80xf32, #tpu.memory_space<vmem>>, vector<1x16xf32>,
        %swap3A_298 = arith.index_cast %scan3A_180 : i32 to index
        %swap3A_299 = arith.constant 64 : index
        %swap3A_300 = tpu.vector_load %arg13[%swap3A_298, %swap3A_299] {strides = array<i32>} : memref<40x80xf32, #tpu.memory_space<vmem>>, vector<1x16xf32>,
        %swap3A_301 = vector.shape_cast %swap3A_300 : vector<1x16xf32> to vector<16xf32>
        %swap3A_302 = vector.shape_cast %exp3A : vector<16xf32> to vector<1x16xf32>
        tpu.vector_store %arg13[%swap3A_298, %swap3A_299], %swap3A_302 {strides = array<i32>} : memref<40x80xf32, #tpu.memory_space<vmem>>, vector<1x16xf32>,
      }
      %scan3A_127 = arith.constant 40 : i32
      %run_scoped3A_128 = arith.constant 0 : i32
      "tpu.region"() ({
        %run_scoped3A_180 = tpu.sem_alloc : memref<!tpu.dma_semaphore, #tpu.memory_space<semaphore_mem>>
        %dma_start3A_181 = arith.constant 0 : i32
        %dma_start3A_182 = tpu.memref_slice %arg10[%run_scoped3A_128, %dma_start3A_181] : memref<2x40xi32, #tpu.memory_space<vmem>> -> memref<1x40xi32, #tpu.memory_space<vmem>>
        %dma_start3A_183 = tpu.memref_squeeze %dma_start3A_182 : memref<1x40xi32, #tpu.memory_space<vmem>> -> memref<40xi32, #tpu.memory_space<vmem>>
        %dma_start3A_184 = arith.constant 0 : i32
        %dma_start3A_185 = arith.constant 0 : i32
        %dma_start3A_186 = tpu.memref_slice %arg8[%dma_start3A_184, %dma_start3A_185] : memref<10000x80xf32, #tpu.memory_space<vmem_shared>> -> memref<10000x80xf32, #tpu.memory_space<vmem_shared>>
        tpu.enqueue_indirect_dma source(%arg13 : memref<40x80xf32, #tpu.memory_space<vmem>>) target(%dma_start3A_186 : memref<10000x80xf32, #tpu.memory_space<vmem_shared>>) offsets(%dma_start3A_183 : memref<40xi32, #tpu.memory_space<vmem>>) semaphore(%run_scoped3A_180 : memref<!tpu.dma_semaphore, #tpu.memory_space<semaphore_mem>>) {add = true}
        %dma_wait3A_187 = arith.constant 0 : i32
        %dma_wait3A_188 = tpu.memref_slice %arg10[%run_scoped3A_128, %dma_wait3A_187] : memref<2x40xi32, #tpu.memory_space<vmem>> -> memref<1x40xi32, #tpu.memory_space<vmem>>
        %dma_wait3A_189 = tpu.memref_squeeze %dma_wait3A_188 : memref<1x40xi32, #tpu.memory_space<vmem>> -> memref<40xi32, #tpu.memory_space<vmem>>
        %dma_wait3A_190 = arith.constant 0 : i32
        %dma_wait3A_191 = arith.constant 0 : i32
        %dma_wait3A_192 = tpu.memref_slice %arg8[%dma_wait3A_190, %dma_wait3A_191] : memref<10000x80xf32, #tpu.memory_space<vmem_shared>> -> memref<10000x80xf32, #tpu.memory_space<vmem_shared>>
        tpu.wait_indirect_dma semaphore(%run_scoped3A_180 : memref<!tpu.dma_semaphore, #tpu.memory_space<semaphore_mem>>) src(%arg13 : memref<40x80xf32, #tpu.memory_space<vmem>>) dst(%dma_wait3A_192 : memref<10000x80xf32, #tpu.memory_space<vmem_shared>>)
        tpu.yield
      }) : () -> ()
      %add3A_129 = arith.constant 2 : i32
      %add3A_130 = arith.addi %mul3A_79, %add3A_129 : i32
      %dma_start3A_131 = arith.constant 0 : i32
      %dma_start3A_132 = tpu.memref_slice %arg9[%add3A_130, %dma_start3A_131] : memref<125x80xi32, #tpu.memory_space<vmem>> -> memref<1x80xi32, #tpu.memory_space<vmem>>
      %dma_start3A_133 = tpu.memref_squeeze %dma_start3A_132 : memref<1x80xi32, #tpu.memory_space<vmem>> -> memref<80xi32, #tpu.memory_space<vmem>>
      %dma_start3A_134 = arith.constant 0 : i32
      %dma_start3A_135 = arith.constant 0 : i32
      %dma_start3A_136 = tpu.memref_slice %arg4[%dma_start3A_134, %dma_start3A_135] : memref<10000x64xf32, #tpu.memory_space<hbm>> -> memref<10000x64xf32, #tpu.memory_space<hbm>>
      tpu.enqueue_indirect_dma source(%dma_start3A_136 : memref<10000x64xf32, #tpu.memory_space<hbm>>) target(%arg11 : memref<80x64xf32, #tpu.memory_space<vmem>>) offsets(%dma_start3A_133 : memref<80xi32, #tpu.memory_space<vmem>>) semaphore(%arg16 : memref<!tpu.dma_semaphore, #tpu.memory_space<semaphore_mem>>)
      %dma_start3A_137 = arith.constant 0 : i32
      %dma_start3A_138 = arith.constant 0 : i32
      %dma_start3A_139 = tpu.memref_slice %arg10[%dma_start3A_137, %dma_start3A_138] : memref<2x40xi32, #tpu.memory_space<vmem>> -> memref<1x40xi32, #tpu.memory_space<vmem>>
      %dma_start3A_140 = tpu.memref_squeeze %dma_start3A_139 : memref<1x40xi32, #tpu.memory_space<vmem>> -> memref<40xi32, #tpu.memory_space<vmem>>
      %dma_start3A_141 = arith.constant 0 : i32
      %dma_start3A_142 = tpu.memref_slice %arg3[%add3A, %add3A_130, %dma_start3A_141] : memref<32x125x40xi32, #tpu.memory_space<hbm>> -> memref<1x1x40xi32, #tpu.memory_space<hbm>>
      %dma_start3A_143 = tpu.memref_squeeze %dma_start3A_142 : memref<1x1x40xi32, #tpu.memory_space<hbm>> -> memref<40xi32, #tpu.memory_space<hbm>>
      %dma_start3A_144 = arith.constant 0 : i32
      %dma_start3A_145 = tpu.memref_slice %arg10[%dma_start3A_137, %dma_start3A_144] : memref<2x40xi32, #tpu.memory_space<vmem>> -> memref<1x40xi32, #tpu.memory_space<vmem>>
      %dma_start3A_146 = tpu.memref_squeeze %dma_start3A_145 : memref<1x40xi32, #tpu.memory_space<vmem>> -> memref<40xi32, #tpu.memory_space<vmem>>
      %dma_start3A_147 = arith.constant 0 : i32
      %dma_start3A_148 = tpu.memref_slice %arg3[%add3A, %add3A_130, %dma_start3A_147] : memref<32x125x40xi32, #tpu.memory_space<hbm>> -> memref<1x1x40xi32, #tpu.memory_space<hbm>>
      %dma_start3A_149 = tpu.memref_squeeze %dma_start3A_148 : memref<1x1x40xi32, #tpu.memory_space<hbm>> -> memref<40xi32, #tpu.memory_space<hbm>>
      tpu.enqueue_dma source(%dma_start3A_149 : memref<40xi32, #tpu.memory_space<hbm>>) target(%dma_start3A_146 : memref<40xi32, #tpu.memory_space<vmem>>) target_semaphore(%arg16 : memref<!tpu.dma_semaphore, #tpu.memory_space<semaphore_mem>>)
      %dma_wait3A_150 = arith.constant 0 : i32
      %dma_wait3A_151 = arith.constant 0 : i32
      %dma_wait3A_152 = tpu.memref_slice %arg4[%dma_wait3A_150, %dma_wait3A_151] : memref<10000x64xf32, #tpu.memory_space<hbm>> -> memref<80x64xf32, #tpu.memory_space<hbm>>
      %dma_wait3A_153 = arith.constant 0 : i32
      %dma_wait3A_154 = arith.constant 0 : i32
      %dma_wait3A_155 = tpu.memref_slice %arg4[%dma_wait3A_153, %dma_wait3A_154] : memref<10000x64xf32, #tpu.memory_space<hbm>> -> memref<80x64xf32, #tpu.memory_space<hbm>>
      tpu.wait_dma2 semaphore(%arg17 : memref<!tpu.dma_semaphore, #tpu.memory_space<semaphore_mem>>) src(%dma_wait3A_155 : memref<80x64xf32, #tpu.memory_space<hbm>>) dst(%arg12 : memref<80x64xf32, #tpu.memory_space<vmem>>)
      %dma_wait3A_156 = arith.constant 0 : i32
      %dma_wait3A_157 = arith.constant 0 : i32
      %dma_wait3A_158 = arith.constant 1 : i32
      %dma_wait3A_159 = arith.constant 0 : i32
      %dma_wait3A_160 = tpu.memref_slice %arg10[%dma_wait3A_158, %dma_wait3A_159] : memref<2x40xi32, #tpu.memory_space<vmem>> -> memref<1x40xi32, #tpu.memory_space<vmem>>
      %dma_wait3A_161 = tpu.memref_squeeze %dma_wait3A_160 : memref<1x40xi32, #tpu.memory_space<vmem>> -> memref<40xi32, #tpu.memory_space<vmem>>
      %dma_wait3A_162 = arith.constant 0 : i32
      %dma_wait3A_163 = tpu.memref_slice %arg3[%dma_wait3A_156, %dma_wait3A_157, %dma_wait3A_162] : memref<32x125x40xi32, #tpu.memory_space<hbm>> -> memref<1x1x40xi32, #tpu.memory_space<hbm>>
      %dma_wait3A_164 = tpu.memref_squeeze %dma_wait3A_163 : memref<1x1x40xi32, #tpu.memory_space<hbm>> -> memref<40xi32, #tpu.memory_space<hbm>>
      %dma_wait3A_165 = arith.constant 0 : i32
      %dma_wait3A_166 = tpu.memref_slice %arg10[%dma_wait3A_158, %dma_wait3A_165] : memref<2x40xi32, #tpu.memory_space<vmem>> -> memref<1x40xi32, #tpu.memory_space<vmem>>
      %dma_wait3A_167 = tpu.memref_squeeze %dma_wait3A_166 : memref<1x40xi32, #tpu.memory_space<vmem>> -> memref<40xi32, #tpu.memory_space<vmem>>
      %dma_wait3A_168 = arith.constant 0 : i32
      %dma_wait3A_169 = tpu.memref_slice %arg3[%dma_wait3A_156, %dma_wait3A_157, %dma_wait3A_168] : memref<32x125x40xi32, #tpu.memory_space<hbm>> -> memref<1x1x40xi32, #tpu.memory_space<hbm>>
      %dma_wait3A_170 = tpu.memref_squeeze %dma_wait3A_169 : memref<1x1x40xi32, #tpu.memory_space<hbm>> -> memref<40xi32, #tpu.memory_space<hbm>>
      tpu.wait_dma2 semaphore(%arg17 : memref<!tpu.dma_semaphore, #tpu.memory_space<semaphore_mem>>) src(%dma_wait3A_170 : memref<40xi32, #tpu.memory_space<hbm>>) dst(%dma_wait3A_167 : memref<40xi32, #tpu.memory_space<vmem>>)
      %add3A_171 = arith.constant 1 : i32
      %add3A_172 = arith.addi %mul3A_79, %add3A_171 : i32
      %scan3A_173 = arith.constant 0 : i32
      %scan3A_174 = arith.constant 0 : i32
      %scan3A_175 = arith.constant 40 : i32
      %scan3A_176 = arith.addi %scan3A_174, %scan3A_175 : i32
      %scan3A_177 = arith.constant 1 : i32
      scf.for %scan3A_180 = %scan3A_174 to %scan3A_176 step %scan3A_177  : i32 {
        %mul3A_181 = arith.constant 2 : i32
        %mul3A_182 = arith.muli %mul3A_181, %scan3A_180 : i32
        %get3A_183 = arith.index_cast %mul3A_182 : i32 to index
        %get3A_184 = arith.constant 0 : index
        %get3A_185 = tpu.vector_load %arg12[%get3A_183, %get3A_184] {strides = array<i32>} : memref<80x64xf32, #tpu.memory_space<vmem>>, vector<1x16xf32>,
        %get3A_186 = vector.shape_cast %get3A_185 : vector<1x16xf32> to vector<16xf32>
        %mul3A_187 = arith.constant 2 : i32
        %mul3A_188 = arith.muli %mul3A_187, %scan3A_180 : i32
        %add3A_189 = arith.constant 1 : i32
        %add3A_190 = arith.addi %mul3A_188, %add3A_189 : i32
        %get3A_191 = arith.index_cast %add3A_190 : i32 to index
        %get3A_192 = arith.constant 0 : index
        %get3A_193 = tpu.vector_load %arg12[%get3A_191, %get3A_192] {strides = array<i32>} : memref<80x64xf32, #tpu.memory_space<vmem>>, vector<1x16xf32>,
        %get3A_194 = vector.shape_cast %get3A_193 : vector<1x16xf32> to vector<16xf32>
        %add3A_195 = arith.addf %get3A_186, %get3A_194 : vector<16xf32>
        %mul3A_196 = arith.constant 2.000000e-01 : f32
        %mul3A_197 = vector.broadcast %mul3A_196 : f32 to vector<16xf32>
        %mul3A_198 = arith.mulf %mul3A_197, %add3A_195 : vector<16xf32>
        %max3A = arith.maximumf %add3A_195, %mul3A_198 : vector<16xf32>
        %mul3A_199 = arith.mulf %max3A, %get3A_6 : vector<16xf32>
        %mul3A_200 = arith.constant 2 : i32
        %mul3A_201 = arith.muli %mul3A_200, %scan3A_180 : i32
        %get3A_202 = arith.index_cast %mul3A_201 : i32 to index
        %get3A_203 = arith.constant 16 : index
        %get3A_204 = tpu.vector_load %arg12[%get3A_202, %get3A_203] {strides = array<i32>} : memref<80x64xf32, #tpu.memory_space<vmem>>, vector<1x16xf32>,
        %get3A_205 = vector.shape_cast %get3A_204 : vector<1x16xf32> to vector<16xf32>
        %mul3A_206 = arith.constant 2 : i32
        %mul3A_207 = arith.muli %mul3A_206, %scan3A_180 : i32
        %add3A_208 = arith.constant 1 : i32
        %add3A_209 = arith.addi %mul3A_207, %add3A_208 : i32
        %get3A_210 = arith.index_cast %add3A_209 : i32 to index
        %get3A_211 = arith.constant 16 : index
        %get3A_212 = tpu.vector_load %arg12[%get3A_210, %get3A_211] {strides = array<i32>} : memref<80x64xf32, #tpu.memory_space<vmem>>, vector<1x16xf32>,
        %get3A_213 = vector.shape_cast %get3A_212 : vector<1x16xf32> to vector<16xf32>
        %add3A_214 = arith.addf %get3A_205, %get3A_213 : vector<16xf32>
        %mul3A_215 = arith.constant 2.000000e-01 : f32
        %mul3A_216 = vector.broadcast %mul3A_215 : f32 to vector<16xf32>
        %mul3A_217 = arith.mulf %mul3A_216, %add3A_214 : vector<16xf32>
        %max3A_218 = arith.maximumf %add3A_214, %mul3A_217 : vector<16xf32>
        %mul3A_219 = arith.mulf %max3A_218, %get3A_9 : vector<16xf32>
        %add3A_220 = arith.addf %mul3A_199, %mul3A_219 : vector<16xf32>
        %mul3A_221 = arith.constant 2 : i32
        %mul3A_222 = arith.muli %mul3A_221, %scan3A_180 : i32
        %get3A_223 = arith.index_cast %mul3A_222 : i32 to index
        %get3A_224 = arith.constant 32 : index
        %get3A_225 = tpu.vector_load %arg12[%get3A_223, %get3A_224] {strides = array<i32>} : memref<80x64xf32, #tpu.memory_space<vmem>>, vector<1x16xf32>,
        %get3A_226 = vector.shape_cast %get3A_225 : vector<1x16xf32> to vector<16xf32>
        %mul3A_227 = arith.constant 2 : i32
        %mul3A_228 = arith.muli %mul3A_227, %scan3A_180 : i32
        %add3A_229 = arith.constant 1 : i32
        %add3A_230 = arith.addi %mul3A_228, %add3A_229 : i32
        %get3A_231 = arith.index_cast %add3A_230 : i32 to index
        %get3A_232 = arith.constant 32 : index
        %get3A_233 = tpu.vector_load %arg12[%get3A_231, %get3A_232] {strides = array<i32>} : memref<80x64xf32, #tpu.memory_space<vmem>>, vector<1x16xf32>,
        %get3A_234 = vector.shape_cast %get3A_233 : vector<1x16xf32> to vector<16xf32>
        %add3A_235 = arith.addf %get3A_226, %get3A_234 : vector<16xf32>
        %mul3A_236 = arith.constant 2.000000e-01 : f32
        %mul3A_237 = vector.broadcast %mul3A_236 : f32 to vector<16xf32>
        %mul3A_238 = arith.mulf %mul3A_237, %add3A_235 : vector<16xf32>
        %max3A_239 = arith.maximumf %add3A_235, %mul3A_238 : vector<16xf32>
        %mul3A_240 = arith.mulf %max3A_239, %get3A_12 : vector<16xf32>
        %add3A_241 = arith.addf %add3A_220, %mul3A_240 : vector<16xf32>
        %mul3A_242 = arith.constant 2 : i32
        %mul3A_243 = arith.muli %mul3A_242, %scan3A_180 : i32
        %get3A_244 = arith.index_cast %mul3A_243 : i32 to index
        %get3A_245 = arith.constant 48 : index
        %get3A_246 = tpu.vector_load %arg12[%get3A_244, %get3A_245] {strides = array<i32>} : memref<80x64xf32, #tpu.memory_space<vmem>>, vector<1x16xf32>,
        %get3A_247 = vector.shape_cast %get3A_246 : vector<1x16xf32> to vector<16xf32>
        %mul3A_248 = arith.constant 2 : i32
        %mul3A_249 = arith.muli %mul3A_248, %scan3A_180 : i32
        %add3A_250 = arith.constant 1 : i32
        %add3A_251 = arith.addi %mul3A_249, %add3A_250 : i32
        %get3A_252 = arith.index_cast %add3A_251 : i32 to index
        %get3A_253 = arith.constant 48 : index
        %get3A_254 = tpu.vector_load %arg12[%get3A_252, %get3A_253] {strides = array<i32>} : memref<80x64xf32, #tpu.memory_space<vmem>>, vector<1x16xf32>,
        %get3A_255 = vector.shape_cast %get3A_254 : vector<1x16xf32> to vector<16xf32>
        %add3A_256 = arith.addf %get3A_247, %get3A_255 : vector<16xf32>
        %mul3A_257 = arith.constant 2.000000e-01 : f32
        %mul3A_258 = vector.broadcast %mul3A_257 : f32 to vector<16xf32>
        %mul3A_259 = arith.mulf %mul3A_258, %add3A_256 : vector<16xf32>
        %max3A_260 = arith.maximumf %add3A_256, %mul3A_259 : vector<16xf32>
        %mul3A_261 = arith.mulf %max3A_260, %get3A_15 : vector<16xf32>
        %add3A_262 = arith.addf %add3A_241, %mul3A_261 : vector<16xf32>
        %swap3A = arith.constant 0 : index
        %swap3A_263 = tpu.vector_load %arg15[%swap3A] {strides = array<i32>} : memref<32xf32, #tpu.memory_space<vmem>>, vector<16xf32>,
        %swap3A_264 = vector.shape_cast %swap3A_263 : vector<16xf32> to vector<16xf32>
        %swap3A_265 = vector.shape_cast %add3A_262 : vector<16xf32> to vector<16xf32>
        tpu.vector_store %arg15[%swap3A], %swap3A_265 {strides = array<i32>} : memref<32xf32, #tpu.memory_space<vmem>>, vector<16xf32>,
        %swap3A_266 = arith.constant 16 : index
        %swap3A_267 = tpu.vector_load %arg15[%swap3A_266] {strides = array<i32>} : memref<32xf32, #tpu.memory_space<vmem>>, vector<16xf32>,
        %swap3A_268 = vector.shape_cast %swap3A_267 : vector<16xf32> to vector<16xf32>
        %swap3A_269 = vector.shape_cast %add3A_262 : vector<16xf32> to vector<16xf32>
        tpu.vector_store %arg15[%swap3A_266], %swap3A_269 {strides = array<i32>} : memref<32xf32, #tpu.memory_space<vmem>>, vector<16xf32>,
        %get3A_270 = arith.constant 8 : index
        %get3A_271 = tpu.vector_load %arg15[%get3A_270] {strides = array<i32>} : memref<32xf32, #tpu.memory_space<vmem>>, vector<16xf32>,
        %get3A_272 = vector.shape_cast %get3A_271 : vector<16xf32> to vector<16xf32>
        %add3A_273 = arith.addf %add3A_262, %get3A_272 : vector<16xf32>
        %exp3A = math.exp %add3A_273 : vector<16xf32>
        %mul3A_274 = arith.mulf %exp3A, %get3A_194 : vector<16xf32>
        %swap3A_275 = arith.index_cast %scan3A_180 : i32 to index
        %swap3A_276 = arith.constant 0 : index
        %swap3A_277 = tpu.vector_load %arg13[%swap3A_275, %swap3A_276] {strides = array<i32>} : memref<40x80xf32, #tpu.memory_space<vmem>>, vector<1x16xf32>,
        %swap3A_278 = vector.shape_cast %swap3A_277 : vector<1x16xf32> to vector<16xf32>
        %swap3A_279 = vector.shape_cast %mul3A_274 : vector<16xf32> to vector<1x16xf32>
        tpu.vector_store %arg13[%swap3A_275, %swap3A_276], %swap3A_279 {strides = array<i32>} : memref<40x80xf32, #tpu.memory_space<vmem>>, vector<1x16xf32>,
        %mul3A_280 = arith.mulf %exp3A, %get3A_213 : vector<16xf32>
        %swap3A_281 = arith.index_cast %scan3A_180 : i32 to index
        %swap3A_282 = arith.constant 16 : index
        %swap3A_283 = tpu.vector_load %arg13[%swap3A_281, %swap3A_282] {strides = array<i32>} : memref<40x80xf32, #tpu.memory_space<vmem>>, vector<1x16xf32>,
        %swap3A_284 = vector.shape_cast %swap3A_283 : vector<1x16xf32> to vector<16xf32>
        %swap3A_285 = vector.shape_cast %mul3A_280 : vector<16xf32> to vector<1x16xf32>
        tpu.vector_store %arg13[%swap3A_281, %swap3A_282], %swap3A_285 {strides = array<i32>} : memref<40x80xf32, #tpu.memory_space<vmem>>, vector<1x16xf32>,
        %mul3A_286 = arith.mulf %exp3A, %get3A_234 : vector<16xf32>
        %swap3A_287 = arith.index_cast %scan3A_180 : i32 to index
        %swap3A_288 = arith.constant 32 : index
        %swap3A_289 = tpu.vector_load %arg13[%swap3A_287, %swap3A_288] {strides = array<i32>} : memref<40x80xf32, #tpu.memory_space<vmem>>, vector<1x16xf32>,
        %swap3A_290 = vector.shape_cast %swap3A_289 : vector<1x16xf32> to vector<16xf32>
        %swap3A_291 = vector.shape_cast %mul3A_286 : vector<16xf32> to vector<1x16xf32>
        tpu.vector_store %arg13[%swap3A_287, %swap3A_288], %swap3A_291 {strides = array<i32>} : memref<40x80xf32, #tpu.memory_space<vmem>>, vector<1x16xf32>,
        %mul3A_292 = arith.mulf %exp3A, %get3A_255 : vector<16xf32>
        %swap3A_293 = arith.index_cast %scan3A_180 : i32 to index
        %swap3A_294 = arith.constant 48 : index
        %swap3A_295 = tpu.vector_load %arg13[%swap3A_293, %swap3A_294] {strides = array<i32>} : memref<40x80xf32, #tpu.memory_space<vmem>>, vector<1x16xf32>,
        %swap3A_296 = vector.shape_cast %swap3A_295 : vector<1x16xf32> to vector<16xf32>
        %swap3A_297 = vector.shape_cast %mul3A_292 : vector<16xf32> to vector<1x16xf32>
        tpu.vector_store %arg13[%swap3A_293, %swap3A_294], %swap3A_297 {strides = array<i32>} : memref<40x80xf32, #tpu.memory_space<vmem>>, vector<1x16xf32>,
        %swap3A_298 = arith.index_cast %scan3A_180 : i32 to index
        %swap3A_299 = arith.constant 64 : index
        %swap3A_300 = tpu.vector_load %arg13[%swap3A_298, %swap3A_299] {strides = array<i32>} : memref<40x80xf32, #tpu.memory_space<vmem>>, vector<1x16xf32>,
        %swap3A_301 = vector.shape_cast %swap3A_300 : vector<1x16xf32> to vector<16xf32>
        %swap3A_302 = vector.shape_cast %exp3A : vector<16xf32> to vector<1x16xf32>
        tpu.vector_store %arg13[%swap3A_298, %swap3A_299], %swap3A_302 {strides = array<i32>} : memref<40x80xf32, #tpu.memory_space<vmem>>, vector<1x16xf32>,
      }
      %scan3A_178 = arith.constant 40 : i32
      %run_scoped3A_179 = arith.constant 1 : i32
      "tpu.region"() ({
        %run_scoped3A_180 = tpu.sem_alloc : memref<!tpu.dma_semaphore, #tpu.memory_space<semaphore_mem>>
        %dma_start3A_181 = arith.constant 0 : i32
        %dma_start3A_182 = tpu.memref_slice %arg10[%run_scoped3A_179, %dma_start3A_181] : memref<2x40xi32, #tpu.memory_space<vmem>> -> memref<1x40xi32, #tpu.memory_space<vmem>>
        %dma_start3A_183 = tpu.memref_squeeze %dma_start3A_182 : memref<1x40xi32, #tpu.memory_space<vmem>> -> memref<40xi32, #tpu.memory_space<vmem>>
        %dma_start3A_184 = arith.constant 0 : i32
        %dma_start3A_185 = arith.constant 0 : i32
        %dma_start3A_186 = tpu.memref_slice %arg8[%dma_start3A_184, %dma_start3A_185] : memref<10000x80xf32, #tpu.memory_space<vmem_shared>> -> memref<10000x80xf32, #tpu.memory_space<vmem_shared>>
        tpu.enqueue_indirect_dma source(%arg13 : memref<40x80xf32, #tpu.memory_space<vmem>>) target(%dma_start3A_186 : memref<10000x80xf32, #tpu.memory_space<vmem_shared>>) offsets(%dma_start3A_183 : memref<40xi32, #tpu.memory_space<vmem>>) semaphore(%run_scoped3A_180 : memref<!tpu.dma_semaphore, #tpu.memory_space<semaphore_mem>>) {add = true}
        %dma_wait3A_187 = arith.constant 0 : i32
        %dma_wait3A_188 = tpu.memref_slice %arg10[%run_scoped3A_179, %dma_wait3A_187] : memref<2x40xi32, #tpu.memory_space<vmem>> -> memref<1x40xi32, #tpu.memory_space<vmem>>
        %dma_wait3A_189 = tpu.memref_squeeze %dma_wait3A_188 : memref<1x40xi32, #tpu.memory_space<vmem>> -> memref<40xi32, #tpu.memory_space<vmem>>
        %dma_wait3A_190 = arith.constant 0 : i32
        %dma_wait3A_191 = arith.constant 0 : i32
        %dma_wait3A_192 = tpu.memref_slice %arg8[%dma_wait3A_190, %dma_wait3A_191] : memref<10000x80xf32, #tpu.memory_space<vmem_shared>> -> memref<10000x80xf32, #tpu.memory_space<vmem_shared>>
        tpu.wait_indirect_dma semaphore(%run_scoped3A_180 : memref<!tpu.dma_semaphore, #tpu.memory_space<semaphore_mem>>) src(%arg13 : memref<40x80xf32, #tpu.memory_space<vmem>>) dst(%dma_wait3A_192 : memref<10000x80xf32, #tpu.memory_space<vmem_shared>>)
        tpu.yield
      }) : () -> ()
    }
    %scan3A_40 = arith.constant 62 : i32
    %dma_wait3A = arith.constant 0 : i32
    %dma_wait3A_41 = arith.constant 0 : i32
    %dma_wait3A_42 = tpu.memref_slice %arg4[%dma_wait3A, %dma_wait3A_41] : memref<10000x64xf32, #tpu.memory_space<hbm>> -> memref<80x64xf32, #tpu.memory_space<hbm>>
    %dma_wait3A_43 = arith.constant 0 : i32
    %dma_wait3A_44 = arith.constant 0 : i32
    %dma_wait3A_45 = tpu.memref_slice %arg4[%dma_wait3A_43, %dma_wait3A_44] : memref<10000x64xf32, #tpu.memory_space<hbm>> -> memref<80x64xf32, #tpu.memory_space<hbm>>
    tpu.wait_dma2 semaphore(%arg16 : memref<!tpu.dma_semaphore, #tpu.memory_space<semaphore_mem>>) src(%dma_wait3A_45 : memref<80x64xf32, #tpu.memory_space<hbm>>) dst(%arg11 : memref<80x64xf32, #tpu.memory_space<vmem>>)
    %dma_wait3A_46 = arith.constant 0 : i32
    %dma_wait3A_47 = arith.constant 0 : i32
    %dma_wait3A_48 = arith.constant 0 : i32
    %dma_wait3A_49 = arith.constant 0 : i32
    %dma_wait3A_50 = tpu.memref_slice %arg10[%dma_wait3A_48, %dma_wait3A_49] : memref<2x40xi32, #tpu.memory_space<vmem>> -> memref<1x40xi32, #tpu.memory_space<vmem>>
    %dma_wait3A_51 = tpu.memref_squeeze %dma_wait3A_50 : memref<1x40xi32, #tpu.memory_space<vmem>> -> memref<40xi32, #tpu.memory_space<vmem>>
    %dma_wait3A_52 = arith.constant 0 : i32
    %dma_wait3A_53 = tpu.memref_slice %arg3[%dma_wait3A_46, %dma_wait3A_47, %dma_wait3A_52] : memref<32x125x40xi32, #tpu.memory_space<hbm>> -> memref<1x1x40xi32, #tpu.memory_space<hbm>>
    %dma_wait3A_54 = tpu.memref_squeeze %dma_wait3A_53 : memref<1x1x40xi32, #tpu.memory_space<hbm>> -> memref<40xi32, #tpu.memory_space<hbm>>
    %dma_wait3A_55 = arith.constant 0 : i32
    %dma_wait3A_56 = tpu.memref_slice %arg10[%dma_wait3A_48, %dma_wait3A_55] : memref<2x40xi32, #tpu.memory_space<vmem>> -> memref<1x40xi32, #tpu.memory_space<vmem>>
    %dma_wait3A_57 = tpu.memref_squeeze %dma_wait3A_56 : memref<1x40xi32, #tpu.memory_space<vmem>> -> memref<40xi32, #tpu.memory_space<vmem>>
    %dma_wait3A_58 = arith.constant 0 : i32
    %dma_wait3A_59 = tpu.memref_slice %arg3[%dma_wait3A_46, %dma_wait3A_47, %dma_wait3A_58] : memref<32x125x40xi32, #tpu.memory_space<hbm>> -> memref<1x1x40xi32, #tpu.memory_space<hbm>>
    %dma_wait3A_60 = tpu.memref_squeeze %dma_wait3A_59 : memref<1x1x40xi32, #tpu.memory_space<hbm>> -> memref<40xi32, #tpu.memory_space<hbm>>
    tpu.wait_dma2 semaphore(%arg16 : memref<!tpu.dma_semaphore, #tpu.memory_space<semaphore_mem>>) src(%dma_wait3A_60 : memref<40xi32, #tpu.memory_space<hbm>>) dst(%dma_wait3A_57 : memref<40xi32, #tpu.memory_space<vmem>>)
    %scan3A_61 = arith.constant 0 : i32
    %scan3A_62 = arith.constant 0 : i32
    %scan3A_63 = arith.constant 40 : i32
    %scan3A_64 = arith.addi %scan3A_62, %scan3A_63 : i32
    %scan3A_65 = arith.constant 1 : i32
    scf.for %scan3A_77 = %scan3A_62 to %scan3A_64 step %scan3A_65  : i32 {
      %mul3A_78 = arith.constant 2 : i32
      %mul3A_79 = arith.muli %mul3A_78, %scan3A_77 : i32
      %get3A_80 = arith.index_cast %mul3A_79 : i32 to index
      %get3A_81 = arith.constant 0 : index
      %get3A_82 = tpu.vector_load %arg11[%get3A_80, %get3A_81] {strides = array<i32>} : memref<80x64xf32, #tpu.memory_space<vmem>>, vector<1x16xf32>,
      %get3A_83 = vector.shape_cast %get3A_82 : vector<1x16xf32> to vector<16xf32>
      %mul3A_84 = arith.constant 2 : i32
      %mul3A_85 = arith.muli %mul3A_84, %scan3A_77 : i32
      %add3A_86 = arith.constant 1 : i32
      %add3A_87 = arith.addi %mul3A_85, %add3A_86 : i32
      %get3A_88 = arith.index_cast %add3A_87 : i32 to index
      %get3A_89 = arith.constant 0 : index
      %get3A_90 = tpu.vector_load %arg11[%get3A_88, %get3A_89] {strides = array<i32>} : memref<80x64xf32, #tpu.memory_space<vmem>>, vector<1x16xf32>,
      %get3A_91 = vector.shape_cast %get3A_90 : vector<1x16xf32> to vector<16xf32>
      %add3A_92 = arith.addf %get3A_83, %get3A_91 : vector<16xf32>
      %mul3A_93 = arith.constant 2.000000e-01 : f32
      %mul3A_94 = vector.broadcast %mul3A_93 : f32 to vector<16xf32>
      %mul3A_95 = arith.mulf %mul3A_94, %add3A_92 : vector<16xf32>
      %max3A = arith.maximumf %add3A_92, %mul3A_95 : vector<16xf32>
      %mul3A_96 = arith.mulf %max3A, %get3A_6 : vector<16xf32>
      %mul3A_97 = arith.constant 2 : i32
      %mul3A_98 = arith.muli %mul3A_97, %scan3A_77 : i32
      %get3A_99 = arith.index_cast %mul3A_98 : i32 to index
      %get3A_100 = arith.constant 16 : index
      %get3A_101 = tpu.vector_load %arg11[%get3A_99, %get3A_100] {strides = array<i32>} : memref<80x64xf32, #tpu.memory_space<vmem>>, vector<1x16xf32>,
      %get3A_102 = vector.shape_cast %get3A_101 : vector<1x16xf32> to vector<16xf32>
      %mul3A_103 = arith.constant 2 : i32
      %mul3A_104 = arith.muli %mul3A_103, %scan3A_77 : i32
      %add3A_105 = arith.constant 1 : i32
      %add3A_106 = arith.addi %mul3A_104, %add3A_105 : i32
      %get3A_107 = arith.index_cast %add3A_106 : i32 to index
      %get3A_108 = arith.constant 16 : index
      %get3A_109 = tpu.vector_load %arg11[%get3A_107, %get3A_108] {strides = array<i32>} : memref<80x64xf32, #tpu.memory_space<vmem>>, vector<1x16xf32>,
      %get3A_110 = vector.shape_cast %get3A_109 : vector<1x16xf32> to vector<16xf32>
      %add3A_111 = arith.addf %get3A_102, %get3A_110 : vector<16xf32>
      %mul3A_112 = arith.constant 2.000000e-01 : f32
      %mul3A_113 = vector.broadcast %mul3A_112 : f32 to vector<16xf32>
      %mul3A_114 = arith.mulf %mul3A_113, %add3A_111 : vector<16xf32>
      %max3A_115 = arith.maximumf %add3A_111, %mul3A_114 : vector<16xf32>
      %mul3A_116 = arith.mulf %max3A_115, %get3A_9 : vector<16xf32>
      %add3A_117 = arith.addf %mul3A_96, %mul3A_116 : vector<16xf32>
      %mul3A_118 = arith.constant 2 : i32
      %mul3A_119 = arith.muli %mul3A_118, %scan3A_77 : i32
      %get3A_120 = arith.index_cast %mul3A_119 : i32 to index
      %get3A_121 = arith.constant 32 : index
      %get3A_122 = tpu.vector_load %arg11[%get3A_120, %get3A_121] {strides = array<i32>} : memref<80x64xf32, #tpu.memory_space<vmem>>, vector<1x16xf32>,
      %get3A_123 = vector.shape_cast %get3A_122 : vector<1x16xf32> to vector<16xf32>
      %mul3A_124 = arith.constant 2 : i32
      %mul3A_125 = arith.muli %mul3A_124, %scan3A_77 : i32
      %add3A_126 = arith.constant 1 : i32
      %add3A_127 = arith.addi %mul3A_125, %add3A_126 : i32
      %get3A_128 = arith.index_cast %add3A_127 : i32 to index
      %get3A_129 = arith.constant 32 : index
      %get3A_130 = tpu.vector_load %arg11[%get3A_128, %get3A_129] {strides = array<i32>} : memref<80x64xf32, #tpu.memory_space<vmem>>, vector<1x16xf32>,
      %get3A_131 = vector.shape_cast %get3A_130 : vector<1x16xf32> to vector<16xf32>
      %add3A_132 = arith.addf %get3A_123, %get3A_131 : vector<16xf32>
      %mul3A_133 = arith.constant 2.000000e-01 : f32
      %mul3A_134 = vector.broadcast %mul3A_133 : f32 to vector<16xf32>
      %mul3A_135 = arith.mulf %mul3A_134, %add3A_132 : vector<16xf32>
      %max3A_136 = arith.maximumf %add3A_132, %mul3A_135 : vector<16xf32>
      %mul3A_137 = arith.mulf %max3A_136, %get3A_12 : vector<16xf32>
      %add3A_138 = arith.addf %add3A_117, %mul3A_137 : vector<16xf32>
      %mul3A_139 = arith.constant 2 : i32
      %mul3A_140 = arith.muli %mul3A_139, %scan3A_77 : i32
      %get3A_141 = arith.index_cast %mul3A_140 : i32 to index
      %get3A_142 = arith.constant 48 : index
      %get3A_143 = tpu.vector_load %arg11[%get3A_141, %get3A_142] {strides = array<i32>} : memref<80x64xf32, #tpu.memory_space<vmem>>, vector<1x16xf32>,
      %get3A_144 = vector.shape_cast %get3A_143 : vector<1x16xf32> to vector<16xf32>
      %mul3A_145 = arith.constant 2 : i32
      %mul3A_146 = arith.muli %mul3A_145, %scan3A_77 : i32
      %add3A_147 = arith.constant 1 : i32
      %add3A_148 = arith.addi %mul3A_146, %add3A_147 : i32
      %get3A_149 = arith.index_cast %add3A_148 : i32 to index
      %get3A_150 = arith.constant 48 : index
      %get3A_151 = tpu.vector_load %arg11[%get3A_149, %get3A_150] {strides = array<i32>} : memref<80x64xf32, #tpu.memory_space<vmem>>, vector<1x16xf32>,
      %get3A_152 = vector.shape_cast %get3A_151 : vector<1x16xf32> to vector<16xf32>
      %add3A_153 = arith.addf %get3A_144, %get3A_152 : vector<16xf32>
      %mul3A_154 = arith.constant 2.000000e-01 : f32
      %mul3A_155 = vector.broadcast %mul3A_154 : f32 to vector<16xf32>
      %mul3A_156 = arith.mulf %mul3A_155, %add3A_153 : vector<16xf32>
      %max3A_157 = arith.maximumf %add3A_153, %mul3A_156 : vector<16xf32>
      %mul3A_158 = arith.mulf %max3A_157, %get3A_15 : vector<16xf32>
      %add3A_159 = arith.addf %add3A_138, %mul3A_158 : vector<16xf32>
      %swap3A = arith.constant 0 : index
      %swap3A_160 = tpu.vector_load %arg15[%swap3A] {strides = array<i32>} : memref<32xf32, #tpu.memory_space<vmem>>, vector<16xf32>,
      %swap3A_161 = vector.shape_cast %swap3A_160 : vector<16xf32> to vector<16xf32>
      %swap3A_162 = vector.shape_cast %add3A_159 : vector<16xf32> to vector<16xf32>
      tpu.vector_store %arg15[%swap3A], %swap3A_162 {strides = array<i32>} : memref<32xf32, #tpu.memory_space<vmem>>, vector<16xf32>,
      %swap3A_163 = arith.constant 16 : index
      %swap3A_164 = tpu.vector_load %arg15[%swap3A_163] {strides = array<i32>} : memref<32xf32, #tpu.memory_space<vmem>>, vector<16xf32>,
      %swap3A_165 = vector.shape_cast %swap3A_164 : vector<16xf32> to vector<16xf32>
      %swap3A_166 = vector.shape_cast %add3A_159 : vector<16xf32> to vector<16xf32>
      tpu.vector_store %arg15[%swap3A_163], %swap3A_166 {strides = array<i32>} : memref<32xf32, #tpu.memory_space<vmem>>, vector<16xf32>,
      %get3A_167 = arith.constant 8 : index
      %get3A_168 = tpu.vector_load %arg15[%get3A_167] {strides = array<i32>} : memref<32xf32, #tpu.memory_space<vmem>>, vector<16xf32>,
      %get3A_169 = vector.shape_cast %get3A_168 : vector<16xf32> to vector<16xf32>
      %add3A_170 = arith.addf %add3A_159, %get3A_169 : vector<16xf32>
      %exp3A = math.exp %add3A_170 : vector<16xf32>
      %mul3A_171 = arith.mulf %exp3A, %get3A_91 : vector<16xf32>
      %swap3A_172 = arith.index_cast %scan3A_77 : i32 to index
      %swap3A_173 = arith.constant 0 : index
      %swap3A_174 = tpu.vector_load %arg13[%swap3A_172, %swap3A_173] {strides = array<i32>} : memref<40x80xf32, #tpu.memory_space<vmem>>, vector<1x16xf32>,
      %swap3A_175 = vector.shape_cast %swap3A_174 : vector<1x16xf32> to vector<16xf32>
      %swap3A_176 = vector.shape_cast %mul3A_171 : vector<16xf32> to vector<1x16xf32>
      tpu.vector_store %arg13[%swap3A_172, %swap3A_173], %swap3A_176 {strides = array<i32>} : memref<40x80xf32, #tpu.memory_space<vmem>>, vector<1x16xf32>,
      %mul3A_177 = arith.mulf %exp3A, %get3A_110 : vector<16xf32>
      %swap3A_178 = arith.index_cast %scan3A_77 : i32 to index
      %swap3A_179 = arith.constant 16 : index
      %swap3A_180 = tpu.vector_load %arg13[%swap3A_178, %swap3A_179] {strides = array<i32>} : memref<40x80xf32, #tpu.memory_space<vmem>>, vector<1x16xf32>,
      %swap3A_181 = vector.shape_cast %swap3A_180 : vector<1x16xf32> to vector<16xf32>
      %swap3A_182 = vector.shape_cast %mul3A_177 : vector<16xf32> to vector<1x16xf32>
      tpu.vector_store %arg13[%swap3A_178, %swap3A_179], %swap3A_182 {strides = array<i32>} : memref<40x80xf32, #tpu.memory_space<vmem>>, vector<1x16xf32>,
      %mul3A_183 = arith.mulf %exp3A, %get3A_131 : vector<16xf32>
      %swap3A_184 = arith.index_cast %scan3A_77 : i32 to index
      %swap3A_185 = arith.constant 32 : index
      %swap3A_186 = tpu.vector_load %arg13[%swap3A_184, %swap3A_185] {strides = array<i32>} : memref<40x80xf32, #tpu.memory_space<vmem>>, vector<1x16xf32>,
      %swap3A_187 = vector.shape_cast %swap3A_186 : vector<1x16xf32> to vector<16xf32>
      %swap3A_188 = vector.shape_cast %mul3A_183 : vector<16xf32> to vector<1x16xf32>
      tpu.vector_store %arg13[%swap3A_184, %swap3A_185], %swap3A_188 {strides = array<i32>} : memref<40x80xf32, #tpu.memory_space<vmem>>, vector<1x16xf32>,
      %mul3A_189 = arith.mulf %exp3A, %get3A_152 : vector<16xf32>
      %swap3A_190 = arith.index_cast %scan3A_77 : i32 to index
      %swap3A_191 = arith.constant 48 : index
      %swap3A_192 = tpu.vector_load %arg13[%swap3A_190, %swap3A_191] {strides = array<i32>} : memref<40x80xf32, #tpu.memory_space<vmem>>, vector<1x16xf32>,
      %swap3A_193 = vector.shape_cast %swap3A_192 : vector<1x16xf32> to vector<16xf32>
      %swap3A_194 = vector.shape_cast %mul3A_189 : vector<16xf32> to vector<1x16xf32>
      tpu.vector_store %arg13[%swap3A_190, %swap3A_191], %swap3A_194 {strides = array<i32>} : memref<40x80xf32, #tpu.memory_space<vmem>>, vector<1x16xf32>,
      %swap3A_195 = arith.index_cast %scan3A_77 : i32 to index
      %swap3A_196 = arith.constant 64 : index
      %swap3A_197 = tpu.vector_load %arg13[%swap3A_195, %swap3A_196] {strides = array<i32>} : memref<40x80xf32, #tpu.memory_space<vmem>>, vector<1x16xf32>,
      %swap3A_198 = vector.shape_cast %swap3A_197 : vector<1x16xf32> to vector<16xf32>
      %swap3A_199 = vector.shape_cast %exp3A : vector<16xf32> to vector<1x16xf32>
      tpu.vector_store %arg13[%swap3A_195, %swap3A_196], %swap3A_199 {strides = array<i32>} : memref<40x80xf32, #tpu.memory_space<vmem>>, vector<1x16xf32>,
    }
    %scan3A_66 = arith.constant 40 : i32
    %run_scoped3A = arith.constant 0 : i32
    "tpu.region"() ({
      %run_scoped3A_77 = tpu.sem_alloc : memref<!tpu.dma_semaphore, #tpu.memory_space<semaphore_mem>>
      %dma_start3A_78 = arith.constant 0 : i32
      %dma_start3A_79 = tpu.memref_slice %arg10[%run_scoped3A, %dma_start3A_78] : memref<2x40xi32, #tpu.memory_space<vmem>> -> memref<1x40xi32, #tpu.memory_space<vmem>>
      %dma_start3A_80 = tpu.memref_squeeze %dma_start3A_79 : memref<1x40xi32, #tpu.memory_space<vmem>> -> memref<40xi32, #tpu.memory_space<vmem>>
      %dma_start3A_81 = arith.constant 0 : i32
      %dma_start3A_82 = arith.constant 0 : i32
      %dma_start3A_83 = tpu.memref_slice %arg8[%dma_start3A_81, %dma_start3A_82] : memref<10000x80xf32, #tpu.memory_space<vmem_shared>> -> memref<10000x80xf32, #tpu.memory_space<vmem_shared>>
      tpu.enqueue_indirect_dma source(%arg13 : memref<40x80xf32, #tpu.memory_space<vmem>>) target(%dma_start3A_83 : memref<10000x80xf32, #tpu.memory_space<vmem_shared>>) offsets(%dma_start3A_80 : memref<40xi32, #tpu.memory_space<vmem>>) semaphore(%run_scoped3A_77 : memref<!tpu.dma_semaphore, #tpu.memory_space<semaphore_mem>>) {add = true}
      %dma_wait3A_84 = arith.constant 0 : i32
      %dma_wait3A_85 = tpu.memref_slice %arg10[%run_scoped3A, %dma_wait3A_84] : memref<2x40xi32, #tpu.memory_space<vmem>> -> memref<1x40xi32, #tpu.memory_space<vmem>>
      %dma_wait3A_86 = tpu.memref_squeeze %dma_wait3A_85 : memref<1x40xi32, #tpu.memory_space<vmem>> -> memref<40xi32, #tpu.memory_space<vmem>>
      %dma_wait3A_87 = arith.constant 0 : i32
      %dma_wait3A_88 = arith.constant 0 : i32
      %dma_wait3A_89 = tpu.memref_slice %arg8[%dma_wait3A_87, %dma_wait3A_88] : memref<10000x80xf32, #tpu.memory_space<vmem_shared>> -> memref<10000x80xf32, #tpu.memory_space<vmem_shared>>
      tpu.wait_indirect_dma semaphore(%run_scoped3A_77 : memref<!tpu.dma_semaphore, #tpu.memory_space<semaphore_mem>>) src(%arg13 : memref<40x80xf32, #tpu.memory_space<vmem>>) dst(%dma_wait3A_89 : memref<10000x80xf32, #tpu.memory_space<vmem_shared>>)
      tpu.yield
    }) : () -> ()
    %barrier3A_67 = arith.constant 0 : index
    tpu.barrier barrier_id(%barrier3A_67)
    %mul3A_68 = arith.constant 624 : i32
    %mul3A_69 = arith.muli %arg1, %mul3A_68 : i32
    %mul3A_70 = arith.constant 624 : i32
    %mul3A_71 = arith.muli %arg1, %mul3A_70 : i32
    "tpu.region"() ({
      %run_scoped3A_77 = tpu.sem_alloc : memref<!tpu.dma_semaphore, #tpu.memory_space<semaphore_mem>>
      %dma_start3A_78 = arith.constant 0 : i32
      %dma_start3A_79 = tpu.memref_slice %arg7[%arg0, %mul3A_71, %dma_start3A_78] : memref<2x10000x80xf32, #tpu.memory_space<hbm>> -> memref<1x624x80xf32, #tpu.memory_space<hbm>>
      %dma_start3A_80 = tpu.memref_squeeze %dma_start3A_79 : memref<1x624x80xf32, #tpu.memory_space<hbm>> -> memref<624x80xf32, #tpu.memory_space<hbm>>
      %dma_start3A_81 = arith.constant 0 : i32
      %dma_start3A_82 = tpu.memref_slice %arg8[%mul3A_69, %dma_start3A_81] : memref<10000x80xf32, #tpu.memory_space<vmem_shared>> -> memref<624x80xf32, #tpu.memory_space<vmem_shared>>
      tpu.enqueue_dma source(%dma_start3A_82 : memref<624x80xf32, #tpu.memory_space<vmem_shared>>) target(%dma_start3A_80 : memref<624x80xf32, #tpu.memory_space<hbm>>) target_semaphore(%run_scoped3A_77 : memref<!tpu.dma_semaphore, #tpu.memory_space<semaphore_mem>>)
      %dma_wait3A_83 = arith.constant 0 : i32
      %dma_wait3A_84 = tpu.memref_slice %arg7[%arg0, %mul3A_71, %dma_wait3A_83] : memref<2x10000x80xf32, #tpu.memory_space<hbm>> -> memref<1x624x80xf32, #tpu.memory_space<hbm>>
      %dma_wait3A_85 = tpu.memref_squeeze %dma_wait3A_84 : memref<1x624x80xf32, #tpu.memory_space<hbm>> -> memref<624x80xf32, #tpu.memory_space<hbm>>
      %dma_wait3A_86 = arith.constant 0 : i32
      %dma_wait3A_87 = tpu.memref_slice %arg8[%mul3A_69, %dma_wait3A_86] : memref<10000x80xf32, #tpu.memory_space<vmem_shared>> -> memref<624x80xf32, #tpu.memory_space<vmem_shared>>
      tpu.wait_dma2 semaphore(%run_scoped3A_77 : memref<!tpu.dma_semaphore, #tpu.memory_space<semaphore_mem>>) src(%dma_wait3A_87 : memref<624x80xf32, #tpu.memory_space<vmem_shared>>) dst(%dma_wait3A_85 : memref<624x80xf32, #tpu.memory_space<hbm>>)
      tpu.yield
    }) : () -> ()
    %eq3A_72 = arith.constant 0 : i32
    %eq3A_73 = arith.cmpi eq, %arg1, %eq3A_72 : i32
    %convert_element_type3A_74 = arith.extui %eq3A_73 : i1 to i32
    %cond3A_75 = arith.constant 0 : i32
    %cond3A_76 = arith.cmpi ne, %convert_element_type3A_74, %cond3A_75 : i32
    scf.if %cond3A_76 {
      "tpu.region"() ({
        %run_scoped3A_77 = tpu.sem_alloc : memref<!tpu.dma_semaphore, #tpu.memory_space<semaphore_mem>>
        %dma_start3A_78 = arith.constant 9984 : i32
        %dma_start3A_79 = arith.constant 0 : i32
        %dma_start3A_80 = tpu.memref_slice %arg7[%arg0, %dma_start3A_78, %dma_start3A_79] : memref<2x10000x80xf32, #tpu.memory_space<hbm>> -> memref<1x16x80xf32, #tpu.memory_space<hbm>>
        %dma_start3A_81 = tpu.memref_squeeze %dma_start3A_80 : memref<1x16x80xf32, #tpu.memory_space<hbm>> -> memref<16x80xf32, #tpu.memory_space<hbm>>
        %dma_start3A_82 = arith.constant 9984 : i32
        %dma_start3A_83 = arith.constant 0 : i32
        %dma_start3A_84 = tpu.memref_slice %arg8[%dma_start3A_82, %dma_start3A_83] : memref<10000x80xf32, #tpu.memory_space<vmem_shared>> -> memref<16x80xf32, #tpu.memory_space<vmem_shared>>
        tpu.enqueue_dma source(%dma_start3A_84 : memref<16x80xf32, #tpu.memory_space<vmem_shared>>) target(%dma_start3A_81 : memref<16x80xf32, #tpu.memory_space<hbm>>) target_semaphore(%run_scoped3A_77 : memref<!tpu.dma_semaphore, #tpu.memory_space<semaphore_mem>>)
        %dma_wait3A_85 = arith.constant 9984 : i32
        %dma_wait3A_86 = arith.constant 0 : i32
        %dma_wait3A_87 = tpu.memref_slice %arg7[%arg0, %dma_wait3A_85, %dma_wait3A_86] : memref<2x10000x80xf32, #tpu.memory_space<hbm>> -> memref<1x16x80xf32, #tpu.memory_space<hbm>>
        %dma_wait3A_88 = tpu.memref_squeeze %dma_wait3A_87 : memref<1x16x80xf32, #tpu.memory_space<hbm>> -> memref<16x80xf32, #tpu.memory_space<hbm>>
        %dma_wait3A_89 = arith.constant 9984 : i32
        %dma_wait3A_90 = arith.constant 0 : i32
        %dma_wait3A_91 = tpu.memref_slice %arg8[%dma_wait3A_89, %dma_wait3A_90] : memref<10000x80xf32, #tpu.memory_space<vmem_shared>> -> memref<16x80xf32, #tpu.memory_space<vmem_shared>>
        tpu.wait_dma2 semaphore(%run_scoped3A_77 : memref<!tpu.dma_semaphore, #tpu.memory_space<semaphore_mem>>) src(%dma_wait3A_91 : memref<16x80xf32, #tpu.memory_space<vmem_shared>>) dst(%dma_wait3A_88 : memref<16x80xf32, #tpu.memory_space<hbm>>)
        tpu.yield
      }) : () -> ()
    } else {
    }
    return
  }
}

#map = affine_map<(d0, d1) -> (0, 0, 0)>
#map1 = affine_map<(d0, d1) -> (0, 0)>
#map2 = affine_map<(d0, d1) -> (0)>
module attributes {stable_mosaic.version = 14 : i64} {
  func.func @edge_pass(%arg0: i32, %arg1: i32, %arg2: memref<32x125x80xi32, #tpu.memory_space<hbm>>, %arg3: memref<32x125x40xi32, #tpu.memory_space<hbm>>, %arg4: memref<10000x128xf32, #tpu.memory_space<hbm>>, %arg5: memref<128xf32, #tpu.memory_space<hbm>>, %arg6: memref<625x144xf32, #tpu.memory_space<hbm>>, %arg7: memref<2x10000x144xf32, #tpu.memory_space<hbm>>, %arg8: memref<10000x144xf32, #tpu.memory_space<vmem_shared>>, %arg9: memref<125x80xi32, #tpu.memory_space<vmem>>, %arg10: memref<2x40xi32, #tpu.memory_space<vmem>>, %arg11: memref<80x128xf32, #tpu.memory_space<vmem>>, %arg12: memref<80x128xf32, #tpu.memory_space<vmem>>, %arg13: memref<40x144xf32, #tpu.memory_space<vmem>>, %arg14: memref<128xf32, #tpu.memory_space<vmem>>, %arg15: memref<32xf32, #tpu.memory_space<vmem>>, %arg16: memref<!tpu.dma_semaphore, #tpu.memory_space<semaphore_mem>>, %arg17: memref<!tpu.dma_semaphore, #tpu.memory_space<semaphore_mem>>) attributes {dimension_semantics = [#tpu.dimension_semantics<core_parallel>, #tpu.dimension_semantics<subcore_parallel>], iteration_bounds = array<i64: 2, 16>, scalar_prefetch = 0 : i64, scratch_operands = 10 : i64, tpu.core_type = #tpu.core_type<sc_vector_subcore>, window_params = [{transform_indices = #map}, {transform_indices = #map}, {transform_indices = #map1}, {transform_indices = #map2}, {transform_indices = #map1}, {transform_indices = #map}]} {
    %mul3A = arith.constant 2 : i32
    %mul3A_0 = arith.muli %arg1, %mul3A : i32
    %add3A = arith.addi %mul3A_0, %arg0 : i32
    %mul3A_1 = arith.constant 624 : i32
    %mul3A_2 = arith.muli %arg1, %mul3A_1 : i32
    "tpu.region"() ({
      %run_scoped3A_89 = tpu.sem_alloc : memref<!tpu.dma_semaphore, #tpu.memory_space<semaphore_mem>>
      %dma_start3A_90 = arith.constant 0 : i32
      %dma_start3A_91 = tpu.memref_slice %arg8[%mul3A_2, %dma_start3A_90] : memref<10000x144xf32, #tpu.memory_space<vmem_shared>> -> memref<624x144xf32, #tpu.memory_space<vmem_shared>>
      %dma_start3A_92 = arith.constant 0 : i32
      %dma_start3A_93 = arith.constant 0 : i32
      %dma_start3A_94 = tpu.memref_slice %arg6[%dma_start3A_92, %dma_start3A_93] : memref<625x144xf32, #tpu.memory_space<hbm>> -> memref<624x144xf32, #tpu.memory_space<hbm>>
      tpu.enqueue_dma source(%dma_start3A_94 : memref<624x144xf32, #tpu.memory_space<hbm>>) target(%dma_start3A_91 : memref<624x144xf32, #tpu.memory_space<vmem_shared>>) target_semaphore(%run_scoped3A_89 : memref<!tpu.dma_semaphore, #tpu.memory_space<semaphore_mem>>)
      %dma_wait3A_95 = arith.constant 0 : i32
      %dma_wait3A_96 = tpu.memref_slice %arg8[%mul3A_2, %dma_wait3A_95] : memref<10000x144xf32, #tpu.memory_space<vmem_shared>> -> memref<624x144xf32, #tpu.memory_space<vmem_shared>>
      %dma_wait3A_97 = arith.constant 0 : i32
      %dma_wait3A_98 = arith.constant 0 : i32
      %dma_wait3A_99 = tpu.memref_slice %arg6[%dma_wait3A_97, %dma_wait3A_98] : memref<625x144xf32, #tpu.memory_space<hbm>> -> memref<624x144xf32, #tpu.memory_space<hbm>>
      tpu.wait_dma2 semaphore(%run_scoped3A_89 : memref<!tpu.dma_semaphore, #tpu.memory_space<semaphore_mem>>) src(%dma_wait3A_99 : memref<624x144xf32, #tpu.memory_space<hbm>>) dst(%dma_wait3A_96 : memref<624x144xf32, #tpu.memory_space<vmem_shared>>)
      tpu.yield
    }) : () -> ()
    %eq3A = arith.constant 0 : i32
    %eq3A_3 = arith.cmpi eq, %arg1, %eq3A : i32
    %convert_element_type3A = arith.extui %eq3A_3 : i1 to i32
    %cond3A = arith.constant 0 : i32
    %cond3A_4 = arith.cmpi ne, %convert_element_type3A, %cond3A : i32
    scf.if %cond3A_4 {
      "tpu.region"() ({
        %run_scoped3A_89 = tpu.sem_alloc : memref<!tpu.dma_semaphore, #tpu.memory_space<semaphore_mem>>
        %dma_start3A_90 = arith.constant 9984 : i32
        %dma_start3A_91 = arith.constant 0 : i32
        %dma_start3A_92 = tpu.memref_slice %arg8[%dma_start3A_90, %dma_start3A_91] : memref<10000x144xf32, #tpu.memory_space<vmem_shared>> -> memref<16x144xf32, #tpu.memory_space<vmem_shared>>
        %dma_start3A_93 = arith.constant 0 : i32
        %dma_start3A_94 = arith.constant 0 : i32
        %dma_start3A_95 = tpu.memref_slice %arg6[%dma_start3A_93, %dma_start3A_94] : memref<625x144xf32, #tpu.memory_space<hbm>> -> memref<16x144xf32, #tpu.memory_space<hbm>>
        tpu.enqueue_dma source(%dma_start3A_95 : memref<16x144xf32, #tpu.memory_space<hbm>>) target(%dma_start3A_92 : memref<16x144xf32, #tpu.memory_space<vmem_shared>>) target_semaphore(%run_scoped3A_89 : memref<!tpu.dma_semaphore, #tpu.memory_space<semaphore_mem>>)
        %dma_wait3A_96 = arith.constant 9984 : i32
        %dma_wait3A_97 = arith.constant 0 : i32
        %dma_wait3A_98 = tpu.memref_slice %arg8[%dma_wait3A_96, %dma_wait3A_97] : memref<10000x144xf32, #tpu.memory_space<vmem_shared>> -> memref<16x144xf32, #tpu.memory_space<vmem_shared>>
        %dma_wait3A_99 = arith.constant 0 : i32
        %dma_wait3A_100 = arith.constant 0 : i32
        %dma_wait3A_101 = tpu.memref_slice %arg6[%dma_wait3A_99, %dma_wait3A_100] : memref<625x144xf32, #tpu.memory_space<hbm>> -> memref<16x144xf32, #tpu.memory_space<hbm>>
        tpu.wait_dma2 semaphore(%run_scoped3A_89 : memref<!tpu.dma_semaphore, #tpu.memory_space<semaphore_mem>>) src(%dma_wait3A_101 : memref<16x144xf32, #tpu.memory_space<hbm>>) dst(%dma_wait3A_98 : memref<16x144xf32, #tpu.memory_space<vmem_shared>>)
        tpu.yield
      }) : () -> ()
    } else {
    }
    "tpu.region"() ({
      %run_scoped3A_89 = tpu.sem_alloc : memref<!tpu.dma_semaphore, #tpu.memory_space<semaphore_mem>>
      tpu.enqueue_dma source(%arg5 : memref<128xf32, #tpu.memory_space<hbm>>) target(%arg14 : memref<128xf32, #tpu.memory_space<vmem>>) target_semaphore(%run_scoped3A_89 : memref<!tpu.dma_semaphore, #tpu.memory_space<semaphore_mem>>)
      tpu.wait_dma2 semaphore(%run_scoped3A_89 : memref<!tpu.dma_semaphore, #tpu.memory_space<semaphore_mem>>) src(%arg5 : memref<128xf32, #tpu.memory_space<hbm>>) dst(%arg14 : memref<128xf32, #tpu.memory_space<vmem>>)
      tpu.yield
    }) : () -> ()
    "tpu.region"() ({
      %run_scoped3A_89 = tpu.sem_alloc : memref<!tpu.dma_semaphore, #tpu.memory_space<semaphore_mem>>
      %dma_start3A_90 = arith.constant 0 : i32
      %dma_start3A_91 = arith.constant 0 : i32
      %dma_start3A_92 = tpu.memref_slice %arg2[%add3A, %dma_start3A_90, %dma_start3A_91] : memref<32x125x80xi32, #tpu.memory_space<hbm>> -> memref<1x125x80xi32, #tpu.memory_space<hbm>>
      %dma_start3A_93 = tpu.memref_squeeze %dma_start3A_92 : memref<1x125x80xi32, #tpu.memory_space<hbm>> -> memref<125x80xi32, #tpu.memory_space<hbm>>
      %dma_start3A_94 = arith.constant 0 : i32
      %dma_start3A_95 = arith.constant 0 : i32
      %dma_start3A_96 = tpu.memref_slice %arg2[%add3A, %dma_start3A_94, %dma_start3A_95] : memref<32x125x80xi32, #tpu.memory_space<hbm>> -> memref<1x125x80xi32, #tpu.memory_space<hbm>>
      %dma_start3A_97 = tpu.memref_squeeze %dma_start3A_96 : memref<1x125x80xi32, #tpu.memory_space<hbm>> -> memref<125x80xi32, #tpu.memory_space<hbm>>
      tpu.enqueue_dma source(%dma_start3A_97 : memref<125x80xi32, #tpu.memory_space<hbm>>) target(%arg9 : memref<125x80xi32, #tpu.memory_space<vmem>>) target_semaphore(%run_scoped3A_89 : memref<!tpu.dma_semaphore, #tpu.memory_space<semaphore_mem>>)
      %dma_wait3A_98 = arith.constant 0 : i32
      %dma_wait3A_99 = arith.constant 0 : i32
      %dma_wait3A_100 = tpu.memref_slice %arg2[%add3A, %dma_wait3A_98, %dma_wait3A_99] : memref<32x125x80xi32, #tpu.memory_space<hbm>> -> memref<1x125x80xi32, #tpu.memory_space<hbm>>
      %dma_wait3A_101 = tpu.memref_squeeze %dma_wait3A_100 : memref<1x125x80xi32, #tpu.memory_space<hbm>> -> memref<125x80xi32, #tpu.memory_space<hbm>>
      %dma_wait3A_102 = arith.constant 0 : i32
      %dma_wait3A_103 = arith.constant 0 : i32
      %dma_wait3A_104 = tpu.memref_slice %arg2[%add3A, %dma_wait3A_102, %dma_wait3A_103] : memref<32x125x80xi32, #tpu.memory_space<hbm>> -> memref<1x125x80xi32, #tpu.memory_space<hbm>>
      %dma_wait3A_105 = tpu.memref_squeeze %dma_wait3A_104 : memref<1x125x80xi32, #tpu.memory_space<hbm>> -> memref<125x80xi32, #tpu.memory_space<hbm>>
      tpu.wait_dma2 semaphore(%run_scoped3A_89 : memref<!tpu.dma_semaphore, #tpu.memory_space<semaphore_mem>>) src(%dma_wait3A_105 : memref<125x80xi32, #tpu.memory_space<hbm>>) dst(%arg9 : memref<125x80xi32, #tpu.memory_space<vmem>>)
      tpu.yield
    }) : () -> ()
    %barrier3A = arith.constant 0 : index
    tpu.barrier barrier_id(%barrier3A)
    %get3A = arith.constant 0 : index
    %get3A_5 = tpu.vector_load %arg14[%get3A] {strides = array<i32>} : memref<128xf32, #tpu.memory_space<vmem>>, vector<16xf32>,
    %get3A_6 = vector.shape_cast %get3A_5 : vector<16xf32> to vector<16xf32>
    %get3A_7 = arith.constant 16 : index
    %get3A_8 = tpu.vector_load %arg14[%get3A_7] {strides = array<i32>} : memref<128xf32, #tpu.memory_space<vmem>>, vector<16xf32>,
    %get3A_9 = vector.shape_cast %get3A_8 : vector<16xf32> to vector<16xf32>
    %get3A_10 = arith.constant 32 : index
    %get3A_11 = tpu.vector_load %arg14[%get3A_10] {strides = array<i32>} : memref<128xf32, #tpu.memory_space<vmem>>, vector<16xf32>,
    %get3A_12 = vector.shape_cast %get3A_11 : vector<16xf32> to vector<16xf32>
    %get3A_13 = arith.constant 48 : index
    %get3A_14 = tpu.vector_load %arg14[%get3A_13] {strides = array<i32>} : memref<128xf32, #tpu.memory_space<vmem>>, vector<16xf32>,
    %get3A_15 = vector.shape_cast %get3A_14 : vector<16xf32> to vector<16xf32>
    %get3A_16 = arith.constant 64 : index
    %get3A_17 = tpu.vector_load %arg14[%get3A_16] {strides = array<i32>} : memref<128xf32, #tpu.memory_space<vmem>>, vector<16xf32>,
    %get3A_18 = vector.shape_cast %get3A_17 : vector<16xf32> to vector<16xf32>
    %get3A_19 = arith.constant 80 : index
    %get3A_20 = tpu.vector_load %arg14[%get3A_19] {strides = array<i32>} : memref<128xf32, #tpu.memory_space<vmem>>, vector<16xf32>,
    %get3A_21 = vector.shape_cast %get3A_20 : vector<16xf32> to vector<16xf32>
    %get3A_22 = arith.constant 96 : index
    %get3A_23 = tpu.vector_load %arg14[%get3A_22] {strides = array<i32>} : memref<128xf32, #tpu.memory_space<vmem>>, vector<16xf32>,
    %get3A_24 = vector.shape_cast %get3A_23 : vector<16xf32> to vector<16xf32>
    %get3A_25 = arith.constant 112 : index
    %get3A_26 = tpu.vector_load %arg14[%get3A_25] {strides = array<i32>} : memref<128xf32, #tpu.memory_space<vmem>>, vector<16xf32>,
    %get3A_27 = vector.shape_cast %get3A_26 : vector<16xf32> to vector<16xf32>
    %dma_start3A = arith.constant 0 : i32
    %dma_start3A_28 = arith.constant 0 : i32
    %dma_start3A_29 = tpu.memref_slice %arg9[%dma_start3A, %dma_start3A_28] : memref<125x80xi32, #tpu.memory_space<vmem>> -> memref<1x80xi32, #tpu.memory_space<vmem>>
    %dma_start3A_30 = tpu.memref_squeeze %dma_start3A_29 : memref<1x80xi32, #tpu.memory_space<vmem>> -> memref<80xi32, #tpu.memory_space<vmem>>
    %dma_start3A_31 = arith.constant 0 : i32
    %dma_start3A_32 = arith.constant 0 : i32
    %dma_start3A_33 = tpu.memref_slice %arg4[%dma_start3A_31, %dma_start3A_32] : memref<10000x128xf32, #tpu.memory_space<hbm>> -> memref<10000x128xf32, #tpu.memory_space<hbm>>
    tpu.enqueue_indirect_dma source(%dma_start3A_33 : memref<10000x128xf32, #tpu.memory_space<hbm>>) target(%arg11 : memref<80x128xf32, #tpu.memory_space<vmem>>) offsets(%dma_start3A_30 : memref<80xi32, #tpu.memory_space<vmem>>) semaphore(%arg16 : memref<!tpu.dma_semaphore, #tpu.memory_space<semaphore_mem>>)
    %dma_start3A_34 = arith.constant 0 : i32
    %dma_start3A_35 = arith.constant 0 : i32
    %dma_start3A_36 = arith.constant 0 : i32
    %dma_start3A_37 = tpu.memref_slice %arg10[%dma_start3A_35, %dma_start3A_36] : memref<2x40xi32, #tpu.memory_space<vmem>> -> memref<1x40xi32, #tpu.memory_space<vmem>>
    %dma_start3A_38 = tpu.memref_squeeze %dma_start3A_37 : memref<1x40xi32, #tpu.memory_space<vmem>> -> memref<40xi32, #tpu.memory_space<vmem>>
    %dma_start3A_39 = arith.constant 0 : i32
    %dma_start3A_40 = tpu.memref_slice %arg3[%add3A, %dma_start3A_34, %dma_start3A_39] : memref<32x125x40xi32, #tpu.memory_space<hbm>> -> memref<1x1x40xi32, #tpu.memory_space<hbm>>
    %dma_start3A_41 = tpu.memref_squeeze %dma_start3A_40 : memref<1x1x40xi32, #tpu.memory_space<hbm>> -> memref<40xi32, #tpu.memory_space<hbm>>
    %dma_start3A_42 = arith.constant 0 : i32
    %dma_start3A_43 = tpu.memref_slice %arg10[%dma_start3A_35, %dma_start3A_42] : memref<2x40xi32, #tpu.memory_space<vmem>> -> memref<1x40xi32, #tpu.memory_space<vmem>>
    %dma_start3A_44 = tpu.memref_squeeze %dma_start3A_43 : memref<1x40xi32, #tpu.memory_space<vmem>> -> memref<40xi32, #tpu.memory_space<vmem>>
    %dma_start3A_45 = arith.constant 0 : i32
    %dma_start3A_46 = tpu.memref_slice %arg3[%add3A, %dma_start3A_34, %dma_start3A_45] : memref<32x125x40xi32, #tpu.memory_space<hbm>> -> memref<1x1x40xi32, #tpu.memory_space<hbm>>
    %dma_start3A_47 = tpu.memref_squeeze %dma_start3A_46 : memref<1x1x40xi32, #tpu.memory_space<hbm>> -> memref<40xi32, #tpu.memory_space<hbm>>
    tpu.enqueue_dma source(%dma_start3A_47 : memref<40xi32, #tpu.memory_space<hbm>>) target(%dma_start3A_44 : memref<40xi32, #tpu.memory_space<vmem>>) target_semaphore(%arg16 : memref<!tpu.dma_semaphore, #tpu.memory_space<semaphore_mem>>)
    %scan3A = arith.constant 0 : i32
    %scan3A_48 = arith.constant 0 : i32
    %scan3A_49 = arith.constant 62 : i32
    %scan3A_50 = arith.addi %scan3A_48, %scan3A_49 : i32
    %scan3A_51 = arith.constant 1 : i32
    scf.for %scan3A_89 = %scan3A_48 to %scan3A_50 step %scan3A_51  : i32 {
      %mul3A_90 = arith.constant 2 : i32
      %mul3A_91 = arith.muli %mul3A_90, %scan3A_89 : i32
      %add3A_92 = arith.constant 1 : i32
      %add3A_93 = arith.addi %mul3A_91, %add3A_92 : i32
      %dma_start3A_94 = arith.constant 0 : i32
      %dma_start3A_95 = tpu.memref_slice %arg9[%add3A_93, %dma_start3A_94] : memref<125x80xi32, #tpu.memory_space<vmem>> -> memref<1x80xi32, #tpu.memory_space<vmem>>
      %dma_start3A_96 = tpu.memref_squeeze %dma_start3A_95 : memref<1x80xi32, #tpu.memory_space<vmem>> -> memref<80xi32, #tpu.memory_space<vmem>>
      %dma_start3A_97 = arith.constant 0 : i32
      %dma_start3A_98 = arith.constant 0 : i32
      %dma_start3A_99 = tpu.memref_slice %arg4[%dma_start3A_97, %dma_start3A_98] : memref<10000x128xf32, #tpu.memory_space<hbm>> -> memref<10000x128xf32, #tpu.memory_space<hbm>>
      tpu.enqueue_indirect_dma source(%dma_start3A_99 : memref<10000x128xf32, #tpu.memory_space<hbm>>) target(%arg12 : memref<80x128xf32, #tpu.memory_space<vmem>>) offsets(%dma_start3A_96 : memref<80xi32, #tpu.memory_space<vmem>>) semaphore(%arg17 : memref<!tpu.dma_semaphore, #tpu.memory_space<semaphore_mem>>)
      %dma_start3A_100 = arith.constant 1 : i32
      %dma_start3A_101 = arith.constant 0 : i32
      %dma_start3A_102 = tpu.memref_slice %arg10[%dma_start3A_100, %dma_start3A_101] : memref<2x40xi32, #tpu.memory_space<vmem>> -> memref<1x40xi32, #tpu.memory_space<vmem>>
      %dma_start3A_103 = tpu.memref_squeeze %dma_start3A_102 : memref<1x40xi32, #tpu.memory_space<vmem>> -> memref<40xi32, #tpu.memory_space<vmem>>
      %dma_start3A_104 = arith.constant 0 : i32
      %dma_start3A_105 = tpu.memref_slice %arg3[%add3A, %add3A_93, %dma_start3A_104] : memref<32x125x40xi32, #tpu.memory_space<hbm>> -> memref<1x1x40xi32, #tpu.memory_space<hbm>>
      %dma_start3A_106 = tpu.memref_squeeze %dma_start3A_105 : memref<1x1x40xi32, #tpu.memory_space<hbm>> -> memref<40xi32, #tpu.memory_space<hbm>>
      %dma_start3A_107 = arith.constant 0 : i32
      %dma_start3A_108 = tpu.memref_slice %arg10[%dma_start3A_100, %dma_start3A_107] : memref<2x40xi32, #tpu.memory_space<vmem>> -> memref<1x40xi32, #tpu.memory_space<vmem>>
      %dma_start3A_109 = tpu.memref_squeeze %dma_start3A_108 : memref<1x40xi32, #tpu.memory_space<vmem>> -> memref<40xi32, #tpu.memory_space<vmem>>
      %dma_start3A_110 = arith.constant 0 : i32
      %dma_start3A_111 = tpu.memref_slice %arg3[%add3A, %add3A_93, %dma_start3A_110] : memref<32x125x40xi32, #tpu.memory_space<hbm>> -> memref<1x1x40xi32, #tpu.memory_space<hbm>>
      %dma_start3A_112 = tpu.memref_squeeze %dma_start3A_111 : memref<1x1x40xi32, #tpu.memory_space<hbm>> -> memref<40xi32, #tpu.memory_space<hbm>>
      tpu.enqueue_dma source(%dma_start3A_112 : memref<40xi32, #tpu.memory_space<hbm>>) target(%dma_start3A_109 : memref<40xi32, #tpu.memory_space<vmem>>) target_semaphore(%arg17 : memref<!tpu.dma_semaphore, #tpu.memory_space<semaphore_mem>>)
      %dma_wait3A_113 = arith.constant 0 : i32
      %dma_wait3A_114 = arith.constant 0 : i32
      %dma_wait3A_115 = tpu.memref_slice %arg4[%dma_wait3A_113, %dma_wait3A_114] : memref<10000x128xf32, #tpu.memory_space<hbm>> -> memref<80x128xf32, #tpu.memory_space<hbm>>
      %dma_wait3A_116 = arith.constant 0 : i32
      %dma_wait3A_117 = arith.constant 0 : i32
      %dma_wait3A_118 = tpu.memref_slice %arg4[%dma_wait3A_116, %dma_wait3A_117] : memref<10000x128xf32, #tpu.memory_space<hbm>> -> memref<80x128xf32, #tpu.memory_space<hbm>>
      tpu.wait_dma2 semaphore(%arg16 : memref<!tpu.dma_semaphore, #tpu.memory_space<semaphore_mem>>) src(%dma_wait3A_118 : memref<80x128xf32, #tpu.memory_space<hbm>>) dst(%arg11 : memref<80x128xf32, #tpu.memory_space<vmem>>)
      %dma_wait3A_119 = arith.constant 0 : i32
      %dma_wait3A_120 = arith.constant 0 : i32
      %dma_wait3A_121 = arith.constant 0 : i32
      %dma_wait3A_122 = arith.constant 0 : i32
      %dma_wait3A_123 = tpu.memref_slice %arg10[%dma_wait3A_121, %dma_wait3A_122] : memref<2x40xi32, #tpu.memory_space<vmem>> -> memref<1x40xi32, #tpu.memory_space<vmem>>
      %dma_wait3A_124 = tpu.memref_squeeze %dma_wait3A_123 : memref<1x40xi32, #tpu.memory_space<vmem>> -> memref<40xi32, #tpu.memory_space<vmem>>
      %dma_wait3A_125 = arith.constant 0 : i32
      %dma_wait3A_126 = tpu.memref_slice %arg3[%dma_wait3A_119, %dma_wait3A_120, %dma_wait3A_125] : memref<32x125x40xi32, #tpu.memory_space<hbm>> -> memref<1x1x40xi32, #tpu.memory_space<hbm>>
      %dma_wait3A_127 = tpu.memref_squeeze %dma_wait3A_126 : memref<1x1x40xi32, #tpu.memory_space<hbm>> -> memref<40xi32, #tpu.memory_space<hbm>>
      %dma_wait3A_128 = arith.constant 0 : i32
      %dma_wait3A_129 = tpu.memref_slice %arg10[%dma_wait3A_121, %dma_wait3A_128] : memref<2x40xi32, #tpu.memory_space<vmem>> -> memref<1x40xi32, #tpu.memory_space<vmem>>
      %dma_wait3A_130 = tpu.memref_squeeze %dma_wait3A_129 : memref<1x40xi32, #tpu.memory_space<vmem>> -> memref<40xi32, #tpu.memory_space<vmem>>
      %dma_wait3A_131 = arith.constant 0 : i32
      %dma_wait3A_132 = tpu.memref_slice %arg3[%dma_wait3A_119, %dma_wait3A_120, %dma_wait3A_131] : memref<32x125x40xi32, #tpu.memory_space<hbm>> -> memref<1x1x40xi32, #tpu.memory_space<hbm>>
      %dma_wait3A_133 = tpu.memref_squeeze %dma_wait3A_132 : memref<1x1x40xi32, #tpu.memory_space<hbm>> -> memref<40xi32, #tpu.memory_space<hbm>>
      tpu.wait_dma2 semaphore(%arg16 : memref<!tpu.dma_semaphore, #tpu.memory_space<semaphore_mem>>) src(%dma_wait3A_133 : memref<40xi32, #tpu.memory_space<hbm>>) dst(%dma_wait3A_130 : memref<40xi32, #tpu.memory_space<vmem>>)
      %scan3A_134 = arith.constant 0 : i32
      %scan3A_135 = arith.constant 0 : i32
      %scan3A_136 = arith.constant 40 : i32
      %scan3A_137 = arith.addi %scan3A_135, %scan3A_136 : i32
      %scan3A_138 = arith.constant 1 : i32
      scf.for %scan3A_192 = %scan3A_135 to %scan3A_137 step %scan3A_138  : i32 {
        %mul3A_193 = arith.constant 2 : i32
        %mul3A_194 = arith.muli %mul3A_193, %scan3A_192 : i32
        %get3A_195 = arith.index_cast %mul3A_194 : i32 to index
        %get3A_196 = arith.constant 0 : index
        %get3A_197 = tpu.vector_load %arg11[%get3A_195, %get3A_196] {strides = array<i32>} : memref<80x128xf32, #tpu.memory_space<vmem>>, vector<1x16xf32>,
        %get3A_198 = vector.shape_cast %get3A_197 : vector<1x16xf32> to vector<16xf32>
        %mul3A_199 = arith.constant 2 : i32
        %mul3A_200 = arith.muli %mul3A_199, %scan3A_192 : i32
        %add3A_201 = arith.constant 1 : i32
        %add3A_202 = arith.addi %mul3A_200, %add3A_201 : i32
        %get3A_203 = arith.index_cast %add3A_202 : i32 to index
        %get3A_204 = arith.constant 0 : index
        %get3A_205 = tpu.vector_load %arg11[%get3A_203, %get3A_204] {strides = array<i32>} : memref<80x128xf32, #tpu.memory_space<vmem>>, vector<1x16xf32>,
        %get3A_206 = vector.shape_cast %get3A_205 : vector<1x16xf32> to vector<16xf32>
        %add3A_207 = arith.addf %get3A_198, %get3A_206 : vector<16xf32>
        %mul3A_208 = arith.constant 2.000000e-01 : f32
        %mul3A_209 = vector.broadcast %mul3A_208 : f32 to vector<16xf32>
        %mul3A_210 = arith.mulf %mul3A_209, %add3A_207 : vector<16xf32>
        %max3A = arith.maximumf %add3A_207, %mul3A_210 : vector<16xf32>
        %mul3A_211 = arith.mulf %max3A, %get3A_6 : vector<16xf32>
        %mul3A_212 = arith.constant 2 : i32
        %mul3A_213 = arith.muli %mul3A_212, %scan3A_192 : i32
        %get3A_214 = arith.index_cast %mul3A_213 : i32 to index
        %get3A_215 = arith.constant 16 : index
        %get3A_216 = tpu.vector_load %arg11[%get3A_214, %get3A_215] {strides = array<i32>} : memref<80x128xf32, #tpu.memory_space<vmem>>, vector<1x16xf32>,
        %get3A_217 = vector.shape_cast %get3A_216 : vector<1x16xf32> to vector<16xf32>
        %mul3A_218 = arith.constant 2 : i32
        %mul3A_219 = arith.muli %mul3A_218, %scan3A_192 : i32
        %add3A_220 = arith.constant 1 : i32
        %add3A_221 = arith.addi %mul3A_219, %add3A_220 : i32
        %get3A_222 = arith.index_cast %add3A_221 : i32 to index
        %get3A_223 = arith.constant 16 : index
        %get3A_224 = tpu.vector_load %arg11[%get3A_222, %get3A_223] {strides = array<i32>} : memref<80x128xf32, #tpu.memory_space<vmem>>, vector<1x16xf32>,
        %get3A_225 = vector.shape_cast %get3A_224 : vector<1x16xf32> to vector<16xf32>
        %add3A_226 = arith.addf %get3A_217, %get3A_225 : vector<16xf32>
        %mul3A_227 = arith.constant 2.000000e-01 : f32
        %mul3A_228 = vector.broadcast %mul3A_227 : f32 to vector<16xf32>
        %mul3A_229 = arith.mulf %mul3A_228, %add3A_226 : vector<16xf32>
        %max3A_230 = arith.maximumf %add3A_226, %mul3A_229 : vector<16xf32>
        %mul3A_231 = arith.mulf %max3A_230, %get3A_9 : vector<16xf32>
        %add3A_232 = arith.addf %mul3A_211, %mul3A_231 : vector<16xf32>
        %mul3A_233 = arith.constant 2 : i32
        %mul3A_234 = arith.muli %mul3A_233, %scan3A_192 : i32
        %get3A_235 = arith.index_cast %mul3A_234 : i32 to index
        %get3A_236 = arith.constant 32 : index
        %get3A_237 = tpu.vector_load %arg11[%get3A_235, %get3A_236] {strides = array<i32>} : memref<80x128xf32, #tpu.memory_space<vmem>>, vector<1x16xf32>,
        %get3A_238 = vector.shape_cast %get3A_237 : vector<1x16xf32> to vector<16xf32>
        %mul3A_239 = arith.constant 2 : i32
        %mul3A_240 = arith.muli %mul3A_239, %scan3A_192 : i32
        %add3A_241 = arith.constant 1 : i32
        %add3A_242 = arith.addi %mul3A_240, %add3A_241 : i32
        %get3A_243 = arith.index_cast %add3A_242 : i32 to index
        %get3A_244 = arith.constant 32 : index
        %get3A_245 = tpu.vector_load %arg11[%get3A_243, %get3A_244] {strides = array<i32>} : memref<80x128xf32, #tpu.memory_space<vmem>>, vector<1x16xf32>,
        %get3A_246 = vector.shape_cast %get3A_245 : vector<1x16xf32> to vector<16xf32>
        %add3A_247 = arith.addf %get3A_238, %get3A_246 : vector<16xf32>
        %mul3A_248 = arith.constant 2.000000e-01 : f32
        %mul3A_249 = vector.broadcast %mul3A_248 : f32 to vector<16xf32>
        %mul3A_250 = arith.mulf %mul3A_249, %add3A_247 : vector<16xf32>
        %max3A_251 = arith.maximumf %add3A_247, %mul3A_250 : vector<16xf32>
        %mul3A_252 = arith.mulf %max3A_251, %get3A_12 : vector<16xf32>
        %add3A_253 = arith.addf %add3A_232, %mul3A_252 : vector<16xf32>
        %mul3A_254 = arith.constant 2 : i32
        %mul3A_255 = arith.muli %mul3A_254, %scan3A_192 : i32
        %get3A_256 = arith.index_cast %mul3A_255 : i32 to index
        %get3A_257 = arith.constant 48 : index
        %get3A_258 = tpu.vector_load %arg11[%get3A_256, %get3A_257] {strides = array<i32>} : memref<80x128xf32, #tpu.memory_space<vmem>>, vector<1x16xf32>,
        %get3A_259 = vector.shape_cast %get3A_258 : vector<1x16xf32> to vector<16xf32>
        %mul3A_260 = arith.constant 2 : i32
        %mul3A_261 = arith.muli %mul3A_260, %scan3A_192 : i32
        %add3A_262 = arith.constant 1 : i32
        %add3A_263 = arith.addi %mul3A_261, %add3A_262 : i32
        %get3A_264 = arith.index_cast %add3A_263 : i32 to index
        %get3A_265 = arith.constant 48 : index
        %get3A_266 = tpu.vector_load %arg11[%get3A_264, %get3A_265] {strides = array<i32>} : memref<80x128xf32, #tpu.memory_space<vmem>>, vector<1x16xf32>,
        %get3A_267 = vector.shape_cast %get3A_266 : vector<1x16xf32> to vector<16xf32>
        %add3A_268 = arith.addf %get3A_259, %get3A_267 : vector<16xf32>
        %mul3A_269 = arith.constant 2.000000e-01 : f32
        %mul3A_270 = vector.broadcast %mul3A_269 : f32 to vector<16xf32>
        %mul3A_271 = arith.mulf %mul3A_270, %add3A_268 : vector<16xf32>
        %max3A_272 = arith.maximumf %add3A_268, %mul3A_271 : vector<16xf32>
        %mul3A_273 = arith.mulf %max3A_272, %get3A_15 : vector<16xf32>
        %add3A_274 = arith.addf %add3A_253, %mul3A_273 : vector<16xf32>
        %mul3A_275 = arith.constant 2 : i32
        %mul3A_276 = arith.muli %mul3A_275, %scan3A_192 : i32
        %get3A_277 = arith.index_cast %mul3A_276 : i32 to index
        %get3A_278 = arith.constant 64 : index
        %get3A_279 = tpu.vector_load %arg11[%get3A_277, %get3A_278] {strides = array<i32>} : memref<80x128xf32, #tpu.memory_space<vmem>>, vector<1x16xf32>,
        %get3A_280 = vector.shape_cast %get3A_279 : vector<1x16xf32> to vector<16xf32>
        %mul3A_281 = arith.constant 2 : i32
        %mul3A_282 = arith.muli %mul3A_281, %scan3A_192 : i32
        %add3A_283 = arith.constant 1 : i32
        %add3A_284 = arith.addi %mul3A_282, %add3A_283 : i32
        %get3A_285 = arith.index_cast %add3A_284 : i32 to index
        %get3A_286 = arith.constant 64 : index
        %get3A_287 = tpu.vector_load %arg11[%get3A_285, %get3A_286] {strides = array<i32>} : memref<80x128xf32, #tpu.memory_space<vmem>>, vector<1x16xf32>,
        %get3A_288 = vector.shape_cast %get3A_287 : vector<1x16xf32> to vector<16xf32>
        %add3A_289 = arith.addf %get3A_280, %get3A_288 : vector<16xf32>
        %mul3A_290 = arith.constant 2.000000e-01 : f32
        %mul3A_291 = vector.broadcast %mul3A_290 : f32 to vector<16xf32>
        %mul3A_292 = arith.mulf %mul3A_291, %add3A_289 : vector<16xf32>
        %max3A_293 = arith.maximumf %add3A_289, %mul3A_292 : vector<16xf32>
        %mul3A_294 = arith.mulf %max3A_293, %get3A_18 : vector<16xf32>
        %add3A_295 = arith.addf %add3A_274, %mul3A_294 : vector<16xf32>
        %mul3A_296 = arith.constant 2 : i32
        %mul3A_297 = arith.muli %mul3A_296, %scan3A_192 : i32
        %get3A_298 = arith.index_cast %mul3A_297 : i32 to index
        %get3A_299 = arith.constant 80 : index
        %get3A_300 = tpu.vector_load %arg11[%get3A_298, %get3A_299] {strides = array<i32>} : memref<80x128xf32, #tpu.memory_space<vmem>>, vector<1x16xf32>,
        %get3A_301 = vector.shape_cast %get3A_300 : vector<1x16xf32> to vector<16xf32>
        %mul3A_302 = arith.constant 2 : i32
        %mul3A_303 = arith.muli %mul3A_302, %scan3A_192 : i32
        %add3A_304 = arith.constant 1 : i32
        %add3A_305 = arith.addi %mul3A_303, %add3A_304 : i32
        %get3A_306 = arith.index_cast %add3A_305 : i32 to index
        %get3A_307 = arith.constant 80 : index
        %get3A_308 = tpu.vector_load %arg11[%get3A_306, %get3A_307] {strides = array<i32>} : memref<80x128xf32, #tpu.memory_space<vmem>>, vector<1x16xf32>,
        %get3A_309 = vector.shape_cast %get3A_308 : vector<1x16xf32> to vector<16xf32>
        %add3A_310 = arith.addf %get3A_301, %get3A_309 : vector<16xf32>
        %mul3A_311 = arith.constant 2.000000e-01 : f32
        %mul3A_312 = vector.broadcast %mul3A_311 : f32 to vector<16xf32>
        %mul3A_313 = arith.mulf %mul3A_312, %add3A_310 : vector<16xf32>
        %max3A_314 = arith.maximumf %add3A_310, %mul3A_313 : vector<16xf32>
        %mul3A_315 = arith.mulf %max3A_314, %get3A_21 : vector<16xf32>
        %add3A_316 = arith.addf %add3A_295, %mul3A_315 : vector<16xf32>
        %mul3A_317 = arith.constant 2 : i32
        %mul3A_318 = arith.muli %mul3A_317, %scan3A_192 : i32
        %get3A_319 = arith.index_cast %mul3A_318 : i32 to index
        %get3A_320 = arith.constant 96 : index
        %get3A_321 = tpu.vector_load %arg11[%get3A_319, %get3A_320] {strides = array<i32>} : memref<80x128xf32, #tpu.memory_space<vmem>>, vector<1x16xf32>,
        %get3A_322 = vector.shape_cast %get3A_321 : vector<1x16xf32> to vector<16xf32>
        %mul3A_323 = arith.constant 2 : i32
        %mul3A_324 = arith.muli %mul3A_323, %scan3A_192 : i32
        %add3A_325 = arith.constant 1 : i32
        %add3A_326 = arith.addi %mul3A_324, %add3A_325 : i32
        %get3A_327 = arith.index_cast %add3A_326 : i32 to index
        %get3A_328 = arith.constant 96 : index
        %get3A_329 = tpu.vector_load %arg11[%get3A_327, %get3A_328] {strides = array<i32>} : memref<80x128xf32, #tpu.memory_space<vmem>>, vector<1x16xf32>,
        %get3A_330 = vector.shape_cast %get3A_329 : vector<1x16xf32> to vector<16xf32>
        %add3A_331 = arith.addf %get3A_322, %get3A_330 : vector<16xf32>
        %mul3A_332 = arith.constant 2.000000e-01 : f32
        %mul3A_333 = vector.broadcast %mul3A_332 : f32 to vector<16xf32>
        %mul3A_334 = arith.mulf %mul3A_333, %add3A_331 : vector<16xf32>
        %max3A_335 = arith.maximumf %add3A_331, %mul3A_334 : vector<16xf32>
        %mul3A_336 = arith.mulf %max3A_335, %get3A_24 : vector<16xf32>
        %add3A_337 = arith.addf %add3A_316, %mul3A_336 : vector<16xf32>
        %mul3A_338 = arith.constant 2 : i32
        %mul3A_339 = arith.muli %mul3A_338, %scan3A_192 : i32
        %get3A_340 = arith.index_cast %mul3A_339 : i32 to index
        %get3A_341 = arith.constant 112 : index
        %get3A_342 = tpu.vector_load %arg11[%get3A_340, %get3A_341] {strides = array<i32>} : memref<80x128xf32, #tpu.memory_space<vmem>>, vector<1x16xf32>,
        %get3A_343 = vector.shape_cast %get3A_342 : vector<1x16xf32> to vector<16xf32>
        %mul3A_344 = arith.constant 2 : i32
        %mul3A_345 = arith.muli %mul3A_344, %scan3A_192 : i32
        %add3A_346 = arith.constant 1 : i32
        %add3A_347 = arith.addi %mul3A_345, %add3A_346 : i32
        %get3A_348 = arith.index_cast %add3A_347 : i32 to index
        %get3A_349 = arith.constant 112 : index
        %get3A_350 = tpu.vector_load %arg11[%get3A_348, %get3A_349] {strides = array<i32>} : memref<80x128xf32, #tpu.memory_space<vmem>>, vector<1x16xf32>,
        %get3A_351 = vector.shape_cast %get3A_350 : vector<1x16xf32> to vector<16xf32>
        %add3A_352 = arith.addf %get3A_343, %get3A_351 : vector<16xf32>
        %mul3A_353 = arith.constant 2.000000e-01 : f32
        %mul3A_354 = vector.broadcast %mul3A_353 : f32 to vector<16xf32>
        %mul3A_355 = arith.mulf %mul3A_354, %add3A_352 : vector<16xf32>
        %max3A_356 = arith.maximumf %add3A_352, %mul3A_355 : vector<16xf32>
        %mul3A_357 = arith.mulf %max3A_356, %get3A_27 : vector<16xf32>
        %add3A_358 = arith.addf %add3A_337, %mul3A_357 : vector<16xf32>
        %swap3A = arith.constant 0 : index
        %swap3A_359 = tpu.vector_load %arg15[%swap3A] {strides = array<i32>} : memref<32xf32, #tpu.memory_space<vmem>>, vector<16xf32>,
        %swap3A_360 = vector.shape_cast %swap3A_359 : vector<16xf32> to vector<16xf32>
        %swap3A_361 = vector.shape_cast %add3A_358 : vector<16xf32> to vector<16xf32>
        tpu.vector_store %arg15[%swap3A], %swap3A_361 {strides = array<i32>} : memref<32xf32, #tpu.memory_space<vmem>>, vector<16xf32>,
        %swap3A_362 = arith.constant 16 : index
        %swap3A_363 = tpu.vector_load %arg15[%swap3A_362] {strides = array<i32>} : memref<32xf32, #tpu.memory_space<vmem>>, vector<16xf32>,
        %swap3A_364 = vector.shape_cast %swap3A_363 : vector<16xf32> to vector<16xf32>
        %swap3A_365 = vector.shape_cast %add3A_358 : vector<16xf32> to vector<16xf32>
        tpu.vector_store %arg15[%swap3A_362], %swap3A_365 {strides = array<i32>} : memref<32xf32, #tpu.memory_space<vmem>>, vector<16xf32>,
        %get3A_366 = arith.constant 8 : index
        %get3A_367 = tpu.vector_load %arg15[%get3A_366] {strides = array<i32>} : memref<32xf32, #tpu.memory_space<vmem>>, vector<16xf32>,
        %get3A_368 = vector.shape_cast %get3A_367 : vector<16xf32> to vector<16xf32>
        %add3A_369 = arith.addf %add3A_358, %get3A_368 : vector<16xf32>
        %swap3A_370 = arith.constant 0 : index
        %swap3A_371 = tpu.vector_load %arg15[%swap3A_370] {strides = array<i32>} : memref<32xf32, #tpu.memory_space<vmem>>, vector<16xf32>,
        %swap3A_372 = vector.shape_cast %swap3A_371 : vector<16xf32> to vector<16xf32>
        %swap3A_373 = vector.shape_cast %add3A_369 : vector<16xf32> to vector<16xf32>
        tpu.vector_store %arg15[%swap3A_370], %swap3A_373 {strides = array<i32>} : memref<32xf32, #tpu.memory_space<vmem>>, vector<16xf32>,
        %swap3A_374 = arith.constant 16 : index
        %swap3A_375 = tpu.vector_load %arg15[%swap3A_374] {strides = array<i32>} : memref<32xf32, #tpu.memory_space<vmem>>, vector<16xf32>,
        %swap3A_376 = vector.shape_cast %swap3A_375 : vector<16xf32> to vector<16xf32>
        %swap3A_377 = vector.shape_cast %add3A_369 : vector<16xf32> to vector<16xf32>
        tpu.vector_store %arg15[%swap3A_374], %swap3A_377 {strides = array<i32>} : memref<32xf32, #tpu.memory_space<vmem>>, vector<16xf32>,
        %get3A_378 = arith.constant 4 : index
        %get3A_379 = tpu.vector_load %arg15[%get3A_378] {strides = array<i32>} : memref<32xf32, #tpu.memory_space<vmem>>, vector<16xf32>,
        %get3A_380 = vector.shape_cast %get3A_379 : vector<16xf32> to vector<16xf32>
        %add3A_381 = arith.addf %add3A_369, %get3A_380 : vector<16xf32>
        %exp3A = math.exp %add3A_381 : vector<16xf32>
        %mul3A_382 = arith.mulf %exp3A, %get3A_206 : vector<16xf32>
        %swap3A_383 = arith.index_cast %scan3A_192 : i32 to index
        %swap3A_384 = arith.constant 0 : index
        %swap3A_385 = tpu.vector_load %arg13[%swap3A_383, %swap3A_384] {strides = array<i32>} : memref<40x144xf32, #tpu.memory_space<vmem>>, vector<1x16xf32>,
        %swap3A_386 = vector.shape_cast %swap3A_385 : vector<1x16xf32> to vector<16xf32>
        %swap3A_387 = vector.shape_cast %mul3A_382 : vector<16xf32> to vector<1x16xf32>
        tpu.vector_store %arg13[%swap3A_383, %swap3A_384], %swap3A_387 {strides = array<i32>} : memref<40x144xf32, #tpu.memory_space<vmem>>, vector<1x16xf32>,
        %mul3A_388 = arith.mulf %exp3A, %get3A_225 : vector<16xf32>
        %swap3A_389 = arith.index_cast %scan3A_192 : i32 to index
        %swap3A_390 = arith.constant 16 : index
        %swap3A_391 = tpu.vector_load %arg13[%swap3A_389, %swap3A_390] {strides = array<i32>} : memref<40x144xf32, #tpu.memory_space<vmem>>, vector<1x16xf32>,
        %swap3A_392 = vector.shape_cast %swap3A_391 : vector<1x16xf32> to vector<16xf32>
        %swap3A_393 = vector.shape_cast %mul3A_388 : vector<16xf32> to vector<1x16xf32>
        tpu.vector_store %arg13[%swap3A_389, %swap3A_390], %swap3A_393 {strides = array<i32>} : memref<40x144xf32, #tpu.memory_space<vmem>>, vector<1x16xf32>,
        %mul3A_394 = arith.mulf %exp3A, %get3A_246 : vector<16xf32>
        %swap3A_395 = arith.index_cast %scan3A_192 : i32 to index
        %swap3A_396 = arith.constant 32 : index
        %swap3A_397 = tpu.vector_load %arg13[%swap3A_395, %swap3A_396] {strides = array<i32>} : memref<40x144xf32, #tpu.memory_space<vmem>>, vector<1x16xf32>,
        %swap3A_398 = vector.shape_cast %swap3A_397 : vector<1x16xf32> to vector<16xf32>
        %swap3A_399 = vector.shape_cast %mul3A_394 : vector<16xf32> to vector<1x16xf32>
        tpu.vector_store %arg13[%swap3A_395, %swap3A_396], %swap3A_399 {strides = array<i32>} : memref<40x144xf32, #tpu.memory_space<vmem>>, vector<1x16xf32>,
        %mul3A_400 = arith.mulf %exp3A, %get3A_267 : vector<16xf32>
        %swap3A_401 = arith.index_cast %scan3A_192 : i32 to index
        %swap3A_402 = arith.constant 48 : index
        %swap3A_403 = tpu.vector_load %arg13[%swap3A_401, %swap3A_402] {strides = array<i32>} : memref<40x144xf32, #tpu.memory_space<vmem>>, vector<1x16xf32>,
        %swap3A_404 = vector.shape_cast %swap3A_403 : vector<1x16xf32> to vector<16xf32>
        %swap3A_405 = vector.shape_cast %mul3A_400 : vector<16xf32> to vector<1x16xf32>
        tpu.vector_store %arg13[%swap3A_401, %swap3A_402], %swap3A_405 {strides = array<i32>} : memref<40x144xf32, #tpu.memory_space<vmem>>, vector<1x16xf32>,
        %mul3A_406 = arith.mulf %exp3A, %get3A_288 : vector<16xf32>
        %swap3A_407 = arith.index_cast %scan3A_192 : i32 to index
        %swap3A_408 = arith.constant 64 : index
        %swap3A_409 = tpu.vector_load %arg13[%swap3A_407, %swap3A_408] {strides = array<i32>} : memref<40x144xf32, #tpu.memory_space<vmem>>, vector<1x16xf32>,
        %swap3A_410 = vector.shape_cast %swap3A_409 : vector<1x16xf32> to vector<16xf32>
        %swap3A_411 = vector.shape_cast %mul3A_406 : vector<16xf32> to vector<1x16xf32>
        tpu.vector_store %arg13[%swap3A_407, %swap3A_408], %swap3A_411 {strides = array<i32>} : memref<40x144xf32, #tpu.memory_space<vmem>>, vector<1x16xf32>,
        %mul3A_412 = arith.mulf %exp3A, %get3A_309 : vector<16xf32>
        %swap3A_413 = arith.index_cast %scan3A_192 : i32 to index
        %swap3A_414 = arith.constant 80 : index
        %swap3A_415 = tpu.vector_load %arg13[%swap3A_413, %swap3A_414] {strides = array<i32>} : memref<40x144xf32, #tpu.memory_space<vmem>>, vector<1x16xf32>,
        %swap3A_416 = vector.shape_cast %swap3A_415 : vector<1x16xf32> to vector<16xf32>
        %swap3A_417 = vector.shape_cast %mul3A_412 : vector<16xf32> to vector<1x16xf32>
        tpu.vector_store %arg13[%swap3A_413, %swap3A_414], %swap3A_417 {strides = array<i32>} : memref<40x144xf32, #tpu.memory_space<vmem>>, vector<1x16xf32>,
        %mul3A_418 = arith.mulf %exp3A, %get3A_330 : vector<16xf32>
        %swap3A_419 = arith.index_cast %scan3A_192 : i32 to index
        %swap3A_420 = arith.constant 96 : index
        %swap3A_421 = tpu.vector_load %arg13[%swap3A_419, %swap3A_420] {strides = array<i32>} : memref<40x144xf32, #tpu.memory_space<vmem>>, vector<1x16xf32>,
        %swap3A_422 = vector.shape_cast %swap3A_421 : vector<1x16xf32> to vector<16xf32>
        %swap3A_423 = vector.shape_cast %mul3A_418 : vector<16xf32> to vector<1x16xf32>
        tpu.vector_store %arg13[%swap3A_419, %swap3A_420], %swap3A_423 {strides = array<i32>} : memref<40x144xf32, #tpu.memory_space<vmem>>, vector<1x16xf32>,
        %mul3A_424 = arith.mulf %exp3A, %get3A_351 : vector<16xf32>
        %swap3A_425 = arith.index_cast %scan3A_192 : i32 to index
        %swap3A_426 = arith.constant 112 : index
        %swap3A_427 = tpu.vector_load %arg13[%swap3A_425, %swap3A_426] {strides = array<i32>} : memref<40x144xf32, #tpu.memory_space<vmem>>, vector<1x16xf32>,
        %swap3A_428 = vector.shape_cast %swap3A_427 : vector<1x16xf32> to vector<16xf32>
        %swap3A_429 = vector.shape_cast %mul3A_424 : vector<16xf32> to vector<1x16xf32>
        tpu.vector_store %arg13[%swap3A_425, %swap3A_426], %swap3A_429 {strides = array<i32>} : memref<40x144xf32, #tpu.memory_space<vmem>>, vector<1x16xf32>,
        %swap3A_430 = arith.index_cast %scan3A_192 : i32 to index
        %swap3A_431 = arith.constant 128 : index
        %swap3A_432 = tpu.vector_load %arg13[%swap3A_430, %swap3A_431] {strides = array<i32>} : memref<40x144xf32, #tpu.memory_space<vmem>>, vector<1x16xf32>,
        %swap3A_433 = vector.shape_cast %swap3A_432 : vector<1x16xf32> to vector<16xf32>
        %swap3A_434 = vector.shape_cast %exp3A : vector<16xf32> to vector<1x16xf32>
        tpu.vector_store %arg13[%swap3A_430, %swap3A_431], %swap3A_434 {strides = array<i32>} : memref<40x144xf32, #tpu.memory_space<vmem>>, vector<1x16xf32>,
      }
      %scan3A_139 = arith.constant 40 : i32
      %run_scoped3A_140 = arith.constant 0 : i32
      "tpu.region"() ({
        %run_scoped3A_192 = tpu.sem_alloc : memref<!tpu.dma_semaphore, #tpu.memory_space<semaphore_mem>>
        %dma_start3A_193 = arith.constant 0 : i32
        %dma_start3A_194 = tpu.memref_slice %arg10[%run_scoped3A_140, %dma_start3A_193] : memref<2x40xi32, #tpu.memory_space<vmem>> -> memref<1x40xi32, #tpu.memory_space<vmem>>
        %dma_start3A_195 = tpu.memref_squeeze %dma_start3A_194 : memref<1x40xi32, #tpu.memory_space<vmem>> -> memref<40xi32, #tpu.memory_space<vmem>>
        %dma_start3A_196 = arith.constant 0 : i32
        %dma_start3A_197 = arith.constant 0 : i32
        %dma_start3A_198 = tpu.memref_slice %arg8[%dma_start3A_196, %dma_start3A_197] : memref<10000x144xf32, #tpu.memory_space<vmem_shared>> -> memref<10000x144xf32, #tpu.memory_space<vmem_shared>>
        tpu.enqueue_indirect_dma source(%arg13 : memref<40x144xf32, #tpu.memory_space<vmem>>) target(%dma_start3A_198 : memref<10000x144xf32, #tpu.memory_space<vmem_shared>>) offsets(%dma_start3A_195 : memref<40xi32, #tpu.memory_space<vmem>>) semaphore(%run_scoped3A_192 : memref<!tpu.dma_semaphore, #tpu.memory_space<semaphore_mem>>) {add = true}
        %dma_wait3A_199 = arith.constant 0 : i32
        %dma_wait3A_200 = tpu.memref_slice %arg10[%run_scoped3A_140, %dma_wait3A_199] : memref<2x40xi32, #tpu.memory_space<vmem>> -> memref<1x40xi32, #tpu.memory_space<vmem>>
        %dma_wait3A_201 = tpu.memref_squeeze %dma_wait3A_200 : memref<1x40xi32, #tpu.memory_space<vmem>> -> memref<40xi32, #tpu.memory_space<vmem>>
        %dma_wait3A_202 = arith.constant 0 : i32
        %dma_wait3A_203 = arith.constant 0 : i32
        %dma_wait3A_204 = tpu.memref_slice %arg8[%dma_wait3A_202, %dma_wait3A_203] : memref<10000x144xf32, #tpu.memory_space<vmem_shared>> -> memref<10000x144xf32, #tpu.memory_space<vmem_shared>>
        tpu.wait_indirect_dma semaphore(%run_scoped3A_192 : memref<!tpu.dma_semaphore, #tpu.memory_space<semaphore_mem>>) src(%arg13 : memref<40x144xf32, #tpu.memory_space<vmem>>) dst(%dma_wait3A_204 : memref<10000x144xf32, #tpu.memory_space<vmem_shared>>)
        tpu.yield
      }) : () -> ()
      %add3A_141 = arith.constant 2 : i32
      %add3A_142 = arith.addi %mul3A_91, %add3A_141 : i32
      %dma_start3A_143 = arith.constant 0 : i32
      %dma_start3A_144 = tpu.memref_slice %arg9[%add3A_142, %dma_start3A_143] : memref<125x80xi32, #tpu.memory_space<vmem>> -> memref<1x80xi32, #tpu.memory_space<vmem>>
      %dma_start3A_145 = tpu.memref_squeeze %dma_start3A_144 : memref<1x80xi32, #tpu.memory_space<vmem>> -> memref<80xi32, #tpu.memory_space<vmem>>
      %dma_start3A_146 = arith.constant 0 : i32
      %dma_start3A_147 = arith.constant 0 : i32
      %dma_start3A_148 = tpu.memref_slice %arg4[%dma_start3A_146, %dma_start3A_147] : memref<10000x128xf32, #tpu.memory_space<hbm>> -> memref<10000x128xf32, #tpu.memory_space<hbm>>
      tpu.enqueue_indirect_dma source(%dma_start3A_148 : memref<10000x128xf32, #tpu.memory_space<hbm>>) target(%arg11 : memref<80x128xf32, #tpu.memory_space<vmem>>) offsets(%dma_start3A_145 : memref<80xi32, #tpu.memory_space<vmem>>) semaphore(%arg16 : memref<!tpu.dma_semaphore, #tpu.memory_space<semaphore_mem>>)
      %dma_start3A_149 = arith.constant 0 : i32
      %dma_start3A_150 = arith.constant 0 : i32
      %dma_start3A_151 = tpu.memref_slice %arg10[%dma_start3A_149, %dma_start3A_150] : memref<2x40xi32, #tpu.memory_space<vmem>> -> memref<1x40xi32, #tpu.memory_space<vmem>>
      %dma_start3A_152 = tpu.memref_squeeze %dma_start3A_151 : memref<1x40xi32, #tpu.memory_space<vmem>> -> memref<40xi32, #tpu.memory_space<vmem>>
      %dma_start3A_153 = arith.constant 0 : i32
      %dma_start3A_154 = tpu.memref_slice %arg3[%add3A, %add3A_142, %dma_start3A_153] : memref<32x125x40xi32, #tpu.memory_space<hbm>> -> memref<1x1x40xi32, #tpu.memory_space<hbm>>
      %dma_start3A_155 = tpu.memref_squeeze %dma_start3A_154 : memref<1x1x40xi32, #tpu.memory_space<hbm>> -> memref<40xi32, #tpu.memory_space<hbm>>
      %dma_start3A_156 = arith.constant 0 : i32
      %dma_start3A_157 = tpu.memref_slice %arg10[%dma_start3A_149, %dma_start3A_156] : memref<2x40xi32, #tpu.memory_space<vmem>> -> memref<1x40xi32, #tpu.memory_space<vmem>>
      %dma_start3A_158 = tpu.memref_squeeze %dma_start3A_157 : memref<1x40xi32, #tpu.memory_space<vmem>> -> memref<40xi32, #tpu.memory_space<vmem>>
      %dma_start3A_159 = arith.constant 0 : i32
      %dma_start3A_160 = tpu.memref_slice %arg3[%add3A, %add3A_142, %dma_start3A_159] : memref<32x125x40xi32, #tpu.memory_space<hbm>> -> memref<1x1x40xi32, #tpu.memory_space<hbm>>
      %dma_start3A_161 = tpu.memref_squeeze %dma_start3A_160 : memref<1x1x40xi32, #tpu.memory_space<hbm>> -> memref<40xi32, #tpu.memory_space<hbm>>
      tpu.enqueue_dma source(%dma_start3A_161 : memref<40xi32, #tpu.memory_space<hbm>>) target(%dma_start3A_158 : memref<40xi32, #tpu.memory_space<vmem>>) target_semaphore(%arg16 : memref<!tpu.dma_semaphore, #tpu.memory_space<semaphore_mem>>)
      %dma_wait3A_162 = arith.constant 0 : i32
      %dma_wait3A_163 = arith.constant 0 : i32
      %dma_wait3A_164 = tpu.memref_slice %arg4[%dma_wait3A_162, %dma_wait3A_163] : memref<10000x128xf32, #tpu.memory_space<hbm>> -> memref<80x128xf32, #tpu.memory_space<hbm>>
      %dma_wait3A_165 = arith.constant 0 : i32
      %dma_wait3A_166 = arith.constant 0 : i32
      %dma_wait3A_167 = tpu.memref_slice %arg4[%dma_wait3A_165, %dma_wait3A_166] : memref<10000x128xf32, #tpu.memory_space<hbm>> -> memref<80x128xf32, #tpu.memory_space<hbm>>
      tpu.wait_dma2 semaphore(%arg17 : memref<!tpu.dma_semaphore, #tpu.memory_space<semaphore_mem>>) src(%dma_wait3A_167 : memref<80x128xf32, #tpu.memory_space<hbm>>) dst(%arg12 : memref<80x128xf32, #tpu.memory_space<vmem>>)
      %dma_wait3A_168 = arith.constant 0 : i32
      %dma_wait3A_169 = arith.constant 0 : i32
      %dma_wait3A_170 = arith.constant 1 : i32
      %dma_wait3A_171 = arith.constant 0 : i32
      %dma_wait3A_172 = tpu.memref_slice %arg10[%dma_wait3A_170, %dma_wait3A_171] : memref<2x40xi32, #tpu.memory_space<vmem>> -> memref<1x40xi32, #tpu.memory_space<vmem>>
      %dma_wait3A_173 = tpu.memref_squeeze %dma_wait3A_172 : memref<1x40xi32, #tpu.memory_space<vmem>> -> memref<40xi32, #tpu.memory_space<vmem>>
      %dma_wait3A_174 = arith.constant 0 : i32
      %dma_wait3A_175 = tpu.memref_slice %arg3[%dma_wait3A_168, %dma_wait3A_169, %dma_wait3A_174] : memref<32x125x40xi32, #tpu.memory_space<hbm>> -> memref<1x1x40xi32, #tpu.memory_space<hbm>>
      %dma_wait3A_176 = tpu.memref_squeeze %dma_wait3A_175 : memref<1x1x40xi32, #tpu.memory_space<hbm>> -> memref<40xi32, #tpu.memory_space<hbm>>
      %dma_wait3A_177 = arith.constant 0 : i32
      %dma_wait3A_178 = tpu.memref_slice %arg10[%dma_wait3A_170, %dma_wait3A_177] : memref<2x40xi32, #tpu.memory_space<vmem>> -> memref<1x40xi32, #tpu.memory_space<vmem>>
      %dma_wait3A_179 = tpu.memref_squeeze %dma_wait3A_178 : memref<1x40xi32, #tpu.memory_space<vmem>> -> memref<40xi32, #tpu.memory_space<vmem>>
      %dma_wait3A_180 = arith.constant 0 : i32
      %dma_wait3A_181 = tpu.memref_slice %arg3[%dma_wait3A_168, %dma_wait3A_169, %dma_wait3A_180] : memref<32x125x40xi32, #tpu.memory_space<hbm>> -> memref<1x1x40xi32, #tpu.memory_space<hbm>>
      %dma_wait3A_182 = tpu.memref_squeeze %dma_wait3A_181 : memref<1x1x40xi32, #tpu.memory_space<hbm>> -> memref<40xi32, #tpu.memory_space<hbm>>
      tpu.wait_dma2 semaphore(%arg17 : memref<!tpu.dma_semaphore, #tpu.memory_space<semaphore_mem>>) src(%dma_wait3A_182 : memref<40xi32, #tpu.memory_space<hbm>>) dst(%dma_wait3A_179 : memref<40xi32, #tpu.memory_space<vmem>>)
      %add3A_183 = arith.constant 1 : i32
      %add3A_184 = arith.addi %mul3A_91, %add3A_183 : i32
      %scan3A_185 = arith.constant 0 : i32
      %scan3A_186 = arith.constant 0 : i32
      %scan3A_187 = arith.constant 40 : i32
      %scan3A_188 = arith.addi %scan3A_186, %scan3A_187 : i32
      %scan3A_189 = arith.constant 1 : i32
      scf.for %scan3A_192 = %scan3A_186 to %scan3A_188 step %scan3A_189  : i32 {
        %mul3A_193 = arith.constant 2 : i32
        %mul3A_194 = arith.muli %mul3A_193, %scan3A_192 : i32
        %get3A_195 = arith.index_cast %mul3A_194 : i32 to index
        %get3A_196 = arith.constant 0 : index
        %get3A_197 = tpu.vector_load %arg12[%get3A_195, %get3A_196] {strides = array<i32>} : memref<80x128xf32, #tpu.memory_space<vmem>>, vector<1x16xf32>,
        %get3A_198 = vector.shape_cast %get3A_197 : vector<1x16xf32> to vector<16xf32>
        %mul3A_199 = arith.constant 2 : i32
        %mul3A_200 = arith.muli %mul3A_199, %scan3A_192 : i32
        %add3A_201 = arith.constant 1 : i32
        %add3A_202 = arith.addi %mul3A_200, %add3A_201 : i32
        %get3A_203 = arith.index_cast %add3A_202 : i32 to index
        %get3A_204 = arith.constant 0 : index
        %get3A_205 = tpu.vector_load %arg12[%get3A_203, %get3A_204] {strides = array<i32>} : memref<80x128xf32, #tpu.memory_space<vmem>>, vector<1x16xf32>,
        %get3A_206 = vector.shape_cast %get3A_205 : vector<1x16xf32> to vector<16xf32>
        %add3A_207 = arith.addf %get3A_198, %get3A_206 : vector<16xf32>
        %mul3A_208 = arith.constant 2.000000e-01 : f32
        %mul3A_209 = vector.broadcast %mul3A_208 : f32 to vector<16xf32>
        %mul3A_210 = arith.mulf %mul3A_209, %add3A_207 : vector<16xf32>
        %max3A = arith.maximumf %add3A_207, %mul3A_210 : vector<16xf32>
        %mul3A_211 = arith.mulf %max3A, %get3A_6 : vector<16xf32>
        %mul3A_212 = arith.constant 2 : i32
        %mul3A_213 = arith.muli %mul3A_212, %scan3A_192 : i32
        %get3A_214 = arith.index_cast %mul3A_213 : i32 to index
        %get3A_215 = arith.constant 16 : index
        %get3A_216 = tpu.vector_load %arg12[%get3A_214, %get3A_215] {strides = array<i32>} : memref<80x128xf32, #tpu.memory_space<vmem>>, vector<1x16xf32>,
        %get3A_217 = vector.shape_cast %get3A_216 : vector<1x16xf32> to vector<16xf32>
        %mul3A_218 = arith.constant 2 : i32
        %mul3A_219 = arith.muli %mul3A_218, %scan3A_192 : i32
        %add3A_220 = arith.constant 1 : i32
        %add3A_221 = arith.addi %mul3A_219, %add3A_220 : i32
        %get3A_222 = arith.index_cast %add3A_221 : i32 to index
        %get3A_223 = arith.constant 16 : index
        %get3A_224 = tpu.vector_load %arg12[%get3A_222, %get3A_223] {strides = array<i32>} : memref<80x128xf32, #tpu.memory_space<vmem>>, vector<1x16xf32>,
        %get3A_225 = vector.shape_cast %get3A_224 : vector<1x16xf32> to vector<16xf32>
        %add3A_226 = arith.addf %get3A_217, %get3A_225 : vector<16xf32>
        %mul3A_227 = arith.constant 2.000000e-01 : f32
        %mul3A_228 = vector.broadcast %mul3A_227 : f32 to vector<16xf32>
        %mul3A_229 = arith.mulf %mul3A_228, %add3A_226 : vector<16xf32>
        %max3A_230 = arith.maximumf %add3A_226, %mul3A_229 : vector<16xf32>
        %mul3A_231 = arith.mulf %max3A_230, %get3A_9 : vector<16xf32>
        %add3A_232 = arith.addf %mul3A_211, %mul3A_231 : vector<16xf32>
        %mul3A_233 = arith.constant 2 : i32
        %mul3A_234 = arith.muli %mul3A_233, %scan3A_192 : i32
        %get3A_235 = arith.index_cast %mul3A_234 : i32 to index
        %get3A_236 = arith.constant 32 : index
        %get3A_237 = tpu.vector_load %arg12[%get3A_235, %get3A_236] {strides = array<i32>} : memref<80x128xf32, #tpu.memory_space<vmem>>, vector<1x16xf32>,
        %get3A_238 = vector.shape_cast %get3A_237 : vector<1x16xf32> to vector<16xf32>
        %mul3A_239 = arith.constant 2 : i32
        %mul3A_240 = arith.muli %mul3A_239, %scan3A_192 : i32
        %add3A_241 = arith.constant 1 : i32
        %add3A_242 = arith.addi %mul3A_240, %add3A_241 : i32
        %get3A_243 = arith.index_cast %add3A_242 : i32 to index
        %get3A_244 = arith.constant 32 : index
        %get3A_245 = tpu.vector_load %arg12[%get3A_243, %get3A_244] {strides = array<i32>} : memref<80x128xf32, #tpu.memory_space<vmem>>, vector<1x16xf32>,
        %get3A_246 = vector.shape_cast %get3A_245 : vector<1x16xf32> to vector<16xf32>
        %add3A_247 = arith.addf %get3A_238, %get3A_246 : vector<16xf32>
        %mul3A_248 = arith.constant 2.000000e-01 : f32
        %mul3A_249 = vector.broadcast %mul3A_248 : f32 to vector<16xf32>
        %mul3A_250 = arith.mulf %mul3A_249, %add3A_247 : vector<16xf32>
        %max3A_251 = arith.maximumf %add3A_247, %mul3A_250 : vector<16xf32>
        %mul3A_252 = arith.mulf %max3A_251, %get3A_12 : vector<16xf32>
        %add3A_253 = arith.addf %add3A_232, %mul3A_252 : vector<16xf32>
        %mul3A_254 = arith.constant 2 : i32
        %mul3A_255 = arith.muli %mul3A_254, %scan3A_192 : i32
        %get3A_256 = arith.index_cast %mul3A_255 : i32 to index
        %get3A_257 = arith.constant 48 : index
        %get3A_258 = tpu.vector_load %arg12[%get3A_256, %get3A_257] {strides = array<i32>} : memref<80x128xf32, #tpu.memory_space<vmem>>, vector<1x16xf32>,
        %get3A_259 = vector.shape_cast %get3A_258 : vector<1x16xf32> to vector<16xf32>
        %mul3A_260 = arith.constant 2 : i32
        %mul3A_261 = arith.muli %mul3A_260, %scan3A_192 : i32
        %add3A_262 = arith.constant 1 : i32
        %add3A_263 = arith.addi %mul3A_261, %add3A_262 : i32
        %get3A_264 = arith.index_cast %add3A_263 : i32 to index
        %get3A_265 = arith.constant 48 : index
        %get3A_266 = tpu.vector_load %arg12[%get3A_264, %get3A_265] {strides = array<i32>} : memref<80x128xf32, #tpu.memory_space<vmem>>, vector<1x16xf32>,
        %get3A_267 = vector.shape_cast %get3A_266 : vector<1x16xf32> to vector<16xf32>
        %add3A_268 = arith.addf %get3A_259, %get3A_267 : vector<16xf32>
        %mul3A_269 = arith.constant 2.000000e-01 : f32
        %mul3A_270 = vector.broadcast %mul3A_269 : f32 to vector<16xf32>
        %mul3A_271 = arith.mulf %mul3A_270, %add3A_268 : vector<16xf32>
        %max3A_272 = arith.maximumf %add3A_268, %mul3A_271 : vector<16xf32>
        %mul3A_273 = arith.mulf %max3A_272, %get3A_15 : vector<16xf32>
        %add3A_274 = arith.addf %add3A_253, %mul3A_273 : vector<16xf32>
        %mul3A_275 = arith.constant 2 : i32
        %mul3A_276 = arith.muli %mul3A_275, %scan3A_192 : i32
        %get3A_277 = arith.index_cast %mul3A_276 : i32 to index
        %get3A_278 = arith.constant 64 : index
        %get3A_279 = tpu.vector_load %arg12[%get3A_277, %get3A_278] {strides = array<i32>} : memref<80x128xf32, #tpu.memory_space<vmem>>, vector<1x16xf32>,
        %get3A_280 = vector.shape_cast %get3A_279 : vector<1x16xf32> to vector<16xf32>
        %mul3A_281 = arith.constant 2 : i32
        %mul3A_282 = arith.muli %mul3A_281, %scan3A_192 : i32
        %add3A_283 = arith.constant 1 : i32
        %add3A_284 = arith.addi %mul3A_282, %add3A_283 : i32
        %get3A_285 = arith.index_cast %add3A_284 : i32 to index
        %get3A_286 = arith.constant 64 : index
        %get3A_287 = tpu.vector_load %arg12[%get3A_285, %get3A_286] {strides = array<i32>} : memref<80x128xf32, #tpu.memory_space<vmem>>, vector<1x16xf32>,
        %get3A_288 = vector.shape_cast %get3A_287 : vector<1x16xf32> to vector<16xf32>
        %add3A_289 = arith.addf %get3A_280, %get3A_288 : vector<16xf32>
        %mul3A_290 = arith.constant 2.000000e-01 : f32
        %mul3A_291 = vector.broadcast %mul3A_290 : f32 to vector<16xf32>
        %mul3A_292 = arith.mulf %mul3A_291, %add3A_289 : vector<16xf32>
        %max3A_293 = arith.maximumf %add3A_289, %mul3A_292 : vector<16xf32>
        %mul3A_294 = arith.mulf %max3A_293, %get3A_18 : vector<16xf32>
        %add3A_295 = arith.addf %add3A_274, %mul3A_294 : vector<16xf32>
        %mul3A_296 = arith.constant 2 : i32
        %mul3A_297 = arith.muli %mul3A_296, %scan3A_192 : i32
        %get3A_298 = arith.index_cast %mul3A_297 : i32 to index
        %get3A_299 = arith.constant 80 : index
        %get3A_300 = tpu.vector_load %arg12[%get3A_298, %get3A_299] {strides = array<i32>} : memref<80x128xf32, #tpu.memory_space<vmem>>, vector<1x16xf32>,
        %get3A_301 = vector.shape_cast %get3A_300 : vector<1x16xf32> to vector<16xf32>
        %mul3A_302 = arith.constant 2 : i32
        %mul3A_303 = arith.muli %mul3A_302, %scan3A_192 : i32
        %add3A_304 = arith.constant 1 : i32
        %add3A_305 = arith.addi %mul3A_303, %add3A_304 : i32
        %get3A_306 = arith.index_cast %add3A_305 : i32 to index
        %get3A_307 = arith.constant 80 : index
        %get3A_308 = tpu.vector_load %arg12[%get3A_306, %get3A_307] {strides = array<i32>} : memref<80x128xf32, #tpu.memory_space<vmem>>, vector<1x16xf32>,
        %get3A_309 = vector.shape_cast %get3A_308 : vector<1x16xf32> to vector<16xf32>
        %add3A_310 = arith.addf %get3A_301, %get3A_309 : vector<16xf32>
        %mul3A_311 = arith.constant 2.000000e-01 : f32
        %mul3A_312 = vector.broadcast %mul3A_311 : f32 to vector<16xf32>
        %mul3A_313 = arith.mulf %mul3A_312, %add3A_310 : vector<16xf32>
        %max3A_314 = arith.maximumf %add3A_310, %mul3A_313 : vector<16xf32>
        %mul3A_315 = arith.mulf %max3A_314, %get3A_21 : vector<16xf32>
        %add3A_316 = arith.addf %add3A_295, %mul3A_315 : vector<16xf32>
        %mul3A_317 = arith.constant 2 : i32
        %mul3A_318 = arith.muli %mul3A_317, %scan3A_192 : i32
        %get3A_319 = arith.index_cast %mul3A_318 : i32 to index
        %get3A_320 = arith.constant 96 : index
        %get3A_321 = tpu.vector_load %arg12[%get3A_319, %get3A_320] {strides = array<i32>} : memref<80x128xf32, #tpu.memory_space<vmem>>, vector<1x16xf32>,
        %get3A_322 = vector.shape_cast %get3A_321 : vector<1x16xf32> to vector<16xf32>
        %mul3A_323 = arith.constant 2 : i32
        %mul3A_324 = arith.muli %mul3A_323, %scan3A_192 : i32
        %add3A_325 = arith.constant 1 : i32
        %add3A_326 = arith.addi %mul3A_324, %add3A_325 : i32
        %get3A_327 = arith.index_cast %add3A_326 : i32 to index
        %get3A_328 = arith.constant 96 : index
        %get3A_329 = tpu.vector_load %arg12[%get3A_327, %get3A_328] {strides = array<i32>} : memref<80x128xf32, #tpu.memory_space<vmem>>, vector<1x16xf32>,
        %get3A_330 = vector.shape_cast %get3A_329 : vector<1x16xf32> to vector<16xf32>
        %add3A_331 = arith.addf %get3A_322, %get3A_330 : vector<16xf32>
        %mul3A_332 = arith.constant 2.000000e-01 : f32
        %mul3A_333 = vector.broadcast %mul3A_332 : f32 to vector<16xf32>
        %mul3A_334 = arith.mulf %mul3A_333, %add3A_331 : vector<16xf32>
        %max3A_335 = arith.maximumf %add3A_331, %mul3A_334 : vector<16xf32>
        %mul3A_336 = arith.mulf %max3A_335, %get3A_24 : vector<16xf32>
        %add3A_337 = arith.addf %add3A_316, %mul3A_336 : vector<16xf32>
        %mul3A_338 = arith.constant 2 : i32
        %mul3A_339 = arith.muli %mul3A_338, %scan3A_192 : i32
        %get3A_340 = arith.index_cast %mul3A_339 : i32 to index
        %get3A_341 = arith.constant 112 : index
        %get3A_342 = tpu.vector_load %arg12[%get3A_340, %get3A_341] {strides = array<i32>} : memref<80x128xf32, #tpu.memory_space<vmem>>, vector<1x16xf32>,
        %get3A_343 = vector.shape_cast %get3A_342 : vector<1x16xf32> to vector<16xf32>
        %mul3A_344 = arith.constant 2 : i32
        %mul3A_345 = arith.muli %mul3A_344, %scan3A_192 : i32
        %add3A_346 = arith.constant 1 : i32
        %add3A_347 = arith.addi %mul3A_345, %add3A_346 : i32
        %get3A_348 = arith.index_cast %add3A_347 : i32 to index
        %get3A_349 = arith.constant 112 : index
        %get3A_350 = tpu.vector_load %arg12[%get3A_348, %get3A_349] {strides = array<i32>} : memref<80x128xf32, #tpu.memory_space<vmem>>, vector<1x16xf32>,
        %get3A_351 = vector.shape_cast %get3A_350 : vector<1x16xf32> to vector<16xf32>
        %add3A_352 = arith.addf %get3A_343, %get3A_351 : vector<16xf32>
        %mul3A_353 = arith.constant 2.000000e-01 : f32
        %mul3A_354 = vector.broadcast %mul3A_353 : f32 to vector<16xf32>
        %mul3A_355 = arith.mulf %mul3A_354, %add3A_352 : vector<16xf32>
        %max3A_356 = arith.maximumf %add3A_352, %mul3A_355 : vector<16xf32>
        %mul3A_357 = arith.mulf %max3A_356, %get3A_27 : vector<16xf32>
        %add3A_358 = arith.addf %add3A_337, %mul3A_357 : vector<16xf32>
        %swap3A = arith.constant 0 : index
        %swap3A_359 = tpu.vector_load %arg15[%swap3A] {strides = array<i32>} : memref<32xf32, #tpu.memory_space<vmem>>, vector<16xf32>,
        %swap3A_360 = vector.shape_cast %swap3A_359 : vector<16xf32> to vector<16xf32>
        %swap3A_361 = vector.shape_cast %add3A_358 : vector<16xf32> to vector<16xf32>
        tpu.vector_store %arg15[%swap3A], %swap3A_361 {strides = array<i32>} : memref<32xf32, #tpu.memory_space<vmem>>, vector<16xf32>,
        %swap3A_362 = arith.constant 16 : index
        %swap3A_363 = tpu.vector_load %arg15[%swap3A_362] {strides = array<i32>} : memref<32xf32, #tpu.memory_space<vmem>>, vector<16xf32>,
        %swap3A_364 = vector.shape_cast %swap3A_363 : vector<16xf32> to vector<16xf32>
        %swap3A_365 = vector.shape_cast %add3A_358 : vector<16xf32> to vector<16xf32>
        tpu.vector_store %arg15[%swap3A_362], %swap3A_365 {strides = array<i32>} : memref<32xf32, #tpu.memory_space<vmem>>, vector<16xf32>,
        %get3A_366 = arith.constant 8 : index
        %get3A_367 = tpu.vector_load %arg15[%get3A_366] {strides = array<i32>} : memref<32xf32, #tpu.memory_space<vmem>>, vector<16xf32>,
        %get3A_368 = vector.shape_cast %get3A_367 : vector<16xf32> to vector<16xf32>
        %add3A_369 = arith.addf %add3A_358, %get3A_368 : vector<16xf32>
        %swap3A_370 = arith.constant 0 : index
        %swap3A_371 = tpu.vector_load %arg15[%swap3A_370] {strides = array<i32>} : memref<32xf32, #tpu.memory_space<vmem>>, vector<16xf32>,
        %swap3A_372 = vector.shape_cast %swap3A_371 : vector<16xf32> to vector<16xf32>
        %swap3A_373 = vector.shape_cast %add3A_369 : vector<16xf32> to vector<16xf32>
        tpu.vector_store %arg15[%swap3A_370], %swap3A_373 {strides = array<i32>} : memref<32xf32, #tpu.memory_space<vmem>>, vector<16xf32>,
        %swap3A_374 = arith.constant 16 : index
        %swap3A_375 = tpu.vector_load %arg15[%swap3A_374] {strides = array<i32>} : memref<32xf32, #tpu.memory_space<vmem>>, vector<16xf32>,
        %swap3A_376 = vector.shape_cast %swap3A_375 : vector<16xf32> to vector<16xf32>
        %swap3A_377 = vector.shape_cast %add3A_369 : vector<16xf32> to vector<16xf32>
        tpu.vector_store %arg15[%swap3A_374], %swap3A_377 {strides = array<i32>} : memref<32xf32, #tpu.memory_space<vmem>>, vector<16xf32>,
        %get3A_378 = arith.constant 4 : index
        %get3A_379 = tpu.vector_load %arg15[%get3A_378] {strides = array<i32>} : memref<32xf32, #tpu.memory_space<vmem>>, vector<16xf32>,
        %get3A_380 = vector.shape_cast %get3A_379 : vector<16xf32> to vector<16xf32>
        %add3A_381 = arith.addf %add3A_369, %get3A_380 : vector<16xf32>
        %exp3A = math.exp %add3A_381 : vector<16xf32>
        %mul3A_382 = arith.mulf %exp3A, %get3A_206 : vector<16xf32>
        %swap3A_383 = arith.index_cast %scan3A_192 : i32 to index
        %swap3A_384 = arith.constant 0 : index
        %swap3A_385 = tpu.vector_load %arg13[%swap3A_383, %swap3A_384] {strides = array<i32>} : memref<40x144xf32, #tpu.memory_space<vmem>>, vector<1x16xf32>,
        %swap3A_386 = vector.shape_cast %swap3A_385 : vector<1x16xf32> to vector<16xf32>
        %swap3A_387 = vector.shape_cast %mul3A_382 : vector<16xf32> to vector<1x16xf32>
        tpu.vector_store %arg13[%swap3A_383, %swap3A_384], %swap3A_387 {strides = array<i32>} : memref<40x144xf32, #tpu.memory_space<vmem>>, vector<1x16xf32>,
        %mul3A_388 = arith.mulf %exp3A, %get3A_225 : vector<16xf32>
        %swap3A_389 = arith.index_cast %scan3A_192 : i32 to index
        %swap3A_390 = arith.constant 16 : index
        %swap3A_391 = tpu.vector_load %arg13[%swap3A_389, %swap3A_390] {strides = array<i32>} : memref<40x144xf32, #tpu.memory_space<vmem>>, vector<1x16xf32>,
        %swap3A_392 = vector.shape_cast %swap3A_391 : vector<1x16xf32> to vector<16xf32>
        %swap3A_393 = vector.shape_cast %mul3A_388 : vector<16xf32> to vector<1x16xf32>
        tpu.vector_store %arg13[%swap3A_389, %swap3A_390], %swap3A_393 {strides = array<i32>} : memref<40x144xf32, #tpu.memory_space<vmem>>, vector<1x16xf32>,
        %mul3A_394 = arith.mulf %exp3A, %get3A_246 : vector<16xf32>
        %swap3A_395 = arith.index_cast %scan3A_192 : i32 to index
        %swap3A_396 = arith.constant 32 : index
        %swap3A_397 = tpu.vector_load %arg13[%swap3A_395, %swap3A_396] {strides = array<i32>} : memref<40x144xf32, #tpu.memory_space<vmem>>, vector<1x16xf32>,
        %swap3A_398 = vector.shape_cast %swap3A_397 : vector<1x16xf32> to vector<16xf32>
        %swap3A_399 = vector.shape_cast %mul3A_394 : vector<16xf32> to vector<1x16xf32>
        tpu.vector_store %arg13[%swap3A_395, %swap3A_396], %swap3A_399 {strides = array<i32>} : memref<40x144xf32, #tpu.memory_space<vmem>>, vector<1x16xf32>,
        %mul3A_400 = arith.mulf %exp3A, %get3A_267 : vector<16xf32>
        %swap3A_401 = arith.index_cast %scan3A_192 : i32 to index
        %swap3A_402 = arith.constant 48 : index
        %swap3A_403 = tpu.vector_load %arg13[%swap3A_401, %swap3A_402] {strides = array<i32>} : memref<40x144xf32, #tpu.memory_space<vmem>>, vector<1x16xf32>,
        %swap3A_404 = vector.shape_cast %swap3A_403 : vector<1x16xf32> to vector<16xf32>
        %swap3A_405 = vector.shape_cast %mul3A_400 : vector<16xf32> to vector<1x16xf32>
        tpu.vector_store %arg13[%swap3A_401, %swap3A_402], %swap3A_405 {strides = array<i32>} : memref<40x144xf32, #tpu.memory_space<vmem>>, vector<1x16xf32>,
        %mul3A_406 = arith.mulf %exp3A, %get3A_288 : vector<16xf32>
        %swap3A_407 = arith.index_cast %scan3A_192 : i32 to index
        %swap3A_408 = arith.constant 64 : index
        %swap3A_409 = tpu.vector_load %arg13[%swap3A_407, %swap3A_408] {strides = array<i32>} : memref<40x144xf32, #tpu.memory_space<vmem>>, vector<1x16xf32>,
        %swap3A_410 = vector.shape_cast %swap3A_409 : vector<1x16xf32> to vector<16xf32>
        %swap3A_411 = vector.shape_cast %mul3A_406 : vector<16xf32> to vector<1x16xf32>
        tpu.vector_store %arg13[%swap3A_407, %swap3A_408], %swap3A_411 {strides = array<i32>} : memref<40x144xf32, #tpu.memory_space<vmem>>, vector<1x16xf32>,
        %mul3A_412 = arith.mulf %exp3A, %get3A_309 : vector<16xf32>
        %swap3A_413 = arith.index_cast %scan3A_192 : i32 to index
        %swap3A_414 = arith.constant 80 : index
        %swap3A_415 = tpu.vector_load %arg13[%swap3A_413, %swap3A_414] {strides = array<i32>} : memref<40x144xf32, #tpu.memory_space<vmem>>, vector<1x16xf32>,
        %swap3A_416 = vector.shape_cast %swap3A_415 : vector<1x16xf32> to vector<16xf32>
        %swap3A_417 = vector.shape_cast %mul3A_412 : vector<16xf32> to vector<1x16xf32>
        tpu.vector_store %arg13[%swap3A_413, %swap3A_414], %swap3A_417 {strides = array<i32>} : memref<40x144xf32, #tpu.memory_space<vmem>>, vector<1x16xf32>,
        %mul3A_418 = arith.mulf %exp3A, %get3A_330 : vector<16xf32>
        %swap3A_419 = arith.index_cast %scan3A_192 : i32 to index
        %swap3A_420 = arith.constant 96 : index
        %swap3A_421 = tpu.vector_load %arg13[%swap3A_419, %swap3A_420] {strides = array<i32>} : memref<40x144xf32, #tpu.memory_space<vmem>>, vector<1x16xf32>,
        %swap3A_422 = vector.shape_cast %swap3A_421 : vector<1x16xf32> to vector<16xf32>
        %swap3A_423 = vector.shape_cast %mul3A_418 : vector<16xf32> to vector<1x16xf32>
        tpu.vector_store %arg13[%swap3A_419, %swap3A_420], %swap3A_423 {strides = array<i32>} : memref<40x144xf32, #tpu.memory_space<vmem>>, vector<1x16xf32>,
        %mul3A_424 = arith.mulf %exp3A, %get3A_351 : vector<16xf32>
        %swap3A_425 = arith.index_cast %scan3A_192 : i32 to index
        %swap3A_426 = arith.constant 112 : index
        %swap3A_427 = tpu.vector_load %arg13[%swap3A_425, %swap3A_426] {strides = array<i32>} : memref<40x144xf32, #tpu.memory_space<vmem>>, vector<1x16xf32>,
        %swap3A_428 = vector.shape_cast %swap3A_427 : vector<1x16xf32> to vector<16xf32>
        %swap3A_429 = vector.shape_cast %mul3A_424 : vector<16xf32> to vector<1x16xf32>
        tpu.vector_store %arg13[%swap3A_425, %swap3A_426], %swap3A_429 {strides = array<i32>} : memref<40x144xf32, #tpu.memory_space<vmem>>, vector<1x16xf32>,
        %swap3A_430 = arith.index_cast %scan3A_192 : i32 to index
        %swap3A_431 = arith.constant 128 : index
        %swap3A_432 = tpu.vector_load %arg13[%swap3A_430, %swap3A_431] {strides = array<i32>} : memref<40x144xf32, #tpu.memory_space<vmem>>, vector<1x16xf32>,
        %swap3A_433 = vector.shape_cast %swap3A_432 : vector<1x16xf32> to vector<16xf32>
        %swap3A_434 = vector.shape_cast %exp3A : vector<16xf32> to vector<1x16xf32>
        tpu.vector_store %arg13[%swap3A_430, %swap3A_431], %swap3A_434 {strides = array<i32>} : memref<40x144xf32, #tpu.memory_space<vmem>>, vector<1x16xf32>,
      }
      %scan3A_190 = arith.constant 40 : i32
      %run_scoped3A_191 = arith.constant 1 : i32
      "tpu.region"() ({
        %run_scoped3A_192 = tpu.sem_alloc : memref<!tpu.dma_semaphore, #tpu.memory_space<semaphore_mem>>
        %dma_start3A_193 = arith.constant 0 : i32
        %dma_start3A_194 = tpu.memref_slice %arg10[%run_scoped3A_191, %dma_start3A_193] : memref<2x40xi32, #tpu.memory_space<vmem>> -> memref<1x40xi32, #tpu.memory_space<vmem>>
        %dma_start3A_195 = tpu.memref_squeeze %dma_start3A_194 : memref<1x40xi32, #tpu.memory_space<vmem>> -> memref<40xi32, #tpu.memory_space<vmem>>
        %dma_start3A_196 = arith.constant 0 : i32
        %dma_start3A_197 = arith.constant 0 : i32
        %dma_start3A_198 = tpu.memref_slice %arg8[%dma_start3A_196, %dma_start3A_197] : memref<10000x144xf32, #tpu.memory_space<vmem_shared>> -> memref<10000x144xf32, #tpu.memory_space<vmem_shared>>
        tpu.enqueue_indirect_dma source(%arg13 : memref<40x144xf32, #tpu.memory_space<vmem>>) target(%dma_start3A_198 : memref<10000x144xf32, #tpu.memory_space<vmem_shared>>) offsets(%dma_start3A_195 : memref<40xi32, #tpu.memory_space<vmem>>) semaphore(%run_scoped3A_192 : memref<!tpu.dma_semaphore, #tpu.memory_space<semaphore_mem>>) {add = true}
        %dma_wait3A_199 = arith.constant 0 : i32
        %dma_wait3A_200 = tpu.memref_slice %arg10[%run_scoped3A_191, %dma_wait3A_199] : memref<2x40xi32, #tpu.memory_space<vmem>> -> memref<1x40xi32, #tpu.memory_space<vmem>>
        %dma_wait3A_201 = tpu.memref_squeeze %dma_wait3A_200 : memref<1x40xi32, #tpu.memory_space<vmem>> -> memref<40xi32, #tpu.memory_space<vmem>>
        %dma_wait3A_202 = arith.constant 0 : i32
        %dma_wait3A_203 = arith.constant 0 : i32
        %dma_wait3A_204 = tpu.memref_slice %arg8[%dma_wait3A_202, %dma_wait3A_203] : memref<10000x144xf32, #tpu.memory_space<vmem_shared>> -> memref<10000x144xf32, #tpu.memory_space<vmem_shared>>
        tpu.wait_indirect_dma semaphore(%run_scoped3A_192 : memref<!tpu.dma_semaphore, #tpu.memory_space<semaphore_mem>>) src(%arg13 : memref<40x144xf32, #tpu.memory_space<vmem>>) dst(%dma_wait3A_204 : memref<10000x144xf32, #tpu.memory_space<vmem_shared>>)
        tpu.yield
      }) : () -> ()
    }
    %scan3A_52 = arith.constant 62 : i32
    %dma_wait3A = arith.constant 0 : i32
    %dma_wait3A_53 = arith.constant 0 : i32
    %dma_wait3A_54 = tpu.memref_slice %arg4[%dma_wait3A, %dma_wait3A_53] : memref<10000x128xf32, #tpu.memory_space<hbm>> -> memref<80x128xf32, #tpu.memory_space<hbm>>
    %dma_wait3A_55 = arith.constant 0 : i32
    %dma_wait3A_56 = arith.constant 0 : i32
    %dma_wait3A_57 = tpu.memref_slice %arg4[%dma_wait3A_55, %dma_wait3A_56] : memref<10000x128xf32, #tpu.memory_space<hbm>> -> memref<80x128xf32, #tpu.memory_space<hbm>>
    tpu.wait_dma2 semaphore(%arg16 : memref<!tpu.dma_semaphore, #tpu.memory_space<semaphore_mem>>) src(%dma_wait3A_57 : memref<80x128xf32, #tpu.memory_space<hbm>>) dst(%arg11 : memref<80x128xf32, #tpu.memory_space<vmem>>)
    %dma_wait3A_58 = arith.constant 0 : i32
    %dma_wait3A_59 = arith.constant 0 : i32
    %dma_wait3A_60 = arith.constant 0 : i32
    %dma_wait3A_61 = arith.constant 0 : i32
    %dma_wait3A_62 = tpu.memref_slice %arg10[%dma_wait3A_60, %dma_wait3A_61] : memref<2x40xi32, #tpu.memory_space<vmem>> -> memref<1x40xi32, #tpu.memory_space<vmem>>
    %dma_wait3A_63 = tpu.memref_squeeze %dma_wait3A_62 : memref<1x40xi32, #tpu.memory_space<vmem>> -> memref<40xi32, #tpu.memory_space<vmem>>
    %dma_wait3A_64 = arith.constant 0 : i32
    %dma_wait3A_65 = tpu.memref_slice %arg3[%dma_wait3A_58, %dma_wait3A_59, %dma_wait3A_64] : memref<32x125x40xi32, #tpu.memory_space<hbm>> -> memref<1x1x40xi32, #tpu.memory_space<hbm>>
    %dma_wait3A_66 = tpu.memref_squeeze %dma_wait3A_65 : memref<1x1x40xi32, #tpu.memory_space<hbm>> -> memref<40xi32, #tpu.memory_space<hbm>>
    %dma_wait3A_67 = arith.constant 0 : i32
    %dma_wait3A_68 = tpu.memref_slice %arg10[%dma_wait3A_60, %dma_wait3A_67] : memref<2x40xi32, #tpu.memory_space<vmem>> -> memref<1x40xi32, #tpu.memory_space<vmem>>
    %dma_wait3A_69 = tpu.memref_squeeze %dma_wait3A_68 : memref<1x40xi32, #tpu.memory_space<vmem>> -> memref<40xi32, #tpu.memory_space<vmem>>
    %dma_wait3A_70 = arith.constant 0 : i32
    %dma_wait3A_71 = tpu.memref_slice %arg3[%dma_wait3A_58, %dma_wait3A_59, %dma_wait3A_70] : memref<32x125x40xi32, #tpu.memory_space<hbm>> -> memref<1x1x40xi32, #tpu.memory_space<hbm>>
    %dma_wait3A_72 = tpu.memref_squeeze %dma_wait3A_71 : memref<1x1x40xi32, #tpu.memory_space<hbm>> -> memref<40xi32, #tpu.memory_space<hbm>>
    tpu.wait_dma2 semaphore(%arg16 : memref<!tpu.dma_semaphore, #tpu.memory_space<semaphore_mem>>) src(%dma_wait3A_72 : memref<40xi32, #tpu.memory_space<hbm>>) dst(%dma_wait3A_69 : memref<40xi32, #tpu.memory_space<vmem>>)
    %scan3A_73 = arith.constant 0 : i32
    %scan3A_74 = arith.constant 0 : i32
    %scan3A_75 = arith.constant 40 : i32
    %scan3A_76 = arith.addi %scan3A_74, %scan3A_75 : i32
    %scan3A_77 = arith.constant 1 : i32
    scf.for %scan3A_89 = %scan3A_74 to %scan3A_76 step %scan3A_77  : i32 {
      %mul3A_90 = arith.constant 2 : i32
      %mul3A_91 = arith.muli %mul3A_90, %scan3A_89 : i32
      %get3A_92 = arith.index_cast %mul3A_91 : i32 to index
      %get3A_93 = arith.constant 0 : index
      %get3A_94 = tpu.vector_load %arg11[%get3A_92, %get3A_93] {strides = array<i32>} : memref<80x128xf32, #tpu.memory_space<vmem>>, vector<1x16xf32>,
      %get3A_95 = vector.shape_cast %get3A_94 : vector<1x16xf32> to vector<16xf32>
      %mul3A_96 = arith.constant 2 : i32
      %mul3A_97 = arith.muli %mul3A_96, %scan3A_89 : i32
      %add3A_98 = arith.constant 1 : i32
      %add3A_99 = arith.addi %mul3A_97, %add3A_98 : i32
      %get3A_100 = arith.index_cast %add3A_99 : i32 to index
      %get3A_101 = arith.constant 0 : index
      %get3A_102 = tpu.vector_load %arg11[%get3A_100, %get3A_101] {strides = array<i32>} : memref<80x128xf32, #tpu.memory_space<vmem>>, vector<1x16xf32>,
      %get3A_103 = vector.shape_cast %get3A_102 : vector<1x16xf32> to vector<16xf32>
      %add3A_104 = arith.addf %get3A_95, %get3A_103 : vector<16xf32>
      %mul3A_105 = arith.constant 2.000000e-01 : f32
      %mul3A_106 = vector.broadcast %mul3A_105 : f32 to vector<16xf32>
      %mul3A_107 = arith.mulf %mul3A_106, %add3A_104 : vector<16xf32>
      %max3A = arith.maximumf %add3A_104, %mul3A_107 : vector<16xf32>
      %mul3A_108 = arith.mulf %max3A, %get3A_6 : vector<16xf32>
      %mul3A_109 = arith.constant 2 : i32
      %mul3A_110 = arith.muli %mul3A_109, %scan3A_89 : i32
      %get3A_111 = arith.index_cast %mul3A_110 : i32 to index
      %get3A_112 = arith.constant 16 : index
      %get3A_113 = tpu.vector_load %arg11[%get3A_111, %get3A_112] {strides = array<i32>} : memref<80x128xf32, #tpu.memory_space<vmem>>, vector<1x16xf32>,
      %get3A_114 = vector.shape_cast %get3A_113 : vector<1x16xf32> to vector<16xf32>
      %mul3A_115 = arith.constant 2 : i32
      %mul3A_116 = arith.muli %mul3A_115, %scan3A_89 : i32
      %add3A_117 = arith.constant 1 : i32
      %add3A_118 = arith.addi %mul3A_116, %add3A_117 : i32
      %get3A_119 = arith.index_cast %add3A_118 : i32 to index
      %get3A_120 = arith.constant 16 : index
      %get3A_121 = tpu.vector_load %arg11[%get3A_119, %get3A_120] {strides = array<i32>} : memref<80x128xf32, #tpu.memory_space<vmem>>, vector<1x16xf32>,
      %get3A_122 = vector.shape_cast %get3A_121 : vector<1x16xf32> to vector<16xf32>
      %add3A_123 = arith.addf %get3A_114, %get3A_122 : vector<16xf32>
      %mul3A_124 = arith.constant 2.000000e-01 : f32
      %mul3A_125 = vector.broadcast %mul3A_124 : f32 to vector<16xf32>
      %mul3A_126 = arith.mulf %mul3A_125, %add3A_123 : vector<16xf32>
      %max3A_127 = arith.maximumf %add3A_123, %mul3A_126 : vector<16xf32>
      %mul3A_128 = arith.mulf %max3A_127, %get3A_9 : vector<16xf32>
      %add3A_129 = arith.addf %mul3A_108, %mul3A_128 : vector<16xf32>
      %mul3A_130 = arith.constant 2 : i32
      %mul3A_131 = arith.muli %mul3A_130, %scan3A_89 : i32
      %get3A_132 = arith.index_cast %mul3A_131 : i32 to index
      %get3A_133 = arith.constant 32 : index
      %get3A_134 = tpu.vector_load %arg11[%get3A_132, %get3A_133] {strides = array<i32>} : memref<80x128xf32, #tpu.memory_space<vmem>>, vector<1x16xf32>,
      %get3A_135 = vector.shape_cast %get3A_134 : vector<1x16xf32> to vector<16xf32>
      %mul3A_136 = arith.constant 2 : i32
      %mul3A_137 = arith.muli %mul3A_136, %scan3A_89 : i32
      %add3A_138 = arith.constant 1 : i32
      %add3A_139 = arith.addi %mul3A_137, %add3A_138 : i32
      %get3A_140 = arith.index_cast %add3A_139 : i32 to index
      %get3A_141 = arith.constant 32 : index
      %get3A_142 = tpu.vector_load %arg11[%get3A_140, %get3A_141] {strides = array<i32>} : memref<80x128xf32, #tpu.memory_space<vmem>>, vector<1x16xf32>,
      %get3A_143 = vector.shape_cast %get3A_142 : vector<1x16xf32> to vector<16xf32>
      %add3A_144 = arith.addf %get3A_135, %get3A_143 : vector<16xf32>
      %mul3A_145 = arith.constant 2.000000e-01 : f32
      %mul3A_146 = vector.broadcast %mul3A_145 : f32 to vector<16xf32>
      %mul3A_147 = arith.mulf %mul3A_146, %add3A_144 : vector<16xf32>
      %max3A_148 = arith.maximumf %add3A_144, %mul3A_147 : vector<16xf32>
      %mul3A_149 = arith.mulf %max3A_148, %get3A_12 : vector<16xf32>
      %add3A_150 = arith.addf %add3A_129, %mul3A_149 : vector<16xf32>
      %mul3A_151 = arith.constant 2 : i32
      %mul3A_152 = arith.muli %mul3A_151, %scan3A_89 : i32
      %get3A_153 = arith.index_cast %mul3A_152 : i32 to index
      %get3A_154 = arith.constant 48 : index
      %get3A_155 = tpu.vector_load %arg11[%get3A_153, %get3A_154] {strides = array<i32>} : memref<80x128xf32, #tpu.memory_space<vmem>>, vector<1x16xf32>,
      %get3A_156 = vector.shape_cast %get3A_155 : vector<1x16xf32> to vector<16xf32>
      %mul3A_157 = arith.constant 2 : i32
      %mul3A_158 = arith.muli %mul3A_157, %scan3A_89 : i32
      %add3A_159 = arith.constant 1 : i32
      %add3A_160 = arith.addi %mul3A_158, %add3A_159 : i32
      %get3A_161 = arith.index_cast %add3A_160 : i32 to index
      %get3A_162 = arith.constant 48 : index
      %get3A_163 = tpu.vector_load %arg11[%get3A_161, %get3A_162] {strides = array<i32>} : memref<80x128xf32, #tpu.memory_space<vmem>>, vector<1x16xf32>,
      %get3A_164 = vector.shape_cast %get3A_163 : vector<1x16xf32> to vector<16xf32>
      %add3A_165 = arith.addf %get3A_156, %get3A_164 : vector<16xf32>
      %mul3A_166 = arith.constant 2.000000e-01 : f32
      %mul3A_167 = vector.broadcast %mul3A_166 : f32 to vector<16xf32>
      %mul3A_168 = arith.mulf %mul3A_167, %add3A_165 : vector<16xf32>
      %max3A_169 = arith.maximumf %add3A_165, %mul3A_168 : vector<16xf32>
      %mul3A_170 = arith.mulf %max3A_169, %get3A_15 : vector<16xf32>
      %add3A_171 = arith.addf %add3A_150, %mul3A_170 : vector<16xf32>
      %mul3A_172 = arith.constant 2 : i32
      %mul3A_173 = arith.muli %mul3A_172, %scan3A_89 : i32
      %get3A_174 = arith.index_cast %mul3A_173 : i32 to index
      %get3A_175 = arith.constant 64 : index
      %get3A_176 = tpu.vector_load %arg11[%get3A_174, %get3A_175] {strides = array<i32>} : memref<80x128xf32, #tpu.memory_space<vmem>>, vector<1x16xf32>,
      %get3A_177 = vector.shape_cast %get3A_176 : vector<1x16xf32> to vector<16xf32>
      %mul3A_178 = arith.constant 2 : i32
      %mul3A_179 = arith.muli %mul3A_178, %scan3A_89 : i32
      %add3A_180 = arith.constant 1 : i32
      %add3A_181 = arith.addi %mul3A_179, %add3A_180 : i32
      %get3A_182 = arith.index_cast %add3A_181 : i32 to index
      %get3A_183 = arith.constant 64 : index
      %get3A_184 = tpu.vector_load %arg11[%get3A_182, %get3A_183] {strides = array<i32>} : memref<80x128xf32, #tpu.memory_space<vmem>>, vector<1x16xf32>,
      %get3A_185 = vector.shape_cast %get3A_184 : vector<1x16xf32> to vector<16xf32>
      %add3A_186 = arith.addf %get3A_177, %get3A_185 : vector<16xf32>
      %mul3A_187 = arith.constant 2.000000e-01 : f32
      %mul3A_188 = vector.broadcast %mul3A_187 : f32 to vector<16xf32>
      %mul3A_189 = arith.mulf %mul3A_188, %add3A_186 : vector<16xf32>
      %max3A_190 = arith.maximumf %add3A_186, %mul3A_189 : vector<16xf32>
      %mul3A_191 = arith.mulf %max3A_190, %get3A_18 : vector<16xf32>
      %add3A_192 = arith.addf %add3A_171, %mul3A_191 : vector<16xf32>
      %mul3A_193 = arith.constant 2 : i32
      %mul3A_194 = arith.muli %mul3A_193, %scan3A_89 : i32
      %get3A_195 = arith.index_cast %mul3A_194 : i32 to index
      %get3A_196 = arith.constant 80 : index
      %get3A_197 = tpu.vector_load %arg11[%get3A_195, %get3A_196] {strides = array<i32>} : memref<80x128xf32, #tpu.memory_space<vmem>>, vector<1x16xf32>,
      %get3A_198 = vector.shape_cast %get3A_197 : vector<1x16xf32> to vector<16xf32>
      %mul3A_199 = arith.constant 2 : i32
      %mul3A_200 = arith.muli %mul3A_199, %scan3A_89 : i32
      %add3A_201 = arith.constant 1 : i32
      %add3A_202 = arith.addi %mul3A_200, %add3A_201 : i32
      %get3A_203 = arith.index_cast %add3A_202 : i32 to index
      %get3A_204 = arith.constant 80 : index
      %get3A_205 = tpu.vector_load %arg11[%get3A_203, %get3A_204] {strides = array<i32>} : memref<80x128xf32, #tpu.memory_space<vmem>>, vector<1x16xf32>,
      %get3A_206 = vector.shape_cast %get3A_205 : vector<1x16xf32> to vector<16xf32>
      %add3A_207 = arith.addf %get3A_198, %get3A_206 : vector<16xf32>
      %mul3A_208 = arith.constant 2.000000e-01 : f32
      %mul3A_209 = vector.broadcast %mul3A_208 : f32 to vector<16xf32>
      %mul3A_210 = arith.mulf %mul3A_209, %add3A_207 : vector<16xf32>
      %max3A_211 = arith.maximumf %add3A_207, %mul3A_210 : vector<16xf32>
      %mul3A_212 = arith.mulf %max3A_211, %get3A_21 : vector<16xf32>
      %add3A_213 = arith.addf %add3A_192, %mul3A_212 : vector<16xf32>
      %mul3A_214 = arith.constant 2 : i32
      %mul3A_215 = arith.muli %mul3A_214, %scan3A_89 : i32
      %get3A_216 = arith.index_cast %mul3A_215 : i32 to index
      %get3A_217 = arith.constant 96 : index
      %get3A_218 = tpu.vector_load %arg11[%get3A_216, %get3A_217] {strides = array<i32>} : memref<80x128xf32, #tpu.memory_space<vmem>>, vector<1x16xf32>,
      %get3A_219 = vector.shape_cast %get3A_218 : vector<1x16xf32> to vector<16xf32>
      %mul3A_220 = arith.constant 2 : i32
      %mul3A_221 = arith.muli %mul3A_220, %scan3A_89 : i32
      %add3A_222 = arith.constant 1 : i32
      %add3A_223 = arith.addi %mul3A_221, %add3A_222 : i32
      %get3A_224 = arith.index_cast %add3A_223 : i32 to index
      %get3A_225 = arith.constant 96 : index
      %get3A_226 = tpu.vector_load %arg11[%get3A_224, %get3A_225] {strides = array<i32>} : memref<80x128xf32, #tpu.memory_space<vmem>>, vector<1x16xf32>,
      %get3A_227 = vector.shape_cast %get3A_226 : vector<1x16xf32> to vector<16xf32>
      %add3A_228 = arith.addf %get3A_219, %get3A_227 : vector<16xf32>
      %mul3A_229 = arith.constant 2.000000e-01 : f32
      %mul3A_230 = vector.broadcast %mul3A_229 : f32 to vector<16xf32>
      %mul3A_231 = arith.mulf %mul3A_230, %add3A_228 : vector<16xf32>
      %max3A_232 = arith.maximumf %add3A_228, %mul3A_231 : vector<16xf32>
      %mul3A_233 = arith.mulf %max3A_232, %get3A_24 : vector<16xf32>
      %add3A_234 = arith.addf %add3A_213, %mul3A_233 : vector<16xf32>
      %mul3A_235 = arith.constant 2 : i32
      %mul3A_236 = arith.muli %mul3A_235, %scan3A_89 : i32
      %get3A_237 = arith.index_cast %mul3A_236 : i32 to index
      %get3A_238 = arith.constant 112 : index
      %get3A_239 = tpu.vector_load %arg11[%get3A_237, %get3A_238] {strides = array<i32>} : memref<80x128xf32, #tpu.memory_space<vmem>>, vector<1x16xf32>,
      %get3A_240 = vector.shape_cast %get3A_239 : vector<1x16xf32> to vector<16xf32>
      %mul3A_241 = arith.constant 2 : i32
      %mul3A_242 = arith.muli %mul3A_241, %scan3A_89 : i32
      %add3A_243 = arith.constant 1 : i32
      %add3A_244 = arith.addi %mul3A_242, %add3A_243 : i32
      %get3A_245 = arith.index_cast %add3A_244 : i32 to index
      %get3A_246 = arith.constant 112 : index
      %get3A_247 = tpu.vector_load %arg11[%get3A_245, %get3A_246] {strides = array<i32>} : memref<80x128xf32, #tpu.memory_space<vmem>>, vector<1x16xf32>,
      %get3A_248 = vector.shape_cast %get3A_247 : vector<1x16xf32> to vector<16xf32>
      %add3A_249 = arith.addf %get3A_240, %get3A_248 : vector<16xf32>
      %mul3A_250 = arith.constant 2.000000e-01 : f32
      %mul3A_251 = vector.broadcast %mul3A_250 : f32 to vector<16xf32>
      %mul3A_252 = arith.mulf %mul3A_251, %add3A_249 : vector<16xf32>
      %max3A_253 = arith.maximumf %add3A_249, %mul3A_252 : vector<16xf32>
      %mul3A_254 = arith.mulf %max3A_253, %get3A_27 : vector<16xf32>
      %add3A_255 = arith.addf %add3A_234, %mul3A_254 : vector<16xf32>
      %swap3A = arith.constant 0 : index
      %swap3A_256 = tpu.vector_load %arg15[%swap3A] {strides = array<i32>} : memref<32xf32, #tpu.memory_space<vmem>>, vector<16xf32>,
      %swap3A_257 = vector.shape_cast %swap3A_256 : vector<16xf32> to vector<16xf32>
      %swap3A_258 = vector.shape_cast %add3A_255 : vector<16xf32> to vector<16xf32>
      tpu.vector_store %arg15[%swap3A], %swap3A_258 {strides = array<i32>} : memref<32xf32, #tpu.memory_space<vmem>>, vector<16xf32>,
      %swap3A_259 = arith.constant 16 : index
      %swap3A_260 = tpu.vector_load %arg15[%swap3A_259] {strides = array<i32>} : memref<32xf32, #tpu.memory_space<vmem>>, vector<16xf32>,
      %swap3A_261 = vector.shape_cast %swap3A_260 : vector<16xf32> to vector<16xf32>
      %swap3A_262 = vector.shape_cast %add3A_255 : vector<16xf32> to vector<16xf32>
      tpu.vector_store %arg15[%swap3A_259], %swap3A_262 {strides = array<i32>} : memref<32xf32, #tpu.memory_space<vmem>>, vector<16xf32>,
      %get3A_263 = arith.constant 8 : index
      %get3A_264 = tpu.vector_load %arg15[%get3A_263] {strides = array<i32>} : memref<32xf32, #tpu.memory_space<vmem>>, vector<16xf32>,
      %get3A_265 = vector.shape_cast %get3A_264 : vector<16xf32> to vector<16xf32>
      %add3A_266 = arith.addf %add3A_255, %get3A_265 : vector<16xf32>
      %swap3A_267 = arith.constant 0 : index
      %swap3A_268 = tpu.vector_load %arg15[%swap3A_267] {strides = array<i32>} : memref<32xf32, #tpu.memory_space<vmem>>, vector<16xf32>,
      %swap3A_269 = vector.shape_cast %swap3A_268 : vector<16xf32> to vector<16xf32>
      %swap3A_270 = vector.shape_cast %add3A_266 : vector<16xf32> to vector<16xf32>
      tpu.vector_store %arg15[%swap3A_267], %swap3A_270 {strides = array<i32>} : memref<32xf32, #tpu.memory_space<vmem>>, vector<16xf32>,
      %swap3A_271 = arith.constant 16 : index
      %swap3A_272 = tpu.vector_load %arg15[%swap3A_271] {strides = array<i32>} : memref<32xf32, #tpu.memory_space<vmem>>, vector<16xf32>,
      %swap3A_273 = vector.shape_cast %swap3A_272 : vector<16xf32> to vector<16xf32>
      %swap3A_274 = vector.shape_cast %add3A_266 : vector<16xf32> to vector<16xf32>
      tpu.vector_store %arg15[%swap3A_271], %swap3A_274 {strides = array<i32>} : memref<32xf32, #tpu.memory_space<vmem>>, vector<16xf32>,
      %get3A_275 = arith.constant 4 : index
      %get3A_276 = tpu.vector_load %arg15[%get3A_275] {strides = array<i32>} : memref<32xf32, #tpu.memory_space<vmem>>, vector<16xf32>,
      %get3A_277 = vector.shape_cast %get3A_276 : vector<16xf32> to vector<16xf32>
      %add3A_278 = arith.addf %add3A_266, %get3A_277 : vector<16xf32>
      %exp3A = math.exp %add3A_278 : vector<16xf32>
      %mul3A_279 = arith.mulf %exp3A, %get3A_103 : vector<16xf32>
      %swap3A_280 = arith.index_cast %scan3A_89 : i32 to index
      %swap3A_281 = arith.constant 0 : index
      %swap3A_282 = tpu.vector_load %arg13[%swap3A_280, %swap3A_281] {strides = array<i32>} : memref<40x144xf32, #tpu.memory_space<vmem>>, vector<1x16xf32>,
      %swap3A_283 = vector.shape_cast %swap3A_282 : vector<1x16xf32> to vector<16xf32>
      %swap3A_284 = vector.shape_cast %mul3A_279 : vector<16xf32> to vector<1x16xf32>
      tpu.vector_store %arg13[%swap3A_280, %swap3A_281], %swap3A_284 {strides = array<i32>} : memref<40x144xf32, #tpu.memory_space<vmem>>, vector<1x16xf32>,
      %mul3A_285 = arith.mulf %exp3A, %get3A_122 : vector<16xf32>
      %swap3A_286 = arith.index_cast %scan3A_89 : i32 to index
      %swap3A_287 = arith.constant 16 : index
      %swap3A_288 = tpu.vector_load %arg13[%swap3A_286, %swap3A_287] {strides = array<i32>} : memref<40x144xf32, #tpu.memory_space<vmem>>, vector<1x16xf32>,
      %swap3A_289 = vector.shape_cast %swap3A_288 : vector<1x16xf32> to vector<16xf32>
      %swap3A_290 = vector.shape_cast %mul3A_285 : vector<16xf32> to vector<1x16xf32>
      tpu.vector_store %arg13[%swap3A_286, %swap3A_287], %swap3A_290 {strides = array<i32>} : memref<40x144xf32, #tpu.memory_space<vmem>>, vector<1x16xf32>,
      %mul3A_291 = arith.mulf %exp3A, %get3A_143 : vector<16xf32>
      %swap3A_292 = arith.index_cast %scan3A_89 : i32 to index
      %swap3A_293 = arith.constant 32 : index
      %swap3A_294 = tpu.vector_load %arg13[%swap3A_292, %swap3A_293] {strides = array<i32>} : memref<40x144xf32, #tpu.memory_space<vmem>>, vector<1x16xf32>,
      %swap3A_295 = vector.shape_cast %swap3A_294 : vector<1x16xf32> to vector<16xf32>
      %swap3A_296 = vector.shape_cast %mul3A_291 : vector<16xf32> to vector<1x16xf32>
      tpu.vector_store %arg13[%swap3A_292, %swap3A_293], %swap3A_296 {strides = array<i32>} : memref<40x144xf32, #tpu.memory_space<vmem>>, vector<1x16xf32>,
      %mul3A_297 = arith.mulf %exp3A, %get3A_164 : vector<16xf32>
      %swap3A_298 = arith.index_cast %scan3A_89 : i32 to index
      %swap3A_299 = arith.constant 48 : index
      %swap3A_300 = tpu.vector_load %arg13[%swap3A_298, %swap3A_299] {strides = array<i32>} : memref<40x144xf32, #tpu.memory_space<vmem>>, vector<1x16xf32>,
      %swap3A_301 = vector.shape_cast %swap3A_300 : vector<1x16xf32> to vector<16xf32>
      %swap3A_302 = vector.shape_cast %mul3A_297 : vector<16xf32> to vector<1x16xf32>
      tpu.vector_store %arg13[%swap3A_298, %swap3A_299], %swap3A_302 {strides = array<i32>} : memref<40x144xf32, #tpu.memory_space<vmem>>, vector<1x16xf32>,
      %mul3A_303 = arith.mulf %exp3A, %get3A_185 : vector<16xf32>
      %swap3A_304 = arith.index_cast %scan3A_89 : i32 to index
      %swap3A_305 = arith.constant 64 : index
      %swap3A_306 = tpu.vector_load %arg13[%swap3A_304, %swap3A_305] {strides = array<i32>} : memref<40x144xf32, #tpu.memory_space<vmem>>, vector<1x16xf32>,
      %swap3A_307 = vector.shape_cast %swap3A_306 : vector<1x16xf32> to vector<16xf32>
      %swap3A_308 = vector.shape_cast %mul3A_303 : vector<16xf32> to vector<1x16xf32>
      tpu.vector_store %arg13[%swap3A_304, %swap3A_305], %swap3A_308 {strides = array<i32>} : memref<40x144xf32, #tpu.memory_space<vmem>>, vector<1x16xf32>,
      %mul3A_309 = arith.mulf %exp3A, %get3A_206 : vector<16xf32>
      %swap3A_310 = arith.index_cast %scan3A_89 : i32 to index
      %swap3A_311 = arith.constant 80 : index
      %swap3A_312 = tpu.vector_load %arg13[%swap3A_310, %swap3A_311] {strides = array<i32>} : memref<40x144xf32, #tpu.memory_space<vmem>>, vector<1x16xf32>,
      %swap3A_313 = vector.shape_cast %swap3A_312 : vector<1x16xf32> to vector<16xf32>
      %swap3A_314 = vector.shape_cast %mul3A_309 : vector<16xf32> to vector<1x16xf32>
      tpu.vector_store %arg13[%swap3A_310, %swap3A_311], %swap3A_314 {strides = array<i32>} : memref<40x144xf32, #tpu.memory_space<vmem>>, vector<1x16xf32>,
      %mul3A_315 = arith.mulf %exp3A, %get3A_227 : vector<16xf32>
      %swap3A_316 = arith.index_cast %scan3A_89 : i32 to index
      %swap3A_317 = arith.constant 96 : index
      %swap3A_318 = tpu.vector_load %arg13[%swap3A_316, %swap3A_317] {strides = array<i32>} : memref<40x144xf32, #tpu.memory_space<vmem>>, vector<1x16xf32>,
      %swap3A_319 = vector.shape_cast %swap3A_318 : vector<1x16xf32> to vector<16xf32>
      %swap3A_320 = vector.shape_cast %mul3A_315 : vector<16xf32> to vector<1x16xf32>
      tpu.vector_store %arg13[%swap3A_316, %swap3A_317], %swap3A_320 {strides = array<i32>} : memref<40x144xf32, #tpu.memory_space<vmem>>, vector<1x16xf32>,
      %mul3A_321 = arith.mulf %exp3A, %get3A_248 : vector<16xf32>
      %swap3A_322 = arith.index_cast %scan3A_89 : i32 to index
      %swap3A_323 = arith.constant 112 : index
      %swap3A_324 = tpu.vector_load %arg13[%swap3A_322, %swap3A_323] {strides = array<i32>} : memref<40x144xf32, #tpu.memory_space<vmem>>, vector<1x16xf32>,
      %swap3A_325 = vector.shape_cast %swap3A_324 : vector<1x16xf32> to vector<16xf32>
      %swap3A_326 = vector.shape_cast %mul3A_321 : vector<16xf32> to vector<1x16xf32>
      tpu.vector_store %arg13[%swap3A_322, %swap3A_323], %swap3A_326 {strides = array<i32>} : memref<40x144xf32, #tpu.memory_space<vmem>>, vector<1x16xf32>,
      %swap3A_327 = arith.index_cast %scan3A_89 : i32 to index
      %swap3A_328 = arith.constant 128 : index
      %swap3A_329 = tpu.vector_load %arg13[%swap3A_327, %swap3A_328] {strides = array<i32>} : memref<40x144xf32, #tpu.memory_space<vmem>>, vector<1x16xf32>,
      %swap3A_330 = vector.shape_cast %swap3A_329 : vector<1x16xf32> to vector<16xf32>
      %swap3A_331 = vector.shape_cast %exp3A : vector<16xf32> to vector<1x16xf32>
      tpu.vector_store %arg13[%swap3A_327, %swap3A_328], %swap3A_331 {strides = array<i32>} : memref<40x144xf32, #tpu.memory_space<vmem>>, vector<1x16xf32>,
    }
    %scan3A_78 = arith.constant 40 : i32
    %run_scoped3A = arith.constant 0 : i32
    "tpu.region"() ({
      %run_scoped3A_89 = tpu.sem_alloc : memref<!tpu.dma_semaphore, #tpu.memory_space<semaphore_mem>>
      %dma_start3A_90 = arith.constant 0 : i32
      %dma_start3A_91 = tpu.memref_slice %arg10[%run_scoped3A, %dma_start3A_90] : memref<2x40xi32, #tpu.memory_space<vmem>> -> memref<1x40xi32, #tpu.memory_space<vmem>>
      %dma_start3A_92 = tpu.memref_squeeze %dma_start3A_91 : memref<1x40xi32, #tpu.memory_space<vmem>> -> memref<40xi32, #tpu.memory_space<vmem>>
      %dma_start3A_93 = arith.constant 0 : i32
      %dma_start3A_94 = arith.constant 0 : i32
      %dma_start3A_95 = tpu.memref_slice %arg8[%dma_start3A_93, %dma_start3A_94] : memref<10000x144xf32, #tpu.memory_space<vmem_shared>> -> memref<10000x144xf32, #tpu.memory_space<vmem_shared>>
      tpu.enqueue_indirect_dma source(%arg13 : memref<40x144xf32, #tpu.memory_space<vmem>>) target(%dma_start3A_95 : memref<10000x144xf32, #tpu.memory_space<vmem_shared>>) offsets(%dma_start3A_92 : memref<40xi32, #tpu.memory_space<vmem>>) semaphore(%run_scoped3A_89 : memref<!tpu.dma_semaphore, #tpu.memory_space<semaphore_mem>>) {add = true}
      %dma_wait3A_96 = arith.constant 0 : i32
      %dma_wait3A_97 = tpu.memref_slice %arg10[%run_scoped3A, %dma_wait3A_96] : memref<2x40xi32, #tpu.memory_space<vmem>> -> memref<1x40xi32, #tpu.memory_space<vmem>>
      %dma_wait3A_98 = tpu.memref_squeeze %dma_wait3A_97 : memref<1x40xi32, #tpu.memory_space<vmem>> -> memref<40xi32, #tpu.memory_space<vmem>>
      %dma_wait3A_99 = arith.constant 0 : i32
      %dma_wait3A_100 = arith.constant 0 : i32
      %dma_wait3A_101 = tpu.memref_slice %arg8[%dma_wait3A_99, %dma_wait3A_100] : memref<10000x144xf32, #tpu.memory_space<vmem_shared>> -> memref<10000x144xf32, #tpu.memory_space<vmem_shared>>
      tpu.wait_indirect_dma semaphore(%run_scoped3A_89 : memref<!tpu.dma_semaphore, #tpu.memory_space<semaphore_mem>>) src(%arg13 : memref<40x144xf32, #tpu.memory_space<vmem>>) dst(%dma_wait3A_101 : memref<10000x144xf32, #tpu.memory_space<vmem_shared>>)
      tpu.yield
    }) : () -> ()
    %barrier3A_79 = arith.constant 0 : index
    tpu.barrier barrier_id(%barrier3A_79)
    %mul3A_80 = arith.constant 624 : i32
    %mul3A_81 = arith.muli %arg1, %mul3A_80 : i32
    %mul3A_82 = arith.constant 624 : i32
    %mul3A_83 = arith.muli %arg1, %mul3A_82 : i32
    "tpu.region"() ({
      %run_scoped3A_89 = tpu.sem_alloc : memref<!tpu.dma_semaphore, #tpu.memory_space<semaphore_mem>>
      %dma_start3A_90 = arith.constant 0 : i32
      %dma_start3A_91 = tpu.memref_slice %arg7[%arg0, %mul3A_83, %dma_start3A_90] : memref<2x10000x144xf32, #tpu.memory_space<hbm>> -> memref<1x624x144xf32, #tpu.memory_space<hbm>>
      %dma_start3A_92 = tpu.memref_squeeze %dma_start3A_91 : memref<1x624x144xf32, #tpu.memory_space<hbm>> -> memref<624x144xf32, #tpu.memory_space<hbm>>
      %dma_start3A_93 = arith.constant 0 : i32
      %dma_start3A_94 = tpu.memref_slice %arg8[%mul3A_81, %dma_start3A_93] : memref<10000x144xf32, #tpu.memory_space<vmem_shared>> -> memref<624x144xf32, #tpu.memory_space<vmem_shared>>
      tpu.enqueue_dma source(%dma_start3A_94 : memref<624x144xf32, #tpu.memory_space<vmem_shared>>) target(%dma_start3A_92 : memref<624x144xf32, #tpu.memory_space<hbm>>) target_semaphore(%run_scoped3A_89 : memref<!tpu.dma_semaphore, #tpu.memory_space<semaphore_mem>>)
      %dma_wait3A_95 = arith.constant 0 : i32
      %dma_wait3A_96 = tpu.memref_slice %arg7[%arg0, %mul3A_83, %dma_wait3A_95] : memref<2x10000x144xf32, #tpu.memory_space<hbm>> -> memref<1x624x144xf32, #tpu.memory_space<hbm>>
      %dma_wait3A_97 = tpu.memref_squeeze %dma_wait3A_96 : memref<1x624x144xf32, #tpu.memory_space<hbm>> -> memref<624x144xf32, #tpu.memory_space<hbm>>
      %dma_wait3A_98 = arith.constant 0 : i32
      %dma_wait3A_99 = tpu.memref_slice %arg8[%mul3A_81, %dma_wait3A_98] : memref<10000x144xf32, #tpu.memory_space<vmem_shared>> -> memref<624x144xf32, #tpu.memory_space<vmem_shared>>
      tpu.wait_dma2 semaphore(%run_scoped3A_89 : memref<!tpu.dma_semaphore, #tpu.memory_space<semaphore_mem>>) src(%dma_wait3A_99 : memref<624x144xf32, #tpu.memory_space<vmem_shared>>) dst(%dma_wait3A_97 : memref<624x144xf32, #tpu.memory_space<hbm>>)
      tpu.yield
    }) : () -> ()
    %eq3A_84 = arith.constant 0 : i32
    %eq3A_85 = arith.cmpi eq, %arg1, %eq3A_84 : i32
    %convert_element_type3A_86 = arith.extui %eq3A_85 : i1 to i32
    %cond3A_87 = arith.constant 0 : i32
    %cond3A_88 = arith.cmpi ne, %convert_element_type3A_86, %cond3A_87 : i32
    scf.if %cond3A_88 {
      "tpu.region"() ({
        %run_scoped3A_89 = tpu.sem_alloc : memref<!tpu.dma_semaphore, #tpu.memory_space<semaphore_mem>>
        %dma_start3A_90 = arith.constant 9984 : i32
        %dma_start3A_91 = arith.constant 0 : i32
        %dma_start3A_92 = tpu.memref_slice %arg7[%arg0, %dma_start3A_90, %dma_start3A_91] : memref<2x10000x144xf32, #tpu.memory_space<hbm>> -> memref<1x16x144xf32, #tpu.memory_space<hbm>>
        %dma_start3A_93 = tpu.memref_squeeze %dma_start3A_92 : memref<1x16x144xf32, #tpu.memory_space<hbm>> -> memref<16x144xf32, #tpu.memory_space<hbm>>
        %dma_start3A_94 = arith.constant 9984 : i32
        %dma_start3A_95 = arith.constant 0 : i32
        %dma_start3A_96 = tpu.memref_slice %arg8[%dma_start3A_94, %dma_start3A_95] : memref<10000x144xf32, #tpu.memory_space<vmem_shared>> -> memref<16x144xf32, #tpu.memory_space<vmem_shared>>
        tpu.enqueue_dma source(%dma_start3A_96 : memref<16x144xf32, #tpu.memory_space<vmem_shared>>) target(%dma_start3A_93 : memref<16x144xf32, #tpu.memory_space<hbm>>) target_semaphore(%run_scoped3A_89 : memref<!tpu.dma_semaphore, #tpu.memory_space<semaphore_mem>>)
        %dma_wait3A_97 = arith.constant 9984 : i32
        %dma_wait3A_98 = arith.constant 0 : i32
        %dma_wait3A_99 = tpu.memref_slice %arg7[%arg0, %dma_wait3A_97, %dma_wait3A_98] : memref<2x10000x144xf32, #tpu.memory_space<hbm>> -> memref<1x16x144xf32, #tpu.memory_space<hbm>>
        %dma_wait3A_100 = tpu.memref_squeeze %dma_wait3A_99 : memref<1x16x144xf32, #tpu.memory_space<hbm>> -> memref<16x144xf32, #tpu.memory_space<hbm>>
        %dma_wait3A_101 = arith.constant 9984 : i32
        %dma_wait3A_102 = arith.constant 0 : i32
        %dma_wait3A_103 = tpu.memref_slice %arg8[%dma_wait3A_101, %dma_wait3A_102] : memref<10000x144xf32, #tpu.memory_space<vmem_shared>> -> memref<16x144xf32, #tpu.memory_space<vmem_shared>>
        tpu.wait_dma2 semaphore(%run_scoped3A_89 : memref<!tpu.dma_semaphore, #tpu.memory_space<semaphore_mem>>) src(%dma_wait3A_103 : memref<16x144xf32, #tpu.memory_space<vmem_shared>>) dst(%dma_wait3A_100 : memref<16x144xf32, #tpu.memory_space<hbm>>)
        tpu.yield
      }) : () -> ()
    } else {
    }
    return
  }
}

#map = affine_map<(d0, d1) -> (0, 0, 0)>
#map1 = affine_map<(d0, d1) -> (0, 0)>
#map2 = affine_map<(d0, d1) -> (0)>
module attributes {stable_mosaic.version = 14 : i64} {
  func.func @edge_pass(%arg0: i32, %arg1: i32, %arg2: memref<32x125x80xi32, #tpu.memory_space<hbm>>, %arg3: memref<32x125x40xi32, #tpu.memory_space<hbm>>, %arg4: memref<10000x128xf32, #tpu.memory_space<hbm>>, %arg5: memref<128xf32, #tpu.memory_space<hbm>>, %arg6: memref<625x144xf32, #tpu.memory_space<hbm>>, %arg7: memref<2x10000x144xf32, #tpu.memory_space<hbm>>, %arg8: memref<10000x144xf32, #tpu.memory_space<vmem_shared>>, %arg9: memref<125x80xi32, #tpu.memory_space<vmem>>, %arg10: memref<2x40xi32, #tpu.memory_space<vmem>>, %arg11: memref<80x128xf32, #tpu.memory_space<vmem>>, %arg12: memref<80x128xf32, #tpu.memory_space<vmem>>, %arg13: memref<40x144xf32, #tpu.memory_space<vmem>>, %arg14: memref<128xf32, #tpu.memory_space<vmem>>, %arg15: memref<32xf32, #tpu.memory_space<vmem>>, %arg16: memref<!tpu.dma_semaphore, #tpu.memory_space<semaphore_mem>>, %arg17: memref<!tpu.dma_semaphore, #tpu.memory_space<semaphore_mem>>) attributes {dimension_semantics = [#tpu.dimension_semantics<core_parallel>, #tpu.dimension_semantics<subcore_parallel>], iteration_bounds = array<i64: 2, 16>, scalar_prefetch = 0 : i64, scratch_operands = 10 : i64, tpu.core_type = #tpu.core_type<sc_vector_subcore>, window_params = [{transform_indices = #map}, {transform_indices = #map}, {transform_indices = #map1}, {transform_indices = #map2}, {transform_indices = #map1}, {transform_indices = #map}]} {
    %mul3A = arith.constant 2 : i32
    %mul3A_0 = arith.muli %arg1, %mul3A : i32
    %add3A = arith.addi %mul3A_0, %arg0 : i32
    %mul3A_1 = arith.constant 624 : i32
    %mul3A_2 = arith.muli %arg1, %mul3A_1 : i32
    "tpu.region"() ({
      %run_scoped3A_89 = tpu.sem_alloc : memref<!tpu.dma_semaphore, #tpu.memory_space<semaphore_mem>>
      %dma_start3A_90 = arith.constant 0 : i32
      %dma_start3A_91 = tpu.memref_slice %arg8[%mul3A_2, %dma_start3A_90] : memref<10000x144xf32, #tpu.memory_space<vmem_shared>> -> memref<624x144xf32, #tpu.memory_space<vmem_shared>>
      %dma_start3A_92 = arith.constant 0 : i32
      %dma_start3A_93 = arith.constant 0 : i32
      %dma_start3A_94 = tpu.memref_slice %arg6[%dma_start3A_92, %dma_start3A_93] : memref<625x144xf32, #tpu.memory_space<hbm>> -> memref<624x144xf32, #tpu.memory_space<hbm>>
      tpu.enqueue_dma source(%dma_start3A_94 : memref<624x144xf32, #tpu.memory_space<hbm>>) target(%dma_start3A_91 : memref<624x144xf32, #tpu.memory_space<vmem_shared>>) target_semaphore(%run_scoped3A_89 : memref<!tpu.dma_semaphore, #tpu.memory_space<semaphore_mem>>)
      %dma_wait3A_95 = arith.constant 0 : i32
      %dma_wait3A_96 = tpu.memref_slice %arg8[%mul3A_2, %dma_wait3A_95] : memref<10000x144xf32, #tpu.memory_space<vmem_shared>> -> memref<624x144xf32, #tpu.memory_space<vmem_shared>>
      %dma_wait3A_97 = arith.constant 0 : i32
      %dma_wait3A_98 = arith.constant 0 : i32
      %dma_wait3A_99 = tpu.memref_slice %arg6[%dma_wait3A_97, %dma_wait3A_98] : memref<625x144xf32, #tpu.memory_space<hbm>> -> memref<624x144xf32, #tpu.memory_space<hbm>>
      tpu.wait_dma2 semaphore(%run_scoped3A_89 : memref<!tpu.dma_semaphore, #tpu.memory_space<semaphore_mem>>) src(%dma_wait3A_99 : memref<624x144xf32, #tpu.memory_space<hbm>>) dst(%dma_wait3A_96 : memref<624x144xf32, #tpu.memory_space<vmem_shared>>)
      tpu.yield
    }) : () -> ()
    %eq3A = arith.constant 0 : i32
    %eq3A_3 = arith.cmpi eq, %arg1, %eq3A : i32
    %convert_element_type3A = arith.extui %eq3A_3 : i1 to i32
    %cond3A = arith.constant 0 : i32
    %cond3A_4 = arith.cmpi ne, %convert_element_type3A, %cond3A : i32
    scf.if %cond3A_4 {
      "tpu.region"() ({
        %run_scoped3A_89 = tpu.sem_alloc : memref<!tpu.dma_semaphore, #tpu.memory_space<semaphore_mem>>
        %dma_start3A_90 = arith.constant 9984 : i32
        %dma_start3A_91 = arith.constant 0 : i32
        %dma_start3A_92 = tpu.memref_slice %arg8[%dma_start3A_90, %dma_start3A_91] : memref<10000x144xf32, #tpu.memory_space<vmem_shared>> -> memref<16x144xf32, #tpu.memory_space<vmem_shared>>
        %dma_start3A_93 = arith.constant 0 : i32
        %dma_start3A_94 = arith.constant 0 : i32
        %dma_start3A_95 = tpu.memref_slice %arg6[%dma_start3A_93, %dma_start3A_94] : memref<625x144xf32, #tpu.memory_space<hbm>> -> memref<16x144xf32, #tpu.memory_space<hbm>>
        tpu.enqueue_dma source(%dma_start3A_95 : memref<16x144xf32, #tpu.memory_space<hbm>>) target(%dma_start3A_92 : memref<16x144xf32, #tpu.memory_space<vmem_shared>>) target_semaphore(%run_scoped3A_89 : memref<!tpu.dma_semaphore, #tpu.memory_space<semaphore_mem>>)
        %dma_wait3A_96 = arith.constant 9984 : i32
        %dma_wait3A_97 = arith.constant 0 : i32
        %dma_wait3A_98 = tpu.memref_slice %arg8[%dma_wait3A_96, %dma_wait3A_97] : memref<10000x144xf32, #tpu.memory_space<vmem_shared>> -> memref<16x144xf32, #tpu.memory_space<vmem_shared>>
        %dma_wait3A_99 = arith.constant 0 : i32
        %dma_wait3A_100 = arith.constant 0 : i32
        %dma_wait3A_101 = tpu.memref_slice %arg6[%dma_wait3A_99, %dma_wait3A_100] : memref<625x144xf32, #tpu.memory_space<hbm>> -> memref<16x144xf32, #tpu.memory_space<hbm>>
        tpu.wait_dma2 semaphore(%run_scoped3A_89 : memref<!tpu.dma_semaphore, #tpu.memory_space<semaphore_mem>>) src(%dma_wait3A_101 : memref<16x144xf32, #tpu.memory_space<hbm>>) dst(%dma_wait3A_98 : memref<16x144xf32, #tpu.memory_space<vmem_shared>>)
        tpu.yield
      }) : () -> ()
    } else {
    }
    "tpu.region"() ({
      %run_scoped3A_89 = tpu.sem_alloc : memref<!tpu.dma_semaphore, #tpu.memory_space<semaphore_mem>>
      tpu.enqueue_dma source(%arg5 : memref<128xf32, #tpu.memory_space<hbm>>) target(%arg14 : memref<128xf32, #tpu.memory_space<vmem>>) target_semaphore(%run_scoped3A_89 : memref<!tpu.dma_semaphore, #tpu.memory_space<semaphore_mem>>)
      tpu.wait_dma2 semaphore(%run_scoped3A_89 : memref<!tpu.dma_semaphore, #tpu.memory_space<semaphore_mem>>) src(%arg5 : memref<128xf32, #tpu.memory_space<hbm>>) dst(%arg14 : memref<128xf32, #tpu.memory_space<vmem>>)
      tpu.yield
    }) : () -> ()
    "tpu.region"() ({
      %run_scoped3A_89 = tpu.sem_alloc : memref<!tpu.dma_semaphore, #tpu.memory_space<semaphore_mem>>
      %dma_start3A_90 = arith.constant 0 : i32
      %dma_start3A_91 = arith.constant 0 : i32
      %dma_start3A_92 = tpu.memref_slice %arg2[%add3A, %dma_start3A_90, %dma_start3A_91] : memref<32x125x80xi32, #tpu.memory_space<hbm>> -> memref<1x125x80xi32, #tpu.memory_space<hbm>>
      %dma_start3A_93 = tpu.memref_squeeze %dma_start3A_92 : memref<1x125x80xi32, #tpu.memory_space<hbm>> -> memref<125x80xi32, #tpu.memory_space<hbm>>
      %dma_start3A_94 = arith.constant 0 : i32
      %dma_start3A_95 = arith.constant 0 : i32
      %dma_start3A_96 = tpu.memref_slice %arg2[%add3A, %dma_start3A_94, %dma_start3A_95] : memref<32x125x80xi32, #tpu.memory_space<hbm>> -> memref<1x125x80xi32, #tpu.memory_space<hbm>>
      %dma_start3A_97 = tpu.memref_squeeze %dma_start3A_96 : memref<1x125x80xi32, #tpu.memory_space<hbm>> -> memref<125x80xi32, #tpu.memory_space<hbm>>
      tpu.enqueue_dma source(%dma_start3A_97 : memref<125x80xi32, #tpu.memory_space<hbm>>) target(%arg9 : memref<125x80xi32, #tpu.memory_space<vmem>>) target_semaphore(%run_scoped3A_89 : memref<!tpu.dma_semaphore, #tpu.memory_space<semaphore_mem>>)
      %dma_wait3A_98 = arith.constant 0 : i32
      %dma_wait3A_99 = arith.constant 0 : i32
      %dma_wait3A_100 = tpu.memref_slice %arg2[%add3A, %dma_wait3A_98, %dma_wait3A_99] : memref<32x125x80xi32, #tpu.memory_space<hbm>> -> memref<1x125x80xi32, #tpu.memory_space<hbm>>
      %dma_wait3A_101 = tpu.memref_squeeze %dma_wait3A_100 : memref<1x125x80xi32, #tpu.memory_space<hbm>> -> memref<125x80xi32, #tpu.memory_space<hbm>>
      %dma_wait3A_102 = arith.constant 0 : i32
      %dma_wait3A_103 = arith.constant 0 : i32
      %dma_wait3A_104 = tpu.memref_slice %arg2[%add3A, %dma_wait3A_102, %dma_wait3A_103] : memref<32x125x80xi32, #tpu.memory_space<hbm>> -> memref<1x125x80xi32, #tpu.memory_space<hbm>>
      %dma_wait3A_105 = tpu.memref_squeeze %dma_wait3A_104 : memref<1x125x80xi32, #tpu.memory_space<hbm>> -> memref<125x80xi32, #tpu.memory_space<hbm>>
      tpu.wait_dma2 semaphore(%run_scoped3A_89 : memref<!tpu.dma_semaphore, #tpu.memory_space<semaphore_mem>>) src(%dma_wait3A_105 : memref<125x80xi32, #tpu.memory_space<hbm>>) dst(%arg9 : memref<125x80xi32, #tpu.memory_space<vmem>>)
      tpu.yield
    }) : () -> ()
    %barrier3A = arith.constant 0 : index
    tpu.barrier barrier_id(%barrier3A)
    %get3A = arith.constant 0 : index
    %get3A_5 = tpu.vector_load %arg14[%get3A] {strides = array<i32>} : memref<128xf32, #tpu.memory_space<vmem>>, vector<16xf32>,
    %get3A_6 = vector.shape_cast %get3A_5 : vector<16xf32> to vector<16xf32>
    %get3A_7 = arith.constant 16 : index
    %get3A_8 = tpu.vector_load %arg14[%get3A_7] {strides = array<i32>} : memref<128xf32, #tpu.memory_space<vmem>>, vector<16xf32>,
    %get3A_9 = vector.shape_cast %get3A_8 : vector<16xf32> to vector<16xf32>
    %get3A_10 = arith.constant 32 : index
    %get3A_11 = tpu.vector_load %arg14[%get3A_10] {strides = array<i32>} : memref<128xf32, #tpu.memory_space<vmem>>, vector<16xf32>,
    %get3A_12 = vector.shape_cast %get3A_11 : vector<16xf32> to vector<16xf32>
    %get3A_13 = arith.constant 48 : index
    %get3A_14 = tpu.vector_load %arg14[%get3A_13] {strides = array<i32>} : memref<128xf32, #tpu.memory_space<vmem>>, vector<16xf32>,
    %get3A_15 = vector.shape_cast %get3A_14 : vector<16xf32> to vector<16xf32>
    %get3A_16 = arith.constant 64 : index
    %get3A_17 = tpu.vector_load %arg14[%get3A_16] {strides = array<i32>} : memref<128xf32, #tpu.memory_space<vmem>>, vector<16xf32>,
    %get3A_18 = vector.shape_cast %get3A_17 : vector<16xf32> to vector<16xf32>
    %get3A_19 = arith.constant 80 : index
    %get3A_20 = tpu.vector_load %arg14[%get3A_19] {strides = array<i32>} : memref<128xf32, #tpu.memory_space<vmem>>, vector<16xf32>,
    %get3A_21 = vector.shape_cast %get3A_20 : vector<16xf32> to vector<16xf32>
    %get3A_22 = arith.constant 96 : index
    %get3A_23 = tpu.vector_load %arg14[%get3A_22] {strides = array<i32>} : memref<128xf32, #tpu.memory_space<vmem>>, vector<16xf32>,
    %get3A_24 = vector.shape_cast %get3A_23 : vector<16xf32> to vector<16xf32>
    %get3A_25 = arith.constant 112 : index
    %get3A_26 = tpu.vector_load %arg14[%get3A_25] {strides = array<i32>} : memref<128xf32, #tpu.memory_space<vmem>>, vector<16xf32>,
    %get3A_27 = vector.shape_cast %get3A_26 : vector<16xf32> to vector<16xf32>
    %dma_start3A = arith.constant 0 : i32
    %dma_start3A_28 = arith.constant 0 : i32
    %dma_start3A_29 = tpu.memref_slice %arg9[%dma_start3A, %dma_start3A_28] : memref<125x80xi32, #tpu.memory_space<vmem>> -> memref<1x80xi32, #tpu.memory_space<vmem>>
    %dma_start3A_30 = tpu.memref_squeeze %dma_start3A_29 : memref<1x80xi32, #tpu.memory_space<vmem>> -> memref<80xi32, #tpu.memory_space<vmem>>
    %dma_start3A_31 = arith.constant 0 : i32
    %dma_start3A_32 = arith.constant 0 : i32
    %dma_start3A_33 = tpu.memref_slice %arg4[%dma_start3A_31, %dma_start3A_32] : memref<10000x128xf32, #tpu.memory_space<hbm>> -> memref<10000x128xf32, #tpu.memory_space<hbm>>
    tpu.enqueue_indirect_dma source(%dma_start3A_33 : memref<10000x128xf32, #tpu.memory_space<hbm>>) target(%arg11 : memref<80x128xf32, #tpu.memory_space<vmem>>) offsets(%dma_start3A_30 : memref<80xi32, #tpu.memory_space<vmem>>) semaphore(%arg16 : memref<!tpu.dma_semaphore, #tpu.memory_space<semaphore_mem>>)
    %dma_start3A_34 = arith.constant 0 : i32
    %dma_start3A_35 = arith.constant 0 : i32
    %dma_start3A_36 = arith.constant 0 : i32
    %dma_start3A_37 = tpu.memref_slice %arg10[%dma_start3A_35, %dma_start3A_36] : memref<2x40xi32, #tpu.memory_space<vmem>> -> memref<1x40xi32, #tpu.memory_space<vmem>>
    %dma_start3A_38 = tpu.memref_squeeze %dma_start3A_37 : memref<1x40xi32, #tpu.memory_space<vmem>> -> memref<40xi32, #tpu.memory_space<vmem>>
    %dma_start3A_39 = arith.constant 0 : i32
    %dma_start3A_40 = tpu.memref_slice %arg3[%add3A, %dma_start3A_34, %dma_start3A_39] : memref<32x125x40xi32, #tpu.memory_space<hbm>> -> memref<1x1x40xi32, #tpu.memory_space<hbm>>
    %dma_start3A_41 = tpu.memref_squeeze %dma_start3A_40 : memref<1x1x40xi32, #tpu.memory_space<hbm>> -> memref<40xi32, #tpu.memory_space<hbm>>
    %dma_start3A_42 = arith.constant 0 : i32
    %dma_start3A_43 = tpu.memref_slice %arg10[%dma_start3A_35, %dma_start3A_42] : memref<2x40xi32, #tpu.memory_space<vmem>> -> memref<1x40xi32, #tpu.memory_space<vmem>>
    %dma_start3A_44 = tpu.memref_squeeze %dma_start3A_43 : memref<1x40xi32, #tpu.memory_space<vmem>> -> memref<40xi32, #tpu.memory_space<vmem>>
    %dma_start3A_45 = arith.constant 0 : i32
    %dma_start3A_46 = tpu.memref_slice %arg3[%add3A, %dma_start3A_34, %dma_start3A_45] : memref<32x125x40xi32, #tpu.memory_space<hbm>> -> memref<1x1x40xi32, #tpu.memory_space<hbm>>
    %dma_start3A_47 = tpu.memref_squeeze %dma_start3A_46 : memref<1x1x40xi32, #tpu.memory_space<hbm>> -> memref<40xi32, #tpu.memory_space<hbm>>
    tpu.enqueue_dma source(%dma_start3A_47 : memref<40xi32, #tpu.memory_space<hbm>>) target(%dma_start3A_44 : memref<40xi32, #tpu.memory_space<vmem>>) target_semaphore(%arg16 : memref<!tpu.dma_semaphore, #tpu.memory_space<semaphore_mem>>)
    %scan3A = arith.constant 0 : i32
    %scan3A_48 = arith.constant 0 : i32
    %scan3A_49 = arith.constant 62 : i32
    %scan3A_50 = arith.addi %scan3A_48, %scan3A_49 : i32
    %scan3A_51 = arith.constant 1 : i32
    scf.for %scan3A_89 = %scan3A_48 to %scan3A_50 step %scan3A_51  : i32 {
      %mul3A_90 = arith.constant 2 : i32
      %mul3A_91 = arith.muli %mul3A_90, %scan3A_89 : i32
      %add3A_92 = arith.constant 1 : i32
      %add3A_93 = arith.addi %mul3A_91, %add3A_92 : i32
      %dma_start3A_94 = arith.constant 0 : i32
      %dma_start3A_95 = tpu.memref_slice %arg9[%add3A_93, %dma_start3A_94] : memref<125x80xi32, #tpu.memory_space<vmem>> -> memref<1x80xi32, #tpu.memory_space<vmem>>
      %dma_start3A_96 = tpu.memref_squeeze %dma_start3A_95 : memref<1x80xi32, #tpu.memory_space<vmem>> -> memref<80xi32, #tpu.memory_space<vmem>>
      %dma_start3A_97 = arith.constant 0 : i32
      %dma_start3A_98 = arith.constant 0 : i32
      %dma_start3A_99 = tpu.memref_slice %arg4[%dma_start3A_97, %dma_start3A_98] : memref<10000x128xf32, #tpu.memory_space<hbm>> -> memref<10000x128xf32, #tpu.memory_space<hbm>>
      tpu.enqueue_indirect_dma source(%dma_start3A_99 : memref<10000x128xf32, #tpu.memory_space<hbm>>) target(%arg12 : memref<80x128xf32, #tpu.memory_space<vmem>>) offsets(%dma_start3A_96 : memref<80xi32, #tpu.memory_space<vmem>>) semaphore(%arg17 : memref<!tpu.dma_semaphore, #tpu.memory_space<semaphore_mem>>)
      %dma_start3A_100 = arith.constant 1 : i32
      %dma_start3A_101 = arith.constant 0 : i32
      %dma_start3A_102 = tpu.memref_slice %arg10[%dma_start3A_100, %dma_start3A_101] : memref<2x40xi32, #tpu.memory_space<vmem>> -> memref<1x40xi32, #tpu.memory_space<vmem>>
      %dma_start3A_103 = tpu.memref_squeeze %dma_start3A_102 : memref<1x40xi32, #tpu.memory_space<vmem>> -> memref<40xi32, #tpu.memory_space<vmem>>
      %dma_start3A_104 = arith.constant 0 : i32
      %dma_start3A_105 = tpu.memref_slice %arg3[%add3A, %add3A_93, %dma_start3A_104] : memref<32x125x40xi32, #tpu.memory_space<hbm>> -> memref<1x1x40xi32, #tpu.memory_space<hbm>>
      %dma_start3A_106 = tpu.memref_squeeze %dma_start3A_105 : memref<1x1x40xi32, #tpu.memory_space<hbm>> -> memref<40xi32, #tpu.memory_space<hbm>>
      %dma_start3A_107 = arith.constant 0 : i32
      %dma_start3A_108 = tpu.memref_slice %arg10[%dma_start3A_100, %dma_start3A_107] : memref<2x40xi32, #tpu.memory_space<vmem>> -> memref<1x40xi32, #tpu.memory_space<vmem>>
      %dma_start3A_109 = tpu.memref_squeeze %dma_start3A_108 : memref<1x40xi32, #tpu.memory_space<vmem>> -> memref<40xi32, #tpu.memory_space<vmem>>
      %dma_start3A_110 = arith.constant 0 : i32
      %dma_start3A_111 = tpu.memref_slice %arg3[%add3A, %add3A_93, %dma_start3A_110] : memref<32x125x40xi32, #tpu.memory_space<hbm>> -> memref<1x1x40xi32, #tpu.memory_space<hbm>>
      %dma_start3A_112 = tpu.memref_squeeze %dma_start3A_111 : memref<1x1x40xi32, #tpu.memory_space<hbm>> -> memref<40xi32, #tpu.memory_space<hbm>>
      tpu.enqueue_dma source(%dma_start3A_112 : memref<40xi32, #tpu.memory_space<hbm>>) target(%dma_start3A_109 : memref<40xi32, #tpu.memory_space<vmem>>) target_semaphore(%arg17 : memref<!tpu.dma_semaphore, #tpu.memory_space<semaphore_mem>>)
      %dma_wait3A_113 = arith.constant 0 : i32
      %dma_wait3A_114 = arith.constant 0 : i32
      %dma_wait3A_115 = tpu.memref_slice %arg4[%dma_wait3A_113, %dma_wait3A_114] : memref<10000x128xf32, #tpu.memory_space<hbm>> -> memref<80x128xf32, #tpu.memory_space<hbm>>
      %dma_wait3A_116 = arith.constant 0 : i32
      %dma_wait3A_117 = arith.constant 0 : i32
      %dma_wait3A_118 = tpu.memref_slice %arg4[%dma_wait3A_116, %dma_wait3A_117] : memref<10000x128xf32, #tpu.memory_space<hbm>> -> memref<80x128xf32, #tpu.memory_space<hbm>>
      tpu.wait_dma2 semaphore(%arg16 : memref<!tpu.dma_semaphore, #tpu.memory_space<semaphore_mem>>) src(%dma_wait3A_118 : memref<80x128xf32, #tpu.memory_space<hbm>>) dst(%arg11 : memref<80x128xf32, #tpu.memory_space<vmem>>)
      %dma_wait3A_119 = arith.constant 0 : i32
      %dma_wait3A_120 = arith.constant 0 : i32
      %dma_wait3A_121 = arith.constant 0 : i32
      %dma_wait3A_122 = arith.constant 0 : i32
      %dma_wait3A_123 = tpu.memref_slice %arg10[%dma_wait3A_121, %dma_wait3A_122] : memref<2x40xi32, #tpu.memory_space<vmem>> -> memref<1x40xi32, #tpu.memory_space<vmem>>
      %dma_wait3A_124 = tpu.memref_squeeze %dma_wait3A_123 : memref<1x40xi32, #tpu.memory_space<vmem>> -> memref<40xi32, #tpu.memory_space<vmem>>
      %dma_wait3A_125 = arith.constant 0 : i32
      %dma_wait3A_126 = tpu.memref_slice %arg3[%dma_wait3A_119, %dma_wait3A_120, %dma_wait3A_125] : memref<32x125x40xi32, #tpu.memory_space<hbm>> -> memref<1x1x40xi32, #tpu.memory_space<hbm>>
      %dma_wait3A_127 = tpu.memref_squeeze %dma_wait3A_126 : memref<1x1x40xi32, #tpu.memory_space<hbm>> -> memref<40xi32, #tpu.memory_space<hbm>>
      %dma_wait3A_128 = arith.constant 0 : i32
      %dma_wait3A_129 = tpu.memref_slice %arg10[%dma_wait3A_121, %dma_wait3A_128] : memref<2x40xi32, #tpu.memory_space<vmem>> -> memref<1x40xi32, #tpu.memory_space<vmem>>
      %dma_wait3A_130 = tpu.memref_squeeze %dma_wait3A_129 : memref<1x40xi32, #tpu.memory_space<vmem>> -> memref<40xi32, #tpu.memory_space<vmem>>
      %dma_wait3A_131 = arith.constant 0 : i32
      %dma_wait3A_132 = tpu.memref_slice %arg3[%dma_wait3A_119, %dma_wait3A_120, %dma_wait3A_131] : memref<32x125x40xi32, #tpu.memory_space<hbm>> -> memref<1x1x40xi32, #tpu.memory_space<hbm>>
      %dma_wait3A_133 = tpu.memref_squeeze %dma_wait3A_132 : memref<1x1x40xi32, #tpu.memory_space<hbm>> -> memref<40xi32, #tpu.memory_space<hbm>>
      tpu.wait_dma2 semaphore(%arg16 : memref<!tpu.dma_semaphore, #tpu.memory_space<semaphore_mem>>) src(%dma_wait3A_133 : memref<40xi32, #tpu.memory_space<hbm>>) dst(%dma_wait3A_130 : memref<40xi32, #tpu.memory_space<vmem>>)
      %scan3A_134 = arith.constant 0 : i32
      %scan3A_135 = arith.constant 0 : i32
      %scan3A_136 = arith.constant 40 : i32
      %scan3A_137 = arith.addi %scan3A_135, %scan3A_136 : i32
      %scan3A_138 = arith.constant 1 : i32
      scf.for %scan3A_192 = %scan3A_135 to %scan3A_137 step %scan3A_138  : i32 {
        %mul3A_193 = arith.constant 2 : i32
        %mul3A_194 = arith.muli %mul3A_193, %scan3A_192 : i32
        %get3A_195 = arith.index_cast %mul3A_194 : i32 to index
        %get3A_196 = arith.constant 0 : index
        %get3A_197 = tpu.vector_load %arg11[%get3A_195, %get3A_196] {strides = array<i32>} : memref<80x128xf32, #tpu.memory_space<vmem>>, vector<1x16xf32>,
        %get3A_198 = vector.shape_cast %get3A_197 : vector<1x16xf32> to vector<16xf32>
        %mul3A_199 = arith.constant 2 : i32
        %mul3A_200 = arith.muli %mul3A_199, %scan3A_192 : i32
        %add3A_201 = arith.constant 1 : i32
        %add3A_202 = arith.addi %mul3A_200, %add3A_201 : i32
        %get3A_203 = arith.index_cast %add3A_202 : i32 to index
        %get3A_204 = arith.constant 0 : index
        %get3A_205 = tpu.vector_load %arg11[%get3A_203, %get3A_204] {strides = array<i32>} : memref<80x128xf32, #tpu.memory_space<vmem>>, vector<1x16xf32>,
        %get3A_206 = vector.shape_cast %get3A_205 : vector<1x16xf32> to vector<16xf32>
        %add3A_207 = arith.addf %get3A_198, %get3A_206 : vector<16xf32>
        %mul3A_208 = arith.constant 2.000000e-01 : f32
        %mul3A_209 = vector.broadcast %mul3A_208 : f32 to vector<16xf32>
        %mul3A_210 = arith.mulf %mul3A_209, %add3A_207 : vector<16xf32>
        %max3A = arith.maximumf %add3A_207, %mul3A_210 : vector<16xf32>
        %mul3A_211 = arith.mulf %max3A, %get3A_6 : vector<16xf32>
        %mul3A_212 = arith.constant 2 : i32
        %mul3A_213 = arith.muli %mul3A_212, %scan3A_192 : i32
        %get3A_214 = arith.index_cast %mul3A_213 : i32 to index
        %get3A_215 = arith.constant 16 : index
        %get3A_216 = tpu.vector_load %arg11[%get3A_214, %get3A_215] {strides = array<i32>} : memref<80x128xf32, #tpu.memory_space<vmem>>, vector<1x16xf32>,
        %get3A_217 = vector.shape_cast %get3A_216 : vector<1x16xf32> to vector<16xf32>
        %mul3A_218 = arith.constant 2 : i32
        %mul3A_219 = arith.muli %mul3A_218, %scan3A_192 : i32
        %add3A_220 = arith.constant 1 : i32
        %add3A_221 = arith.addi %mul3A_219, %add3A_220 : i32
        %get3A_222 = arith.index_cast %add3A_221 : i32 to index
        %get3A_223 = arith.constant 16 : index
        %get3A_224 = tpu.vector_load %arg11[%get3A_222, %get3A_223] {strides = array<i32>} : memref<80x128xf32, #tpu.memory_space<vmem>>, vector<1x16xf32>,
        %get3A_225 = vector.shape_cast %get3A_224 : vector<1x16xf32> to vector<16xf32>
        %add3A_226 = arith.addf %get3A_217, %get3A_225 : vector<16xf32>
        %mul3A_227 = arith.constant 2.000000e-01 : f32
        %mul3A_228 = vector.broadcast %mul3A_227 : f32 to vector<16xf32>
        %mul3A_229 = arith.mulf %mul3A_228, %add3A_226 : vector<16xf32>
        %max3A_230 = arith.maximumf %add3A_226, %mul3A_229 : vector<16xf32>
        %mul3A_231 = arith.mulf %max3A_230, %get3A_9 : vector<16xf32>
        %add3A_232 = arith.addf %mul3A_211, %mul3A_231 : vector<16xf32>
        %mul3A_233 = arith.constant 2 : i32
        %mul3A_234 = arith.muli %mul3A_233, %scan3A_192 : i32
        %get3A_235 = arith.index_cast %mul3A_234 : i32 to index
        %get3A_236 = arith.constant 32 : index
        %get3A_237 = tpu.vector_load %arg11[%get3A_235, %get3A_236] {strides = array<i32>} : memref<80x128xf32, #tpu.memory_space<vmem>>, vector<1x16xf32>,
        %get3A_238 = vector.shape_cast %get3A_237 : vector<1x16xf32> to vector<16xf32>
        %mul3A_239 = arith.constant 2 : i32
        %mul3A_240 = arith.muli %mul3A_239, %scan3A_192 : i32
        %add3A_241 = arith.constant 1 : i32
        %add3A_242 = arith.addi %mul3A_240, %add3A_241 : i32
        %get3A_243 = arith.index_cast %add3A_242 : i32 to index
        %get3A_244 = arith.constant 32 : index
        %get3A_245 = tpu.vector_load %arg11[%get3A_243, %get3A_244] {strides = array<i32>} : memref<80x128xf32, #tpu.memory_space<vmem>>, vector<1x16xf32>,
        %get3A_246 = vector.shape_cast %get3A_245 : vector<1x16xf32> to vector<16xf32>
        %add3A_247 = arith.addf %get3A_238, %get3A_246 : vector<16xf32>
        %mul3A_248 = arith.constant 2.000000e-01 : f32
        %mul3A_249 = vector.broadcast %mul3A_248 : f32 to vector<16xf32>
        %mul3A_250 = arith.mulf %mul3A_249, %add3A_247 : vector<16xf32>
        %max3A_251 = arith.maximumf %add3A_247, %mul3A_250 : vector<16xf32>
        %mul3A_252 = arith.mulf %max3A_251, %get3A_12 : vector<16xf32>
        %add3A_253 = arith.addf %add3A_232, %mul3A_252 : vector<16xf32>
        %mul3A_254 = arith.constant 2 : i32
        %mul3A_255 = arith.muli %mul3A_254, %scan3A_192 : i32
        %get3A_256 = arith.index_cast %mul3A_255 : i32 to index
        %get3A_257 = arith.constant 48 : index
        %get3A_258 = tpu.vector_load %arg11[%get3A_256, %get3A_257] {strides = array<i32>} : memref<80x128xf32, #tpu.memory_space<vmem>>, vector<1x16xf32>,
        %get3A_259 = vector.shape_cast %get3A_258 : vector<1x16xf32> to vector<16xf32>
        %mul3A_260 = arith.constant 2 : i32
        %mul3A_261 = arith.muli %mul3A_260, %scan3A_192 : i32
        %add3A_262 = arith.constant 1 : i32
        %add3A_263 = arith.addi %mul3A_261, %add3A_262 : i32
        %get3A_264 = arith.index_cast %add3A_263 : i32 to index
        %get3A_265 = arith.constant 48 : index
        %get3A_266 = tpu.vector_load %arg11[%get3A_264, %get3A_265] {strides = array<i32>} : memref<80x128xf32, #tpu.memory_space<vmem>>, vector<1x16xf32>,
        %get3A_267 = vector.shape_cast %get3A_266 : vector<1x16xf32> to vector<16xf32>
        %add3A_268 = arith.addf %get3A_259, %get3A_267 : vector<16xf32>
        %mul3A_269 = arith.constant 2.000000e-01 : f32
        %mul3A_270 = vector.broadcast %mul3A_269 : f32 to vector<16xf32>
        %mul3A_271 = arith.mulf %mul3A_270, %add3A_268 : vector<16xf32>
        %max3A_272 = arith.maximumf %add3A_268, %mul3A_271 : vector<16xf32>
        %mul3A_273 = arith.mulf %max3A_272, %get3A_15 : vector<16xf32>
        %add3A_274 = arith.addf %add3A_253, %mul3A_273 : vector<16xf32>
        %mul3A_275 = arith.constant 2 : i32
        %mul3A_276 = arith.muli %mul3A_275, %scan3A_192 : i32
        %get3A_277 = arith.index_cast %mul3A_276 : i32 to index
        %get3A_278 = arith.constant 64 : index
        %get3A_279 = tpu.vector_load %arg11[%get3A_277, %get3A_278] {strides = array<i32>} : memref<80x128xf32, #tpu.memory_space<vmem>>, vector<1x16xf32>,
        %get3A_280 = vector.shape_cast %get3A_279 : vector<1x16xf32> to vector<16xf32>
        %mul3A_281 = arith.constant 2 : i32
        %mul3A_282 = arith.muli %mul3A_281, %scan3A_192 : i32
        %add3A_283 = arith.constant 1 : i32
        %add3A_284 = arith.addi %mul3A_282, %add3A_283 : i32
        %get3A_285 = arith.index_cast %add3A_284 : i32 to index
        %get3A_286 = arith.constant 64 : index
        %get3A_287 = tpu.vector_load %arg11[%get3A_285, %get3A_286] {strides = array<i32>} : memref<80x128xf32, #tpu.memory_space<vmem>>, vector<1x16xf32>,
        %get3A_288 = vector.shape_cast %get3A_287 : vector<1x16xf32> to vector<16xf32>
        %add3A_289 = arith.addf %get3A_280, %get3A_288 : vector<16xf32>
        %mul3A_290 = arith.constant 2.000000e-01 : f32
        %mul3A_291 = vector.broadcast %mul3A_290 : f32 to vector<16xf32>
        %mul3A_292 = arith.mulf %mul3A_291, %add3A_289 : vector<16xf32>
        %max3A_293 = arith.maximumf %add3A_289, %mul3A_292 : vector<16xf32>
        %mul3A_294 = arith.mulf %max3A_293, %get3A_18 : vector<16xf32>
        %add3A_295 = arith.addf %add3A_274, %mul3A_294 : vector<16xf32>
        %mul3A_296 = arith.constant 2 : i32
        %mul3A_297 = arith.muli %mul3A_296, %scan3A_192 : i32
        %get3A_298 = arith.index_cast %mul3A_297 : i32 to index
        %get3A_299 = arith.constant 80 : index
        %get3A_300 = tpu.vector_load %arg11[%get3A_298, %get3A_299] {strides = array<i32>} : memref<80x128xf32, #tpu.memory_space<vmem>>, vector<1x16xf32>,
        %get3A_301 = vector.shape_cast %get3A_300 : vector<1x16xf32> to vector<16xf32>
        %mul3A_302 = arith.constant 2 : i32
        %mul3A_303 = arith.muli %mul3A_302, %scan3A_192 : i32
        %add3A_304 = arith.constant 1 : i32
        %add3A_305 = arith.addi %mul3A_303, %add3A_304 : i32
        %get3A_306 = arith.index_cast %add3A_305 : i32 to index
        %get3A_307 = arith.constant 80 : index
        %get3A_308 = tpu.vector_load %arg11[%get3A_306, %get3A_307] {strides = array<i32>} : memref<80x128xf32, #tpu.memory_space<vmem>>, vector<1x16xf32>,
        %get3A_309 = vector.shape_cast %get3A_308 : vector<1x16xf32> to vector<16xf32>
        %add3A_310 = arith.addf %get3A_301, %get3A_309 : vector<16xf32>
        %mul3A_311 = arith.constant 2.000000e-01 : f32
        %mul3A_312 = vector.broadcast %mul3A_311 : f32 to vector<16xf32>
        %mul3A_313 = arith.mulf %mul3A_312, %add3A_310 : vector<16xf32>
        %max3A_314 = arith.maximumf %add3A_310, %mul3A_313 : vector<16xf32>
        %mul3A_315 = arith.mulf %max3A_314, %get3A_21 : vector<16xf32>
        %add3A_316 = arith.addf %add3A_295, %mul3A_315 : vector<16xf32>
        %mul3A_317 = arith.constant 2 : i32
        %mul3A_318 = arith.muli %mul3A_317, %scan3A_192 : i32
        %get3A_319 = arith.index_cast %mul3A_318 : i32 to index
        %get3A_320 = arith.constant 96 : index
        %get3A_321 = tpu.vector_load %arg11[%get3A_319, %get3A_320] {strides = array<i32>} : memref<80x128xf32, #tpu.memory_space<vmem>>, vector<1x16xf32>,
        %get3A_322 = vector.shape_cast %get3A_321 : vector<1x16xf32> to vector<16xf32>
        %mul3A_323 = arith.constant 2 : i32
        %mul3A_324 = arith.muli %mul3A_323, %scan3A_192 : i32
        %add3A_325 = arith.constant 1 : i32
        %add3A_326 = arith.addi %mul3A_324, %add3A_325 : i32
        %get3A_327 = arith.index_cast %add3A_326 : i32 to index
        %get3A_328 = arith.constant 96 : index
        %get3A_329 = tpu.vector_load %arg11[%get3A_327, %get3A_328] {strides = array<i32>} : memref<80x128xf32, #tpu.memory_space<vmem>>, vector<1x16xf32>,
        %get3A_330 = vector.shape_cast %get3A_329 : vector<1x16xf32> to vector<16xf32>
        %add3A_331 = arith.addf %get3A_322, %get3A_330 : vector<16xf32>
        %mul3A_332 = arith.constant 2.000000e-01 : f32
        %mul3A_333 = vector.broadcast %mul3A_332 : f32 to vector<16xf32>
        %mul3A_334 = arith.mulf %mul3A_333, %add3A_331 : vector<16xf32>
        %max3A_335 = arith.maximumf %add3A_331, %mul3A_334 : vector<16xf32>
        %mul3A_336 = arith.mulf %max3A_335, %get3A_24 : vector<16xf32>
        %add3A_337 = arith.addf %add3A_316, %mul3A_336 : vector<16xf32>
        %mul3A_338 = arith.constant 2 : i32
        %mul3A_339 = arith.muli %mul3A_338, %scan3A_192 : i32
        %get3A_340 = arith.index_cast %mul3A_339 : i32 to index
        %get3A_341 = arith.constant 112 : index
        %get3A_342 = tpu.vector_load %arg11[%get3A_340, %get3A_341] {strides = array<i32>} : memref<80x128xf32, #tpu.memory_space<vmem>>, vector<1x16xf32>,
        %get3A_343 = vector.shape_cast %get3A_342 : vector<1x16xf32> to vector<16xf32>
        %mul3A_344 = arith.constant 2 : i32
        %mul3A_345 = arith.muli %mul3A_344, %scan3A_192 : i32
        %add3A_346 = arith.constant 1 : i32
        %add3A_347 = arith.addi %mul3A_345, %add3A_346 : i32
        %get3A_348 = arith.index_cast %add3A_347 : i32 to index
        %get3A_349 = arith.constant 112 : index
        %get3A_350 = tpu.vector_load %arg11[%get3A_348, %get3A_349] {strides = array<i32>} : memref<80x128xf32, #tpu.memory_space<vmem>>, vector<1x16xf32>,
        %get3A_351 = vector.shape_cast %get3A_350 : vector<1x16xf32> to vector<16xf32>
        %add3A_352 = arith.addf %get3A_343, %get3A_351 : vector<16xf32>
        %mul3A_353 = arith.constant 2.000000e-01 : f32
        %mul3A_354 = vector.broadcast %mul3A_353 : f32 to vector<16xf32>
        %mul3A_355 = arith.mulf %mul3A_354, %add3A_352 : vector<16xf32>
        %max3A_356 = arith.maximumf %add3A_352, %mul3A_355 : vector<16xf32>
        %mul3A_357 = arith.mulf %max3A_356, %get3A_27 : vector<16xf32>
        %add3A_358 = arith.addf %add3A_337, %mul3A_357 : vector<16xf32>
        %swap3A = arith.constant 0 : index
        %swap3A_359 = tpu.vector_load %arg15[%swap3A] {strides = array<i32>} : memref<32xf32, #tpu.memory_space<vmem>>, vector<16xf32>,
        %swap3A_360 = vector.shape_cast %swap3A_359 : vector<16xf32> to vector<16xf32>
        %swap3A_361 = vector.shape_cast %add3A_358 : vector<16xf32> to vector<16xf32>
        tpu.vector_store %arg15[%swap3A], %swap3A_361 {strides = array<i32>} : memref<32xf32, #tpu.memory_space<vmem>>, vector<16xf32>,
        %swap3A_362 = arith.constant 16 : index
        %swap3A_363 = tpu.vector_load %arg15[%swap3A_362] {strides = array<i32>} : memref<32xf32, #tpu.memory_space<vmem>>, vector<16xf32>,
        %swap3A_364 = vector.shape_cast %swap3A_363 : vector<16xf32> to vector<16xf32>
        %swap3A_365 = vector.shape_cast %add3A_358 : vector<16xf32> to vector<16xf32>
        tpu.vector_store %arg15[%swap3A_362], %swap3A_365 {strides = array<i32>} : memref<32xf32, #tpu.memory_space<vmem>>, vector<16xf32>,
        %get3A_366 = arith.constant 8 : index
        %get3A_367 = tpu.vector_load %arg15[%get3A_366] {strides = array<i32>} : memref<32xf32, #tpu.memory_space<vmem>>, vector<16xf32>,
        %get3A_368 = vector.shape_cast %get3A_367 : vector<16xf32> to vector<16xf32>
        %add3A_369 = arith.addf %add3A_358, %get3A_368 : vector<16xf32>
        %swap3A_370 = arith.constant 0 : index
        %swap3A_371 = tpu.vector_load %arg15[%swap3A_370] {strides = array<i32>} : memref<32xf32, #tpu.memory_space<vmem>>, vector<16xf32>,
        %swap3A_372 = vector.shape_cast %swap3A_371 : vector<16xf32> to vector<16xf32>
        %swap3A_373 = vector.shape_cast %add3A_369 : vector<16xf32> to vector<16xf32>
        tpu.vector_store %arg15[%swap3A_370], %swap3A_373 {strides = array<i32>} : memref<32xf32, #tpu.memory_space<vmem>>, vector<16xf32>,
        %swap3A_374 = arith.constant 16 : index
        %swap3A_375 = tpu.vector_load %arg15[%swap3A_374] {strides = array<i32>} : memref<32xf32, #tpu.memory_space<vmem>>, vector<16xf32>,
        %swap3A_376 = vector.shape_cast %swap3A_375 : vector<16xf32> to vector<16xf32>
        %swap3A_377 = vector.shape_cast %add3A_369 : vector<16xf32> to vector<16xf32>
        tpu.vector_store %arg15[%swap3A_374], %swap3A_377 {strides = array<i32>} : memref<32xf32, #tpu.memory_space<vmem>>, vector<16xf32>,
        %get3A_378 = arith.constant 4 : index
        %get3A_379 = tpu.vector_load %arg15[%get3A_378] {strides = array<i32>} : memref<32xf32, #tpu.memory_space<vmem>>, vector<16xf32>,
        %get3A_380 = vector.shape_cast %get3A_379 : vector<16xf32> to vector<16xf32>
        %add3A_381 = arith.addf %add3A_369, %get3A_380 : vector<16xf32>
        %exp3A = math.exp %add3A_381 : vector<16xf32>
        %mul3A_382 = arith.mulf %exp3A, %get3A_206 : vector<16xf32>
        %swap3A_383 = arith.index_cast %scan3A_192 : i32 to index
        %swap3A_384 = arith.constant 0 : index
        %swap3A_385 = tpu.vector_load %arg13[%swap3A_383, %swap3A_384] {strides = array<i32>} : memref<40x144xf32, #tpu.memory_space<vmem>>, vector<1x16xf32>,
        %swap3A_386 = vector.shape_cast %swap3A_385 : vector<1x16xf32> to vector<16xf32>
        %swap3A_387 = vector.shape_cast %mul3A_382 : vector<16xf32> to vector<1x16xf32>
        tpu.vector_store %arg13[%swap3A_383, %swap3A_384], %swap3A_387 {strides = array<i32>} : memref<40x144xf32, #tpu.memory_space<vmem>>, vector<1x16xf32>,
        %mul3A_388 = arith.mulf %exp3A, %get3A_225 : vector<16xf32>
        %swap3A_389 = arith.index_cast %scan3A_192 : i32 to index
        %swap3A_390 = arith.constant 16 : index
        %swap3A_391 = tpu.vector_load %arg13[%swap3A_389, %swap3A_390] {strides = array<i32>} : memref<40x144xf32, #tpu.memory_space<vmem>>, vector<1x16xf32>,
        %swap3A_392 = vector.shape_cast %swap3A_391 : vector<1x16xf32> to vector<16xf32>
        %swap3A_393 = vector.shape_cast %mul3A_388 : vector<16xf32> to vector<1x16xf32>
        tpu.vector_store %arg13[%swap3A_389, %swap3A_390], %swap3A_393 {strides = array<i32>} : memref<40x144xf32, #tpu.memory_space<vmem>>, vector<1x16xf32>,
        %mul3A_394 = arith.mulf %exp3A, %get3A_246 : vector<16xf32>
        %swap3A_395 = arith.index_cast %scan3A_192 : i32 to index
        %swap3A_396 = arith.constant 32 : index
        %swap3A_397 = tpu.vector_load %arg13[%swap3A_395, %swap3A_396] {strides = array<i32>} : memref<40x144xf32, #tpu.memory_space<vmem>>, vector<1x16xf32>,
        %swap3A_398 = vector.shape_cast %swap3A_397 : vector<1x16xf32> to vector<16xf32>
        %swap3A_399 = vector.shape_cast %mul3A_394 : vector<16xf32> to vector<1x16xf32>
        tpu.vector_store %arg13[%swap3A_395, %swap3A_396], %swap3A_399 {strides = array<i32>} : memref<40x144xf32, #tpu.memory_space<vmem>>, vector<1x16xf32>,
        %mul3A_400 = arith.mulf %exp3A, %get3A_267 : vector<16xf32>
        %swap3A_401 = arith.index_cast %scan3A_192 : i32 to index
        %swap3A_402 = arith.constant 48 : index
        %swap3A_403 = tpu.vector_load %arg13[%swap3A_401, %swap3A_402] {strides = array<i32>} : memref<40x144xf32, #tpu.memory_space<vmem>>, vector<1x16xf32>,
        %swap3A_404 = vector.shape_cast %swap3A_403 : vector<1x16xf32> to vector<16xf32>
        %swap3A_405 = vector.shape_cast %mul3A_400 : vector<16xf32> to vector<1x16xf32>
        tpu.vector_store %arg13[%swap3A_401, %swap3A_402], %swap3A_405 {strides = array<i32>} : memref<40x144xf32, #tpu.memory_space<vmem>>, vector<1x16xf32>,
        %mul3A_406 = arith.mulf %exp3A, %get3A_288 : vector<16xf32>
        %swap3A_407 = arith.index_cast %scan3A_192 : i32 to index
        %swap3A_408 = arith.constant 64 : index
        %swap3A_409 = tpu.vector_load %arg13[%swap3A_407, %swap3A_408] {strides = array<i32>} : memref<40x144xf32, #tpu.memory_space<vmem>>, vector<1x16xf32>,
        %swap3A_410 = vector.shape_cast %swap3A_409 : vector<1x16xf32> to vector<16xf32>
        %swap3A_411 = vector.shape_cast %mul3A_406 : vector<16xf32> to vector<1x16xf32>
        tpu.vector_store %arg13[%swap3A_407, %swap3A_408], %swap3A_411 {strides = array<i32>} : memref<40x144xf32, #tpu.memory_space<vmem>>, vector<1x16xf32>,
        %mul3A_412 = arith.mulf %exp3A, %get3A_309 : vector<16xf32>
        %swap3A_413 = arith.index_cast %scan3A_192 : i32 to index
        %swap3A_414 = arith.constant 80 : index
        %swap3A_415 = tpu.vector_load %arg13[%swap3A_413, %swap3A_414] {strides = array<i32>} : memref<40x144xf32, #tpu.memory_space<vmem>>, vector<1x16xf32>,
        %swap3A_416 = vector.shape_cast %swap3A_415 : vector<1x16xf32> to vector<16xf32>
        %swap3A_417 = vector.shape_cast %mul3A_412 : vector<16xf32> to vector<1x16xf32>
        tpu.vector_store %arg13[%swap3A_413, %swap3A_414], %swap3A_417 {strides = array<i32>} : memref<40x144xf32, #tpu.memory_space<vmem>>, vector<1x16xf32>,
        %mul3A_418 = arith.mulf %exp3A, %get3A_330 : vector<16xf32>
        %swap3A_419 = arith.index_cast %scan3A_192 : i32 to index
        %swap3A_420 = arith.constant 96 : index
        %swap3A_421 = tpu.vector_load %arg13[%swap3A_419, %swap3A_420] {strides = array<i32>} : memref<40x144xf32, #tpu.memory_space<vmem>>, vector<1x16xf32>,
        %swap3A_422 = vector.shape_cast %swap3A_421 : vector<1x16xf32> to vector<16xf32>
        %swap3A_423 = vector.shape_cast %mul3A_418 : vector<16xf32> to vector<1x16xf32>
        tpu.vector_store %arg13[%swap3A_419, %swap3A_420], %swap3A_423 {strides = array<i32>} : memref<40x144xf32, #tpu.memory_space<vmem>>, vector<1x16xf32>,
        %mul3A_424 = arith.mulf %exp3A, %get3A_351 : vector<16xf32>
        %swap3A_425 = arith.index_cast %scan3A_192 : i32 to index
        %swap3A_426 = arith.constant 112 : index
        %swap3A_427 = tpu.vector_load %arg13[%swap3A_425, %swap3A_426] {strides = array<i32>} : memref<40x144xf32, #tpu.memory_space<vmem>>, vector<1x16xf32>,
        %swap3A_428 = vector.shape_cast %swap3A_427 : vector<1x16xf32> to vector<16xf32>
        %swap3A_429 = vector.shape_cast %mul3A_424 : vector<16xf32> to vector<1x16xf32>
        tpu.vector_store %arg13[%swap3A_425, %swap3A_426], %swap3A_429 {strides = array<i32>} : memref<40x144xf32, #tpu.memory_space<vmem>>, vector<1x16xf32>,
        %swap3A_430 = arith.index_cast %scan3A_192 : i32 to index
        %swap3A_431 = arith.constant 128 : index
        %swap3A_432 = tpu.vector_load %arg13[%swap3A_430, %swap3A_431] {strides = array<i32>} : memref<40x144xf32, #tpu.memory_space<vmem>>, vector<1x16xf32>,
        %swap3A_433 = vector.shape_cast %swap3A_432 : vector<1x16xf32> to vector<16xf32>
        %swap3A_434 = vector.shape_cast %exp3A : vector<16xf32> to vector<1x16xf32>
        tpu.vector_store %arg13[%swap3A_430, %swap3A_431], %swap3A_434 {strides = array<i32>} : memref<40x144xf32, #tpu.memory_space<vmem>>, vector<1x16xf32>,
      }
      %scan3A_139 = arith.constant 40 : i32
      %run_scoped3A_140 = arith.constant 0 : i32
      "tpu.region"() ({
        %run_scoped3A_192 = tpu.sem_alloc : memref<!tpu.dma_semaphore, #tpu.memory_space<semaphore_mem>>
        %dma_start3A_193 = arith.constant 0 : i32
        %dma_start3A_194 = tpu.memref_slice %arg10[%run_scoped3A_140, %dma_start3A_193] : memref<2x40xi32, #tpu.memory_space<vmem>> -> memref<1x40xi32, #tpu.memory_space<vmem>>
        %dma_start3A_195 = tpu.memref_squeeze %dma_start3A_194 : memref<1x40xi32, #tpu.memory_space<vmem>> -> memref<40xi32, #tpu.memory_space<vmem>>
        %dma_start3A_196 = arith.constant 0 : i32
        %dma_start3A_197 = arith.constant 0 : i32
        %dma_start3A_198 = tpu.memref_slice %arg8[%dma_start3A_196, %dma_start3A_197] : memref<10000x144xf32, #tpu.memory_space<vmem_shared>> -> memref<10000x144xf32, #tpu.memory_space<vmem_shared>>
        tpu.enqueue_indirect_dma source(%arg13 : memref<40x144xf32, #tpu.memory_space<vmem>>) target(%dma_start3A_198 : memref<10000x144xf32, #tpu.memory_space<vmem_shared>>) offsets(%dma_start3A_195 : memref<40xi32, #tpu.memory_space<vmem>>) semaphore(%run_scoped3A_192 : memref<!tpu.dma_semaphore, #tpu.memory_space<semaphore_mem>>) {add = true}
        %dma_wait3A_199 = arith.constant 0 : i32
        %dma_wait3A_200 = tpu.memref_slice %arg10[%run_scoped3A_140, %dma_wait3A_199] : memref<2x40xi32, #tpu.memory_space<vmem>> -> memref<1x40xi32, #tpu.memory_space<vmem>>
        %dma_wait3A_201 = tpu.memref_squeeze %dma_wait3A_200 : memref<1x40xi32, #tpu.memory_space<vmem>> -> memref<40xi32, #tpu.memory_space<vmem>>
        %dma_wait3A_202 = arith.constant 0 : i32
        %dma_wait3A_203 = arith.constant 0 : i32
        %dma_wait3A_204 = tpu.memref_slice %arg8[%dma_wait3A_202, %dma_wait3A_203] : memref<10000x144xf32, #tpu.memory_space<vmem_shared>> -> memref<10000x144xf32, #tpu.memory_space<vmem_shared>>
        tpu.wait_indirect_dma semaphore(%run_scoped3A_192 : memref<!tpu.dma_semaphore, #tpu.memory_space<semaphore_mem>>) src(%arg13 : memref<40x144xf32, #tpu.memory_space<vmem>>) dst(%dma_wait3A_204 : memref<10000x144xf32, #tpu.memory_space<vmem_shared>>)
        tpu.yield
      }) : () -> ()
      %add3A_141 = arith.constant 2 : i32
      %add3A_142 = arith.addi %mul3A_91, %add3A_141 : i32
      %dma_start3A_143 = arith.constant 0 : i32
      %dma_start3A_144 = tpu.memref_slice %arg9[%add3A_142, %dma_start3A_143] : memref<125x80xi32, #tpu.memory_space<vmem>> -> memref<1x80xi32, #tpu.memory_space<vmem>>
      %dma_start3A_145 = tpu.memref_squeeze %dma_start3A_144 : memref<1x80xi32, #tpu.memory_space<vmem>> -> memref<80xi32, #tpu.memory_space<vmem>>
      %dma_start3A_146 = arith.constant 0 : i32
      %dma_start3A_147 = arith.constant 0 : i32
      %dma_start3A_148 = tpu.memref_slice %arg4[%dma_start3A_146, %dma_start3A_147] : memref<10000x128xf32, #tpu.memory_space<hbm>> -> memref<10000x128xf32, #tpu.memory_space<hbm>>
      tpu.enqueue_indirect_dma source(%dma_start3A_148 : memref<10000x128xf32, #tpu.memory_space<hbm>>) target(%arg11 : memref<80x128xf32, #tpu.memory_space<vmem>>) offsets(%dma_start3A_145 : memref<80xi32, #tpu.memory_space<vmem>>) semaphore(%arg16 : memref<!tpu.dma_semaphore, #tpu.memory_space<semaphore_mem>>)
      %dma_start3A_149 = arith.constant 0 : i32
      %dma_start3A_150 = arith.constant 0 : i32
      %dma_start3A_151 = tpu.memref_slice %arg10[%dma_start3A_149, %dma_start3A_150] : memref<2x40xi32, #tpu.memory_space<vmem>> -> memref<1x40xi32, #tpu.memory_space<vmem>>
      %dma_start3A_152 = tpu.memref_squeeze %dma_start3A_151 : memref<1x40xi32, #tpu.memory_space<vmem>> -> memref<40xi32, #tpu.memory_space<vmem>>
      %dma_start3A_153 = arith.constant 0 : i32
      %dma_start3A_154 = tpu.memref_slice %arg3[%add3A, %add3A_142, %dma_start3A_153] : memref<32x125x40xi32, #tpu.memory_space<hbm>> -> memref<1x1x40xi32, #tpu.memory_space<hbm>>
      %dma_start3A_155 = tpu.memref_squeeze %dma_start3A_154 : memref<1x1x40xi32, #tpu.memory_space<hbm>> -> memref<40xi32, #tpu.memory_space<hbm>>
      %dma_start3A_156 = arith.constant 0 : i32
      %dma_start3A_157 = tpu.memref_slice %arg10[%dma_start3A_149, %dma_start3A_156] : memref<2x40xi32, #tpu.memory_space<vmem>> -> memref<1x40xi32, #tpu.memory_space<vmem>>
      %dma_start3A_158 = tpu.memref_squeeze %dma_start3A_157 : memref<1x40xi32, #tpu.memory_space<vmem>> -> memref<40xi32, #tpu.memory_space<vmem>>
      %dma_start3A_159 = arith.constant 0 : i32
      %dma_start3A_160 = tpu.memref_slice %arg3[%add3A, %add3A_142, %dma_start3A_159] : memref<32x125x40xi32, #tpu.memory_space<hbm>> -> memref<1x1x40xi32, #tpu.memory_space<hbm>>
      %dma_start3A_161 = tpu.memref_squeeze %dma_start3A_160 : memref<1x1x40xi32, #tpu.memory_space<hbm>> -> memref<40xi32, #tpu.memory_space<hbm>>
      tpu.enqueue_dma source(%dma_start3A_161 : memref<40xi32, #tpu.memory_space<hbm>>) target(%dma_start3A_158 : memref<40xi32, #tpu.memory_space<vmem>>) target_semaphore(%arg16 : memref<!tpu.dma_semaphore, #tpu.memory_space<semaphore_mem>>)
      %dma_wait3A_162 = arith.constant 0 : i32
      %dma_wait3A_163 = arith.constant 0 : i32
      %dma_wait3A_164 = tpu.memref_slice %arg4[%dma_wait3A_162, %dma_wait3A_163] : memref<10000x128xf32, #tpu.memory_space<hbm>> -> memref<80x128xf32, #tpu.memory_space<hbm>>
      %dma_wait3A_165 = arith.constant 0 : i32
      %dma_wait3A_166 = arith.constant 0 : i32
      %dma_wait3A_167 = tpu.memref_slice %arg4[%dma_wait3A_165, %dma_wait3A_166] : memref<10000x128xf32, #tpu.memory_space<hbm>> -> memref<80x128xf32, #tpu.memory_space<hbm>>
      tpu.wait_dma2 semaphore(%arg17 : memref<!tpu.dma_semaphore, #tpu.memory_space<semaphore_mem>>) src(%dma_wait3A_167 : memref<80x128xf32, #tpu.memory_space<hbm>>) dst(%arg12 : memref<80x128xf32, #tpu.memory_space<vmem>>)
      %dma_wait3A_168 = arith.constant 0 : i32
      %dma_wait3A_169 = arith.constant 0 : i32
      %dma_wait3A_170 = arith.constant 1 : i32
      %dma_wait3A_171 = arith.constant 0 : i32
      %dma_wait3A_172 = tpu.memref_slice %arg10[%dma_wait3A_170, %dma_wait3A_171] : memref<2x40xi32, #tpu.memory_space<vmem>> -> memref<1x40xi32, #tpu.memory_space<vmem>>
      %dma_wait3A_173 = tpu.memref_squeeze %dma_wait3A_172 : memref<1x40xi32, #tpu.memory_space<vmem>> -> memref<40xi32, #tpu.memory_space<vmem>>
      %dma_wait3A_174 = arith.constant 0 : i32
      %dma_wait3A_175 = tpu.memref_slice %arg3[%dma_wait3A_168, %dma_wait3A_169, %dma_wait3A_174] : memref<32x125x40xi32, #tpu.memory_space<hbm>> -> memref<1x1x40xi32, #tpu.memory_space<hbm>>
      %dma_wait3A_176 = tpu.memref_squeeze %dma_wait3A_175 : memref<1x1x40xi32, #tpu.memory_space<hbm>> -> memref<40xi32, #tpu.memory_space<hbm>>
      %dma_wait3A_177 = arith.constant 0 : i32
      %dma_wait3A_178 = tpu.memref_slice %arg10[%dma_wait3A_170, %dma_wait3A_177] : memref<2x40xi32, #tpu.memory_space<vmem>> -> memref<1x40xi32, #tpu.memory_space<vmem>>
      %dma_wait3A_179 = tpu.memref_squeeze %dma_wait3A_178 : memref<1x40xi32, #tpu.memory_space<vmem>> -> memref<40xi32, #tpu.memory_space<vmem>>
      %dma_wait3A_180 = arith.constant 0 : i32
      %dma_wait3A_181 = tpu.memref_slice %arg3[%dma_wait3A_168, %dma_wait3A_169, %dma_wait3A_180] : memref<32x125x40xi32, #tpu.memory_space<hbm>> -> memref<1x1x40xi32, #tpu.memory_space<hbm>>
      %dma_wait3A_182 = tpu.memref_squeeze %dma_wait3A_181 : memref<1x1x40xi32, #tpu.memory_space<hbm>> -> memref<40xi32, #tpu.memory_space<hbm>>
      tpu.wait_dma2 semaphore(%arg17 : memref<!tpu.dma_semaphore, #tpu.memory_space<semaphore_mem>>) src(%dma_wait3A_182 : memref<40xi32, #tpu.memory_space<hbm>>) dst(%dma_wait3A_179 : memref<40xi32, #tpu.memory_space<vmem>>)
      %add3A_183 = arith.constant 1 : i32
      %add3A_184 = arith.addi %mul3A_91, %add3A_183 : i32
      %scan3A_185 = arith.constant 0 : i32
      %scan3A_186 = arith.constant 0 : i32
      %scan3A_187 = arith.constant 40 : i32
      %scan3A_188 = arith.addi %scan3A_186, %scan3A_187 : i32
      %scan3A_189 = arith.constant 1 : i32
      scf.for %scan3A_192 = %scan3A_186 to %scan3A_188 step %scan3A_189  : i32 {
        %mul3A_193 = arith.constant 2 : i32
        %mul3A_194 = arith.muli %mul3A_193, %scan3A_192 : i32
        %get3A_195 = arith.index_cast %mul3A_194 : i32 to index
        %get3A_196 = arith.constant 0 : index
        %get3A_197 = tpu.vector_load %arg12[%get3A_195, %get3A_196] {strides = array<i32>} : memref<80x128xf32, #tpu.memory_space<vmem>>, vector<1x16xf32>,
        %get3A_198 = vector.shape_cast %get3A_197 : vector<1x16xf32> to vector<16xf32>
        %mul3A_199 = arith.constant 2 : i32
        %mul3A_200 = arith.muli %mul3A_199, %scan3A_192 : i32
        %add3A_201 = arith.constant 1 : i32
        %add3A_202 = arith.addi %mul3A_200, %add3A_201 : i32
        %get3A_203 = arith.index_cast %add3A_202 : i32 to index
        %get3A_204 = arith.constant 0 : index
        %get3A_205 = tpu.vector_load %arg12[%get3A_203, %get3A_204] {strides = array<i32>} : memref<80x128xf32, #tpu.memory_space<vmem>>, vector<1x16xf32>,
        %get3A_206 = vector.shape_cast %get3A_205 : vector<1x16xf32> to vector<16xf32>
        %add3A_207 = arith.addf %get3A_198, %get3A_206 : vector<16xf32>
        %mul3A_208 = arith.constant 2.000000e-01 : f32
        %mul3A_209 = vector.broadcast %mul3A_208 : f32 to vector<16xf32>
        %mul3A_210 = arith.mulf %mul3A_209, %add3A_207 : vector<16xf32>
        %max3A = arith.maximumf %add3A_207, %mul3A_210 : vector<16xf32>
        %mul3A_211 = arith.mulf %max3A, %get3A_6 : vector<16xf32>
        %mul3A_212 = arith.constant 2 : i32
        %mul3A_213 = arith.muli %mul3A_212, %scan3A_192 : i32
        %get3A_214 = arith.index_cast %mul3A_213 : i32 to index
        %get3A_215 = arith.constant 16 : index
        %get3A_216 = tpu.vector_load %arg12[%get3A_214, %get3A_215] {strides = array<i32>} : memref<80x128xf32, #tpu.memory_space<vmem>>, vector<1x16xf32>,
        %get3A_217 = vector.shape_cast %get3A_216 : vector<1x16xf32> to vector<16xf32>
        %mul3A_218 = arith.constant 2 : i32
        %mul3A_219 = arith.muli %mul3A_218, %scan3A_192 : i32
        %add3A_220 = arith.constant 1 : i32
        %add3A_221 = arith.addi %mul3A_219, %add3A_220 : i32
        %get3A_222 = arith.index_cast %add3A_221 : i32 to index
        %get3A_223 = arith.constant 16 : index
        %get3A_224 = tpu.vector_load %arg12[%get3A_222, %get3A_223] {strides = array<i32>} : memref<80x128xf32, #tpu.memory_space<vmem>>, vector<1x16xf32>,
        %get3A_225 = vector.shape_cast %get3A_224 : vector<1x16xf32> to vector<16xf32>
        %add3A_226 = arith.addf %get3A_217, %get3A_225 : vector<16xf32>
        %mul3A_227 = arith.constant 2.000000e-01 : f32
        %mul3A_228 = vector.broadcast %mul3A_227 : f32 to vector<16xf32>
        %mul3A_229 = arith.mulf %mul3A_228, %add3A_226 : vector<16xf32>
        %max3A_230 = arith.maximumf %add3A_226, %mul3A_229 : vector<16xf32>
        %mul3A_231 = arith.mulf %max3A_230, %get3A_9 : vector<16xf32>
        %add3A_232 = arith.addf %mul3A_211, %mul3A_231 : vector<16xf32>
        %mul3A_233 = arith.constant 2 : i32
        %mul3A_234 = arith.muli %mul3A_233, %scan3A_192 : i32
        %get3A_235 = arith.index_cast %mul3A_234 : i32 to index
        %get3A_236 = arith.constant 32 : index
        %get3A_237 = tpu.vector_load %arg12[%get3A_235, %get3A_236] {strides = array<i32>} : memref<80x128xf32, #tpu.memory_space<vmem>>, vector<1x16xf32>,
        %get3A_238 = vector.shape_cast %get3A_237 : vector<1x16xf32> to vector<16xf32>
        %mul3A_239 = arith.constant 2 : i32
        %mul3A_240 = arith.muli %mul3A_239, %scan3A_192 : i32
        %add3A_241 = arith.constant 1 : i32
        %add3A_242 = arith.addi %mul3A_240, %add3A_241 : i32
        %get3A_243 = arith.index_cast %add3A_242 : i32 to index
        %get3A_244 = arith.constant 32 : index
        %get3A_245 = tpu.vector_load %arg12[%get3A_243, %get3A_244] {strides = array<i32>} : memref<80x128xf32, #tpu.memory_space<vmem>>, vector<1x16xf32>,
        %get3A_246 = vector.shape_cast %get3A_245 : vector<1x16xf32> to vector<16xf32>
        %add3A_247 = arith.addf %get3A_238, %get3A_246 : vector<16xf32>
        %mul3A_248 = arith.constant 2.000000e-01 : f32
        %mul3A_249 = vector.broadcast %mul3A_248 : f32 to vector<16xf32>
        %mul3A_250 = arith.mulf %mul3A_249, %add3A_247 : vector<16xf32>
        %max3A_251 = arith.maximumf %add3A_247, %mul3A_250 : vector<16xf32>
        %mul3A_252 = arith.mulf %max3A_251, %get3A_12 : vector<16xf32>
        %add3A_253 = arith.addf %add3A_232, %mul3A_252 : vector<16xf32>
        %mul3A_254 = arith.constant 2 : i32
        %mul3A_255 = arith.muli %mul3A_254, %scan3A_192 : i32
        %get3A_256 = arith.index_cast %mul3A_255 : i32 to index
        %get3A_257 = arith.constant 48 : index
        %get3A_258 = tpu.vector_load %arg12[%get3A_256, %get3A_257] {strides = array<i32>} : memref<80x128xf32, #tpu.memory_space<vmem>>, vector<1x16xf32>,
        %get3A_259 = vector.shape_cast %get3A_258 : vector<1x16xf32> to vector<16xf32>
        %mul3A_260 = arith.constant 2 : i32
        %mul3A_261 = arith.muli %mul3A_260, %scan3A_192 : i32
        %add3A_262 = arith.constant 1 : i32
        %add3A_263 = arith.addi %mul3A_261, %add3A_262 : i32
        %get3A_264 = arith.index_cast %add3A_263 : i32 to index
        %get3A_265 = arith.constant 48 : index
        %get3A_266 = tpu.vector_load %arg12[%get3A_264, %get3A_265] {strides = array<i32>} : memref<80x128xf32, #tpu.memory_space<vmem>>, vector<1x16xf32>,
        %get3A_267 = vector.shape_cast %get3A_266 : vector<1x16xf32> to vector<16xf32>
        %add3A_268 = arith.addf %get3A_259, %get3A_267 : vector<16xf32>
        %mul3A_269 = arith.constant 2.000000e-01 : f32
        %mul3A_270 = vector.broadcast %mul3A_269 : f32 to vector<16xf32>
        %mul3A_271 = arith.mulf %mul3A_270, %add3A_268 : vector<16xf32>
        %max3A_272 = arith.maximumf %add3A_268, %mul3A_271 : vector<16xf32>
        %mul3A_273 = arith.mulf %max3A_272, %get3A_15 : vector<16xf32>
        %add3A_274 = arith.addf %add3A_253, %mul3A_273 : vector<16xf32>
        %mul3A_275 = arith.constant 2 : i32
        %mul3A_276 = arith.muli %mul3A_275, %scan3A_192 : i32
        %get3A_277 = arith.index_cast %mul3A_276 : i32 to index
        %get3A_278 = arith.constant 64 : index
        %get3A_279 = tpu.vector_load %arg12[%get3A_277, %get3A_278] {strides = array<i32>} : memref<80x128xf32, #tpu.memory_space<vmem>>, vector<1x16xf32>,
        %get3A_280 = vector.shape_cast %get3A_279 : vector<1x16xf32> to vector<16xf32>
        %mul3A_281 = arith.constant 2 : i32
        %mul3A_282 = arith.muli %mul3A_281, %scan3A_192 : i32
        %add3A_283 = arith.constant 1 : i32
        %add3A_284 = arith.addi %mul3A_282, %add3A_283 : i32
        %get3A_285 = arith.index_cast %add3A_284 : i32 to index
        %get3A_286 = arith.constant 64 : index
        %get3A_287 = tpu.vector_load %arg12[%get3A_285, %get3A_286] {strides = array<i32>} : memref<80x128xf32, #tpu.memory_space<vmem>>, vector<1x16xf32>,
        %get3A_288 = vector.shape_cast %get3A_287 : vector<1x16xf32> to vector<16xf32>
        %add3A_289 = arith.addf %get3A_280, %get3A_288 : vector<16xf32>
        %mul3A_290 = arith.constant 2.000000e-01 : f32
        %mul3A_291 = vector.broadcast %mul3A_290 : f32 to vector<16xf32>
        %mul3A_292 = arith.mulf %mul3A_291, %add3A_289 : vector<16xf32>
        %max3A_293 = arith.maximumf %add3A_289, %mul3A_292 : vector<16xf32>
        %mul3A_294 = arith.mulf %max3A_293, %get3A_18 : vector<16xf32>
        %add3A_295 = arith.addf %add3A_274, %mul3A_294 : vector<16xf32>
        %mul3A_296 = arith.constant 2 : i32
        %mul3A_297 = arith.muli %mul3A_296, %scan3A_192 : i32
        %get3A_298 = arith.index_cast %mul3A_297 : i32 to index
        %get3A_299 = arith.constant 80 : index
        %get3A_300 = tpu.vector_load %arg12[%get3A_298, %get3A_299] {strides = array<i32>} : memref<80x128xf32, #tpu.memory_space<vmem>>, vector<1x16xf32>,
        %get3A_301 = vector.shape_cast %get3A_300 : vector<1x16xf32> to vector<16xf32>
        %mul3A_302 = arith.constant 2 : i32
        %mul3A_303 = arith.muli %mul3A_302, %scan3A_192 : i32
        %add3A_304 = arith.constant 1 : i32
        %add3A_305 = arith.addi %mul3A_303, %add3A_304 : i32
        %get3A_306 = arith.index_cast %add3A_305 : i32 to index
        %get3A_307 = arith.constant 80 : index
        %get3A_308 = tpu.vector_load %arg12[%get3A_306, %get3A_307] {strides = array<i32>} : memref<80x128xf32, #tpu.memory_space<vmem>>, vector<1x16xf32>,
        %get3A_309 = vector.shape_cast %get3A_308 : vector<1x16xf32> to vector<16xf32>
        %add3A_310 = arith.addf %get3A_301, %get3A_309 : vector<16xf32>
        %mul3A_311 = arith.constant 2.000000e-01 : f32
        %mul3A_312 = vector.broadcast %mul3A_311 : f32 to vector<16xf32>
        %mul3A_313 = arith.mulf %mul3A_312, %add3A_310 : vector<16xf32>
        %max3A_314 = arith.maximumf %add3A_310, %mul3A_313 : vector<16xf32>
        %mul3A_315 = arith.mulf %max3A_314, %get3A_21 : vector<16xf32>
        %add3A_316 = arith.addf %add3A_295, %mul3A_315 : vector<16xf32>
        %mul3A_317 = arith.constant 2 : i32
        %mul3A_318 = arith.muli %mul3A_317, %scan3A_192 : i32
        %get3A_319 = arith.index_cast %mul3A_318 : i32 to index
        %get3A_320 = arith.constant 96 : index
        %get3A_321 = tpu.vector_load %arg12[%get3A_319, %get3A_320] {strides = array<i32>} : memref<80x128xf32, #tpu.memory_space<vmem>>, vector<1x16xf32>,
        %get3A_322 = vector.shape_cast %get3A_321 : vector<1x16xf32> to vector<16xf32>
        %mul3A_323 = arith.constant 2 : i32
        %mul3A_324 = arith.muli %mul3A_323, %scan3A_192 : i32
        %add3A_325 = arith.constant 1 : i32
        %add3A_326 = arith.addi %mul3A_324, %add3A_325 : i32
        %get3A_327 = arith.index_cast %add3A_326 : i32 to index
        %get3A_328 = arith.constant 96 : index
        %get3A_329 = tpu.vector_load %arg12[%get3A_327, %get3A_328] {strides = array<i32>} : memref<80x128xf32, #tpu.memory_space<vmem>>, vector<1x16xf32>,
        %get3A_330 = vector.shape_cast %get3A_329 : vector<1x16xf32> to vector<16xf32>
        %add3A_331 = arith.addf %get3A_322, %get3A_330 : vector<16xf32>
        %mul3A_332 = arith.constant 2.000000e-01 : f32
        %mul3A_333 = vector.broadcast %mul3A_332 : f32 to vector<16xf32>
        %mul3A_334 = arith.mulf %mul3A_333, %add3A_331 : vector<16xf32>
        %max3A_335 = arith.maximumf %add3A_331, %mul3A_334 : vector<16xf32>
        %mul3A_336 = arith.mulf %max3A_335, %get3A_24 : vector<16xf32>
        %add3A_337 = arith.addf %add3A_316, %mul3A_336 : vector<16xf32>
        %mul3A_338 = arith.constant 2 : i32
        %mul3A_339 = arith.muli %mul3A_338, %scan3A_192 : i32
        %get3A_340 = arith.index_cast %mul3A_339 : i32 to index
        %get3A_341 = arith.constant 112 : index
        %get3A_342 = tpu.vector_load %arg12[%get3A_340, %get3A_341] {strides = array<i32>} : memref<80x128xf32, #tpu.memory_space<vmem>>, vector<1x16xf32>,
        %get3A_343 = vector.shape_cast %get3A_342 : vector<1x16xf32> to vector<16xf32>
        %mul3A_344 = arith.constant 2 : i32
        %mul3A_345 = arith.muli %mul3A_344, %scan3A_192 : i32
        %add3A_346 = arith.constant 1 : i32
        %add3A_347 = arith.addi %mul3A_345, %add3A_346 : i32
        %get3A_348 = arith.index_cast %add3A_347 : i32 to index
        %get3A_349 = arith.constant 112 : index
        %get3A_350 = tpu.vector_load %arg12[%get3A_348, %get3A_349] {strides = array<i32>} : memref<80x128xf32, #tpu.memory_space<vmem>>, vector<1x16xf32>,
        %get3A_351 = vector.shape_cast %get3A_350 : vector<1x16xf32> to vector<16xf32>
        %add3A_352 = arith.addf %get3A_343, %get3A_351 : vector<16xf32>
        %mul3A_353 = arith.constant 2.000000e-01 : f32
        %mul3A_354 = vector.broadcast %mul3A_353 : f32 to vector<16xf32>
        %mul3A_355 = arith.mulf %mul3A_354, %add3A_352 : vector<16xf32>
        %max3A_356 = arith.maximumf %add3A_352, %mul3A_355 : vector<16xf32>
        %mul3A_357 = arith.mulf %max3A_356, %get3A_27 : vector<16xf32>
        %add3A_358 = arith.addf %add3A_337, %mul3A_357 : vector<16xf32>
        %swap3A = arith.constant 0 : index
        %swap3A_359 = tpu.vector_load %arg15[%swap3A] {strides = array<i32>} : memref<32xf32, #tpu.memory_space<vmem>>, vector<16xf32>,
        %swap3A_360 = vector.shape_cast %swap3A_359 : vector<16xf32> to vector<16xf32>
        %swap3A_361 = vector.shape_cast %add3A_358 : vector<16xf32> to vector<16xf32>
        tpu.vector_store %arg15[%swap3A], %swap3A_361 {strides = array<i32>} : memref<32xf32, #tpu.memory_space<vmem>>, vector<16xf32>,
        %swap3A_362 = arith.constant 16 : index
        %swap3A_363 = tpu.vector_load %arg15[%swap3A_362] {strides = array<i32>} : memref<32xf32, #tpu.memory_space<vmem>>, vector<16xf32>,
        %swap3A_364 = vector.shape_cast %swap3A_363 : vector<16xf32> to vector<16xf32>
        %swap3A_365 = vector.shape_cast %add3A_358 : vector<16xf32> to vector<16xf32>
        tpu.vector_store %arg15[%swap3A_362], %swap3A_365 {strides = array<i32>} : memref<32xf32, #tpu.memory_space<vmem>>, vector<16xf32>,
        %get3A_366 = arith.constant 8 : index
        %get3A_367 = tpu.vector_load %arg15[%get3A_366] {strides = array<i32>} : memref<32xf32, #tpu.memory_space<vmem>>, vector<16xf32>,
        %get3A_368 = vector.shape_cast %get3A_367 : vector<16xf32> to vector<16xf32>
        %add3A_369 = arith.addf %add3A_358, %get3A_368 : vector<16xf32>
        %swap3A_370 = arith.constant 0 : index
        %swap3A_371 = tpu.vector_load %arg15[%swap3A_370] {strides = array<i32>} : memref<32xf32, #tpu.memory_space<vmem>>, vector<16xf32>,
        %swap3A_372 = vector.shape_cast %swap3A_371 : vector<16xf32> to vector<16xf32>
        %swap3A_373 = vector.shape_cast %add3A_369 : vector<16xf32> to vector<16xf32>
        tpu.vector_store %arg15[%swap3A_370], %swap3A_373 {strides = array<i32>} : memref<32xf32, #tpu.memory_space<vmem>>, vector<16xf32>,
        %swap3A_374 = arith.constant 16 : index
        %swap3A_375 = tpu.vector_load %arg15[%swap3A_374] {strides = array<i32>} : memref<32xf32, #tpu.memory_space<vmem>>, vector<16xf32>,
        %swap3A_376 = vector.shape_cast %swap3A_375 : vector<16xf32> to vector<16xf32>
        %swap3A_377 = vector.shape_cast %add3A_369 : vector<16xf32> to vector<16xf32>
        tpu.vector_store %arg15[%swap3A_374], %swap3A_377 {strides = array<i32>} : memref<32xf32, #tpu.memory_space<vmem>>, vector<16xf32>,
        %get3A_378 = arith.constant 4 : index
        %get3A_379 = tpu.vector_load %arg15[%get3A_378] {strides = array<i32>} : memref<32xf32, #tpu.memory_space<vmem>>, vector<16xf32>,
        %get3A_380 = vector.shape_cast %get3A_379 : vector<16xf32> to vector<16xf32>
        %add3A_381 = arith.addf %add3A_369, %get3A_380 : vector<16xf32>
        %exp3A = math.exp %add3A_381 : vector<16xf32>
        %mul3A_382 = arith.mulf %exp3A, %get3A_206 : vector<16xf32>
        %swap3A_383 = arith.index_cast %scan3A_192 : i32 to index
        %swap3A_384 = arith.constant 0 : index
        %swap3A_385 = tpu.vector_load %arg13[%swap3A_383, %swap3A_384] {strides = array<i32>} : memref<40x144xf32, #tpu.memory_space<vmem>>, vector<1x16xf32>,
        %swap3A_386 = vector.shape_cast %swap3A_385 : vector<1x16xf32> to vector<16xf32>
        %swap3A_387 = vector.shape_cast %mul3A_382 : vector<16xf32> to vector<1x16xf32>
        tpu.vector_store %arg13[%swap3A_383, %swap3A_384], %swap3A_387 {strides = array<i32>} : memref<40x144xf32, #tpu.memory_space<vmem>>, vector<1x16xf32>,
        %mul3A_388 = arith.mulf %exp3A, %get3A_225 : vector<16xf32>
        %swap3A_389 = arith.index_cast %scan3A_192 : i32 to index
        %swap3A_390 = arith.constant 16 : index
        %swap3A_391 = tpu.vector_load %arg13[%swap3A_389, %swap3A_390] {strides = array<i32>} : memref<40x144xf32, #tpu.memory_space<vmem>>, vector<1x16xf32>,
        %swap3A_392 = vector.shape_cast %swap3A_391 : vector<1x16xf32> to vector<16xf32>
        %swap3A_393 = vector.shape_cast %mul3A_388 : vector<16xf32> to vector<1x16xf32>
        tpu.vector_store %arg13[%swap3A_389, %swap3A_390], %swap3A_393 {strides = array<i32>} : memref<40x144xf32, #tpu.memory_space<vmem>>, vector<1x16xf32>,
        %mul3A_394 = arith.mulf %exp3A, %get3A_246 : vector<16xf32>
        %swap3A_395 = arith.index_cast %scan3A_192 : i32 to index
        %swap3A_396 = arith.constant 32 : index
        %swap3A_397 = tpu.vector_load %arg13[%swap3A_395, %swap3A_396] {strides = array<i32>} : memref<40x144xf32, #tpu.memory_space<vmem>>, vector<1x16xf32>,
        %swap3A_398 = vector.shape_cast %swap3A_397 : vector<1x16xf32> to vector<16xf32>
        %swap3A_399 = vector.shape_cast %mul3A_394 : vector<16xf32> to vector<1x16xf32>
        tpu.vector_store %arg13[%swap3A_395, %swap3A_396], %swap3A_399 {strides = array<i32>} : memref<40x144xf32, #tpu.memory_space<vmem>>, vector<1x16xf32>,
        %mul3A_400 = arith.mulf %exp3A, %get3A_267 : vector<16xf32>
        %swap3A_401 = arith.index_cast %scan3A_192 : i32 to index
        %swap3A_402 = arith.constant 48 : index
        %swap3A_403 = tpu.vector_load %arg13[%swap3A_401, %swap3A_402] {strides = array<i32>} : memref<40x144xf32, #tpu.memory_space<vmem>>, vector<1x16xf32>,
        %swap3A_404 = vector.shape_cast %swap3A_403 : vector<1x16xf32> to vector<16xf32>
        %swap3A_405 = vector.shape_cast %mul3A_400 : vector<16xf32> to vector<1x16xf32>
        tpu.vector_store %arg13[%swap3A_401, %swap3A_402], %swap3A_405 {strides = array<i32>} : memref<40x144xf32, #tpu.memory_space<vmem>>, vector<1x16xf32>,
        %mul3A_406 = arith.mulf %exp3A, %get3A_288 : vector<16xf32>
        %swap3A_407 = arith.index_cast %scan3A_192 : i32 to index
        %swap3A_408 = arith.constant 64 : index
        %swap3A_409 = tpu.vector_load %arg13[%swap3A_407, %swap3A_408] {strides = array<i32>} : memref<40x144xf32, #tpu.memory_space<vmem>>, vector<1x16xf32>,
        %swap3A_410 = vector.shape_cast %swap3A_409 : vector<1x16xf32> to vector<16xf32>
        %swap3A_411 = vector.shape_cast %mul3A_406 : vector<16xf32> to vector<1x16xf32>
        tpu.vector_store %arg13[%swap3A_407, %swap3A_408], %swap3A_411 {strides = array<i32>} : memref<40x144xf32, #tpu.memory_space<vmem>>, vector<1x16xf32>,
        %mul3A_412 = arith.mulf %exp3A, %get3A_309 : vector<16xf32>
        %swap3A_413 = arith.index_cast %scan3A_192 : i32 to index
        %swap3A_414 = arith.constant 80 : index
        %swap3A_415 = tpu.vector_load %arg13[%swap3A_413, %swap3A_414] {strides = array<i32>} : memref<40x144xf32, #tpu.memory_space<vmem>>, vector<1x16xf32>,
        %swap3A_416 = vector.shape_cast %swap3A_415 : vector<1x16xf32> to vector<16xf32>
        %swap3A_417 = vector.shape_cast %mul3A_412 : vector<16xf32> to vector<1x16xf32>
        tpu.vector_store %arg13[%swap3A_413, %swap3A_414], %swap3A_417 {strides = array<i32>} : memref<40x144xf32, #tpu.memory_space<vmem>>, vector<1x16xf32>,
        %mul3A_418 = arith.mulf %exp3A, %get3A_330 : vector<16xf32>
        %swap3A_419 = arith.index_cast %scan3A_192 : i32 to index
        %swap3A_420 = arith.constant 96 : index
        %swap3A_421 = tpu.vector_load %arg13[%swap3A_419, %swap3A_420] {strides = array<i32>} : memref<40x144xf32, #tpu.memory_space<vmem>>, vector<1x16xf32>,
        %swap3A_422 = vector.shape_cast %swap3A_421 : vector<1x16xf32> to vector<16xf32>
        %swap3A_423 = vector.shape_cast %mul3A_418 : vector<16xf32> to vector<1x16xf32>
        tpu.vector_store %arg13[%swap3A_419, %swap3A_420], %swap3A_423 {strides = array<i32>} : memref<40x144xf32, #tpu.memory_space<vmem>>, vector<1x16xf32>,
        %mul3A_424 = arith.mulf %exp3A, %get3A_351 : vector<16xf32>
        %swap3A_425 = arith.index_cast %scan3A_192 : i32 to index
        %swap3A_426 = arith.constant 112 : index
        %swap3A_427 = tpu.vector_load %arg13[%swap3A_425, %swap3A_426] {strides = array<i32>} : memref<40x144xf32, #tpu.memory_space<vmem>>, vector<1x16xf32>,
        %swap3A_428 = vector.shape_cast %swap3A_427 : vector<1x16xf32> to vector<16xf32>
        %swap3A_429 = vector.shape_cast %mul3A_424 : vector<16xf32> to vector<1x16xf32>
        tpu.vector_store %arg13[%swap3A_425, %swap3A_426], %swap3A_429 {strides = array<i32>} : memref<40x144xf32, #tpu.memory_space<vmem>>, vector<1x16xf32>,
        %swap3A_430 = arith.index_cast %scan3A_192 : i32 to index
        %swap3A_431 = arith.constant 128 : index
        %swap3A_432 = tpu.vector_load %arg13[%swap3A_430, %swap3A_431] {strides = array<i32>} : memref<40x144xf32, #tpu.memory_space<vmem>>, vector<1x16xf32>,
        %swap3A_433 = vector.shape_cast %swap3A_432 : vector<1x16xf32> to vector<16xf32>
        %swap3A_434 = vector.shape_cast %exp3A : vector<16xf32> to vector<1x16xf32>
        tpu.vector_store %arg13[%swap3A_430, %swap3A_431], %swap3A_434 {strides = array<i32>} : memref<40x144xf32, #tpu.memory_space<vmem>>, vector<1x16xf32>,
      }
      %scan3A_190 = arith.constant 40 : i32
      %run_scoped3A_191 = arith.constant 1 : i32
      "tpu.region"() ({
        %run_scoped3A_192 = tpu.sem_alloc : memref<!tpu.dma_semaphore, #tpu.memory_space<semaphore_mem>>
        %dma_start3A_193 = arith.constant 0 : i32
        %dma_start3A_194 = tpu.memref_slice %arg10[%run_scoped3A_191, %dma_start3A_193] : memref<2x40xi32, #tpu.memory_space<vmem>> -> memref<1x40xi32, #tpu.memory_space<vmem>>
        %dma_start3A_195 = tpu.memref_squeeze %dma_start3A_194 : memref<1x40xi32, #tpu.memory_space<vmem>> -> memref<40xi32, #tpu.memory_space<vmem>>
        %dma_start3A_196 = arith.constant 0 : i32
        %dma_start3A_197 = arith.constant 0 : i32
        %dma_start3A_198 = tpu.memref_slice %arg8[%dma_start3A_196, %dma_start3A_197] : memref<10000x144xf32, #tpu.memory_space<vmem_shared>> -> memref<10000x144xf32, #tpu.memory_space<vmem_shared>>
        tpu.enqueue_indirect_dma source(%arg13 : memref<40x144xf32, #tpu.memory_space<vmem>>) target(%dma_start3A_198 : memref<10000x144xf32, #tpu.memory_space<vmem_shared>>) offsets(%dma_start3A_195 : memref<40xi32, #tpu.memory_space<vmem>>) semaphore(%run_scoped3A_192 : memref<!tpu.dma_semaphore, #tpu.memory_space<semaphore_mem>>) {add = true}
        %dma_wait3A_199 = arith.constant 0 : i32
        %dma_wait3A_200 = tpu.memref_slice %arg10[%run_scoped3A_191, %dma_wait3A_199] : memref<2x40xi32, #tpu.memory_space<vmem>> -> memref<1x40xi32, #tpu.memory_space<vmem>>
        %dma_wait3A_201 = tpu.memref_squeeze %dma_wait3A_200 : memref<1x40xi32, #tpu.memory_space<vmem>> -> memref<40xi32, #tpu.memory_space<vmem>>
        %dma_wait3A_202 = arith.constant 0 : i32
        %dma_wait3A_203 = arith.constant 0 : i32
        %dma_wait3A_204 = tpu.memref_slice %arg8[%dma_wait3A_202, %dma_wait3A_203] : memref<10000x144xf32, #tpu.memory_space<vmem_shared>> -> memref<10000x144xf32, #tpu.memory_space<vmem_shared>>
        tpu.wait_indirect_dma semaphore(%run_scoped3A_192 : memref<!tpu.dma_semaphore, #tpu.memory_space<semaphore_mem>>) src(%arg13 : memref<40x144xf32, #tpu.memory_space<vmem>>) dst(%dma_wait3A_204 : memref<10000x144xf32, #tpu.memory_space<vmem_shared>>)
        tpu.yield
      }) : () -> ()
    }
    %scan3A_52 = arith.constant 62 : i32
    %dma_wait3A = arith.constant 0 : i32
    %dma_wait3A_53 = arith.constant 0 : i32
    %dma_wait3A_54 = tpu.memref_slice %arg4[%dma_wait3A, %dma_wait3A_53] : memref<10000x128xf32, #tpu.memory_space<hbm>> -> memref<80x128xf32, #tpu.memory_space<hbm>>
    %dma_wait3A_55 = arith.constant 0 : i32
    %dma_wait3A_56 = arith.constant 0 : i32
    %dma_wait3A_57 = tpu.memref_slice %arg4[%dma_wait3A_55, %dma_wait3A_56] : memref<10000x128xf32, #tpu.memory_space<hbm>> -> memref<80x128xf32, #tpu.memory_space<hbm>>
    tpu.wait_dma2 semaphore(%arg16 : memref<!tpu.dma_semaphore, #tpu.memory_space<semaphore_mem>>) src(%dma_wait3A_57 : memref<80x128xf32, #tpu.memory_space<hbm>>) dst(%arg11 : memref<80x128xf32, #tpu.memory_space<vmem>>)
    %dma_wait3A_58 = arith.constant 0 : i32
    %dma_wait3A_59 = arith.constant 0 : i32
    %dma_wait3A_60 = arith.constant 0 : i32
    %dma_wait3A_61 = arith.constant 0 : i32
    %dma_wait3A_62 = tpu.memref_slice %arg10[%dma_wait3A_60, %dma_wait3A_61] : memref<2x40xi32, #tpu.memory_space<vmem>> -> memref<1x40xi32, #tpu.memory_space<vmem>>
    %dma_wait3A_63 = tpu.memref_squeeze %dma_wait3A_62 : memref<1x40xi32, #tpu.memory_space<vmem>> -> memref<40xi32, #tpu.memory_space<vmem>>
    %dma_wait3A_64 = arith.constant 0 : i32
    %dma_wait3A_65 = tpu.memref_slice %arg3[%dma_wait3A_58, %dma_wait3A_59, %dma_wait3A_64] : memref<32x125x40xi32, #tpu.memory_space<hbm>> -> memref<1x1x40xi32, #tpu.memory_space<hbm>>
    %dma_wait3A_66 = tpu.memref_squeeze %dma_wait3A_65 : memref<1x1x40xi32, #tpu.memory_space<hbm>> -> memref<40xi32, #tpu.memory_space<hbm>>
    %dma_wait3A_67 = arith.constant 0 : i32
    %dma_wait3A_68 = tpu.memref_slice %arg10[%dma_wait3A_60, %dma_wait3A_67] : memref<2x40xi32, #tpu.memory_space<vmem>> -> memref<1x40xi32, #tpu.memory_space<vmem>>
    %dma_wait3A_69 = tpu.memref_squeeze %dma_wait3A_68 : memref<1x40xi32, #tpu.memory_space<vmem>> -> memref<40xi32, #tpu.memory_space<vmem>>
    %dma_wait3A_70 = arith.constant 0 : i32
    %dma_wait3A_71 = tpu.memref_slice %arg3[%dma_wait3A_58, %dma_wait3A_59, %dma_wait3A_70] : memref<32x125x40xi32, #tpu.memory_space<hbm>> -> memref<1x1x40xi32, #tpu.memory_space<hbm>>
    %dma_wait3A_72 = tpu.memref_squeeze %dma_wait3A_71 : memref<1x1x40xi32, #tpu.memory_space<hbm>> -> memref<40xi32, #tpu.memory_space<hbm>>
    tpu.wait_dma2 semaphore(%arg16 : memref<!tpu.dma_semaphore, #tpu.memory_space<semaphore_mem>>) src(%dma_wait3A_72 : memref<40xi32, #tpu.memory_space<hbm>>) dst(%dma_wait3A_69 : memref<40xi32, #tpu.memory_space<vmem>>)
    %scan3A_73 = arith.constant 0 : i32
    %scan3A_74 = arith.constant 0 : i32
    %scan3A_75 = arith.constant 40 : i32
    %scan3A_76 = arith.addi %scan3A_74, %scan3A_75 : i32
    %scan3A_77 = arith.constant 1 : i32
    scf.for %scan3A_89 = %scan3A_74 to %scan3A_76 step %scan3A_77  : i32 {
      %mul3A_90 = arith.constant 2 : i32
      %mul3A_91 = arith.muli %mul3A_90, %scan3A_89 : i32
      %get3A_92 = arith.index_cast %mul3A_91 : i32 to index
      %get3A_93 = arith.constant 0 : index
      %get3A_94 = tpu.vector_load %arg11[%get3A_92, %get3A_93] {strides = array<i32>} : memref<80x128xf32, #tpu.memory_space<vmem>>, vector<1x16xf32>,
      %get3A_95 = vector.shape_cast %get3A_94 : vector<1x16xf32> to vector<16xf32>
      %mul3A_96 = arith.constant 2 : i32
      %mul3A_97 = arith.muli %mul3A_96, %scan3A_89 : i32
      %add3A_98 = arith.constant 1 : i32
      %add3A_99 = arith.addi %mul3A_97, %add3A_98 : i32
      %get3A_100 = arith.index_cast %add3A_99 : i32 to index
      %get3A_101 = arith.constant 0 : index
      %get3A_102 = tpu.vector_load %arg11[%get3A_100, %get3A_101] {strides = array<i32>} : memref<80x128xf32, #tpu.memory_space<vmem>>, vector<1x16xf32>,
      %get3A_103 = vector.shape_cast %get3A_102 : vector<1x16xf32> to vector<16xf32>
      %add3A_104 = arith.addf %get3A_95, %get3A_103 : vector<16xf32>
      %mul3A_105 = arith.constant 2.000000e-01 : f32
      %mul3A_106 = vector.broadcast %mul3A_105 : f32 to vector<16xf32>
      %mul3A_107 = arith.mulf %mul3A_106, %add3A_104 : vector<16xf32>
      %max3A = arith.maximumf %add3A_104, %mul3A_107 : vector<16xf32>
      %mul3A_108 = arith.mulf %max3A, %get3A_6 : vector<16xf32>
      %mul3A_109 = arith.constant 2 : i32
      %mul3A_110 = arith.muli %mul3A_109, %scan3A_89 : i32
      %get3A_111 = arith.index_cast %mul3A_110 : i32 to index
      %get3A_112 = arith.constant 16 : index
      %get3A_113 = tpu.vector_load %arg11[%get3A_111, %get3A_112] {strides = array<i32>} : memref<80x128xf32, #tpu.memory_space<vmem>>, vector<1x16xf32>,
      %get3A_114 = vector.shape_cast %get3A_113 : vector<1x16xf32> to vector<16xf32>
      %mul3A_115 = arith.constant 2 : i32
      %mul3A_116 = arith.muli %mul3A_115, %scan3A_89 : i32
      %add3A_117 = arith.constant 1 : i32
      %add3A_118 = arith.addi %mul3A_116, %add3A_117 : i32
      %get3A_119 = arith.index_cast %add3A_118 : i32 to index
      %get3A_120 = arith.constant 16 : index
      %get3A_121 = tpu.vector_load %arg11[%get3A_119, %get3A_120] {strides = array<i32>} : memref<80x128xf32, #tpu.memory_space<vmem>>, vector<1x16xf32>,
      %get3A_122 = vector.shape_cast %get3A_121 : vector<1x16xf32> to vector<16xf32>
      %add3A_123 = arith.addf %get3A_114, %get3A_122 : vector<16xf32>
      %mul3A_124 = arith.constant 2.000000e-01 : f32
      %mul3A_125 = vector.broadcast %mul3A_124 : f32 to vector<16xf32>
      %mul3A_126 = arith.mulf %mul3A_125, %add3A_123 : vector<16xf32>
      %max3A_127 = arith.maximumf %add3A_123, %mul3A_126 : vector<16xf32>
      %mul3A_128 = arith.mulf %max3A_127, %get3A_9 : vector<16xf32>
      %add3A_129 = arith.addf %mul3A_108, %mul3A_128 : vector<16xf32>
      %mul3A_130 = arith.constant 2 : i32
      %mul3A_131 = arith.muli %mul3A_130, %scan3A_89 : i32
      %get3A_132 = arith.index_cast %mul3A_131 : i32 to index
      %get3A_133 = arith.constant 32 : index
      %get3A_134 = tpu.vector_load %arg11[%get3A_132, %get3A_133] {strides = array<i32>} : memref<80x128xf32, #tpu.memory_space<vmem>>, vector<1x16xf32>,
      %get3A_135 = vector.shape_cast %get3A_134 : vector<1x16xf32> to vector<16xf32>
      %mul3A_136 = arith.constant 2 : i32
      %mul3A_137 = arith.muli %mul3A_136, %scan3A_89 : i32
      %add3A_138 = arith.constant 1 : i32
      %add3A_139 = arith.addi %mul3A_137, %add3A_138 : i32
      %get3A_140 = arith.index_cast %add3A_139 : i32 to index
      %get3A_141 = arith.constant 32 : index
      %get3A_142 = tpu.vector_load %arg11[%get3A_140, %get3A_141] {strides = array<i32>} : memref<80x128xf32, #tpu.memory_space<vmem>>, vector<1x16xf32>,
      %get3A_143 = vector.shape_cast %get3A_142 : vector<1x16xf32> to vector<16xf32>
      %add3A_144 = arith.addf %get3A_135, %get3A_143 : vector<16xf32>
      %mul3A_145 = arith.constant 2.000000e-01 : f32
      %mul3A_146 = vector.broadcast %mul3A_145 : f32 to vector<16xf32>
      %mul3A_147 = arith.mulf %mul3A_146, %add3A_144 : vector<16xf32>
      %max3A_148 = arith.maximumf %add3A_144, %mul3A_147 : vector<16xf32>
      %mul3A_149 = arith.mulf %max3A_148, %get3A_12 : vector<16xf32>
      %add3A_150 = arith.addf %add3A_129, %mul3A_149 : vector<16xf32>
      %mul3A_151 = arith.constant 2 : i32
      %mul3A_152 = arith.muli %mul3A_151, %scan3A_89 : i32
      %get3A_153 = arith.index_cast %mul3A_152 : i32 to index
      %get3A_154 = arith.constant 48 : index
      %get3A_155 = tpu.vector_load %arg11[%get3A_153, %get3A_154] {strides = array<i32>} : memref<80x128xf32, #tpu.memory_space<vmem>>, vector<1x16xf32>,
      %get3A_156 = vector.shape_cast %get3A_155 : vector<1x16xf32> to vector<16xf32>
      %mul3A_157 = arith.constant 2 : i32
      %mul3A_158 = arith.muli %mul3A_157, %scan3A_89 : i32
      %add3A_159 = arith.constant 1 : i32
      %add3A_160 = arith.addi %mul3A_158, %add3A_159 : i32
      %get3A_161 = arith.index_cast %add3A_160 : i32 to index
      %get3A_162 = arith.constant 48 : index
      %get3A_163 = tpu.vector_load %arg11[%get3A_161, %get3A_162] {strides = array<i32>} : memref<80x128xf32, #tpu.memory_space<vmem>>, vector<1x16xf32>,
      %get3A_164 = vector.shape_cast %get3A_163 : vector<1x16xf32> to vector<16xf32>
      %add3A_165 = arith.addf %get3A_156, %get3A_164 : vector<16xf32>
      %mul3A_166 = arith.constant 2.000000e-01 : f32
      %mul3A_167 = vector.broadcast %mul3A_166 : f32 to vector<16xf32>
      %mul3A_168 = arith.mulf %mul3A_167, %add3A_165 : vector<16xf32>
      %max3A_169 = arith.maximumf %add3A_165, %mul3A_168 : vector<16xf32>
      %mul3A_170 = arith.mulf %max3A_169, %get3A_15 : vector<16xf32>
      %add3A_171 = arith.addf %add3A_150, %mul3A_170 : vector<16xf32>
      %mul3A_172 = arith.constant 2 : i32
      %mul3A_173 = arith.muli %mul3A_172, %scan3A_89 : i32
      %get3A_174 = arith.index_cast %mul3A_173 : i32 to index
      %get3A_175 = arith.constant 64 : index
      %get3A_176 = tpu.vector_load %arg11[%get3A_174, %get3A_175] {strides = array<i32>} : memref<80x128xf32, #tpu.memory_space<vmem>>, vector<1x16xf32>,
      %get3A_177 = vector.shape_cast %get3A_176 : vector<1x16xf32> to vector<16xf32>
      %mul3A_178 = arith.constant 2 : i32
      %mul3A_179 = arith.muli %mul3A_178, %scan3A_89 : i32
      %add3A_180 = arith.constant 1 : i32
      %add3A_181 = arith.addi %mul3A_179, %add3A_180 : i32
      %get3A_182 = arith.index_cast %add3A_181 : i32 to index
      %get3A_183 = arith.constant 64 : index
      %get3A_184 = tpu.vector_load %arg11[%get3A_182, %get3A_183] {strides = array<i32>} : memref<80x128xf32, #tpu.memory_space<vmem>>, vector<1x16xf32>,
      %get3A_185 = vector.shape_cast %get3A_184 : vector<1x16xf32> to vector<16xf32>
      %add3A_186 = arith.addf %get3A_177, %get3A_185 : vector<16xf32>
      %mul3A_187 = arith.constant 2.000000e-01 : f32
      %mul3A_188 = vector.broadcast %mul3A_187 : f32 to vector<16xf32>
      %mul3A_189 = arith.mulf %mul3A_188, %add3A_186 : vector<16xf32>
      %max3A_190 = arith.maximumf %add3A_186, %mul3A_189 : vector<16xf32>
      %mul3A_191 = arith.mulf %max3A_190, %get3A_18 : vector<16xf32>
      %add3A_192 = arith.addf %add3A_171, %mul3A_191 : vector<16xf32>
      %mul3A_193 = arith.constant 2 : i32
      %mul3A_194 = arith.muli %mul3A_193, %scan3A_89 : i32
      %get3A_195 = arith.index_cast %mul3A_194 : i32 to index
      %get3A_196 = arith.constant 80 : index
      %get3A_197 = tpu.vector_load %arg11[%get3A_195, %get3A_196] {strides = array<i32>} : memref<80x128xf32, #tpu.memory_space<vmem>>, vector<1x16xf32>,
      %get3A_198 = vector.shape_cast %get3A_197 : vector<1x16xf32> to vector<16xf32>
      %mul3A_199 = arith.constant 2 : i32
      %mul3A_200 = arith.muli %mul3A_199, %scan3A_89 : i32
      %add3A_201 = arith.constant 1 : i32
      %add3A_202 = arith.addi %mul3A_200, %add3A_201 : i32
      %get3A_203 = arith.index_cast %add3A_202 : i32 to index
      %get3A_204 = arith.constant 80 : index
      %get3A_205 = tpu.vector_load %arg11[%get3A_203, %get3A_204] {strides = array<i32>} : memref<80x128xf32, #tpu.memory_space<vmem>>, vector<1x16xf32>,
      %get3A_206 = vector.shape_cast %get3A_205 : vector<1x16xf32> to vector<16xf32>
      %add3A_207 = arith.addf %get3A_198, %get3A_206 : vector<16xf32>
      %mul3A_208 = arith.constant 2.000000e-01 : f32
      %mul3A_209 = vector.broadcast %mul3A_208 : f32 to vector<16xf32>
      %mul3A_210 = arith.mulf %mul3A_209, %add3A_207 : vector<16xf32>
      %max3A_211 = arith.maximumf %add3A_207, %mul3A_210 : vector<16xf32>
      %mul3A_212 = arith.mulf %max3A_211, %get3A_21 : vector<16xf32>
      %add3A_213 = arith.addf %add3A_192, %mul3A_212 : vector<16xf32>
      %mul3A_214 = arith.constant 2 : i32
      %mul3A_215 = arith.muli %mul3A_214, %scan3A_89 : i32
      %get3A_216 = arith.index_cast %mul3A_215 : i32 to index
      %get3A_217 = arith.constant 96 : index
      %get3A_218 = tpu.vector_load %arg11[%get3A_216, %get3A_217] {strides = array<i32>} : memref<80x128xf32, #tpu.memory_space<vmem>>, vector<1x16xf32>,
      %get3A_219 = vector.shape_cast %get3A_218 : vector<1x16xf32> to vector<16xf32>
      %mul3A_220 = arith.constant 2 : i32
      %mul3A_221 = arith.muli %mul3A_220, %scan3A_89 : i32
      %add3A_222 = arith.constant 1 : i32
      %add3A_223 = arith.addi %mul3A_221, %add3A_222 : i32
      %get3A_224 = arith.index_cast %add3A_223 : i32 to index
      %get3A_225 = arith.constant 96 : index
      %get3A_226 = tpu.vector_load %arg11[%get3A_224, %get3A_225] {strides = array<i32>} : memref<80x128xf32, #tpu.memory_space<vmem>>, vector<1x16xf32>,
      %get3A_227 = vector.shape_cast %get3A_226 : vector<1x16xf32> to vector<16xf32>
      %add3A_228 = arith.addf %get3A_219, %get3A_227 : vector<16xf32>
      %mul3A_229 = arith.constant 2.000000e-01 : f32
      %mul3A_230 = vector.broadcast %mul3A_229 : f32 to vector<16xf32>
      %mul3A_231 = arith.mulf %mul3A_230, %add3A_228 : vector<16xf32>
      %max3A_232 = arith.maximumf %add3A_228, %mul3A_231 : vector<16xf32>
      %mul3A_233 = arith.mulf %max3A_232, %get3A_24 : vector<16xf32>
      %add3A_234 = arith.addf %add3A_213, %mul3A_233 : vector<16xf32>
      %mul3A_235 = arith.constant 2 : i32
      %mul3A_236 = arith.muli %mul3A_235, %scan3A_89 : i32
      %get3A_237 = arith.index_cast %mul3A_236 : i32 to index
      %get3A_238 = arith.constant 112 : index
      %get3A_239 = tpu.vector_load %arg11[%get3A_237, %get3A_238] {strides = array<i32>} : memref<80x128xf32, #tpu.memory_space<vmem>>, vector<1x16xf32>,
      %get3A_240 = vector.shape_cast %get3A_239 : vector<1x16xf32> to vector<16xf32>
      %mul3A_241 = arith.constant 2 : i32
      %mul3A_242 = arith.muli %mul3A_241, %scan3A_89 : i32
      %add3A_243 = arith.constant 1 : i32
      %add3A_244 = arith.addi %mul3A_242, %add3A_243 : i32
      %get3A_245 = arith.index_cast %add3A_244 : i32 to index
      %get3A_246 = arith.constant 112 : index
      %get3A_247 = tpu.vector_load %arg11[%get3A_245, %get3A_246] {strides = array<i32>} : memref<80x128xf32, #tpu.memory_space<vmem>>, vector<1x16xf32>,
      %get3A_248 = vector.shape_cast %get3A_247 : vector<1x16xf32> to vector<16xf32>
      %add3A_249 = arith.addf %get3A_240, %get3A_248 : vector<16xf32>
      %mul3A_250 = arith.constant 2.000000e-01 : f32
      %mul3A_251 = vector.broadcast %mul3A_250 : f32 to vector<16xf32>
      %mul3A_252 = arith.mulf %mul3A_251, %add3A_249 : vector<16xf32>
      %max3A_253 = arith.maximumf %add3A_249, %mul3A_252 : vector<16xf32>
      %mul3A_254 = arith.mulf %max3A_253, %get3A_27 : vector<16xf32>
      %add3A_255 = arith.addf %add3A_234, %mul3A_254 : vector<16xf32>
      %swap3A = arith.constant 0 : index
      %swap3A_256 = tpu.vector_load %arg15[%swap3A] {strides = array<i32>} : memref<32xf32, #tpu.memory_space<vmem>>, vector<16xf32>,
      %swap3A_257 = vector.shape_cast %swap3A_256 : vector<16xf32> to vector<16xf32>
      %swap3A_258 = vector.shape_cast %add3A_255 : vector<16xf32> to vector<16xf32>
      tpu.vector_store %arg15[%swap3A], %swap3A_258 {strides = array<i32>} : memref<32xf32, #tpu.memory_space<vmem>>, vector<16xf32>,
      %swap3A_259 = arith.constant 16 : index
      %swap3A_260 = tpu.vector_load %arg15[%swap3A_259] {strides = array<i32>} : memref<32xf32, #tpu.memory_space<vmem>>, vector<16xf32>,
      %swap3A_261 = vector.shape_cast %swap3A_260 : vector<16xf32> to vector<16xf32>
      %swap3A_262 = vector.shape_cast %add3A_255 : vector<16xf32> to vector<16xf32>
      tpu.vector_store %arg15[%swap3A_259], %swap3A_262 {strides = array<i32>} : memref<32xf32, #tpu.memory_space<vmem>>, vector<16xf32>,
      %get3A_263 = arith.constant 8 : index
      %get3A_264 = tpu.vector_load %arg15[%get3A_263] {strides = array<i32>} : memref<32xf32, #tpu.memory_space<vmem>>, vector<16xf32>,
      %get3A_265 = vector.shape_cast %get3A_264 : vector<16xf32> to vector<16xf32>
      %add3A_266 = arith.addf %add3A_255, %get3A_265 : vector<16xf32>
      %swap3A_267 = arith.constant 0 : index
      %swap3A_268 = tpu.vector_load %arg15[%swap3A_267] {strides = array<i32>} : memref<32xf32, #tpu.memory_space<vmem>>, vector<16xf32>,
      %swap3A_269 = vector.shape_cast %swap3A_268 : vector<16xf32> to vector<16xf32>
      %swap3A_270 = vector.shape_cast %add3A_266 : vector<16xf32> to vector<16xf32>
      tpu.vector_store %arg15[%swap3A_267], %swap3A_270 {strides = array<i32>} : memref<32xf32, #tpu.memory_space<vmem>>, vector<16xf32>,
      %swap3A_271 = arith.constant 16 : index
      %swap3A_272 = tpu.vector_load %arg15[%swap3A_271] {strides = array<i32>} : memref<32xf32, #tpu.memory_space<vmem>>, vector<16xf32>,
      %swap3A_273 = vector.shape_cast %swap3A_272 : vector<16xf32> to vector<16xf32>
      %swap3A_274 = vector.shape_cast %add3A_266 : vector<16xf32> to vector<16xf32>
      tpu.vector_store %arg15[%swap3A_271], %swap3A_274 {strides = array<i32>} : memref<32xf32, #tpu.memory_space<vmem>>, vector<16xf32>,
      %get3A_275 = arith.constant 4 : index
      %get3A_276 = tpu.vector_load %arg15[%get3A_275] {strides = array<i32>} : memref<32xf32, #tpu.memory_space<vmem>>, vector<16xf32>,
      %get3A_277 = vector.shape_cast %get3A_276 : vector<16xf32> to vector<16xf32>
      %add3A_278 = arith.addf %add3A_266, %get3A_277 : vector<16xf32>
      %exp3A = math.exp %add3A_278 : vector<16xf32>
      %mul3A_279 = arith.mulf %exp3A, %get3A_103 : vector<16xf32>
      %swap3A_280 = arith.index_cast %scan3A_89 : i32 to index
      %swap3A_281 = arith.constant 0 : index
      %swap3A_282 = tpu.vector_load %arg13[%swap3A_280, %swap3A_281] {strides = array<i32>} : memref<40x144xf32, #tpu.memory_space<vmem>>, vector<1x16xf32>,
      %swap3A_283 = vector.shape_cast %swap3A_282 : vector<1x16xf32> to vector<16xf32>
      %swap3A_284 = vector.shape_cast %mul3A_279 : vector<16xf32> to vector<1x16xf32>
      tpu.vector_store %arg13[%swap3A_280, %swap3A_281], %swap3A_284 {strides = array<i32>} : memref<40x144xf32, #tpu.memory_space<vmem>>, vector<1x16xf32>,
      %mul3A_285 = arith.mulf %exp3A, %get3A_122 : vector<16xf32>
      %swap3A_286 = arith.index_cast %scan3A_89 : i32 to index
      %swap3A_287 = arith.constant 16 : index
      %swap3A_288 = tpu.vector_load %arg13[%swap3A_286, %swap3A_287] {strides = array<i32>} : memref<40x144xf32, #tpu.memory_space<vmem>>, vector<1x16xf32>,
      %swap3A_289 = vector.shape_cast %swap3A_288 : vector<1x16xf32> to vector<16xf32>
      %swap3A_290 = vector.shape_cast %mul3A_285 : vector<16xf32> to vector<1x16xf32>
      tpu.vector_store %arg13[%swap3A_286, %swap3A_287], %swap3A_290 {strides = array<i32>} : memref<40x144xf32, #tpu.memory_space<vmem>>, vector<1x16xf32>,
      %mul3A_291 = arith.mulf %exp3A, %get3A_143 : vector<16xf32>
      %swap3A_292 = arith.index_cast %scan3A_89 : i32 to index
      %swap3A_293 = arith.constant 32 : index
      %swap3A_294 = tpu.vector_load %arg13[%swap3A_292, %swap3A_293] {strides = array<i32>} : memref<40x144xf32, #tpu.memory_space<vmem>>, vector<1x16xf32>,
      %swap3A_295 = vector.shape_cast %swap3A_294 : vector<1x16xf32> to vector<16xf32>
      %swap3A_296 = vector.shape_cast %mul3A_291 : vector<16xf32> to vector<1x16xf32>
      tpu.vector_store %arg13[%swap3A_292, %swap3A_293], %swap3A_296 {strides = array<i32>} : memref<40x144xf32, #tpu.memory_space<vmem>>, vector<1x16xf32>,
      %mul3A_297 = arith.mulf %exp3A, %get3A_164 : vector<16xf32>
      %swap3A_298 = arith.index_cast %scan3A_89 : i32 to index
      %swap3A_299 = arith.constant 48 : index
      %swap3A_300 = tpu.vector_load %arg13[%swap3A_298, %swap3A_299] {strides = array<i32>} : memref<40x144xf32, #tpu.memory_space<vmem>>, vector<1x16xf32>,
      %swap3A_301 = vector.shape_cast %swap3A_300 : vector<1x16xf32> to vector<16xf32>
      %swap3A_302 = vector.shape_cast %mul3A_297 : vector<16xf32> to vector<1x16xf32>
      tpu.vector_store %arg13[%swap3A_298, %swap3A_299], %swap3A_302 {strides = array<i32>} : memref<40x144xf32, #tpu.memory_space<vmem>>, vector<1x16xf32>,
      %mul3A_303 = arith.mulf %exp3A, %get3A_185 : vector<16xf32>
      %swap3A_304 = arith.index_cast %scan3A_89 : i32 to index
      %swap3A_305 = arith.constant 64 : index
      %swap3A_306 = tpu.vector_load %arg13[%swap3A_304, %swap3A_305] {strides = array<i32>} : memref<40x144xf32, #tpu.memory_space<vmem>>, vector<1x16xf32>,
      %swap3A_307 = vector.shape_cast %swap3A_306 : vector<1x16xf32> to vector<16xf32>
      %swap3A_308 = vector.shape_cast %mul3A_303 : vector<16xf32> to vector<1x16xf32>
      tpu.vector_store %arg13[%swap3A_304, %swap3A_305], %swap3A_308 {strides = array<i32>} : memref<40x144xf32, #tpu.memory_space<vmem>>, vector<1x16xf32>,
      %mul3A_309 = arith.mulf %exp3A, %get3A_206 : vector<16xf32>
      %swap3A_310 = arith.index_cast %scan3A_89 : i32 to index
      %swap3A_311 = arith.constant 80 : index
      %swap3A_312 = tpu.vector_load %arg13[%swap3A_310, %swap3A_311] {strides = array<i32>} : memref<40x144xf32, #tpu.memory_space<vmem>>, vector<1x16xf32>,
      %swap3A_313 = vector.shape_cast %swap3A_312 : vector<1x16xf32> to vector<16xf32>
      %swap3A_314 = vector.shape_cast %mul3A_309 : vector<16xf32> to vector<1x16xf32>
      tpu.vector_store %arg13[%swap3A_310, %swap3A_311], %swap3A_314 {strides = array<i32>} : memref<40x144xf32, #tpu.memory_space<vmem>>, vector<1x16xf32>,
      %mul3A_315 = arith.mulf %exp3A, %get3A_227 : vector<16xf32>
      %swap3A_316 = arith.index_cast %scan3A_89 : i32 to index
      %swap3A_317 = arith.constant 96 : index
      %swap3A_318 = tpu.vector_load %arg13[%swap3A_316, %swap3A_317] {strides = array<i32>} : memref<40x144xf32, #tpu.memory_space<vmem>>, vector<1x16xf32>,
      %swap3A_319 = vector.shape_cast %swap3A_318 : vector<1x16xf32> to vector<16xf32>
      %swap3A_320 = vector.shape_cast %mul3A_315 : vector<16xf32> to vector<1x16xf32>
      tpu.vector_store %arg13[%swap3A_316, %swap3A_317], %swap3A_320 {strides = array<i32>} : memref<40x144xf32, #tpu.memory_space<vmem>>, vector<1x16xf32>,
      %mul3A_321 = arith.mulf %exp3A, %get3A_248 : vector<16xf32>
      %swap3A_322 = arith.index_cast %scan3A_89 : i32 to index
      %swap3A_323 = arith.constant 112 : index
      %swap3A_324 = tpu.vector_load %arg13[%swap3A_322, %swap3A_323] {strides = array<i32>} : memref<40x144xf32, #tpu.memory_space<vmem>>, vector<1x16xf32>,
      %swap3A_325 = vector.shape_cast %swap3A_324 : vector<1x16xf32> to vector<16xf32>
      %swap3A_326 = vector.shape_cast %mul3A_321 : vector<16xf32> to vector<1x16xf32>
      tpu.vector_store %arg13[%swap3A_322, %swap3A_323], %swap3A_326 {strides = array<i32>} : memref<40x144xf32, #tpu.memory_space<vmem>>, vector<1x16xf32>,
      %swap3A_327 = arith.index_cast %scan3A_89 : i32 to index
      %swap3A_328 = arith.constant 128 : index
      %swap3A_329 = tpu.vector_load %arg13[%swap3A_327, %swap3A_328] {strides = array<i32>} : memref<40x144xf32, #tpu.memory_space<vmem>>, vector<1x16xf32>,
      %swap3A_330 = vector.shape_cast %swap3A_329 : vector<1x16xf32> to vector<16xf32>
      %swap3A_331 = vector.shape_cast %exp3A : vector<16xf32> to vector<1x16xf32>
      tpu.vector_store %arg13[%swap3A_327, %swap3A_328], %swap3A_331 {strides = array<i32>} : memref<40x144xf32, #tpu.memory_space<vmem>>, vector<1x16xf32>,
    }
    %scan3A_78 = arith.constant 40 : i32
    %run_scoped3A = arith.constant 0 : i32
    "tpu.region"() ({
      %run_scoped3A_89 = tpu.sem_alloc : memref<!tpu.dma_semaphore, #tpu.memory_space<semaphore_mem>>
      %dma_start3A_90 = arith.constant 0 : i32
      %dma_start3A_91 = tpu.memref_slice %arg10[%run_scoped3A, %dma_start3A_90] : memref<2x40xi32, #tpu.memory_space<vmem>> -> memref<1x40xi32, #tpu.memory_space<vmem>>
      %dma_start3A_92 = tpu.memref_squeeze %dma_start3A_91 : memref<1x40xi32, #tpu.memory_space<vmem>> -> memref<40xi32, #tpu.memory_space<vmem>>
      %dma_start3A_93 = arith.constant 0 : i32
      %dma_start3A_94 = arith.constant 0 : i32
      %dma_start3A_95 = tpu.memref_slice %arg8[%dma_start3A_93, %dma_start3A_94] : memref<10000x144xf32, #tpu.memory_space<vmem_shared>> -> memref<10000x144xf32, #tpu.memory_space<vmem_shared>>
      tpu.enqueue_indirect_dma source(%arg13 : memref<40x144xf32, #tpu.memory_space<vmem>>) target(%dma_start3A_95 : memref<10000x144xf32, #tpu.memory_space<vmem_shared>>) offsets(%dma_start3A_92 : memref<40xi32, #tpu.memory_space<vmem>>) semaphore(%run_scoped3A_89 : memref<!tpu.dma_semaphore, #tpu.memory_space<semaphore_mem>>) {add = true}
      %dma_wait3A_96 = arith.constant 0 : i32
      %dma_wait3A_97 = tpu.memref_slice %arg10[%run_scoped3A, %dma_wait3A_96] : memref<2x40xi32, #tpu.memory_space<vmem>> -> memref<1x40xi32, #tpu.memory_space<vmem>>
      %dma_wait3A_98 = tpu.memref_squeeze %dma_wait3A_97 : memref<1x40xi32, #tpu.memory_space<vmem>> -> memref<40xi32, #tpu.memory_space<vmem>>
      %dma_wait3A_99 = arith.constant 0 : i32
      %dma_wait3A_100 = arith.constant 0 : i32
      %dma_wait3A_101 = tpu.memref_slice %arg8[%dma_wait3A_99, %dma_wait3A_100] : memref<10000x144xf32, #tpu.memory_space<vmem_shared>> -> memref<10000x144xf32, #tpu.memory_space<vmem_shared>>
      tpu.wait_indirect_dma semaphore(%run_scoped3A_89 : memref<!tpu.dma_semaphore, #tpu.memory_space<semaphore_mem>>) src(%arg13 : memref<40x144xf32, #tpu.memory_space<vmem>>) dst(%dma_wait3A_101 : memref<10000x144xf32, #tpu.memory_space<vmem_shared>>)
      tpu.yield
    }) : () -> ()
    %barrier3A_79 = arith.constant 0 : index
    tpu.barrier barrier_id(%barrier3A_79)
    %mul3A_80 = arith.constant 624 : i32
    %mul3A_81 = arith.muli %arg1, %mul3A_80 : i32
    %mul3A_82 = arith.constant 624 : i32
    %mul3A_83 = arith.muli %arg1, %mul3A_82 : i32
    "tpu.region"() ({
      %run_scoped3A_89 = tpu.sem_alloc : memref<!tpu.dma_semaphore, #tpu.memory_space<semaphore_mem>>
      %dma_start3A_90 = arith.constant 0 : i32
      %dma_start3A_91 = tpu.memref_slice %arg7[%arg0, %mul3A_83, %dma_start3A_90] : memref<2x10000x144xf32, #tpu.memory_space<hbm>> -> memref<1x624x144xf32, #tpu.memory_space<hbm>>
      %dma_start3A_92 = tpu.memref_squeeze %dma_start3A_91 : memref<1x624x144xf32, #tpu.memory_space<hbm>> -> memref<624x144xf32, #tpu.memory_space<hbm>>
      %dma_start3A_93 = arith.constant 0 : i32
      %dma_start3A_94 = tpu.memref_slice %arg8[%mul3A_81, %dma_start3A_93] : memref<10000x144xf32, #tpu.memory_space<vmem_shared>> -> memref<624x144xf32, #tpu.memory_space<vmem_shared>>
      tpu.enqueue_dma source(%dma_start3A_94 : memref<624x144xf32, #tpu.memory_space<vmem_shared>>) target(%dma_start3A_92 : memref<624x144xf32, #tpu.memory_space<hbm>>) target_semaphore(%run_scoped3A_89 : memref<!tpu.dma_semaphore, #tpu.memory_space<semaphore_mem>>)
      %dma_wait3A_95 = arith.constant 0 : i32
      %dma_wait3A_96 = tpu.memref_slice %arg7[%arg0, %mul3A_83, %dma_wait3A_95] : memref<2x10000x144xf32, #tpu.memory_space<hbm>> -> memref<1x624x144xf32, #tpu.memory_space<hbm>>
      %dma_wait3A_97 = tpu.memref_squeeze %dma_wait3A_96 : memref<1x624x144xf32, #tpu.memory_space<hbm>> -> memref<624x144xf32, #tpu.memory_space<hbm>>
      %dma_wait3A_98 = arith.constant 0 : i32
      %dma_wait3A_99 = tpu.memref_slice %arg8[%mul3A_81, %dma_wait3A_98] : memref<10000x144xf32, #tpu.memory_space<vmem_shared>> -> memref<624x144xf32, #tpu.memory_space<vmem_shared>>
      tpu.wait_dma2 semaphore(%run_scoped3A_89 : memref<!tpu.dma_semaphore, #tpu.memory_space<semaphore_mem>>) src(%dma_wait3A_99 : memref<624x144xf32, #tpu.memory_space<vmem_shared>>) dst(%dma_wait3A_97 : memref<624x144xf32, #tpu.memory_space<hbm>>)
      tpu.yield
    }) : () -> ()
    %eq3A_84 = arith.constant 0 : i32
    %eq3A_85 = arith.cmpi eq, %arg1, %eq3A_84 : i32
    %convert_element_type3A_86 = arith.extui %eq3A_85 : i1 to i32
    %cond3A_87 = arith.constant 0 : i32
    %cond3A_88 = arith.cmpi ne, %convert_element_type3A_86, %cond3A_87 : i32
    scf.if %cond3A_88 {
      "tpu.region"() ({
        %run_scoped3A_89 = tpu.sem_alloc : memref<!tpu.dma_semaphore, #tpu.memory_space<semaphore_mem>>
        %dma_start3A_90 = arith.constant 9984 : i32
        %dma_start3A_91 = arith.constant 0 : i32
        %dma_start3A_92 = tpu.memref_slice %arg7[%arg0, %dma_start3A_90, %dma_start3A_91] : memref<2x10000x144xf32, #tpu.memory_space<hbm>> -> memref<1x16x144xf32, #tpu.memory_space<hbm>>
        %dma_start3A_93 = tpu.memref_squeeze %dma_start3A_92 : memref<1x16x144xf32, #tpu.memory_space<hbm>> -> memref<16x144xf32, #tpu.memory_space<hbm>>
        %dma_start3A_94 = arith.constant 9984 : i32
        %dma_start3A_95 = arith.constant 0 : i32
        %dma_start3A_96 = tpu.memref_slice %arg8[%dma_start3A_94, %dma_start3A_95] : memref<10000x144xf32, #tpu.memory_space<vmem_shared>> -> memref<16x144xf32, #tpu.memory_space<vmem_shared>>
        tpu.enqueue_dma source(%dma_start3A_96 : memref<16x144xf32, #tpu.memory_space<vmem_shared>>) target(%dma_start3A_93 : memref<16x144xf32, #tpu.memory_space<hbm>>) target_semaphore(%run_scoped3A_89 : memref<!tpu.dma_semaphore, #tpu.memory_space<semaphore_mem>>)
        %dma_wait3A_97 = arith.constant 9984 : i32
        %dma_wait3A_98 = arith.constant 0 : i32
        %dma_wait3A_99 = tpu.memref_slice %arg7[%arg0, %dma_wait3A_97, %dma_wait3A_98] : memref<2x10000x144xf32, #tpu.memory_space<hbm>> -> memref<1x16x144xf32, #tpu.memory_space<hbm>>
        %dma_wait3A_100 = tpu.memref_squeeze %dma_wait3A_99 : memref<1x16x144xf32, #tpu.memory_space<hbm>> -> memref<16x144xf32, #tpu.memory_space<hbm>>
        %dma_wait3A_101 = arith.constant 9984 : i32
        %dma_wait3A_102 = arith.constant 0 : i32
        %dma_wait3A_103 = tpu.memref_slice %arg8[%dma_wait3A_101, %dma_wait3A_102] : memref<10000x144xf32, #tpu.memory_space<vmem_shared>> -> memref<16x144xf32, #tpu.memory_space<vmem_shared>>
        tpu.wait_dma2 semaphore(%run_scoped3A_89 : memref<!tpu.dma_semaphore, #tpu.memory_space<semaphore_mem>>) src(%dma_wait3A_103 : memref<16x144xf32, #tpu.memory_space<vmem_shared>>) dst(%dma_wait3A_100 : memref<16x144xf32, #tpu.memory_space<hbm>>)
        tpu.yield
      }) : () -> ()
    } else {
    }
    return
  }
}

module attributes {stable_mosaic.version = 14 : i64} {
  func.func @_mm_body(%arg0: i32, %arg1: memref<1000x256xf32, #tpu.memory_space<vmem>>, %arg2: memref<256x64xf32, #tpu.memory_space<vmem>>, %arg3: memref<1000x64xf32, #tpu.memory_space<vmem>>) attributes {dimension_semantics = [#tpu.dimension_semantics<arbitrary>], iteration_bounds = array<i64: 10>, scalar_prefetch = 0 : i64, scratch_operands = 0 : i64, tpu.core_type = #tpu.core_type<tc>, window_params = [{transform_indices = @transform_0, window_bounds = array<i64: 1000, 256>}, {pipeline_mode = #tpu.pipeline_mode<synchronous>, transform_indices = @transform_1, window_bounds = array<i64: 256, 64>}, {transform_indices = @transform_2, window_bounds = array<i64: 1000, 64>}]} {
    %get3A = arith.constant 0 : index
    %get3A_0 = arith.constant 0 : index
    %get3A_1 = vector.load %arg1[%get3A, %get3A_0] : memref<1000x256xf32, #tpu.memory_space<vmem>>, vector<1000x256xf32>
    %get3A_2 = arith.constant 0 : index
    %get3A_3 = arith.constant 0 : index
    %get3A_4 = vector.load %arg2[%get3A_2, %get3A_3] : memref<256x64xf32, #tpu.memory_space<vmem>>, vector<256x64xf32>
    %dot_general3A = arith.constant dense<0.000000e+00> : vector<1000x64xf32>
    %dot_general3A_5 = tpu.matmul %get3A_1, %get3A_4, %dot_general3A {dimension_numbers = #tpu.dot_dimension_numbers<[1], [0], [0], [1], [0, 0, 1, 1], [], []>, transpose_lhs_hint = false} : vector<1000x256xf32>, vector<256x64xf32>, vector<1000x64xf32> -> vector<1000x64xf32>
    %swap3A = arith.constant 0 : index
    %swap3A_6 = arith.constant 0 : index
    %swap3A_7 = vector.load %arg3[%swap3A, %swap3A_6] : memref<1000x64xf32, #tpu.memory_space<vmem>>, vector<1000x64xf32>
    tpu.vector_store %arg3[%swap3A, %swap3A_6], %dot_general3A_5 {strides = array<i32>} : memref<1000x64xf32, #tpu.memory_space<vmem>>, vector<1000x64xf32>,
    return
  }
  func.func @transform_0(%arg0: i32) -> (i32, i32) {
    %c0_i32 = arith.constant 0 : i32
    %c0_i32_0 = arith.constant 0 : i32
    return %arg0, %c0_i32 : i32, i32
  }
  func.func @transform_1(%arg0: i32) -> (i32, i32) {
    %c0_i32 = arith.constant 0 : i32
    %c0_i32_0 = arith.constant 0 : i32
    %c0_i32_1 = arith.constant 0 : i32
    return %c0_i32, %c0_i32_0 : i32, i32
  }
  func.func @transform_2(%arg0: i32) -> (i32, i32) {
    %c0_i32 = arith.constant 0 : i32
    %c0_i32_0 = arith.constant 0 : i32
    return %arg0, %c0_i32 : i32, i32
  }
}

module attributes {stable_mosaic.version = 14 : i64} {
  func.func @_l1_combine_body(%arg0: i32, %arg1: memref<2x1000x80xf32, #tpu.memory_space<vmem>>, %arg2: memref<8x64xf32, #tpu.memory_space<vmem>>, %arg3: memref<64x256xf32, #tpu.memory_space<vmem>>, %arg4: memref<1000x256xf32, #tpu.memory_space<vmem>>) attributes {dimension_semantics = [#tpu.dimension_semantics<arbitrary>], iteration_bounds = array<i64: 10>, scalar_prefetch = 0 : i64, scratch_operands = 0 : i64, tpu.core_type = #tpu.core_type<tc>, window_params = [{transform_indices = @transform_0, window_bounds = array<i64: 2, 1000, 80>}, {pipeline_mode = #tpu.pipeline_mode<synchronous>, transform_indices = @transform_1, window_bounds = array<i64: 8, 64>}, {pipeline_mode = #tpu.pipeline_mode<synchronous>, transform_indices = @transform_2, window_bounds = array<i64: 64, 256>}, {transform_indices = @transform_3, window_bounds = array<i64: 1000, 256>}]} {
    %get3A = arith.constant 0 : index
    %get3A_0 = arith.constant 0 : index
    %get3A_1 = arith.constant 0 : index
    %get3A_2 = vector.load %arg1[%get3A, %get3A_0, %get3A_1] : memref<2x1000x80xf32, #tpu.memory_space<vmem>>, vector<1x1000x80xf32>
    %get3A_3 = vector.shape_cast %get3A_2 : vector<1x1000x80xf32> to vector<1000x80xf32>
    %get3A_4 = arith.constant 1 : index
    %get3A_5 = arith.constant 0 : index
    %get3A_6 = arith.constant 0 : index
    %get3A_7 = vector.load %arg1[%get3A_4, %get3A_5, %get3A_6] : memref<2x1000x80xf32, #tpu.memory_space<vmem>>, vector<1x1000x80xf32>
    %get3A_8 = vector.shape_cast %get3A_7 : vector<1x1000x80xf32> to vector<1000x80xf32>
    %add3A = arith.addf %get3A_3, %get3A_8 : vector<1000x80xf32>
    %slice3A = vector.extract_strided_slice %add3A {offsets = [0, 0], sizes = [1000, 64], strides = [1, 1]} : vector<1000x80xf32> to vector<1000x64xf32>
    %slice3A_9 = vector.extract_strided_slice %add3A {offsets = [0, 64], sizes = [1000, 8], strides = [1, 1]} : vector<1000x80xf32> to vector<1000x8xf32>
    %get3A_10 = arith.constant 0 : index
    %get3A_11 = arith.constant 0 : index
    %get3A_12 = vector.load %arg2[%get3A_10, %get3A_11] : memref<8x64xf32, #tpu.memory_space<vmem>>, vector<8x64xf32>
    %dot_general3A = arith.constant dense<0.000000e+00> : vector<1000x64xf32>
    %dot_general3A_13 = tpu.matmul %slice3A_9, %get3A_12, %dot_general3A {dimension_numbers = #tpu.dot_dimension_numbers<[1], [0], [0], [1], [0, 0, 1, 1], [], []>, transpose_lhs_hint = false} : vector<1000x8xf32>, vector<8x64xf32>, vector<1000x64xf32> -> vector<1000x64xf32>
    %add3A_14 = arith.constant 9.99999971E-10 : f32
    %add3A_15 = vector.broadcast %add3A_14 : f32 to vector<1000x64xf32>
    %add3A_16 = arith.addf %dot_general3A_13, %add3A_15 : vector<1000x64xf32>
    %div3A = arith.divf %slice3A, %add3A_16 : vector<1000x64xf32>
    %gt3A = arith.constant 0.000000e+00 : f32
    %gt3A_17 = vector.broadcast %gt3A : f32 to vector<1000x64xf32>
    %gt3A_18 = arith.cmpf ogt, %div3A, %gt3A_17 : vector<1000x64xf32>
    %min3A = arith.constant 0.000000e+00 : f32
    %min3A_19 = vector.broadcast %min3A : f32 to vector<1000x64xf32>
    %min3A_20 = arith.minimumf %div3A, %min3A_19 : vector<1000x64xf32>
    %exp3A = math.exp %min3A_20 : vector<1000x64xf32>
    %sub3A = arith.constant 1.000000e+00 : f32
    %sub3A_21 = vector.broadcast %sub3A : f32 to vector<1000x64xf32>
    %sub3A_22 = arith.subf %exp3A, %sub3A_21 : vector<1000x64xf32>
    %select_n3A = arith.select %gt3A_18, %div3A, %sub3A_22 : vector<1000x64xi1>, vector<1000x64xf32>
    %get3A_23 = arith.constant 0 : index
    %get3A_24 = arith.constant 0 : index
    %get3A_25 = vector.load %arg3[%get3A_23, %get3A_24] : memref<64x256xf32, #tpu.memory_space<vmem>>, vector<64x256xf32>
    %dot_general3A_26 = arith.constant dense<0.000000e+00> : vector<1000x256xf32>
    %dot_general3A_27 = tpu.matmul %select_n3A, %get3A_25, %dot_general3A_26 {dimension_numbers = #tpu.dot_dimension_numbers<[1], [0], [0], [1], [0, 0, 1, 1], [], []>, transpose_lhs_hint = false} : vector<1000x64xf32>, vector<64x256xf32>, vector<1000x256xf32> -> vector<1000x256xf32>
    %swap3A = arith.constant 0 : index
    %swap3A_28 = arith.constant 0 : index
    %swap3A_29 = vector.load %arg4[%swap3A, %swap3A_28] : memref<1000x256xf32, #tpu.memory_space<vmem>>, vector<1000x256xf32>
    tpu.vector_store %arg4[%swap3A, %swap3A_28], %dot_general3A_27 {strides = array<i32>} : memref<1000x256xf32, #tpu.memory_space<vmem>>, vector<1000x256xf32>,
    return
  }
  func.func @transform_0(%arg0: i32) -> (i32, i32, i32) {
    %c0_i32 = arith.constant 0 : i32
    %c0_i32_0 = arith.constant 0 : i32
    %c0_i32_1 = arith.constant 0 : i32
    return %c0_i32, %arg0, %c0_i32_0 : i32, i32, i32
  }
  func.func @transform_1(%arg0: i32) -> (i32, i32) {
    %c0_i32 = arith.constant 0 : i32
    %c0_i32_0 = arith.constant 0 : i32
    %c0_i32_1 = arith.constant 0 : i32
    return %c0_i32, %c0_i32_0 : i32, i32
  }
  func.func @transform_2(%arg0: i32) -> (i32, i32) {
    %c0_i32 = arith.constant 0 : i32
    %c0_i32_0 = arith.constant 0 : i32
    %c0_i32_1 = arith.constant 0 : i32
    return %c0_i32, %c0_i32_0 : i32, i32
  }
  func.func @transform_3(%arg0: i32) -> (i32, i32) {
    %c0_i32 = arith.constant 0 : i32
    %c0_i32_0 = arith.constant 0 : i32
    return %arg0, %c0_i32 : i32, i32
  }
}

module attributes {stable_mosaic.version = 14 : i64} {
  func.func @_l2_combine_body(%arg0: i32, %arg1: memref<2x1000x144xf32, #tpu.memory_space<vmem>>, %arg2: memref<2x1000x144xf32, #tpu.memory_space<vmem>>, %arg3: memref<4x128xf32, #tpu.memory_space<vmem>>, %arg4: memref<128x32xf32, #tpu.memory_space<vmem>>, %arg5: memref<1000x32xf32, #tpu.memory_space<vmem>>) attributes {dimension_semantics = [#tpu.dimension_semantics<arbitrary>], iteration_bounds = array<i64: 10>, scalar_prefetch = 0 : i64, scratch_operands = 0 : i64, tpu.core_type = #tpu.core_type<tc>, window_params = [{transform_indices = @transform_0, window_bounds = array<i64: 2, 1000, 144>}, {transform_indices = @transform_1, window_bounds = array<i64: 2, 1000, 144>}, {pipeline_mode = #tpu.pipeline_mode<synchronous>, transform_indices = @transform_2, window_bounds = array<i64: 4, 128>}, {pipeline_mode = #tpu.pipeline_mode<synchronous>, transform_indices = @transform_3, window_bounds = array<i64: 128, 32>}, {transform_indices = @transform_4, window_bounds = array<i64: 1000, 32>}]} {
    %get3A = arith.constant 0 : index
    %get3A_0 = arith.constant 0 : index
    %get3A_1 = arith.constant 0 : index
    %get3A_2 = vector.load %arg1[%get3A, %get3A_0, %get3A_1] : memref<2x1000x144xf32, #tpu.memory_space<vmem>>, vector<1x1000x144xf32>
    %get3A_3 = vector.shape_cast %get3A_2 : vector<1x1000x144xf32> to vector<1000x144xf32>
    %get3A_4 = arith.constant 1 : index
    %get3A_5 = arith.constant 0 : index
    %get3A_6 = arith.constant 0 : index
    %get3A_7 = vector.load %arg1[%get3A_4, %get3A_5, %get3A_6] : memref<2x1000x144xf32, #tpu.memory_space<vmem>>, vector<1x1000x144xf32>
    %get3A_8 = vector.shape_cast %get3A_7 : vector<1x1000x144xf32> to vector<1000x144xf32>
    %add3A = arith.addf %get3A_3, %get3A_8 : vector<1000x144xf32>
    %slice3A = vector.extract_strided_slice %add3A {offsets = [0, 0], sizes = [1000, 128], strides = [1, 1]} : vector<1000x144xf32> to vector<1000x128xf32>
    %slice3A_9 = vector.extract_strided_slice %add3A {offsets = [0, 128], sizes = [1000, 4], strides = [1, 1]} : vector<1000x144xf32> to vector<1000x4xf32>
    %get3A_10 = arith.constant 0 : index
    %get3A_11 = arith.constant 0 : index
    %get3A_12 = vector.load %arg3[%get3A_10, %get3A_11] : memref<4x128xf32, #tpu.memory_space<vmem>>, vector<4x128xf32>
    %dot_general3A = arith.constant dense<0.000000e+00> : vector<1000x128xf32>
    %dot_general3A_13 = tpu.matmul %slice3A_9, %get3A_12, %dot_general3A {dimension_numbers = #tpu.dot_dimension_numbers<[1], [0], [0], [1], [0, 0, 1, 1], [], []>, transpose_lhs_hint = false} : vector<1000x4xf32>, vector<4x128xf32>, vector<1000x128xf32> -> vector<1000x128xf32>
    %add3A_14 = arith.constant 9.99999971E-10 : f32
    %add3A_15 = vector.broadcast %add3A_14 : f32 to vector<1000x128xf32>
    %add3A_16 = arith.addf %dot_general3A_13, %add3A_15 : vector<1000x128xf32>
    %div3A = arith.divf %slice3A, %add3A_16 : vector<1000x128xf32>
    %get3A_17 = arith.constant 0 : index
    %get3A_18 = arith.constant 0 : index
    %get3A_19 = arith.constant 0 : index
    %get3A_20 = vector.load %arg2[%get3A_17, %get3A_18, %get3A_19] : memref<2x1000x144xf32, #tpu.memory_space<vmem>>, vector<1x1000x144xf32>
    %get3A_21 = vector.shape_cast %get3A_20 : vector<1x1000x144xf32> to vector<1000x144xf32>
    %get3A_22 = arith.constant 1 : index
    %get3A_23 = arith.constant 0 : index
    %get3A_24 = arith.constant 0 : index
    %get3A_25 = vector.load %arg2[%get3A_22, %get3A_23, %get3A_24] : memref<2x1000x144xf32, #tpu.memory_space<vmem>>, vector<1x1000x144xf32>
    %get3A_26 = vector.shape_cast %get3A_25 : vector<1x1000x144xf32> to vector<1000x144xf32>
    %add3A_27 = arith.addf %get3A_21, %get3A_26 : vector<1000x144xf32>
    %slice3A_28 = vector.extract_strided_slice %add3A_27 {offsets = [0, 0], sizes = [1000, 128], strides = [1, 1]} : vector<1000x144xf32> to vector<1000x128xf32>
    %slice3A_29 = vector.extract_strided_slice %add3A_27 {offsets = [0, 128], sizes = [1000, 4], strides = [1, 1]} : vector<1000x144xf32> to vector<1000x4xf32>
    %get3A_30 = arith.constant 0 : index
    %get3A_31 = arith.constant 0 : index
    %get3A_32 = vector.load %arg3[%get3A_30, %get3A_31] : memref<4x128xf32, #tpu.memory_space<vmem>>, vector<4x128xf32>
    %dot_general3A_33 = arith.constant dense<0.000000e+00> : vector<1000x128xf32>
    %dot_general3A_34 = tpu.matmul %slice3A_29, %get3A_32, %dot_general3A_33 {dimension_numbers = #tpu.dot_dimension_numbers<[1], [0], [0], [1], [0, 0, 1, 1], [], []>, transpose_lhs_hint = false} : vector<1000x4xf32>, vector<4x128xf32>, vector<1000x128xf32> -> vector<1000x128xf32>
    %add3A_35 = arith.constant 9.99999971E-10 : f32
    %add3A_36 = vector.broadcast %add3A_35 : f32 to vector<1000x128xf32>
    %add3A_37 = arith.addf %dot_general3A_34, %add3A_36 : vector<1000x128xf32>
    %div3A_38 = arith.divf %slice3A_28, %add3A_37 : vector<1000x128xf32>
    %add3A_39 = arith.addf %div3A, %div3A_38 : vector<1000x128xf32>
    %get3A_40 = arith.constant 0 : index
    %get3A_41 = arith.constant 0 : index
    %get3A_42 = vector.load %arg4[%get3A_40, %get3A_41] : memref<128x32xf32, #tpu.memory_space<vmem>>, vector<128x32xf32>
    %dot_general3A_43 = arith.constant dense<0.000000e+00> : vector<1000x32xf32>
    %dot_general3A_44 = tpu.matmul %add3A_39, %get3A_42, %dot_general3A_43 {dimension_numbers = #tpu.dot_dimension_numbers<[1], [0], [0], [1], [0, 0, 1, 1], [], []>, transpose_lhs_hint = false} : vector<1000x128xf32>, vector<128x32xf32>, vector<1000x32xf32> -> vector<1000x32xf32>
    %mul3A = arith.constant 1.250000e-01 : f32
    %mul3A_45 = vector.broadcast %mul3A : f32 to vector<1000x32xf32>
    %mul3A_46 = arith.mulf %dot_general3A_44, %mul3A_45 : vector<1000x32xf32>
    %gt3A = arith.constant 0.000000e+00 : f32
    %gt3A_47 = vector.broadcast %gt3A : f32 to vector<1000x32xf32>
    %gt3A_48 = arith.cmpf ogt, %mul3A_46, %gt3A_47 : vector<1000x32xf32>
    %min3A = arith.constant 0.000000e+00 : f32
    %min3A_49 = vector.broadcast %min3A : f32 to vector<1000x32xf32>
    %min3A_50 = arith.minimumf %mul3A_46, %min3A_49 : vector<1000x32xf32>
    %exp3A = math.exp %min3A_50 : vector<1000x32xf32>
    %sub3A = arith.constant 1.000000e+00 : f32
    %sub3A_51 = vector.broadcast %sub3A : f32 to vector<1000x32xf32>
    %sub3A_52 = arith.subf %exp3A, %sub3A_51 : vector<1000x32xf32>
    %select_n3A = arith.select %gt3A_48, %mul3A_46, %sub3A_52 : vector<1000x32xi1>, vector<1000x32xf32>
    %swap3A = arith.constant 0 : index
    %swap3A_53 = arith.constant 0 : index
    %swap3A_54 = vector.load %arg5[%swap3A, %swap3A_53] : memref<1000x32xf32, #tpu.memory_space<vmem>>, vector<1000x32xf32>
    tpu.vector_store %arg5[%swap3A, %swap3A_53], %select_n3A {strides = array<i32>} : memref<1000x32xf32, #tpu.memory_space<vmem>>, vector<1000x32xf32>,
    return
  }
  func.func @transform_0(%arg0: i32) -> (i32, i32, i32) {
    %c0_i32 = arith.constant 0 : i32
    %c0_i32_0 = arith.constant 0 : i32
    %c0_i32_1 = arith.constant 0 : i32
    return %c0_i32, %arg0, %c0_i32_0 : i32, i32, i32
  }
  func.func @transform_1(%arg0: i32) -> (i32, i32, i32) {
    %c0_i32 = arith.constant 0 : i32
    %c0_i32_0 = arith.constant 0 : i32
    %c0_i32_1 = arith.constant 0 : i32
    return %c0_i32, %arg0, %c0_i32_0 : i32, i32, i32
  }
  func.func @transform_2(%arg0: i32) -> (i32, i32) {
    %c0_i32 = arith.constant 0 : i32
    %c0_i32_0 = arith.constant 0 : i32
    %c0_i32_1 = arith.constant 0 : i32
    return %c0_i32, %c0_i32_0 : i32, i32
  }
  func.func @transform_3(%arg0: i32) -> (i32, i32) {
    %c0_i32 = arith.constant 0 : i32
    %c0_i32_0 = arith.constant 0 : i32
    %c0_i32_1 = arith.constant 0 : i32
    return %c0_i32, %c0_i32_0 : i32, i32
  }
  func.func @transform_4(%arg0: i32) -> (i32, i32) {
    %c0_i32 = arith.constant 0 : i32
    %c0_i32_0 = arith.constant 0 : i32
    return %arg0, %c0_i32 : i32, i32
  }
}

</mosaic_0001>

<sc_bundles>
// kernel: kernel.11.cloned.1.call-start
scs
__scs_entry_jumppad:
0x0: {  	(pc) =	sbr.rel $0x88, $3  }
0x1: {  	(tag) =	ssettag $0x0;
	lr =	simm.s32 $0x1  }
0x2: {  	[smem:$0x3F9A] =	sst lr;
	_ =	strace $0xD0000000  }
0x3: {  	_ = 	snop  }
0x4: {  	_ = 	snop  }
0x5: {  	_ = 	snop  }
0x6: {  	_ = 	snop  }
0x7: {  	_ = 	snop  }
__scs_overlays_trampoline_lowered:
0x8: {  	[smem:$0x3FA9] =	sst s0  }
0x9: {  	[smem:$0x3FAA] =	sst s1  }
0xa: {  	[smem:$0x3FAB] =	sst s2  }
0xb: {  	[smem:$0x3FAC] =	sst s3  }
0xc: {  	[smem:$0x3FAD] =	sst s4  }
0xd: {  	[smem:$0x3FAE] =	sst s5  }
0xe: {  	[smem:$0x3FAF] =	sst s6  }
0xf: {  	[smem:$0x3FB0] =	sst s7  }
0x10: {  	[smem:$0x3FB1] =	sst s8  }
0x11: {  	[smem:$0x3FB2] =	sst s9;
	s0 =	simm.s32 @!p0 $0x0  }
0x12: {  	s1 =	sld [smem:$0x3F98];
	s0 =	simm.s32 @p0 $0x1  }
0x13: {  	[smem:$0x3FB3] =	sst s0;
	s0 =	simm.s32 @!p1 $0x0  }
0x14: {  	s2 =	sld [smem:$0x3F97];
	s0 =	simm.s32 @p1 $0x1  }
0x15: {  	[smem:$0x3FB4] =	sst s0;
	s0 =	simm.s32 @!p2 $0x0  }
0x16: {  	s3 =	sld [smem:$0x3FDB];
	s0 =	simm.s32 @p2 $0x1  }
0x17: {  	s4 =	simm.s32 $0x1BF5;
	[smem:$0x3FB6] =	sst s0  }
0x18: {  	s0 =	sld [smem:$0x3F99];
	_ =	swait.ge [sflag:s4], $0x0  }
0x19: {  	s7 =	sld [smem:$0x3F9A]  }
0x1a: {  	s8 =	sadd.s32 $0xFFFFE003, lr  }
0x1b: {  	s9 =	sadd.s32 $0xFFFFFEF7, lr;
	s5 =	simm.s32 $0xFFFFFFFF;
	p2 =	slt.u32 s8, $0xFFFFF086  }
0x1c: {  	p1 =	slt.u32 s9, $0xF7A;
	s5 =	simm.s32 @!p2 $0x0  }
0x1d: {  	s5 =	simm.s32 @p1 $0x1;
	p0 =	seq.s32 s7, s2  }
0x1e: {  	s7 =	smul.u32 @!p0 $0xF7A, s2;
	p2 =	seq.s32 @!p0 s5, $0x0  }
0x1f: {  	s9 =	smul.u32 $0xF7A, s1;
	s8 =	simm.s32 @!p0 $0x1BF5;
	p2 =	por !p2, p0  }
0x20: {  	[sflag:s8] =	ssyncset.s32 @!p0 $0xFFFFF086;
	s6 =	sadd.s32 @!p0 s3, s7;
	s7 =	simm.s32 @!p0 $0x108  }
0x21: {  	s3 =	sadd.s32 s3, s9;
	s6 =	sadd.s32 @!p0 $0x88, s6;
	s7 =	simm.s32 @p2 $0x1082  }
0x22: {  	[simem:s7], [sflag:s8] =	dma.local @!p0 [hbm:s6], $0xF7A  }
0x23: {  	s9 =	sor.u32 $0xD0000000, s2;
	s6 =	simm.s32 $0x108;
	_ =	swait.ge @!p0 [sflag:s8], $0x0  }
0x24: {  	s3 =	sadd.s32 $0x88, s3;
	s6 =	simm.s32 @!p1 $0x1082;
	[sflag:s4] =	ssyncset.s32 $0xFFFFF086  }
0x25: {  	[simem:s6], [sflag:s4] =	dma.local [hbm:s3], $0xF7A  }
0x26: {  	[smem:$0x3F9A] =	sst s1;
	(tag) =	ssettag s2;
	_ =	strace s9  }
0x27: {  	s1 =	sld [smem:$0x3FAA]  }
0x28: {  	s2 =	sld [smem:$0x3FAB]  }
0x29: {  	s4 =	sld [smem:$0x3FAD]  }
0x2a: {  	p0 =	seq.s32 s5, $0x0;
	s5 =	sld [smem:$0x3FAE]  }
0x2b: {  	s6 =	sld [smem:$0x3FAF]  }
0x2c: {  	s7 =	sld [smem:$0x3FB0]  }
0x2d: {  	s3 =	simm.s32 $0x108;
	s8 =	sld [smem:$0x3FB1]  }
0x2e: {  	s3 =	simm.s32 @!p0 $0x1082;
	s9 =	sld [smem:$0x3FB2]  }
0x2f: {  	lr =	sadd.s32 s0, s3;
	s0 =	sld [smem:$0x3FA9]  }
0x30: {  	s3 =	sld [smem:$0x3FAC]  }
0x31: {  	[smem:$0x3FB5] =	sst s10  }
0x32: {  	s10 =	sld [smem:$0x3FB3];
	_ =	sdelay $0x3  }
0x33: {  	p0 =	seq.s32 s10, $0x1;
	s10 =	sld [smem:$0x3FB5];
	_ =	sdelay $0x3  }
0x34: {  	[smem:$0x3FB5] =	sst s10  }
0x35: {  	s10 =	sld [smem:$0x3FB4];
	_ =	sdelay $0x3  }
0x36: {  	p1 =	seq.s32 s10, $0x1;
	s10 =	sld [smem:$0x3FB5];
	_ =	sdelay $0x3  }
0x37: {  	[smem:$0x3FB5] =	sst s10  }
0x38: {  	s10 =	sld [smem:$0x3FB6]  }
0x39: {  	_ = 	snop;
	(pc) =	sbr.ind lr, $3  }
0x3a: {  	_ = 	snop  }
0x3b: {  	_ = 	snop  }
0x3c: {  	p2 =	seq.s32 s10, $0x1;
	s10 =	sld [smem:$0x3FB5]  }
0x3d: {  	_ =	shalt  }
0x3e: {  	_ =	shalt  }
0x3f: {  	_ =	shalt  }
0x40: {  	_ =	shalt  }
0x41: {  	_ =	shalt  }
0x42: {  	_ =	shalt  }
0x43: {  	_ =	shalt  }
0x44: {  	_ =	shalt  }
0x45: {  	_ =	shalt  }
0x46: {  	_ =	shalt  }
0x47: {  	_ =	shalt  }
0x48: {  	_ =	shalt  }
0x49: {  	_ =	shalt  }
0x4a: {  	_ =	shalt  }
0x4b: {  	_ =	shalt  }
0x4c: {  	_ =	shalt  }
0x4d: {  	_ =	shalt  }
0x4e: {  	_ =	shalt  }
0x4f: {  	_ =	shalt  }
0x50: {  	_ =	shalt  }
0x51: {  	_ =	shalt  }
0x52: {  	_ =	shalt  }
0x53: {  	_ =	shalt  }
0x54: {  	_ =	shalt  }
0x55: {  	_ =	shalt  }
0x56: {  	_ =	shalt  }
0x57: {  	_ =	shalt  }
0x58: {  	_ =	shalt  }
0x59: {  	_ =	shalt  }
0x5a: {  	_ =	shalt  }
0x5b: {  	_ =	shalt  }
0x5c: {  	_ =	shalt  }
0x5d: {  	_ =	shalt  }
0x5e: {  	_ =	shalt  }
0x5f: {  	_ =	shalt  }
0x60: {  	_ =	shalt  }
0x61: {  	_ =	shalt  }
0x62: {  	_ =	shalt  }
0x63: {  	_ =	shalt  }
0x64: {  	_ =	shalt  }
0x65: {  	_ =	shalt  }
0x66: {  	_ =	shalt  }
0x67: {  	_ =	shalt  }
0x68: {  	_ =	shalt  }
0x69: {  	_ =	shalt  }
0x6a: {  	_ =	shalt  }
0x6b: {  	_ =	shalt  }
0x6c: {  	_ =	shalt  }
0x6d: {  	_ =	shalt  }
0x6e: {  	_ =	shalt  }
0x6f: {  	_ =	shalt  }
0x70: {  	_ =	shalt  }
0x71: {  	_ =	shalt  }
0x72: {  	_ =	shalt  }
0x73: {  	_ =	shalt  }
0x74: {  	_ =	shalt  }
0x75: {  	_ =	shalt  }
0x76: {  	_ =	shalt  }
0x77: {  	_ =	shalt  }
0x78: {  	_ =	shalt  }
0x79: {  	_ =	shalt  }
0x7a: {  	_ =	shalt  }
0x7b: {  	_ =	shalt  }
0x7c: {  	_ =	shalt  }
0x7d: {  	_ =	shalt  }
0x7e: {  	_ =	shalt  }
0x7f: {  	_ =	shalt  }
0x80: {  	_ =	shalt  }
0x81: {  	_ =	shalt  }
0x82: {  	_ =	shalt  }
0x83: {  	_ =	shalt  }
0x84: {  	_ =	shalt  }
0x85: {  	_ =	shalt  }
0x86: {  	_ =	shalt  }
0x87: {  	_ =	shalt  }
.Lfunc_end0:
.L_simem_size_0:
called_computation.1_lowered:
.L_overlay_start_0:
0x88: {  	s2 =	sld [smem:$0x3FD9]  }
0x89: {  	s3 =	sld [smem:$0x3FFE];
	_ =	sdelay $0x1  }
0x8a: {  	s1 =	srdreg.scid  }
0x8b: {  	s0 =	sand.u32 $0x1, s1  }
0x8c: {  	s17 =	sshll.u32 s0, $0xA;
	s2 =	sadd.s32 s3, s2  }
0x8d: {  	s2 =	sadd.s32 s2, s17  }
0x8e: {  	[smem:$0x3FC1] =	sst s2  }
0x8f: {  	_ = 	snop  }
0x90: {  	s18 =	sld [smem:$0x3FD0];
	(tm) =	ssettm $0x1  }
0x91: {  	s19 =	sld [smem:$0x3FFB];
	_ =	sdelay $0x3  }
0x92: {  	_ =	strace s19  }
0x93: {  	s2 =	sld [smem:$0x3FFC];
	_ =	sdelay $0x3  }
0x94: {  	_ =	strace s2  }
0x95: {  	s2 =	sld [smem:$0x3FFD];
	_ =	sdelay $0x3  }
0x96: {  	_ =	strace s2  }
0x97: {  	_ =	strace $0x8FFFFFFF  }
0x98: {  	s20 =	sld [smem:$0x3FDB];
	_ =	sdelay $0x1  }
0x99: {  	s4 =	simm.s32 $_scs_section_size  }
0x9a: {  	s5 =	simm.s32 $_size__tile_overlayer_lowered;
	s6 =	simm.s32 $_tile_overlayer_lowered  }
0x9b: {  	s7 =	simm.s32 $0x1BFF;
	s21 =	sshll.u32 s6, $0x1;
	s4 =	sadd.s32 s4, s20  }
0x9c: {  	s22 =	simm.s32 $0x0;
	s5 =	sshll.u32 s5, $0x1;
	s6 =	sadd.s32 s21, s4  }
0x9d: {  	[timem:s22], [sflag:s7] =	dma.local [hbm:s6], s5  }
0x9e: {  	_ =	swait.ge [sflag:s7], s5  }
0x9f: {  	s5 =	ssub.s32 $0x0, s5;
	[sflag:s7] =	ssyncset.done $0x0  }
0xa0: {  	[sflag:s7] =	ssyncadd.s32 s5;
	_ =	sdelay $0x1  }
0xa1: {  	s23 =	simm.s32 $0x1B8B  }
0xa2: {  	_ =	swait.ge [sflag:s23], $0x1  }
0xa3: {  	[sflag:s23] =	ssyncset.done $0x0  }
0xa4: {  	[sflag:s23] =	ssyncadd.s32 $0xFFFFFFFF  }
0xa5: {  	s5 =	sld [smem:$0x0]  }
0xa6: {  	s6 =	sand.u32 $0xFFFFFFFE, s1  }
0xa7: {  	p0 =	sne.s32 s1, s6  }
0xa8: {  	s6 =	sshll.u32 @p0 s6, $0xE  }
0xa9: {  	s6 =	sadd.s32 @p0 $0x11B8D, s6;
	s7 =	sshll.u32 @p0 s5, $0x11  }
0xaa: {  	s6 =	sor.u32 @p0 s7, s6  }
0xab: {  	[sflag:s6] =	ssyncadd.remote.s32 @p0 $0x1;
	_ =	sdelay $0x1  }
0xac: {  	s6 =	simm.s32 @p0 $0x1B8D  }
0xad: {  	_ =	swait.eq @p0 [sflag:s6], $0x1  }
0xae: {  	[sflag:s6] =	ssyncadd.s32 @p0 $0xFFFFFFFF  }
0xaf: {  	s7 =	sshll.u32 @!p0 s1, $0xE  }
0xb0: {  	s7 =	sor.u32 @!p0 $0x4000, s7;
	s6 =	simm.s32 @!p0 $0x1B8D  }
0xb1: {  	s5 =	sshll.u32 @!p0 s5, $0x11;
	s7 =	sadd.s32 @!p0 $0x11B8D, s7;
	_ =	swait.eq @!p0 [sflag:s6], $0x1  }
0xb2: {  	s5 =	sor.u32 @!p0 s5, s7;
	[sflag:s6] =	ssyncadd.s32 @!p0 $0xFFFFFFFF  }
0xb3: {  	s25 =	simm.s32 $0x1B8E;
	s24 =	sld [smem:$0x3FFE];
	[sflag:s5] =	ssyncadd.remote.s32 @!p0 $0x1  }
0xb4: {  	s26 =	simm.s32 $execute0_lowered;
	[smem:$0x3FD2] =	sst s25  }
0xb5: {  	s6 =	sshll.u32 s26, $0x1;
	_ =	strace $0x8000004C;
	[dreg:$0x1] =	wrdreg $0xFFFFFFFF  }
0xb6: {  	s28 =	simm.s32 $_size_execute0_lowered;
	s4 =	sadd.s32 s4, s6;
	[dreg:$0x0] =	wrdreg $0x0  }
0xb7: {  	s6 =	sshll.u32 s28, $0x1;
	[dreg:$0x2] =	wrdreg s4  }
0xb8: {  	[dreg:$0x3] =	wrdreg s6  }
0xb9: {  	[dreg:$0x4] =	wrdreg $0xC0  }
0xba: {  	_ =	task [dreg:s22], $0x5FFFF  }
0xbb: {  	[dreg:$0x1] =	wrdreg $0xFFFFFFFF  }
0xbc: {  	[dreg:$0x0] =	wrdreg $0x60  }
0xbd: {  	[dreg:$0x2] =	wrdreg s24  }
0xbe: {  	[dreg:$0x3] =	wrdreg s18  }
0xbf: {  	[dreg:$0x4] =	wrdreg $0x0  }
0xc0: {  	[dreg:$0x5] =	wrdreg $0x9  }
0xc1: {  	_ =	task.clear_ibuf [dreg:s22], $0x6FFFF;
	_ =	strace $0x9000004C  }
0xc2: {  	s29 =	simm.s32 $0x9;
	_ =	strace $0x8000004E  }
0xc3: {  	_ =	swait.ge [sflag:s29], $0x1  }
0xc4: {  	[sflag:s29] =	ssyncadd.s32 $0xFFFFFFFF  }
0xc5: {  	_ =	strace $0x9000004E  }
0xc6: {  	_ =	sfence  }
0xc7: {  	s30 =	sld [smem:$0x0];
	_ =	sdelay $0x2  }
0xc8: {  	s31 =	sshll.u32 s1, $0xD;
	s1 =	sshrl.u32 s1, $0x2  }
0xc9: {  	s4 =	sand.u32 $0x4000, s31;
	s1 =	sadd.s32 s1, s30  }
0xca: {  	s0 =	sor.u32 s4, s0;
	s1 =	sshll.u32 s1, $0x11  }
0xcb: {  	s0 =	sor.u32 s1, s0  }
0xcc: {  	s0 =	sadd.s32 $0x8F2B, s0  }
0xcd: {  	[sflag:s0] =	ssyncadd.remote.s32 $0x1  }
0xce: {  	_ =	sfence.sel $0xFFFF  }
0xcf: {  	[dreg:$0x0] =	wrdreg $0xFFFFFFFF;
	(pc) =	sbr.abs _section_cstart, $3  }
0xd0: {  	[dreg:$0x1] =	wrdreg $0xFFFFFFFF  }
0xd1: {  	_ =	task.clear_ibuf [dreg:s22], $0x2FFFF;
	_ =	strace $0x9FFFFFFF  }
0xd2: {  	(tm) =	ssettm $0x7FFFFFFF  }
0xd3: {  	_ =	shalt  }
tec
execute0_lowered:
.L_overlay_start_1:
0x0: {  	(tag) =	ssettag $0x1  }
0x1: {  	s0 =	rddreg [dreg:$0x0];
	s1 =	srdreg.scid  }
0x2: {  	s9 =	stileid.u32;
	s2 =	rddreg [dreg:$0x2]  }
0x3: {  	s15 =	simm.s32 $0x3;
	s18 =	simm.s32 $0x15F90;
	s19 =	simm.s32 $0x50  }
0x4: {  	s20 =	simm.s32 $0x186F0;
	s21 =	simm.s32 $0x186A0;
	s22 =	simm.s32 $0x1AEF0  }
0x5: {  	s23 =	simm.s32 $0x186C8;
	s24 =	simm.s32 $0x1;
	s25 =	simm.s32 $0x28  }
0x6: {  	s28 =	simm.s32 $0x2;
	s29 =	simm.s32 $0x0;
	s1 =	sand.u32 $0x1, s1  }
0x7: {  	s3 =	sshll.u32 s9, $0x1;
	s5 =	sadd.s32 $0x48600, s0;
	s6 =	sadd.s32 $0x29400, s0  }
0x8: {  	s12 =	smul.u32 $0x15F00, s9;
	s26 =	sshll.u32 s9, $0x6;
	s16 =	sadd.s32 $0x15F000, s2  }
0x9: {  	p0 =	sne.s32 s9, $0x0;
	s8 =	sor.u32 s1, s3;
	s3 =	simm.s32 $0x0  }
0xa: {  	s7 =	ssub.s32 $0x2, s1;
	s1 =	smul.u32 $0x15F900, s1;
	s16 =	sshrl.u32 @!p0 s16, $0x3  }
0xb: {  	s4 =	smul.u32 $0x4E2, s8;
	[smem:$0x7FF] =	sst s3;
	s11 =	sshrl.u32 s7, $0x1  }
0xc: {  	s14 =	sadd.s32 s12, s2;
	s8 =	smul.u32 $0x1388, s8;
	_ =	strace $0x8000004D  }
0xd: {  	s13 =	ssub.s32 s7, s11;
	s7 =	sor.u32 $0x1C03, s26;
	s30 =	sadd.s32 s12, s1  }
0xe: {  	s1 =	sshrl.u32 s1, $0x3;
	s14 =	sshrl.u32 s14, $0x3;
	s26 =	simm.s32 $0x1D6F0  }
0xf: {  	s10 =	sadd.s32 s4, s0;
	s4 =	sadd.s32 $0x273200, s0;
	s0 =	sadd.s32 $0xC7800, s0  }
0x10: {  	s31 =	sshrl.u32 s8, $0x3;
	s12 =	sshrl.u32 s30, $0x3;
	s13 =	smax.u32 s13, $0x1  }
0x11: {  	s10 =	sadd.s32 $0x278200, s10;
	s11 =	sadd.s32 s0, s12;
	s0 =	sadd.s32 s0, s1  }
0x12: {  	[dreg:$0x4] =	wrdreg s10;
	s10 =	sadd.s32 s4, s31;
	s12 =	sadd.s32 $0x2BE00, s0  }
.LBB2_1:
0x13: {  	[spmem:s14], [sflag:s7] =	dma.local [hbm:s6], $0x2BE0  }
0x14: {  	_ =	swait.ge [sflag:s15], $0x2BE0  }
0x15: {  	[sflag:s15] =	ssyncset.done $0x0  }
0x16: {  	s0 =	simm.s32 @!p0 $0x3;
	[sflag:s15] =	ssyncadd.s32 $0xFFFFD420  }
0x17: {  	[spmem:s16], [sflag:s7] =	dma.local @!p0 [hbm:s6], $0x120  }
0x18: {  	_ =	swait.ge @!p0 [sflag:s0], $0x120  }
0x19: {  	[sflag:s0] =	ssyncset.done @!p0 $0x0  }
0x1a: {  	[sflag:s0] =	ssyncadd.s32 @!p0 $0xFFFFFEE0  }
0x1b: {  	s1 =	simm.s32 $0x1ED70;
	s0 =	rddreg [dreg:$0x1]  }
0x1c: {  	[tilespmem:s1], [sflag:$0x3] =	stream.linear.gather [hbm4b:s0+s3], $0x80, $0x38;
	[tilespmem:$0x1EE10] =	vst v63  }
0x1d: {  	_ =	swait.ge [sflag:s15], $0x80  }
0x1e: {  	[sflag:s15] =	ssyncset.done $0x0  }
0x1f: {  	s31 =	rddreg [dreg:$0x4];
	[sflag:s15] =	ssyncadd.s32 $0xFFFFFF80  }
0x20: {  	[tilespmem:s18], [sflag:$0x3] =	stream.linear.gather [hbm4b:s31+s3], $0x2710, $0x38;
	[tilespmem:$0x1EE10] =	vst v63  }
0x21: {  	_ =	swait.ge [sflag:s15], $0x2710  }
0x22: {  	[sflag:s15] =	ssyncset.done $0x0  }
0x23: {  	[sflag:s15] =	ssyncadd.s32 $0xFFFFD8F0  }
0x24: {  	[bflag:$0x0] =	sbarrier.arrive $0xFFFF  }
0x25: {  	v0 =	vld [tilespmem:$0x1ED70]  }
0x26: {  	v1 =	vld [tilespmem:$0x1ED80]  }
0x27: {  	v2 =	vld [tilespmem:$0x1ED90]  }
0x28: {  	v3 =	vld [tilespmem:$0x1EDA0]  }
0x29: {  	v4 =	vld [tilespmem:$0x1EDB0]  }
0x2a: {  	v5 =	vld [tilespmem:$0x1EDC0]  }
0x2b: {  	v6 =	vld [tilespmem:$0x1EDD0]  }
0x2c: {  	v7 =	vld [tilespmem:$0x1EDE0];
	[tilespmem:s20], [sflag:$0x1] =	stream.indirect.gather [hbm4b:s5+s19], $0x80, s18, s19, $0xb8  }
0x2d: {  	s30 =	simm.s32 $0x0  }
0x2e: {  	[tilespmem:s21], [sflag:$0x1] =	stream.linear.gather [hbm4b:s10+s3], $0x28, $0x38;
	[tilespmem:$0x1EE10] =	vst v63  }
.LBB2_2:
0x2f: {  	s0 =	sshllo.u32 s30, $0x1  }
0x30: {  	s1 =	smul.u32 $0x140, s0  }
0x31: {  	s0 =	smul.u32 $0x28, s0;
	_ =	sdelay $0x1  }
0x32: {  	s1 =	sshra.s32 s1, $0x2;
	s0 =	sadd.s32 s8, s0  }
0x33: {  	s1 =	sadd.s32 $0x15F90, s1;
	s0 =	sshrl.u32 s0, $0x3  }
0x34: {  	[tilespmem:s22], [sflag:$0x2] =	stream.indirect.gather [hbm4b:s5+s19], $0x80, s1, s19, $0xb8;
	[tilespmem:$0x1EE10] =	vst v63  }
0x35: {  	s17 =	simm.s32 $0x0;
	s0 =	sadd.s32 s4, s0  }
0x36: {  	[tilespmem:s23], [sflag:$0x2] =	stream.linear.gather [hbm4b:s0+s17], $0x28, $0x38;
	[tilespmem:$0x1EE10] =	vst v63  }
0x37: {  	_ =	swait.ge [sflag:s24], $0x2800  }
0x38: {  	[sflag:s24] =	ssyncset.done $0x0  }
0x39: {  	[sflag:s24] =	ssyncadd.s32 $0xFFFFD800  }
0x3a: {  	_ =	swait.ge [sflag:s24], $0x28  }
0x3b: {  	[sflag:s24] =	ssyncset.done $0x0  }
0x3c: {  	s31 =	simm.s32 $0x18770;
	[sflag:s24] =	ssyncadd.s32 $0xFFFFFFD8  }
0x3d: {  	v11 =	vld [tilespmem:s31+$0xFFFFFF80]  }
0x3e: {  	v8 =	vld [tilespmem:s31+$0x10]  }
0x3f: {  	v13 =	vld [tilespmem:s31+$0xFFFFFF90]  }
0x40: {  	v12 =	vld [tilespmem:s31+$0x0]  }
0x41: {  	v10 =	vld [tilespmem:s31+$0x20]  }
0x42: {  	v14 =	vld [tilespmem:s31+$0xFFFFFFA0]  }
0x43: {  	v9 =	vld [tilespmem:s31+$0x30]  }
0x44: {  	v16 =	vld [tilespmem:s31+$0xFFFFFFB0];
	v15 =	vadd.f32 v8, v13  }
0x45: {  	v19 =	vld [tilespmem:s31+$0xFFFFFFC0];
	v17 =	vadd.f32 v12, v11  }
0x46: {  	v11 =	vld [tilespmem:s31+$0x40];
	v18 =	vmul.f32 $2.000000030e-01, v15  }
0x47: {  	v21 =	vadd.f32 v10, v14;
	v13 =	vld [tilespmem:s31+$0x50];
	v20 =	vmul.f32 $2.000000030e-01, v17  }
0x48: {  	v15 =	vmax.f32 v15, v18;
	v18 =	vld [tilespmem:s31+$0xFFFFFFD0]  }
0x49: {  	v23 =	vld [tilespmem:s31+$0xFFFFFFE0];
	v16 =	vadd.f32 v9, v16;
	v57 =	vmul.f32 $2.000000030e-01, v21;
	v17 =	vmax.f32 v17, v20  }
0x4a: {  	v14 =	vld [tilespmem:s31+$0x60];
	v17 =	vmul.f32 v17, v0;
	v22 =	vmul.f32 v15, v1  }
0x4b: {  	v59 =	vld [tilespmem:s31+$0xFFFFFFF0];
	v58 =	vmul.f32 $2.000000030e-01, v16;
	v20 =	vmax.f32 v21, v57;
	v19 =	vadd.f32 v11, v19  }
0x4c: {  	v15 =	vld [tilespmem:s31+$0x70];
	v20 =	vmul.f32 v20, v2;
	v17 =	vadd.f32 v22, v17  }
0x4d: {  	v16 =	vmax.f32 v16, v58;
	v60 =	vmul.f32 $2.000000030e-01, v19;
	v18 =	vadd.f32 v13, v18  }
0x4e: {  	v16 =	vmul.f32 v16, v3;
	v17 =	vadd.f32 v20, v17  }
0x4f: {  	v62 =	vadd.f32 v14, v23;
	v19 =	vmax.f32 v19, v60;
	v61 =	vmul.f32 $2.000000030e-01, v18  }
0x50: {  	v16 =	vadd.f32 v16, v17;
	v17 =	vmul.f32 v19, v4  }
0x51: {  	v63 =	vadd.f32 v15, v59;
	v19 =	vmul.f32 $2.000000030e-01, v62;
	v18 =	vmax.f32 v18, v61  }
0x52: {  	v16 =	vadd.f32 v17, v16;
	v17 =	vmul.f32 v18, v5  }
0x53: {  	v18 =	vmax.f32 v62, v19;
	v19 =	vmul.f32 $2.000000030e-01, v63  }
0x54: {  	v16 =	vadd.f32 v17, v16;
	v17 =	vmul.f32 v18, v6  }
0x55: {  	v18 =	vmax.f32 v63, v19  }
0x56: {  	v16 =	vadd.f32 v17, v16;
	v17 =	vmul.f32 v18, v7;
	_ =	sdelay $0x1  }
0x57: {  	v16 =	vadd.f32 v17, v16;
	_ =	sdelay $0x1  }
0x58: {  	[tilespmem:$0x1EDF0] =	vst v16  }
0x59: {  	[tilespmem:$0x1EE00] =	vst v16  }
0x5a: {  	v17 =	vld [tilespmem:$0x1EDF8];
	_ =	sdelay $0x4  }
0x5b: {  	v16 =	vadd.f32 v16, v17;
	_ =	sdelay $0x1  }
0x5c: {  	[tilespmem:$0x1EDF0] =	vst v16  }
0x5d: {  	[tilespmem:$0x1EE00] =	vst v16  }
0x5e: {  	v17 =	vld [tilespmem:$0x1EDF4];
	_ =	sdelay $0x4  }
0x5f: {  	v16 =	vadd.f32 v17, v16;
	_ =	sdelay $0x1  }
0x60: {  	v16 =	vmul.f32 $1.442695020e+00, v16;
	_ =	sdelay $0x1  }
0x61: {  	(erf) = vpow2.f32 v16;
	_ =	sdelay $0x8  }
0x62: {  	s9 =	simm.s32 $0x0;
	s1 =	simm.s32 $0x240;
	s0 =	sshll.u32 s30, $0x1;
	v16 =	vpop (erf)  }
.LBB2_3:
0x63: {  	p1 =	sne.s32 s1, $0x57C0  }
0x64: {  	v12 =	vmul.f32 v16, v12;
	v15 =	vmul.f32 v16, v15;
	[tilespmem:s9+$0x1D770] =	vst v16;
	s31 =	sadd.s32 $0x100, s31;
	s17 =	smov.u32 s1;
	s1 =	sadd.s32 $0x240, s1  }
0x65: {  	v10 =	vmul.f32 v16, v10;
	v13 =	vmul.f32 v16, v13  }
0x66: {  	v8 =	vmul.f32 v16, v8;
	v14 =	vmul.f32 v16, v14;
	[tilespmem:s9+$0x1D760] =	vst v15  }
0x67: {  	v9 =	vmul.f32 v16, v9;
	[tilespmem:s9+$0x1D6F0] =	vst v12  }
0x68: {  	v11 =	vmul.f32 v16, v11;
	[tilespmem:s9+$0x1D740] =	vst v13  }
0x69: {  	[tilespmem:s9+$0x1D710] =	vst v10  }
0x6a: {  	[tilespmem:s9+$0x1D720] =	vst v9  }
0x6b: {  	[tilespmem:s9+$0x1D730] =	vst v11  }
0x6c: {  	[tilespmem:s9+$0x1D750] =	vst v14  }
0x6d: {  	[tilespmem:s9+$0x1D700] =	vst v8  }
0x6e: {  	v11 =	vld [tilespmem:s31+$0xFFFFFF80]  }
0x6f: {  	v8 =	vld [tilespmem:s31+$0x10]  }
0x70: {  	v13 =	vld [tilespmem:s31+$0xFFFFFF90]  }
0x71: {  	v12 =	vld [tilespmem:s31+$0x0]  }
0x72: {  	v10 =	vld [tilespmem:s31+$0x20]  }
0x73: {  	v14 =	vld [tilespmem:s31+$0xFFFFFFA0]  }
0x74: {  	v9 =	vld [tilespmem:s31+$0x30]  }
0x75: {  	v15 =	vadd.f32 v8, v13;
	v16 =	vld [tilespmem:s31+$0xFFFFFFB0]  }
0x76: {  	v17 =	vadd.f32 v12, v11;
	v11 =	vld [tilespmem:s31+$0x40]  }
0x77: {  	v18 =	vmul.f32 $2.000000030e-01, v15;
	v19 =	vld [tilespmem:s31+$0xFFFFFFC0]  }
0x78: {  	v20 =	vmul.f32 $2.000000030e-01, v17;
	v21 =	vadd.f32 v10, v14;
	v13 =	vld [tilespmem:s31+$0x50]  }
0x79: {  	v15 =	vmax.f32 v15, v18;
	v18 =	vld [tilespmem:s31+$0xFFFFFFD0]  }
0x7a: {  	v17 =	vmax.f32 v17, v20;
	v20 =	vmul.f32 $2.000000030e-01, v21;
	v16 =	vadd.f32 v9, v16;
	v14 =	vld [tilespmem:s31+$0x60]  }
0x7b: {  	v22 =	vmul.f32 v15, v1;
	v17 =	vmul.f32 v17, v0;
	v23 =	vld [tilespmem:s31+$0xFFFFFFE0]  }
0x7c: {  	v20 =	vmax.f32 v21, v20;
	v21 =	vmul.f32 $2.000000030e-01, v16;
	v19 =	vadd.f32 v11, v19;
	v15 =	vld [tilespmem:s31+$0x70]  }
0x7d: {  	v17 =	vadd.f32 v22, v17;
	v20 =	vmul.f32 v20, v2;
	v22 =	vld [tilespmem:s31+$0xFFFFFFF0]  }
0x7e: {  	v16 =	vmax.f32 v16, v21;
	v21 =	vmul.f32 $2.000000030e-01, v19;
	v18 =	vadd.f32 v13, v18  }
0x7f: {  	v17 =	vadd.f32 v20, v17;
	v16 =	vmul.f32 v16, v3  }
0x80: {  	v19 =	vmax.f32 v19, v21;
	v20 =	vmul.f32 $2.000000030e-01, v18;
	v21 =	vadd.f32 v14, v23  }
0x81: {  	v16 =	vadd.f32 v16, v17;
	v17 =	vmul.f32 v19, v4  }
0x82: {  	v18 =	vmax.f32 v18, v20;
	v19 =	vmul.f32 $2.000000030e-01, v21;
	v20 =	vadd.f32 v15, v22  }
0x83: {  	v16 =	vadd.f32 v17, v16;
	v17 =	vmul.f32 v18, v5  }
0x84: {  	v18 =	vmax.f32 v21, v19;
	v19 =	vmul.f32 $2.000000030e-01, v20  }
0x85: {  	v16 =	vadd.f32 v17, v16;
	v17 =	vmul.f32 v18, v6  }
0x86: {  	v18 =	vmax.f32 v20, v19  }
0x87: {  	v16 =	vadd.f32 v17, v16;
	v17 =	vmul.f32 v18, v7;
	_ =	sdelay $0x1  }
0x88: {  	v16 =	vadd.f32 v17, v16;
	_ =	sdelay $0x1  }
0x89: {  	[tilespmem:$0x1EDF0] =	vst v16  }
0x8a: {  	[tilespmem:$0x1EE00] =	vst v16  }
0x8b: {  	v17 =	vld [tilespmem:$0x1EDF8];
	_ =	sdelay $0x4  }
0x8c: {  	v16 =	vadd.f32 v16, v17;
	_ =	sdelay $0x1  }
0x8d: {  	[tilespmem:$0x1EDF0] =	vst v16  }
0x8e: {  	[tilespmem:$0x1EE00] =	vst v16  }
0x8f: {  	v17 =	vld [tilespmem:$0x1EDF4];
	_ =	sdelay $0x4  }
0x90: {  	v16 =	vadd.f32 v17, v16;
	_ =	sdelay $0x1  }
0x91: {  	v16 =	vmul.f32 $1.442695020e+00, v16;
	_ =	sdelay $0x1  }
0x92: {  	(erf) = vpow2.f32 v16;
	_ =	sdelay $0x4  }
.Ltmp0:
0x93: {  	(pc) =	sbr.rel @p1 .LBB2_3-.Ltmp0, $2  }
0x94: {  	_ =	sdelay $0x2  }
0x95: {  	s9 =	sshra.s32 s17, $0x2;
	v16 =	vpop (erf)  }
0x96: {  	v15 =	vmul.f32 v16, v15  }
0x97: {  	v12 =	vmul.f32 v16, v12;
	[tilespmem:s9+$0x1D770] =	vst v16  }
0x98: {  	v13 =	vmul.f32 v16, v13;
	[tilespmem:s9+$0x1D760] =	vst v15  }
0x99: {  	v10 =	vmul.f32 v16, v10;
	[tilespmem:s9+$0x1D6F0] =	vst v12  }
0x9a: {  	v9 =	vmul.f32 v16, v9;
	[tilespmem:s9+$0x1D740] =	vst v13  }
0x9b: {  	v11 =	vmul.f32 v16, v11;
	[tilespmem:s9+$0x1D710] =	vst v10  }
0x9c: {  	v8 =	vmul.f32 v16, v8;
	[tilespmem:s9+$0x1D720] =	vst v9  }
0x9d: {  	s0 =	sadd.s32 $0x2, s0;
	v10 =	vmul.f32 v16, v14;
	[tilespmem:s9+$0x1D730] =	vst v11  }
0x9e: {  	s1 =	smul.u32 $0x140, s0;
	[tilespmem:s9+$0x1D700] =	vst v8  }
0x9f: {  	s0 =	smul.u32 $0x28, s0;
	[tilespmem:s9+$0x1D750] =	vst v10  }
0xa0: {  	[spmem:s2] =	stream.indirect.scatter.add.f32 [tilespmem:s26], [sflag:$0x3], $0x90, s21, s25, $0xb8;
	[tilespmem:$0x1EE10] =	vst v63  }
0xa1: {  	_ =	swait.ge [sflag:s15], $0x1680  }
0xa2: {  	s1 =	sshra.s32 s1, $0x2;
	s0 =	sadd.s32 s8, s0;
	[sflag:s15] =	ssyncset.done $0x0  }
0xa3: {  	s1 =	sadd.s32 $0x15F90, s1;
	s0 =	sshrl.u32 s0, $0x3;
	[sflag:s15] =	ssyncadd.s32 $0xFFFFE980  }
0xa4: {  	[tilespmem:s20], [sflag:$0x1] =	stream.indirect.gather [hbm4b:s5+s19], $0x80, s1, s19, $0xb8;
	[tilespmem:$0x1EE10] =	vst v63  }
0xa5: {  	s17 =	simm.s32 $0x0;
	s0 =	sadd.s32 s4, s0  }
0xa6: {  	[tilespmem:s21], [sflag:$0x1] =	stream.linear.gather [hbm4b:s0+s17], $0x28, $0x38;
	[tilespmem:$0x1EE10] =	vst v63  }
0xa7: {  	_ =	swait.ge [sflag:s28], $0x2800  }
0xa8: {  	[sflag:s28] =	ssyncset.done $0x0  }
0xa9: {  	[sflag:s28] =	ssyncadd.s32 $0xFFFFD800  }
0xaa: {  	_ =	swait.ge [sflag:s28], $0x28  }
0xab: {  	[sflag:s28] =	ssyncset.done $0x0  }
0xac: {  	s31 =	simm.s32 $0x1AF70;
	[sflag:s28] =	ssyncadd.s32 $0xFFFFFFD8  }
0xad: {  	v11 =	vld [tilespmem:s31+$0xFFFFFF80]  }
0xae: {  	v8 =	vld [tilespmem:s31+$0x10]  }
0xaf: {  	v13 =	vld [tilespmem:s31+$0xFFFFFF90]  }
0xb0: {  	v12 =	vld [tilespmem:s31+$0x0]  }
0xb1: {  	v10 =	vld [tilespmem:s31+$0x20]  }
0xb2: {  	v14 =	vld [tilespmem:s31+$0xFFFFFFA0]  }
0xb3: {  	v9 =	vld [tilespmem:s31+$0x30]  }
0xb4: {  	v16 =	vld [tilespmem:s31+$0xFFFFFFB0];
	v15 =	vadd.f32 v8, v13  }
0xb5: {  	v19 =	vld [tilespmem:s31+$0xFFFFFFC0];
	v17 =	vadd.f32 v12, v11  }
0xb6: {  	v11 =	vld [tilespmem:s31+$0x40];
	v18 =	vmul.f32 $2.000000030e-01, v15  }
0xb7: {  	v21 =	vadd.f32 v10, v14;
	v13 =	vld [tilespmem:s31+$0x50];
	v20 =	vmul.f32 $2.000000030e-01, v17  }
0xb8: {  	v15 =	vmax.f32 v15, v18;
	v18 =	vld [tilespmem:s31+$0xFFFFFFD0]  }
0xb9: {  	v23 =	vld [tilespmem:s31+$0xFFFFFFE0];
	v16 =	vadd.f32 v9, v16;
	v57 =	vmul.f32 $2.000000030e-01, v21;
	v17 =	vmax.f32 v17, v20  }
0xba: {  	v14 =	vld [tilespmem:s31+$0x60];
	v17 =	vmul.f32 v17, v0;
	v22 =	vmul.f32 v15, v1  }
0xbb: {  	v59 =	vld [tilespmem:s31+$0xFFFFFFF0];
	v58 =	vmul.f32 $2.000000030e-01, v16;
	v20 =	vmax.f32 v21, v57;
	v19 =	vadd.f32 v11, v19  }
0xbc: {  	v15 =	vld [tilespmem:s31+$0x70];
	v20 =	vmul.f32 v20, v2;
	v17 =	vadd.f32 v22, v17  }
0xbd: {  	v16 =	vmax.f32 v16, v58;
	v60 =	vmul.f32 $2.000000030e-01, v19;
	v18 =	vadd.f32 v13, v18  }
0xbe: {  	v16 =	vmul.f32 v16, v3;
	v17 =	vadd.f32 v20, v17  }
0xbf: {  	v62 =	vadd.f32 v14, v23;
	v19 =	vmax.f32 v19, v60;
	v61 =	vmul.f32 $2.000000030e-01, v18  }
0xc0: {  	v16 =	vadd.f32 v16, v17;
	v17 =	vmul.f32 v19, v4  }
0xc1: {  	v63 =	vadd.f32 v15, v59;
	v19 =	vmul.f32 $2.000000030e-01, v62;
	v18 =	vmax.f32 v18, v61  }
0xc2: {  	v16 =	vadd.f32 v17, v16;
	v17 =	vmul.f32 v18, v5  }
0xc3: {  	v18 =	vmax.f32 v62, v19;
	v19 =	vmul.f32 $2.000000030e-01, v63  }
0xc4: {  	v16 =	vadd.f32 v17, v16;
	v17 =	vmul.f32 v18, v6  }
0xc5: {  	v18 =	vmax.f32 v63, v19  }
0xc6: {  	v16 =	vadd.f32 v17, v16;
	v17 =	vmul.f32 v18, v7;
	_ =	sdelay $0x1  }
0xc7: {  	v16 =	vadd.f32 v17, v16;
	_ =	sdelay $0x1  }
0xc8: {  	[tilespmem:$0x1EDF0] =	vst v16  }
0xc9: {  	[tilespmem:$0x1EE00] =	vst v16  }
0xca: {  	v17 =	vld [tilespmem:$0x1EDF8];
	_ =	sdelay $0x4  }
0xcb: {  	v16 =	vadd.f32 v16, v17;
	_ =	sdelay $0x1  }
0xcc: {  	[tilespmem:$0x1EDF0] =	vst v16  }
0xcd: {  	[tilespmem:$0x1EE00] =	vst v16  }
0xce: {  	v17 =	vld [tilespmem:$0x1EDF4];
	_ =	sdelay $0x4  }
0xcf: {  	v16 =	vadd.f32 v17, v16;
	_ =	sdelay $0x1  }
0xd0: {  	v16 =	vmul.f32 $1.442695020e+00, v16;
	_ =	sdelay $0x1  }
0xd1: {  	(erf) = vpow2.f32 v16;
	_ =	sdelay $0x8  }
0xd2: {  	s9 =	simm.s32 $0x0;
	s0 =	simm.s32 $0x240;
	v16 =	vpop (erf)  }
.LBB2_5:
0xd3: {  	p1 =	sne.s32 s0, $0x57C0  }
0xd4: {  	v12 =	vmul.f32 v16, v12;
	v15 =	vmul.f32 v16, v15;
	[tilespmem:s9+$0x1D770] =	vst v16;
	s31 =	sadd.s32 $0x100, s31;
	s1 =	smov.u32 s0;
	s0 =	sadd.s32 $0x240, s0  }
0xd5: {  	v10 =	vmul.f32 v16, v10;
	v13 =	vmul.f32 v16, v13  }
0xd6: {  	v8 =	vmul.f32 v16, v8;
	v14 =	vmul.f32 v16, v14;
	[tilespmem:s9+$0x1D760] =	vst v15  }
0xd7: {  	v9 =	vmul.f32 v16, v9;
	[tilespmem:s9+$0x1D6F0] =	vst v12  }
0xd8: {  	v11 =	vmul.f32 v16, v11;
	[tilespmem:s9+$0x1D740] =	vst v13  }
0xd9: {  	[tilespmem:s9+$0x1D710] =	vst v10  }
0xda: {  	[tilespmem:s9+$0x1D720] =	vst v9  }
0xdb: {  	[tilespmem:s9+$0x1D730] =	vst v11  }
0xdc: {  	[tilespmem:s9+$0x1D750] =	vst v14  }
0xdd: {  	[tilespmem:s9+$0x1D700] =	vst v8  }
0xde: {  	v11 =	vld [tilespmem:s31+$0xFFFFFF80]  }
0xdf: {  	v8 =	vld [tilespmem:s31+$0x10]  }
0xe0: {  	v13 =	vld [tilespmem:s31+$0xFFFFFF90]  }
0xe1: {  	v12 =	vld [tilespmem:s31+$0x0]  }
0xe2: {  	v10 =	vld [tilespmem:s31+$0x20]  }
0xe3: {  	v14 =	vld [tilespmem:s31+$0xFFFFFFA0]  }
0xe4: {  	v9 =	vld [tilespmem:s31+$0x30]  }
0xe5: {  	v15 =	vadd.f32 v8, v13;
	v16 =	vld [tilespmem:s31+$0xFFFFFFB0]  }
0xe6: {  	v17 =	vadd.f32 v12, v11;
	v11 =	vld [tilespmem:s31+$0x40]  }
0xe7: {  	v18 =	vmul.f32 $2.000000030e-01, v15;
	v19 =	vld [tilespmem:s31+$0xFFFFFFC0]  }
0xe8: {  	v20 =	vmul.f32 $2.000000030e-01, v17;
	v21 =	vadd.f32 v10, v14;
	v13 =	vld [tilespmem:s31+$0x50]  }
0xe9: {  	v15 =	vmax.f32 v15, v18;
	v18 =	vld [tilespmem:s31+$0xFFFFFFD0]  }
0xea: {  	v17 =	vmax.f32 v17, v20;
	v20 =	vmul.f32 $2.000000030e-01, v21;
	v16 =	vadd.f32 v9, v16;
	v14 =	vld [tilespmem:s31+$0x60]  }
0xeb: {  	v22 =	vmul.f32 v15, v1;
	v17 =	vmul.f32 v17, v0;
	v23 =	vld [tilespmem:s31+$0xFFFFFFE0]  }
0xec: {  	v20 =	vmax.f32 v21, v20;
	v21 =	vmul.f32 $2.000000030e-01, v16;
	v19 =	vadd.f32 v11, v19;
	v15 =	vld [tilespmem:s31+$0x70]  }
0xed: {  	v17 =	vadd.f32 v22, v17;
	v20 =	vmul.f32 v20, v2;
	v22 =	vld [tilespmem:s31+$0xFFFFFFF0]  }
0xee: {  	v16 =	vmax.f32 v16, v21;
	v21 =	vmul.f32 $2.000000030e-01, v19;
	v18 =	vadd.f32 v13, v18  }
0xef: {  	v17 =	vadd.f32 v20, v17;
	v16 =	vmul.f32 v16, v3  }
0xf0: {  	v19 =	vmax.f32 v19, v21;
	v20 =	vmul.f32 $2.000000030e-01, v18;
	v21 =	vadd.f32 v14, v23  }
0xf1: {  	v16 =	vadd.f32 v16, v17;
	v17 =	vmul.f32 v19, v4  }
0xf2: {  	v18 =	vmax.f32 v18, v20;
	v19 =	vmul.f32 $2.000000030e-01, v21;
	v20 =	vadd.f32 v15, v22  }
0xf3: {  	v16 =	vadd.f32 v17, v16;
	v17 =	vmul.f32 v18, v5  }
0xf4: {  	v18 =	vmax.f32 v21, v19;
	v19 =	vmul.f32 $2.000000030e-01, v20  }
0xf5: {  	v16 =	vadd.f32 v17, v16;
	v17 =	vmul.f32 v18, v6  }
0xf6: {  	v18 =	vmax.f32 v20, v19  }
0xf7: {  	v16 =	vadd.f32 v17, v16;
	v17 =	vmul.f32 v18, v7;
	_ =	sdelay $0x1  }
0xf8: {  	v16 =	vadd.f32 v17, v16;
	_ =	sdelay $0x1  }
0xf9: {  	[tilespmem:$0x1EDF0] =	vst v16  }
0xfa: {  	[tilespmem:$0x1EE00] =	vst v16  }
0xfb: {  	v17 =	vld [tilespmem:$0x1EDF8];
	_ =	sdelay $0x4  }
0xfc: {  	v16 =	vadd.f32 v16, v17;
	_ =	sdelay $0x1  }
0xfd: {  	[tilespmem:$0x1EDF0] =	vst v16  }
0xfe: {  	[tilespmem:$0x1EE00] =	vst v16  }
0xff: {  	v17 =	vld [tilespmem:$0x1EDF4];
	_ =	sdelay $0x4  }
0x100: {  	v16 =	vadd.f32 v17, v16;
	_ =	sdelay $0x1  }
0x101: {  	v16 =	vmul.f32 $1.442695020e+00, v16;
	_ =	sdelay $0x1  }
0x102: {  	(erf) = vpow2.f32 v16;
	_ =	sdelay $0x4  }
.Ltmp1:
0x103: {  	(pc) =	sbr.rel @p1 .LBB2_5-.Ltmp1, $2  }
0x104: {  	_ =	sdelay $0x2  }
0x105: {  	s9 =	sshra.s32 s1, $0x2;
	v16 =	vpop (erf)  }
0x106: {  	v15 =	vmul.f32 v16, v15  }
0x107: {  	v12 =	vmul.f32 v16, v12;
	[tilespmem:s9+$0x1D770] =	vst v16  }
0x108: {  	v13 =	vmul.f32 v16, v13;
	[tilespmem:s9+$0x1D760] =	vst v15  }
0x109: {  	v10 =	vmul.f32 v16, v10;
	[tilespmem:s9+$0x1D6F0] =	vst v12  }
0x10a: {  	v9 =	vmul.f32 v16, v9;
	[tilespmem:s9+$0x1D740] =	vst v13  }
0x10b: {  	v11 =	vmul.f32 v16, v11;
	[tilespmem:s9+$0x1D710] =	vst v10  }
0x10c: {  	v63 =	vmul.f32 v16, v14;
	[tilespmem:s9+$0x1D720] =	vst v9  }
0x10d: {  	v8 =	vmul.f32 v16, v8;
	s30 =	sadd.s32 $0x1, s30;
	[tilespmem:s9+$0x1D730] =	vst v11  }
0x10e: {  	p1 =	sne.s32 s30, $0x3E;
	[tilespmem:s9+$0x1D750] =	vst v63  }
.Ltmp2:
0x10f: {  	[tilespmem:s9+$0x1D700] =	vst v8;
	(pc) =	sbr.rel @p1 .LBB2_2-.Ltmp2, $4  }
0x110: {  	[spmem:s2] =	stream.indirect.scatter.add.f32 [tilespmem:s26], [sflag:$0x3], $0x90, s23, s25, $0xb8;
	[tilespmem:$0x1EE10] =	vst v63  }
0x111: {  	_ =	swait.ge [sflag:s15], $0x1680  }
0x112: {  	[sflag:s15] =	ssyncset.done $0x0  }
0x113: {  	[sflag:s15] =	ssyncadd.s32 $0xFFFFE980  }
0x114: {  	_ =	swait.ge [sflag:s24], $0x2800  }
0x115: {  	[sflag:s24] =	ssyncset.done $0x0  }
0x116: {  	[sflag:s24] =	ssyncadd.s32 $0xFFFFD800  }
0x117: {  	_ =	swait.ge [sflag:s24], $0x28  }
0x118: {  	[sflag:s24] =	ssyncset.done $0x0  }
0x119: {  	s30 =	simm.s32 $0x18770;
	[sflag:s24] =	ssyncadd.s32 $0xFFFFFFD8  }
0x11a: {  	v11 =	vld [tilespmem:s30+$0xFFFFFF80]  }
0x11b: {  	v8 =	vld [tilespmem:s30+$0x10]  }
0x11c: {  	v13 =	vld [tilespmem:s30+$0xFFFFFF90]  }
0x11d: {  	v12 =	vld [tilespmem:s30+$0x0]  }
0x11e: {  	v10 =	vld [tilespmem:s30+$0x20]  }
0x11f: {  	v14 =	vld [tilespmem:s30+$0xFFFFFFA0]  }
0x120: {  	v9 =	vld [tilespmem:s30+$0x30]  }
0x121: {  	v16 =	vld [tilespmem:s30+$0xFFFFFFB0];
	v15 =	vadd.f32 v8, v13  }
0x122: {  	v19 =	vld [tilespmem:s30+$0xFFFFFFC0];
	v17 =	vadd.f32 v12, v11  }
0x123: {  	v11 =	vld [tilespmem:s30+$0x40];
	v18 =	vmul.f32 $2.000000030e-01, v15  }
0x124: {  	v21 =	vadd.f32 v10, v14;
	v13 =	vld [tilespmem:s30+$0x50];
	v20 =	vmul.f32 $2.000000030e-01, v17  }
0x125: {  	v15 =	vmax.f32 v15, v18;
	v18 =	vld [tilespmem:s30+$0xFFFFFFD0]  }
0x126: {  	v23 =	vld [tilespmem:s30+$0xFFFFFFE0];
	v16 =	vadd.f32 v9, v16;
	v57 =	vmul.f32 $2.000000030e-01, v21;
	v17 =	vmax.f32 v17, v20  }
0x127: {  	v14 =	vld [tilespmem:s30+$0x60];
	v17 =	vmul.f32 v17, v0;
	v22 =	vmul.f32 v15, v1  }
0x128: {  	v59 =	vld [tilespmem:s30+$0xFFFFFFF0];
	v58 =	vmul.f32 $2.000000030e-01, v16;
	v20 =	vmax.f32 v21, v57;
	v19 =	vadd.f32 v11, v19  }
0x129: {  	v15 =	vld [tilespmem:s30+$0x70];
	v20 =	vmul.f32 v20, v2;
	v17 =	vadd.f32 v22, v17  }
0x12a: {  	v16 =	vmax.f32 v16, v58;
	v60 =	vmul.f32 $2.000000030e-01, v19;
	v18 =	vadd.f32 v13, v18  }
0x12b: {  	v16 =	vmul.f32 v16, v3;
	v17 =	vadd.f32 v20, v17  }
0x12c: {  	v62 =	vadd.f32 v14, v23;
	v19 =	vmax.f32 v19, v60;
	v61 =	vmul.f32 $2.000000030e-01, v18  }
0x12d: {  	v16 =	vadd.f32 v16, v17;
	v17 =	vmul.f32 v19, v4  }
0x12e: {  	v63 =	vadd.f32 v15, v59;
	v19 =	vmul.f32 $2.000000030e-01, v62;
	v18 =	vmax.f32 v18, v61  }
0x12f: {  	v16 =	vadd.f32 v17, v16;
	v17 =	vmul.f32 v18, v5  }
0x130: {  	v18 =	vmax.f32 v62, v19;
	v19 =	vmul.f32 $2.000000030e-01, v63  }
0x131: {  	v16 =	vadd.f32 v17, v16;
	v17 =	vmul.f32 v18, v6  }
0x132: {  	v18 =	vmax.f32 v63, v19  }
0x133: {  	v16 =	vadd.f32 v17, v16;
	v17 =	vmul.f32 v18, v7;
	_ =	sdelay $0x1  }
0x134: {  	v16 =	vadd.f32 v17, v16;
	_ =	sdelay $0x1  }
0x135: {  	[tilespmem:$0x1EDF0] =	vst v16  }
0x136: {  	[tilespmem:$0x1EE00] =	vst v16  }
0x137: {  	v17 =	vld [tilespmem:$0x1EDF8];
	_ =	sdelay $0x4  }
0x138: {  	v16 =	vadd.f32 v16, v17;
	_ =	sdelay $0x1  }
0x139: {  	[tilespmem:$0x1EDF0] =	vst v16  }
0x13a: {  	[tilespmem:$0x1EE00] =	vst v16  }
0x13b: {  	v17 =	vld [tilespmem:$0x1EDF4];
	_ =	sdelay $0x4  }
0x13c: {  	v16 =	vadd.f32 v17, v16;
	_ =	sdelay $0x1  }
0x13d: {  	v16 =	vmul.f32 $1.442695020e+00, v16;
	_ =	sdelay $0x1  }
0x13e: {  	(erf) = vpow2.f32 v16;
	_ =	sdelay $0x8  }
0x13f: {  	s0 =	simm.s32 $0x240;
	s9 =	simm.s32 $0x0;
	v16 =	vpop (erf)  }
.LBB2_8:
0x140: {  	p1 =	sne.s32 s0, $0x57C0  }
0x141: {  	v12 =	vmul.f32 v16, v12;
	v15 =	vmul.f32 v16, v15;
	[tilespmem:s9+$0x1D770] =	vst v16;
	s30 =	sadd.s32 $0x100, s30;
	s1 =	smov.u32 s0;
	s0 =	sadd.s32 $0x240, s0  }
0x142: {  	v10 =	vmul.f32 v16, v10;
	v13 =	vmul.f32 v16, v13  }
0x143: {  	v8 =	vmul.f32 v16, v8;
	v14 =	vmul.f32 v16, v14;
	[tilespmem:s9+$0x1D760] =	vst v15  }
0x144: {  	v9 =	vmul.f32 v16, v9;
	[tilespmem:s9+$0x1D6F0] =	vst v12  }
0x145: {  	v11 =	vmul.f32 v16, v11;
	[tilespmem:s9+$0x1D740] =	vst v13  }
0x146: {  	[tilespmem:s9+$0x1D710] =	vst v10  }
0x147: {  	[tilespmem:s9+$0x1D720] =	vst v9  }
0x148: {  	[tilespmem:s9+$0x1D730] =	vst v11  }
0x149: {  	[tilespmem:s9+$0x1D750] =	vst v14  }
0x14a: {  	[tilespmem:s9+$0x1D700] =	vst v8  }
0x14b: {  	v11 =	vld [tilespmem:s30+$0xFFFFFF80]  }
0x14c: {  	v8 =	vld [tilespmem:s30+$0x10]  }
0x14d: {  	v13 =	vld [tilespmem:s30+$0xFFFFFF90]  }
0x14e: {  	v12 =	vld [tilespmem:s30+$0x0]  }
0x14f: {  	v10 =	vld [tilespmem:s30+$0x20]  }
0x150: {  	v14 =	vld [tilespmem:s30+$0xFFFFFFA0]  }
0x151: {  	v9 =	vld [tilespmem:s30+$0x30]  }
0x152: {  	v15 =	vadd.f32 v8, v13;
	v16 =	vld [tilespmem:s30+$0xFFFFFFB0]  }
0x153: {  	v17 =	vadd.f32 v12, v11;
	v11 =	vld [tilespmem:s30+$0x40]  }
0x154: {  	v18 =	vmul.f32 $2.000000030e-01, v15;
	v19 =	vld [tilespmem:s30+$0xFFFFFFC0]  }
0x155: {  	v20 =	vmul.f32 $2.000000030e-01, v17;
	v21 =	vadd.f32 v10, v14;
	v13 =	vld [tilespmem:s30+$0x50]  }
0x156: {  	v15 =	vmax.f32 v15, v18;
	v18 =	vld [tilespmem:s30+$0xFFFFFFD0]  }
0x157: {  	v17 =	vmax.f32 v17, v20;
	v20 =	vmul.f32 $2.000000030e-01, v21;
	v16 =	vadd.f32 v9, v16;
	v14 =	vld [tilespmem:s30+$0x60]  }
0x158: {  	v22 =	vmul.f32 v15, v1;
	v17 =	vmul.f32 v17, v0;
	v23 =	vld [tilespmem:s30+$0xFFFFFFE0]  }
0x159: {  	v20 =	vmax.f32 v21, v20;
	v21 =	vmul.f32 $2.000000030e-01, v16;
	v19 =	vadd.f32 v11, v19;
	v15 =	vld [tilespmem:s30+$0x70]  }
0x15a: {  	v17 =	vadd.f32 v22, v17;
	v20 =	vmul.f32 v20, v2;
	v22 =	vld [tilespmem:s30+$0xFFFFFFF0]  }
0x15b: {  	v16 =	vmax.f32 v16, v21;
	v21 =	vmul.f32 $2.000000030e-01, v19;
	v18 =	vadd.f32 v13, v18  }
0x15c: {  	v17 =	vadd.f32 v20, v17;
	v16 =	vmul.f32 v16, v3  }
0x15d: {  	v19 =	vmax.f32 v19, v21;
	v20 =	vmul.f32 $2.000000030e-01, v18;
	v21 =	vadd.f32 v14, v23  }
0x15e: {  	v16 =	vadd.f32 v16, v17;
	v17 =	vmul.f32 v19, v4  }
0x15f: {  	v18 =	vmax.f32 v18, v20;
	v19 =	vmul.f32 $2.000000030e-01, v21;
	v20 =	vadd.f32 v15, v22  }
0x160: {  	v16 =	vadd.f32 v17, v16;
	v17 =	vmul.f32 v18, v5  }
0x161: {  	v18 =	vmax.f32 v21, v19;
	v19 =	vmul.f32 $2.000000030e-01, v20  }
0x162: {  	v16 =	vadd.f32 v17, v16;
	v17 =	vmul.f32 v18, v6  }
0x163: {  	v18 =	vmax.f32 v20, v19  }
0x164: {  	v16 =	vadd.f32 v17, v16;
	v17 =	vmul.f32 v18, v7;
	_ =	sdelay $0x1  }
0x165: {  	v16 =	vadd.f32 v17, v16;
	_ =	sdelay $0x1  }
0x166: {  	[tilespmem:$0x1EDF0] =	vst v16  }
0x167: {  	[tilespmem:$0x1EE00] =	vst v16  }
0x168: {  	v17 =	vld [tilespmem:$0x1EDF8];
	_ =	sdelay $0x4  }
0x169: {  	v16 =	vadd.f32 v16, v17;
	_ =	sdelay $0x1  }
0x16a: {  	[tilespmem:$0x1EDF0] =	vst v16  }
0x16b: {  	[tilespmem:$0x1EE00] =	vst v16  }
0x16c: {  	v17 =	vld [tilespmem:$0x1EDF4];
	_ =	sdelay $0x4  }
0x16d: {  	v16 =	vadd.f32 v17, v16;
	_ =	sdelay $0x1  }
0x16e: {  	v16 =	vmul.f32 $1.442695020e+00, v16;
	_ =	sdelay $0x1  }
0x16f: {  	(erf) = vpow2.f32 v16;
	_ =	sdelay $0x4  }
.Ltmp3:
0x170: {  	(pc) =	sbr.rel @p1 .LBB2_8-.Ltmp3, $2  }
0x171: {  	_ =	sdelay $0x2  }
0x172: {  	s9 =	sshra.s32 s1, $0x2;
	v16 =	vpop (erf)  }
0x173: {  	v0 =	vmul.f32 v16, v15  }
0x174: {  	v1 =	vmul.f32 v16, v12;
	[tilespmem:s9+$0x1D770] =	vst v16  }
0x175: {  	v2 =	vmul.f32 v16, v13;
	[tilespmem:s9+$0x1D760] =	vst v0  }
0x176: {  	v59 =	vmul.f32 v16, v10;
	[tilespmem:s9+$0x1D6F0] =	vst v1  }
0x177: {  	v60 =	vmul.f32 v16, v9;
	[tilespmem:s9+$0x1D740] =	vst v2  }
0x178: {  	v61 =	vmul.f32 v16, v11;
	[tilespmem:s9+$0x1D710] =	vst v59  }
0x179: {  	v62 =	vmul.f32 v16, v14;
	[tilespmem:s9+$0x1D720] =	vst v60  }
0x17a: {  	v63 =	vmul.f32 v16, v8;
	[tilespmem:s9+$0x1D730] =	vst v61  }
0x17b: {  	[tilespmem:s9+$0x1D750] =	vst v62  }
0x17c: {  	[tilespmem:s9+$0x1D700] =	vst v63  }
0x17d: {  	[spmem:s2] =	stream.indirect.scatter.add.f32 [tilespmem:s26], [sflag:$0x3], $0x90, s21, s25, $0xb8;
	[tilespmem:$0x1EE10] =	vst v63  }
0x17e: {  	_ =	swait.ge [sflag:s15], $0x1680  }
0x17f: {  	[sflag:s15] =	ssyncset.done $0x0  }
0x180: {  	[sflag:s15] =	ssyncadd.s32 $0xFFFFE980  }
0x181: {  	[bflag:$0x0] =	sbarrier.arrive $0xFFFF  }
0x182: {  	[hbm:s11], [sflag:s7] =	dma.local [spmem:s14], $0x2BE0  }
0x183: {  	s29 =	sadd.s32 $0x1, s29;
	_ =	swait.ge [sflag:s15], $0x2BE0  }
0x184: {  	p1 =	sne.s32 s29, s13;
	[sflag:s15] =	ssyncset.done $0x0  }
.Ltmp4:
0x185: {  	s0 =	simm.s32 @!p0 $0x3;
	[sflag:s15] =	ssyncadd.s32 $0xFFFFD420;
	(pc) =	sbr.rel @p1 .LBB2_1-.Ltmp4, $4  }
0x186: {  	[hbm:s12], [sflag:s7] =	dma.local @!p0 [spmem:s16], $0x120  }
0x187: {  	_ =	swait.ge @!p0 [sflag:s0], $0x120  }
0x188: {  	[sflag:s0] =	ssyncset.done @!p0 $0x0  }
0x189: {  	[sflag:s0] =	ssyncadd.s32 @!p0 $0xFFFFFEE0  }
0x18a: {  	_ =	sfence.sel $0x180000  }
0x18b: {  	[bflag:$0x0] =	sbarrier.arrive $0xFFFF  }
0x18c: {  	_ =	strace $0x9000004D  }
0x18d: {  	[bflag:$0x2] =	sbarrier.arrive $0xFFFF  }
0x18e: {  	s0 =	rddreg [dreg:$0x3]  }
0x18f: {  	s0 =	sadd.s32 @!p0 $0x100000, s0  }
0x190: {  	[sflag:s0] =	ssyncadd.tile.s32 @!p0 $0x1;
	_ =	shalt  }
.Lfunc_end2:
_tile_overlayer_lowered:
.L_overlay_start_2:
0x191: {  	(tag) =	ssettag $0x2  }
0x192: {  	s0 =	rddreg [dreg:$0x0];
	s2 =	stileid.u32  }
0x193: {  	s1 =	rddreg [dreg:$0x1];
	p0 =	sne.s32 s2, $0x0  }
0x194: {  	s3 =	rddreg [dreg:$0x2];
	[bflag:$0x3] =	sbarrier.arrive $0xFFFF;
	s2 =	simm.s32 @!p0 $0x1C03  }
0x195: {  	[timem:s3], [sflag:s2] =	dma.local @!p0 [hbm:s0], s1  }
0x196: {  	s0 =	simm.s32 @!p0 $0x3  }
0x197: {  	_ =	swait.ge @!p0 [sflag:s0], s1  }
0x198: {  	s1 =	ssub.s32 @!p0 $0x0, s1;
	[sflag:s0] =	ssyncset.done @!p0 $0x0  }
0x199: {  	[sflag:s0] =	ssyncadd.s32 @!p0 s1  }
0x19a: {  	[bflag:$0x3] =	sbarrier.arrive $0xFFFF  }
0x19b: {  	_ =	shalt  }

// kernel: kernel.14.cloned.1.call-start
scs
__scs_entry_jumppad:
0x0: {  	(pc) =	sbr.rel $0x88, $3  }
0x1: {  	(tag) =	ssettag $0x0;
	lr =	simm.s32 $0x1  }
0x2: {  	[smem:$0x3F9A] =	sst lr;
	_ =	strace $0xD0000000  }
0x3: {  	_ = 	snop  }
0x4: {  	_ = 	snop  }
0x5: {  	_ = 	snop  }
0x6: {  	_ = 	snop  }
0x7: {  	_ = 	snop  }
__scs_overlays_trampoline_lowered:
0x8: {  	[smem:$0x3FA9] =	sst s0  }
0x9: {  	[smem:$0x3FAA] =	sst s1  }
0xa: {  	[smem:$0x3FAB] =	sst s2  }
0xb: {  	[smem:$0x3FAC] =	sst s3  }
0xc: {  	[smem:$0x3FAD] =	sst s4  }
0xd: {  	[smem:$0x3FAE] =	sst s5  }
0xe: {  	[smem:$0x3FAF] =	sst s6  }
0xf: {  	[smem:$0x3FB0] =	sst s7  }
0x10: {  	[smem:$0x3FB1] =	sst s8  }
0x11: {  	[smem:$0x3FB2] =	sst s9;
	s0 =	simm.s32 @!p0 $0x0  }
0x12: {  	s1 =	sld [smem:$0x3F98];
	s0 =	simm.s32 @p0 $0x1  }
0x13: {  	[smem:$0x3FB3] =	sst s0;
	s0 =	simm.s32 @!p1 $0x0  }
0x14: {  	s2 =	sld [smem:$0x3F97];
	s0 =	simm.s32 @p1 $0x1  }
0x15: {  	[smem:$0x3FB4] =	sst s0;
	s0 =	simm.s32 @!p2 $0x0  }
0x16: {  	s3 =	sld [smem:$0x3FDB];
	s0 =	simm.s32 @p2 $0x1  }
0x17: {  	s4 =	simm.s32 $0x1BF5;
	[smem:$0x3FB6] =	sst s0  }
0x18: {  	s0 =	sld [smem:$0x3F99];
	_ =	swait.ge [sflag:s4], $0x0  }
0x19: {  	s7 =	sld [smem:$0x3F9A]  }
0x1a: {  	s8 =	sadd.s32 $0xFFFFE003, lr  }
0x1b: {  	s9 =	sadd.s32 $0xFFFFFEF7, lr;
	s5 =	simm.s32 $0xFFFFFFFF;
	p2 =	slt.u32 s8, $0xFFFFF086  }
0x1c: {  	p1 =	slt.u32 s9, $0xF7A;
	s5 =	simm.s32 @!p2 $0x0  }
0x1d: {  	s5 =	simm.s32 @p1 $0x1;
	p0 =	seq.s32 s7, s2  }
0x1e: {  	s7 =	smul.u32 @!p0 $0xF7A, s2;
	p2 =	seq.s32 @!p0 s5, $0x0  }
0x1f: {  	s9 =	smul.u32 $0xF7A, s1;
	s8 =	simm.s32 @!p0 $0x1BF5;
	p2 =	por !p2, p0  }
0x20: {  	[sflag:s8] =	ssyncset.s32 @!p0 $0xFFFFF086;
	s6 =	sadd.s32 @!p0 s3, s7;
	s7 =	simm.s32 @!p0 $0x108  }
0x21: {  	s3 =	sadd.s32 s3, s9;
	s6 =	sadd.s32 @!p0 $0x88, s6;
	s7 =	simm.s32 @p2 $0x1082  }
0x22: {  	[simem:s7], [sflag:s8] =	dma.local @!p0 [hbm:s6], $0xF7A  }
0x23: {  	s9 =	sor.u32 $0xD0000000, s2;
	s6 =	simm.s32 $0x108;
	_ =	swait.ge @!p0 [sflag:s8], $0x0  }
0x24: {  	s3 =	sadd.s32 $0x88, s3;
	s6 =	simm.s32 @!p1 $0x1082;
	[sflag:s4] =	ssyncset.s32 $0xFFFFF086  }
0x25: {  	[simem:s6], [sflag:s4] =	dma.local [hbm:s3], $0xF7A  }
0x26: {  	[smem:$0x3F9A] =	sst s1;
	(tag) =	ssettag s2;
	_ =	strace s9  }
0x27: {  	s1 =	sld [smem:$0x3FAA]  }
0x28: {  	s2 =	sld [smem:$0x3FAB]  }
0x29: {  	s4 =	sld [smem:$0x3FAD]  }
0x2a: {  	p0 =	seq.s32 s5, $0x0;
	s5 =	sld [smem:$0x3FAE]  }
0x2b: {  	s6 =	sld [smem:$0x3FAF]  }
0x2c: {  	s7 =	sld [smem:$0x3FB0]  }
0x2d: {  	s3 =	simm.s32 $0x108;
	s8 =	sld [smem:$0x3FB1]  }
0x2e: {  	s3 =	simm.s32 @!p0 $0x1082;
	s9 =	sld [smem:$0x3FB2]  }
0x2f: {  	lr =	sadd.s32 s0, s3;
	s0 =	sld [smem:$0x3FA9]  }
0x30: {  	s3 =	sld [smem:$0x3FAC]  }
0x31: {  	[smem:$0x3FB5] =	sst s10  }
0x32: {  	s10 =	sld [smem:$0x3FB3];
	_ =	sdelay $0x3  }
0x33: {  	p0 =	seq.s32 s10, $0x1;
	s10 =	sld [smem:$0x3FB5];
	_ =	sdelay $0x3  }
0x34: {  	[smem:$0x3FB5] =	sst s10  }
0x35: {  	s10 =	sld [smem:$0x3FB4];
	_ =	sdelay $0x3  }
0x36: {  	p1 =	seq.s32 s10, $0x1;
	s10 =	sld [smem:$0x3FB5];
	_ =	sdelay $0x3  }
0x37: {  	[smem:$0x3FB5] =	sst s10  }
0x38: {  	s10 =	sld [smem:$0x3FB6]  }
0x39: {  	_ = 	snop;
	(pc) =	sbr.ind lr, $3  }
0x3a: {  	_ = 	snop  }
0x3b: {  	_ = 	snop  }
0x3c: {  	p2 =	seq.s32 s10, $0x1;
	s10 =	sld [smem:$0x3FB5]  }
0x3d: {  	_ =	shalt  }
0x3e: {  	_ =	shalt  }
0x3f: {  	_ =	shalt  }
0x40: {  	_ =	shalt  }
0x41: {  	_ =	shalt  }
0x42: {  	_ =	shalt  }
0x43: {  	_ =	shalt  }
0x44: {  	_ =	shalt  }
0x45: {  	_ =	shalt  }
0x46: {  	_ =	shalt  }
0x47: {  	_ =	shalt  }
0x48: {  	_ =	shalt  }
0x49: {  	_ =	shalt  }
0x4a: {  	_ =	shalt  }
0x4b: {  	_ =	shalt  }
0x4c: {  	_ =	shalt  }
0x4d: {  	_ =	shalt  }
0x4e: {  	_ =	shalt  }
0x4f: {  	_ =	shalt  }
0x50: {  	_ =	shalt  }
0x51: {  	_ =	shalt  }
0x52: {  	_ =	shalt  }
0x53: {  	_ =	shalt  }
0x54: {  	_ =	shalt  }
0x55: {  	_ =	shalt  }
0x56: {  	_ =	shalt  }
0x57: {  	_ =	shalt  }
0x58: {  	_ =	shalt  }
0x59: {  	_ =	shalt  }
0x5a: {  	_ =	shalt  }
0x5b: {  	_ =	shalt  }
0x5c: {  	_ =	shalt  }
0x5d: {  	_ =	shalt  }
0x5e: {  	_ =	shalt  }
0x5f: {  	_ =	shalt  }
0x60: {  	_ =	shalt  }
0x61: {  	_ =	shalt  }
0x62: {  	_ =	shalt  }
0x63: {  	_ =	shalt  }
0x64: {  	_ =	shalt  }
0x65: {  	_ =	shalt  }
0x66: {  	_ =	shalt  }
0x67: {  	_ =	shalt  }
0x68: {  	_ =	shalt  }
0x69: {  	_ =	shalt  }
0x6a: {  	_ =	shalt  }
0x6b: {  	_ =	shalt  }
0x6c: {  	_ =	shalt  }
0x6d: {  	_ =	shalt  }
0x6e: {  	_ =	shalt  }
0x6f: {  	_ =	shalt  }
0x70: {  	_ =	shalt  }
0x71: {  	_ =	shalt  }
0x72: {  	_ =	shalt  }
0x73: {  	_ =	shalt  }
0x74: {  	_ =	shalt  }
0x75: {  	_ =	shalt  }
0x76: {  	_ =	shalt  }
0x77: {  	_ =	shalt  }
0x78: {  	_ =	shalt  }
0x79: {  	_ =	shalt  }
0x7a: {  	_ =	shalt  }
0x7b: {  	_ =	shalt  }
0x7c: {  	_ =	shalt  }
0x7d: {  	_ =	shalt  }
0x7e: {  	_ =	shalt  }
0x7f: {  	_ =	shalt  }
0x80: {  	_ =	shalt  }
0x81: {  	_ =	shalt  }
0x82: {  	_ =	shalt  }
0x83: {  	_ =	shalt  }
0x84: {  	_ =	shalt  }
0x85: {  	_ =	shalt  }
0x86: {  	_ =	shalt  }
0x87: {  	_ =	shalt  }
.Lfunc_end0:
.L_simem_size_0:
called_computation.2_lowered:
.L_overlay_start_0:
0x88: {  	s2 =	sld [smem:$0x3FD9]  }
0x89: {  	s3 =	sld [smem:$0x3FFE];
	_ =	sdelay $0x1  }
0x8a: {  	s1 =	srdreg.scid  }
0x8b: {  	s0 =	sand.u32 $0x1, s1  }
0x8c: {  	s16 =	sshll.u32 s0, $0xA;
	s2 =	sadd.s32 s3, s2  }
0x8d: {  	s2 =	sadd.s32 s2, s16  }
0x8e: {  	[smem:$0x3FC1] =	sst s2  }
0x8f: {  	_ = 	snop  }
0x90: {  	(tm) =	ssettm $0x1  }
0x91: {  	s17 =	sld [smem:$0x3FFB];
	_ =	sdelay $0x3  }
0x92: {  	_ =	strace s17  }
0x93: {  	s2 =	sld [smem:$0x3FFC];
	_ =	sdelay $0x3  }
0x94: {  	_ =	strace s2  }
0x95: {  	s2 =	sld [smem:$0x3FFD];
	_ =	sdelay $0x3  }
0x96: {  	_ =	strace s2  }
0x97: {  	_ =	strace $0x8FFFFFFF  }
0x98: {  	s18 =	sld [smem:$0x3FDB];
	_ =	sdelay $0x1  }
0x99: {  	s19 =	simm.s32 $_scs_section_size  }
0x9a: {  	s4 =	simm.s32 $_size__tile_overlayer_lowered;
	s5 =	simm.s32 $_tile_overlayer_lowered  }
0x9b: {  	s22 =	simm.s32 $0x1BFF;
	s21 =	sshll.u32 s5, $0x1;
	s2 =	sadd.s32 s19, s18  }
0x9c: {  	s6 =	simm.s32 $0x0;
	s20 =	sshll.u32 s4, $0x1;
	s4 =	sadd.s32 s21, s2  }
0x9d: {  	[timem:s6], [sflag:s22] =	dma.local [hbm:s4], s20  }
0x9e: {  	_ =	swait.ge [sflag:s22], s20  }
0x9f: {  	s3 =	ssub.s32 $0x0, s20;
	[sflag:s22] =	ssyncset.done $0x0  }
0xa0: {  	[sflag:s22] =	ssyncadd.s32 s3;
	_ =	sdelay $0x1  }
0xa1: {  	s23 =	simm.s32 $0x1B8B  }
0xa2: {  	_ =	swait.ge [sflag:s23], $0x1  }
0xa3: {  	[sflag:s23] =	ssyncset.done $0x0  }
0xa4: {  	s25 =	simm.s32 $0x1B8E;
	s24 =	sld [smem:$0x3FFE];
	[sflag:s23] =	ssyncadd.s32 $0xFFFFFFFF  }
0xa5: {  	s26 =	simm.s32 $execute0_lowered;
	[smem:$0x3FD2] =	sst s25  }
0xa6: {  	s4 =	sshll.u32 s26, $0x1;
	_ =	strace $0x80000049;
	[dreg:$0x1] =	wrdreg $0xFFFFFFFF  }
0xa7: {  	s28 =	simm.s32 $_size_execute0_lowered;
	s2 =	sadd.s32 s2, s4;
	[dreg:$0x0] =	wrdreg $0x0  }
0xa8: {  	s4 =	sshll.u32 s28, $0x1;
	[dreg:$0x2] =	wrdreg s2  }
0xa9: {  	[dreg:$0x3] =	wrdreg s4  }
0xaa: {  	[dreg:$0x4] =	wrdreg $0xC0  }
0xab: {  	_ =	task [dreg:s6], $0x5FFFF  }
0xac: {  	[dreg:$0x1] =	wrdreg $0xFFFFFFFF  }
0xad: {  	[dreg:$0x0] =	wrdreg $0x60  }
0xae: {  	[dreg:$0x2] =	wrdreg s24  }
0xaf: {  	[dreg:$0x3] =	wrdreg $0x0  }
0xb0: {  	[dreg:$0x4] =	wrdreg $0xA  }
0xb1: {  	_ =	task.clear_ibuf [dreg:s6], $0x5FFFF;
	_ =	strace $0x90000049  }
0xb2: {  	s29 =	simm.s32 $0xA;
	_ =	strace $0x8000004B  }
0xb3: {  	_ =	swait.ge [sflag:s29], $0x1  }
0xb4: {  	[sflag:s29] =	ssyncadd.s32 $0xFFFFFFFF  }
0xb5: {  	_ =	strace $0x9000004B  }
0xb6: {  	_ =	sfence  }
0xb7: {  	s30 =	sld [smem:$0x0];
	_ =	sdelay $0x2  }
0xb8: {  	s31 =	sshll.u32 s1, $0xD;
	s1 =	sshrl.u32 s1, $0x2  }
0xb9: {  	s3 =	sand.u32 $0x4000, s31;
	s1 =	sadd.s32 s1, s30  }
0xba: {  	s0 =	sor.u32 s3, s0;
	s1 =	sshll.u32 s1, $0x11  }
0xbb: {  	s0 =	sor.u32 s1, s0  }
0xbc: {  	s0 =	sadd.s32 $0x8F2B, s0  }
0xbd: {  	[sflag:s0] =	ssyncadd.remote.s32 $0x1  }
0xbe: {  	_ =	sfence.sel $0xFFFF  }
0xbf: {  	[dreg:$0x0] =	wrdreg $0xFFFFFFFF;
	(pc) =	sbr.abs _section_cstart, $3  }
0xc0: {  	[dreg:$0x1] =	wrdreg $0xFFFFFFFF  }
0xc1: {  	_ =	task.clear_ibuf [dreg:s6], $0x2FFFF;
	_ =	strace $0x9FFFFFFF  }
0xc2: {  	(tm) =	ssettm $0x7FFFFFFF  }
0xc3: {  	_ =	shalt  }
tec
execute0_lowered:
.L_overlay_start_1:
0x0: {  	(tag) =	ssettag $0x1  }
0x1: {  	s0 =	rddreg [dreg:$0x0]  }
0x2: {  	s2 =	srdreg.scid;
	s5 =	stileid.u32  }
0x3: {  	s1 =	rddreg [dreg:$0x1];
	s15 =	simm.s32 $0x3;
	s18 =	simm.s32 $0x15F90  }
0x4: {  	s19 =	simm.s32 $0x50;
	s20 =	simm.s32 $0x186F0;
	s21 =	simm.s32 $0x186A0  }
0x5: {  	s22 =	simm.s32 $0x1AEF0;
	s23 =	simm.s32 $0x186C8;
	s28 =	simm.s32 $0x2  }
0x6: {  	s29 =	simm.s32 $0x0;
	s7 =	sand.u32 $0x1, s2;
	s3 =	sshll.u32 s5, $0x1  }
0x7: {  	s2 =	simm.s32 $0x0;
	s4 =	sadd.s32 $0x2200, s0;
	s6 =	sadd.s32 $0x48400, s0  }
0x8: {  	s12 =	smul.u32 $0x15F00, s5;
	s24 =	sshll.u32 s5, $0x6;
	s16 =	sadd.s32 $0x15F000, s1  }
0x9: {  	p0 =	sne.s32 s5, $0x0;
	s8 =	sor.u32 s7, s3;
	[smem:$0x7FF] =	sst s2  }
0xa: {  	s10 =	ssub.s32 $0x2, s7;
	s25 =	smul.u32 $0x15F900, s7;
	s7 =	sor.u32 $0x1C03, s24  }
0xb: {  	s16 =	sshrl.u32 @!p0 s16, $0x3;
	s24 =	simm.s32 $0x1;
	s3 =	smul.u32 $0x4E2, s8  }
0xc: {  	_ =	strace $0x8000004A;
	[dreg:$0x3] =	wrdreg s6;
	s6 =	sadd.s32 $0x29400, s0  }
0xd: {  	s11 =	sshrl.u32 s10, $0x1;
	s14 =	sadd.s32 s12, s1;
	s8 =	smul.u32 $0x1388, s8  }
0xe: {  	s13 =	ssub.s32 s10, s11;
	s26 =	sadd.s32 s12, s25;
	s31 =	sshrl.u32 s25, $0x3  }
0xf: {  	s14 =	sshrl.u32 s14, $0x3;
	s9 =	sadd.s32 s3, s0;
	s3 =	sadd.s32 $0x273200, s0  }
0x10: {  	s25 =	simm.s32 $0x28;
	s0 =	sadd.s32 $0x6F800, s0;
	s9 =	sadd.s32 $0x278200, s9  }
0x11: {  	s30 =	sshrl.u32 s8, $0x3;
	[dreg:$0x4] =	wrdreg s9;
	s9 =	sshrl.u32 s26, $0x3  }
0x12: {  	s13 =	smax.u32 s13, $0x1;
	s11 =	sadd.s32 s0, s9;
	s0 =	sadd.s32 s0, s31  }
0x13: {  	s10 =	sadd.s32 s3, s30;
	s26 =	simm.s32 $0x1D6F0;
	s12 =	sadd.s32 $0x2BE00, s0  }
.LBB2_1:
0x14: {  	[spmem:s14], [sflag:s7] =	dma.local [hbm:s6], $0x2BE0  }
0x15: {  	_ =	swait.ge [sflag:s15], $0x2BE0  }
0x16: {  	[sflag:s15] =	ssyncset.done $0x0  }
0x17: {  	s0 =	simm.s32 @!p0 $0x3;
	[sflag:s15] =	ssyncadd.s32 $0xFFFFD420  }
0x18: {  	[spmem:s16], [sflag:s7] =	dma.local @!p0 [hbm:s6], $0x120  }
0x19: {  	_ =	swait.ge @!p0 [sflag:s0], $0x120  }
0x1a: {  	[sflag:s0] =	ssyncset.done @!p0 $0x0  }
0x1b: {  	s5 =	simm.s32 $0x1ED70;
	s17 =	rddreg [dreg:$0x3];
	[sflag:s0] =	ssyncadd.s32 @!p0 $0xFFFFFEE0  }
0x1c: {  	[tilespmem:s5], [sflag:$0x3] =	stream.linear.gather [hbm4b:s17+s2], $0x80, $0x38;
	[tilespmem:$0x1EE10] =	vst v63  }
0x1d: {  	_ =	swait.ge [sflag:s15], $0x80  }
0x1e: {  	[sflag:s15] =	ssyncset.done $0x0  }
0x1f: {  	s31 =	rddreg [dreg:$0x4];
	[sflag:s15] =	ssyncadd.s32 $0xFFFFFF80  }
0x20: {  	[tilespmem:s18], [sflag:$0x3] =	stream.linear.gather [hbm4b:s31+s2], $0x2710, $0x38;
	[tilespmem:$0x1EE10] =	vst v63  }
0x21: {  	_ =	swait.ge [sflag:s15], $0x2710  }
0x22: {  	[sflag:s15] =	ssyncset.done $0x0  }
0x23: {  	[sflag:s15] =	ssyncadd.s32 $0xFFFFD8F0  }
0x24: {  	[bflag:$0x0] =	sbarrier.arrive $0xFFFF  }
0x25: {  	v0 =	vld [tilespmem:$0x1ED70]  }
0x26: {  	v1 =	vld [tilespmem:$0x1ED80]  }
0x27: {  	v2 =	vld [tilespmem:$0x1ED90]  }
0x28: {  	v3 =	vld [tilespmem:$0x1EDA0]  }
0x29: {  	v4 =	vld [tilespmem:$0x1EDB0]  }
0x2a: {  	v5 =	vld [tilespmem:$0x1EDC0]  }
0x2b: {  	v6 =	vld [tilespmem:$0x1EDD0]  }
0x2c: {  	v7 =	vld [tilespmem:$0x1EDE0];
	[tilespmem:s20], [sflag:$0x1] =	stream.indirect.gather [hbm4b:s4+s19], $0x80, s18, s19, $0xb8  }
0x2d: {  	s30 =	simm.s32 $0x0  }
0x2e: {  	[tilespmem:s21], [sflag:$0x1] =	stream.linear.gather [hbm4b:s10+s2], $0x28, $0x38;
	[tilespmem:$0x1EE10] =	vst v63  }
.LBB2_2:
0x2f: {  	s0 =	sshllo.u32 s30, $0x1  }
0x30: {  	s5 =	smul.u32 $0x140, s0  }
0x31: {  	s0 =	smul.u32 $0x28, s0;
	_ =	sdelay $0x1  }
0x32: {  	s5 =	sshra.s32 s5, $0x2;
	s0 =	sadd.s32 s8, s0  }
0x33: {  	s5 =	sadd.s32 $0x15F90, s5;
	s0 =	sshrl.u32 s0, $0x3  }
0x34: {  	[tilespmem:s22], [sflag:$0x2] =	stream.indirect.gather [hbm4b:s4+s19], $0x80, s5, s19, $0xb8;
	[tilespmem:$0x1EE10] =	vst v63  }
0x35: {  	s17 =	simm.s32 $0x0;
	s0 =	sadd.s32 s3, s0  }
0x36: {  	[tilespmem:s23], [sflag:$0x2] =	stream.linear.gather [hbm4b:s0+s17], $0x28, $0x38;
	[tilespmem:$0x1EE10] =	vst v63  }
0x37: {  	_ =	swait.ge [sflag:s24], $0x2800  }
0x38: {  	[sflag:s24] =	ssyncset.done $0x0  }
0x39: {  	[sflag:s24] =	ssyncadd.s32 $0xFFFFD800  }
0x3a: {  	_ =	swait.ge [sflag:s24], $0x28  }
0x3b: {  	[sflag:s24] =	ssyncset.done $0x0  }
0x3c: {  	s31 =	simm.s32 $0x18770;
	[sflag:s24] =	ssyncadd.s32 $0xFFFFFFD8  }
0x3d: {  	v11 =	vld [tilespmem:s31+$0xFFFFFF80]  }
0x3e: {  	v8 =	vld [tilespmem:s31+$0x10]  }
0x3f: {  	v13 =	vld [tilespmem:s31+$0xFFFFFF90]  }
0x40: {  	v12 =	vld [tilespmem:s31+$0x0]  }
0x41: {  	v10 =	vld [tilespmem:s31+$0x20]  }
0x42: {  	v14 =	vld [tilespmem:s31+$0xFFFFFFA0]  }
0x43: {  	v9 =	vld [tilespmem:s31+$0x30]  }
0x44: {  	v16 =	vld [tilespmem:s31+$0xFFFFFFB0];
	v15 =	vadd.f32 v8, v13  }
0x45: {  	v19 =	vld [tilespmem:s31+$0xFFFFFFC0];
	v17 =	vadd.f32 v12, v11  }
0x46: {  	v11 =	vld [tilespmem:s31+$0x40];
	v18 =	vmul.f32 $2.000000030e-01, v15  }
0x47: {  	v21 =	vadd.f32 v10, v14;
	v13 =	vld [tilespmem:s31+$0x50];
	v20 =	vmul.f32 $2.000000030e-01, v17  }
0x48: {  	v15 =	vmax.f32 v15, v18;
	v18 =	vld [tilespmem:s31+$0xFFFFFFD0]  }
0x49: {  	v23 =	vld [tilespmem:s31+$0xFFFFFFE0];
	v16 =	vadd.f32 v9, v16;
	v57 =	vmul.f32 $2.000000030e-01, v21;
	v17 =	vmax.f32 v17, v20  }
0x4a: {  	v14 =	vld [tilespmem:s31+$0x60];
	v17 =	vmul.f32 v17, v0;
	v22 =	vmul.f32 v15, v1  }
0x4b: {  	v59 =	vld [tilespmem:s31+$0xFFFFFFF0];
	v58 =	vmul.f32 $2.000000030e-01, v16;
	v20 =	vmax.f32 v21, v57;
	v19 =	vadd.f32 v11, v19  }
0x4c: {  	v15 =	vld [tilespmem:s31+$0x70];
	v20 =	vmul.f32 v20, v2;
	v17 =	vadd.f32 v22, v17  }
0x4d: {  	v16 =	vmax.f32 v16, v58;
	v60 =	vmul.f32 $2.000000030e-01, v19;
	v18 =	vadd.f32 v13, v18  }
0x4e: {  	v16 =	vmul.f32 v16, v3;
	v17 =	vadd.f32 v20, v17  }
0x4f: {  	v62 =	vadd.f32 v14, v23;
	v19 =	vmax.f32 v19, v60;
	v61 =	vmul.f32 $2.000000030e-01, v18  }
0x50: {  	v16 =	vadd.f32 v16, v17;
	v17 =	vmul.f32 v19, v4  }
0x51: {  	v63 =	vadd.f32 v15, v59;
	v19 =	vmul.f32 $2.000000030e-01, v62;
	v18 =	vmax.f32 v18, v61  }
0x52: {  	v16 =	vadd.f32 v17, v16;
	v17 =	vmul.f32 v18, v5  }
0x53: {  	v18 =	vmax.f32 v62, v19;
	v19 =	vmul.f32 $2.000000030e-01, v63  }
0x54: {  	v16 =	vadd.f32 v17, v16;
	v17 =	vmul.f32 v18, v6  }
0x55: {  	v18 =	vmax.f32 v63, v19  }
0x56: {  	v16 =	vadd.f32 v17, v16;
	v17 =	vmul.f32 v18, v7;
	_ =	sdelay $0x1  }
0x57: {  	v16 =	vadd.f32 v17, v16;
	_ =	sdelay $0x1  }
0x58: {  	[tilespmem:$0x1EDF0] =	vst v16  }
0x59: {  	[tilespmem:$0x1EE00] =	vst v16  }
0x5a: {  	v17 =	vld [tilespmem:$0x1EDF8];
	_ =	sdelay $0x4  }
0x5b: {  	v16 =	vadd.f32 v16, v17;
	_ =	sdelay $0x1  }
0x5c: {  	[tilespmem:$0x1EDF0] =	vst v16  }
0x5d: {  	[tilespmem:$0x1EE00] =	vst v16  }
0x5e: {  	v17 =	vld [tilespmem:$0x1EDF4];
	_ =	sdelay $0x4  }
0x5f: {  	v16 =	vadd.f32 v17, v16;
	_ =	sdelay $0x1  }
0x60: {  	v16 =	vmul.f32 $1.442695020e+00, v16;
	_ =	sdelay $0x1  }
0x61: {  	(erf) = vpow2.f32 v16;
	_ =	sdelay $0x8  }
0x62: {  	s9 =	simm.s32 $0x0;
	s0 =	sshll.u32 s30, $0x1;
	s17 =	simm.s32 $0x240;
	v16 =	vpop (erf)  }
.LBB2_3:
0x63: {  	p1 =	sne.s32 s17, $0x57C0  }
0x64: {  	v12 =	vmul.f32 v16, v12;
	v15 =	vmul.f32 v16, v15;
	[tilespmem:s9+$0x1D770] =	vst v16;
	s31 =	sadd.s32 $0x100, s31;
	s5 =	smov.u32 s17;
	s17 =	sadd.s32 $0x240, s17  }
0x65: {  	v10 =	vmul.f32 v16, v10;
	v13 =	vmul.f32 v16, v13  }
0x66: {  	v8 =	vmul.f32 v16, v8;
	v14 =	vmul.f32 v16, v14;
	[tilespmem:s9+$0x1D760] =	vst v15  }
0x67: {  	v9 =	vmul.f32 v16, v9;
	[tilespmem:s9+$0x1D6F0] =	vst v12  }
0x68: {  	v11 =	vmul.f32 v16, v11;
	[tilespmem:s9+$0x1D740] =	vst v13  }
0x69: {  	[tilespmem:s9+$0x1D710] =	vst v10  }
0x6a: {  	[tilespmem:s9+$0x1D720] =	vst v9  }
0x6b: {  	[tilespmem:s9+$0x1D730] =	vst v11  }
0x6c: {  	[tilespmem:s9+$0x1D750] =	vst v14  }
0x6d: {  	[tilespmem:s9+$0x1D700] =	vst v8  }
0x6e: {  	v11 =	vld [tilespmem:s31+$0xFFFFFF80]  }
0x6f: {  	v8 =	vld [tilespmem:s31+$0x10]  }
0x70: {  	v13 =	vld [tilespmem:s31+$0xFFFFFF90]  }
0x71: {  	v12 =	vld [tilespmem:s31+$0x0]  }
0x72: {  	v10 =	vld [tilespmem:s31+$0x20]  }
0x73: {  	v14 =	vld [tilespmem:s31+$0xFFFFFFA0]  }
0x74: {  	v9 =	vld [tilespmem:s31+$0x30]  }
0x75: {  	v15 =	vadd.f32 v8, v13;
	v16 =	vld [tilespmem:s31+$0xFFFFFFB0]  }
0x76: {  	v17 =	vadd.f32 v12, v11;
	v11 =	vld [tilespmem:s31+$0x40]  }
0x77: {  	v18 =	vmul.f32 $2.000000030e-01, v15;
	v19 =	vld [tilespmem:s31+$0xFFFFFFC0]  }
0x78: {  	v20 =	vmul.f32 $2.000000030e-01, v17;
	v21 =	vadd.f32 v10, v14;
	v13 =	vld [tilespmem:s31+$0x50]  }
0x79: {  	v15 =	vmax.f32 v15, v18;
	v18 =	vld [tilespmem:s31+$0xFFFFFFD0]  }
0x7a: {  	v17 =	vmax.f32 v17, v20;
	v20 =	vmul.f32 $2.000000030e-01, v21;
	v16 =	vadd.f32 v9, v16;
	v14 =	vld [tilespmem:s31+$0x60]  }
0x7b: {  	v22 =	vmul.f32 v15, v1;
	v17 =	vmul.f32 v17, v0;
	v23 =	vld [tilespmem:s31+$0xFFFFFFE0]  }
0x7c: {  	v20 =	vmax.f32 v21, v20;
	v21 =	vmul.f32 $2.000000030e-01, v16;
	v19 =	vadd.f32 v11, v19;
	v15 =	vld [tilespmem:s31+$0x70]  }
0x7d: {  	v17 =	vadd.f32 v22, v17;
	v20 =	vmul.f32 v20, v2;
	v22 =	vld [tilespmem:s31+$0xFFFFFFF0]  }
0x7e: {  	v16 =	vmax.f32 v16, v21;
	v21 =	vmul.f32 $2.000000030e-01, v19;
	v18 =	vadd.f32 v13, v18  }
0x7f: {  	v17 =	vadd.f32 v20, v17;
	v16 =	vmul.f32 v16, v3  }
0x80: {  	v19 =	vmax.f32 v19, v21;
	v20 =	vmul.f32 $2.000000030e-01, v18;
	v21 =	vadd.f32 v14, v23  }
0x81: {  	v16 =	vadd.f32 v16, v17;
	v17 =	vmul.f32 v19, v4  }
0x82: {  	v18 =	vmax.f32 v18, v20;
	v19 =	vmul.f32 $2.000000030e-01, v21;
	v20 =	vadd.f32 v15, v22  }
0x83: {  	v16 =	vadd.f32 v17, v16;
	v17 =	vmul.f32 v18, v5  }
0x84: {  	v18 =	vmax.f32 v21, v19;
	v19 =	vmul.f32 $2.000000030e-01, v20  }
0x85: {  	v16 =	vadd.f32 v17, v16;
	v17 =	vmul.f32 v18, v6  }
0x86: {  	v18 =	vmax.f32 v20, v19  }
0x87: {  	v16 =	vadd.f32 v17, v16;
	v17 =	vmul.f32 v18, v7;
	_ =	sdelay $0x1  }
0x88: {  	v16 =	vadd.f32 v17, v16;
	_ =	sdelay $0x1  }
0x89: {  	[tilespmem:$0x1EDF0] =	vst v16  }
0x8a: {  	[tilespmem:$0x1EE00] =	vst v16  }
0x8b: {  	v17 =	vld [tilespmem:$0x1EDF8];
	_ =	sdelay $0x4  }
0x8c: {  	v16 =	vadd.f32 v16, v17;
	_ =	sdelay $0x1  }
0x8d: {  	[tilespmem:$0x1EDF0] =	vst v16  }
0x8e: {  	[tilespmem:$0x1EE00] =	vst v16  }
0x8f: {  	v17 =	vld [tilespmem:$0x1EDF4];
	_ =	sdelay $0x4  }
0x90: {  	v16 =	vadd.f32 v17, v16;
	_ =	sdelay $0x1  }
0x91: {  	v16 =	vmul.f32 $1.442695020e+00, v16;
	_ =	sdelay $0x1  }
0x92: {  	(erf) = vpow2.f32 v16;
	_ =	sdelay $0x4  }
.Ltmp0:
0x93: {  	(pc) =	sbr.rel @p1 .LBB2_3-.Ltmp0, $2  }
0x94: {  	_ =	sdelay $0x2  }
0x95: {  	s9 =	sshra.s32 s5, $0x2;
	v16 =	vpop (erf)  }
0x96: {  	v15 =	vmul.f32 v16, v15  }
0x97: {  	v12 =	vmul.f32 v16, v12;
	[tilespmem:s9+$0x1D770] =	vst v16  }
0x98: {  	v13 =	vmul.f32 v16, v13;
	[tilespmem:s9+$0x1D760] =	vst v15  }
0x99: {  	v10 =	vmul.f32 v16, v10;
	[tilespmem:s9+$0x1D6F0] =	vst v12  }
0x9a: {  	v9 =	vmul.f32 v16, v9;
	[tilespmem:s9+$0x1D740] =	vst v13  }
0x9b: {  	v11 =	vmul.f32 v16, v11;
	[tilespmem:s9+$0x1D710] =	vst v10  }
0x9c: {  	v8 =	vmul.f32 v16, v8;
	[tilespmem:s9+$0x1D720] =	vst v9  }
0x9d: {  	s0 =	sadd.s32 $0x2, s0;
	v10 =	vmul.f32 v16, v14;
	[tilespmem:s9+$0x1D730] =	vst v11  }
0x9e: {  	s5 =	smul.u32 $0x140, s0;
	[tilespmem:s9+$0x1D700] =	vst v8  }
0x9f: {  	s0 =	smul.u32 $0x28, s0;
	[tilespmem:s9+$0x1D750] =	vst v10  }
0xa0: {  	[spmem:s1] =	stream.indirect.scatter.add.f32 [tilespmem:s26], [sflag:$0x3], $0x90, s21, s25, $0xb8;
	[tilespmem:$0x1EE10] =	vst v63  }
0xa1: {  	_ =	swait.ge [sflag:s15], $0x1680  }
0xa2: {  	s5 =	sshra.s32 s5, $0x2;
	s0 =	sadd.s32 s8, s0;
	[sflag:s15] =	ssyncset.done $0x0  }
0xa3: {  	s5 =	sadd.s32 $0x15F90, s5;
	s0 =	sshrl.u32 s0, $0x3;
	[sflag:s15] =	ssyncadd.s32 $0xFFFFE980  }
0xa4: {  	[tilespmem:s20], [sflag:$0x1] =	stream.indirect.gather [hbm4b:s4+s19], $0x80, s5, s19, $0xb8;
	[tilespmem:$0x1EE10] =	vst v63  }
0xa5: {  	s17 =	simm.s32 $0x0;
	s0 =	sadd.s32 s3, s0  }
0xa6: {  	[tilespmem:s21], [sflag:$0x1] =	stream.linear.gather [hbm4b:s0+s17], $0x28, $0x38;
	[tilespmem:$0x1EE10] =	vst v63  }
0xa7: {  	_ =	swait.ge [sflag:s28], $0x2800  }
0xa8: {  	[sflag:s28] =	ssyncset.done $0x0  }
0xa9: {  	[sflag:s28] =	ssyncadd.s32 $0xFFFFD800  }
0xaa: {  	_ =	swait.ge [sflag:s28], $0x28  }
0xab: {  	[sflag:s28] =	ssyncset.done $0x0  }
0xac: {  	s31 =	simm.s32 $0x1AF70;
	[sflag:s28] =	ssyncadd.s32 $0xFFFFFFD8  }
0xad: {  	v11 =	vld [tilespmem:s31+$0xFFFFFF80]  }
0xae: {  	v8 =	vld [tilespmem:s31+$0x10]  }
0xaf: {  	v13 =	vld [tilespmem:s31+$0xFFFFFF90]  }
0xb0: {  	v12 =	vld [tilespmem:s31+$0x0]  }
0xb1: {  	v10 =	vld [tilespmem:s31+$0x20]  }
0xb2: {  	v14 =	vld [tilespmem:s31+$0xFFFFFFA0]  }
0xb3: {  	v9 =	vld [tilespmem:s31+$0x30]  }
0xb4: {  	v16 =	vld [tilespmem:s31+$0xFFFFFFB0];
	v15 =	vadd.f32 v8, v13  }
0xb5: {  	v19 =	vld [tilespmem:s31+$0xFFFFFFC0];
	v17 =	vadd.f32 v12, v11  }
0xb6: {  	v11 =	vld [tilespmem:s31+$0x40];
	v18 =	vmul.f32 $2.000000030e-01, v15  }
0xb7: {  	v21 =	vadd.f32 v10, v14;
	v13 =	vld [tilespmem:s31+$0x50];
	v20 =	vmul.f32 $2.000000030e-01, v17  }
0xb8: {  	v15 =	vmax.f32 v15, v18;
	v18 =	vld [tilespmem:s31+$0xFFFFFFD0]  }
0xb9: {  	v23 =	vld [tilespmem:s31+$0xFFFFFFE0];
	v16 =	vadd.f32 v9, v16;
	v57 =	vmul.f32 $2.000000030e-01, v21;
	v17 =	vmax.f32 v17, v20  }
0xba: {  	v14 =	vld [tilespmem:s31+$0x60];
	v17 =	vmul.f32 v17, v0;
	v22 =	vmul.f32 v15, v1  }
0xbb: {  	v59 =	vld [tilespmem:s31+$0xFFFFFFF0];
	v58 =	vmul.f32 $2.000000030e-01, v16;
	v20 =	vmax.f32 v21, v57;
	v19 =	vadd.f32 v11, v19  }
0xbc: {  	v15 =	vld [tilespmem:s31+$0x70];
	v20 =	vmul.f32 v20, v2;
	v17 =	vadd.f32 v22, v17  }
0xbd: {  	v16 =	vmax.f32 v16, v58;
	v60 =	vmul.f32 $2.000000030e-01, v19;
	v18 =	vadd.f32 v13, v18  }
0xbe: {  	v16 =	vmul.f32 v16, v3;
	v17 =	vadd.f32 v20, v17  }
0xbf: {  	v62 =	vadd.f32 v14, v23;
	v19 =	vmax.f32 v19, v60;
	v61 =	vmul.f32 $2.000000030e-01, v18  }
0xc0: {  	v16 =	vadd.f32 v16, v17;
	v17 =	vmul.f32 v19, v4  }
0xc1: {  	v63 =	vadd.f32 v15, v59;
	v19 =	vmul.f32 $2.000000030e-01, v62;
	v18 =	vmax.f32 v18, v61  }
0xc2: {  	v16 =	vadd.f32 v17, v16;
	v17 =	vmul.f32 v18, v5  }
0xc3: {  	v18 =	vmax.f32 v62, v19;
	v19 =	vmul.f32 $2.000000030e-01, v63  }
0xc4: {  	v16 =	vadd.f32 v17, v16;
	v17 =	vmul.f32 v18, v6  }
0xc5: {  	v18 =	vmax.f32 v63, v19  }
0xc6: {  	v16 =	vadd.f32 v17, v16;
	v17 =	vmul.f32 v18, v7;
	_ =	sdelay $0x1  }
0xc7: {  	v16 =	vadd.f32 v17, v16;
	_ =	sdelay $0x1  }
0xc8: {  	[tilespmem:$0x1EDF0] =	vst v16  }
0xc9: {  	[tilespmem:$0x1EE00] =	vst v16  }
0xca: {  	v17 =	vld [tilespmem:$0x1EDF8];
	_ =	sdelay $0x4  }
0xcb: {  	v16 =	vadd.f32 v16, v17;
	_ =	sdelay $0x1  }
0xcc: {  	[tilespmem:$0x1EDF0] =	vst v16  }
0xcd: {  	[tilespmem:$0x1EE00] =	vst v16  }
0xce: {  	v17 =	vld [tilespmem:$0x1EDF4];
	_ =	sdelay $0x4  }
0xcf: {  	v16 =	vadd.f32 v17, v16;
	_ =	sdelay $0x1  }
0xd0: {  	v16 =	vmul.f32 $1.442695020e+00, v16;
	_ =	sdelay $0x1  }
0xd1: {  	(erf) = vpow2.f32 v16;
	_ =	sdelay $0x8  }
0xd2: {  	s9 =	simm.s32 $0x0;
	s0 =	simm.s32 $0x240;
	v16 =	vpop (erf)  }
.LBB2_5:
0xd3: {  	p1 =	sne.s32 s0, $0x57C0  }
0xd4: {  	v12 =	vmul.f32 v16, v12;
	v15 =	vmul.f32 v16, v15;
	[tilespmem:s9+$0x1D770] =	vst v16;
	s31 =	sadd.s32 $0x100, s31;
	s5 =	smov.u32 s0;
	s0 =	sadd.s32 $0x240, s0  }
0xd5: {  	v10 =	vmul.f32 v16, v10;
	v13 =	vmul.f32 v16, v13  }
0xd6: {  	v8 =	vmul.f32 v16, v8;
	v14 =	vmul.f32 v16, v14;
	[tilespmem:s9+$0x1D760] =	vst v15  }
0xd7: {  	v9 =	vmul.f32 v16, v9;
	[tilespmem:s9+$0x1D6F0] =	vst v12  }
0xd8: {  	v11 =	vmul.f32 v16, v11;
	[tilespmem:s9+$0x1D740] =	vst v13  }
0xd9: {  	[tilespmem:s9+$0x1D710] =	vst v10  }
0xda: {  	[tilespmem:s9+$0x1D720] =	vst v9  }
0xdb: {  	[tilespmem:s9+$0x1D730] =	vst v11  }
0xdc: {  	[tilespmem:s9+$0x1D750] =	vst v14  }
0xdd: {  	[tilespmem:s9+$0x1D700] =	vst v8  }
0xde: {  	v11 =	vld [tilespmem:s31+$0xFFFFFF80]  }
0xdf: {  	v8 =	vld [tilespmem:s31+$0x10]  }
0xe0: {  	v13 =	vld [tilespmem:s31+$0xFFFFFF90]  }
0xe1: {  	v12 =	vld [tilespmem:s31+$0x0]  }
0xe2: {  	v10 =	vld [tilespmem:s31+$0x20]  }
0xe3: {  	v14 =	vld [tilespmem:s31+$0xFFFFFFA0]  }
0xe4: {  	v9 =	vld [tilespmem:s31+$0x30]  }
0xe5: {  	v15 =	vadd.f32 v8, v13;
	v16 =	vld [tilespmem:s31+$0xFFFFFFB0]  }
0xe6: {  	v17 =	vadd.f32 v12, v11;
	v11 =	vld [tilespmem:s31+$0x40]  }
0xe7: {  	v18 =	vmul.f32 $2.000000030e-01, v15;
	v19 =	vld [tilespmem:s31+$0xFFFFFFC0]  }
0xe8: {  	v20 =	vmul.f32 $2.000000030e-01, v17;
	v21 =	vadd.f32 v10, v14;
	v13 =	vld [tilespmem:s31+$0x50]  }
0xe9: {  	v15 =	vmax.f32 v15, v18;
	v18 =	vld [tilespmem:s31+$0xFFFFFFD0]  }
0xea: {  	v17 =	vmax.f32 v17, v20;
	v20 =	vmul.f32 $2.000000030e-01, v21;
	v16 =	vadd.f32 v9, v16;
	v14 =	vld [tilespmem:s31+$0x60]  }
0xeb: {  	v22 =	vmul.f32 v15, v1;
	v17 =	vmul.f32 v17, v0;
	v23 =	vld [tilespmem:s31+$0xFFFFFFE0]  }
0xec: {  	v20 =	vmax.f32 v21, v20;
	v21 =	vmul.f32 $2.000000030e-01, v16;
	v19 =	vadd.f32 v11, v19;
	v15 =	vld [tilespmem:s31+$0x70]  }
0xed: {  	v17 =	vadd.f32 v22, v17;
	v20 =	vmul.f32 v20, v2;
	v22 =	vld [tilespmem:s31+$0xFFFFFFF0]  }
0xee: {  	v16 =	vmax.f32 v16, v21;
	v21 =	vmul.f32 $2.000000030e-01, v19;
	v18 =	vadd.f32 v13, v18  }
0xef: {  	v17 =	vadd.f32 v20, v17;
	v16 =	vmul.f32 v16, v3  }
0xf0: {  	v19 =	vmax.f32 v19, v21;
	v20 =	vmul.f32 $2.000000030e-01, v18;
	v21 =	vadd.f32 v14, v23  }
0xf1: {  	v16 =	vadd.f32 v16, v17;
	v17 =	vmul.f32 v19, v4  }
0xf2: {  	v18 =	vmax.f32 v18, v20;
	v19 =	vmul.f32 $2.000000030e-01, v21;
	v20 =	vadd.f32 v15, v22  }
0xf3: {  	v16 =	vadd.f32 v17, v16;
	v17 =	vmul.f32 v18, v5  }
0xf4: {  	v18 =	vmax.f32 v21, v19;
	v19 =	vmul.f32 $2.000000030e-01, v20  }
0xf5: {  	v16 =	vadd.f32 v17, v16;
	v17 =	vmul.f32 v18, v6  }
0xf6: {  	v18 =	vmax.f32 v20, v19  }
0xf7: {  	v16 =	vadd.f32 v17, v16;
	v17 =	vmul.f32 v18, v7;
	_ =	sdelay $0x1  }
0xf8: {  	v16 =	vadd.f32 v17, v16;
	_ =	sdelay $0x1  }
0xf9: {  	[tilespmem:$0x1EDF0] =	vst v16  }
0xfa: {  	[tilespmem:$0x1EE00] =	vst v16  }
0xfb: {  	v17 =	vld [tilespmem:$0x1EDF8];
	_ =	sdelay $0x4  }
0xfc: {  	v16 =	vadd.f32 v16, v17;
	_ =	sdelay $0x1  }
0xfd: {  	[tilespmem:$0x1EDF0] =	vst v16  }
0xfe: {  	[tilespmem:$0x1EE00] =	vst v16  }
0xff: {  	v17 =	vld [tilespmem:$0x1EDF4];
	_ =	sdelay $0x4  }
0x100: {  	v16 =	vadd.f32 v17, v16;
	_ =	sdelay $0x1  }
0x101: {  	v16 =	vmul.f32 $1.442695020e+00, v16;
	_ =	sdelay $0x1  }
0x102: {  	(erf) = vpow2.f32 v16;
	_ =	sdelay $0x4  }
.Ltmp1:
0x103: {  	(pc) =	sbr.rel @p1 .LBB2_5-.Ltmp1, $2  }
0x104: {  	_ =	sdelay $0x2  }
0x105: {  	s9 =	sshra.s32 s5, $0x2;
	v16 =	vpop (erf)  }
0x106: {  	v15 =	vmul.f32 v16, v15  }
0x107: {  	v12 =	vmul.f32 v16, v12;
	[tilespmem:s9+$0x1D770] =	vst v16  }
0x108: {  	v13 =	vmul.f32 v16, v13;
	[tilespmem:s9+$0x1D760] =	vst v15  }
0x109: {  	v10 =	vmul.f32 v16, v10;
	[tilespmem:s9+$0x1D6F0] =	vst v12  }
0x10a: {  	v9 =	vmul.f32 v16, v9;
	[tilespmem:s9+$0x1D740] =	vst v13  }
0x10b: {  	v11 =	vmul.f32 v16, v11;
	[tilespmem:s9+$0x1D710] =	vst v10  }
0x10c: {  	v63 =	vmul.f32 v16, v14;
	[tilespmem:s9+$0x1D720] =	vst v9  }
0x10d: {  	v8 =	vmul.f32 v16, v8;
	s30 =	sadd.s32 $0x1, s30;
	[tilespmem:s9+$0x1D730] =	vst v11  }
0x10e: {  	p1 =	sne.s32 s30, $0x3E;
	[tilespmem:s9+$0x1D750] =	vst v63  }
.Ltmp2:
0x10f: {  	[tilespmem:s9+$0x1D700] =	vst v8;
	(pc) =	sbr.rel @p1 .LBB2_2-.Ltmp2, $4  }
0x110: {  	[spmem:s1] =	stream.indirect.scatter.add.f32 [tilespmem:s26], [sflag:$0x3], $0x90, s23, s25, $0xb8;
	[tilespmem:$0x1EE10] =	vst v63  }
0x111: {  	_ =	swait.ge [sflag:s15], $0x1680  }
0x112: {  	[sflag:s15] =	ssyncset.done $0x0  }
0x113: {  	[sflag:s15] =	ssyncadd.s32 $0xFFFFE980  }
0x114: {  	_ =	swait.ge [sflag:s24], $0x2800  }
0x115: {  	[sflag:s24] =	ssyncset.done $0x0  }
0x116: {  	[sflag:s24] =	ssyncadd.s32 $0xFFFFD800  }
0x117: {  	_ =	swait.ge [sflag:s24], $0x28  }
0x118: {  	[sflag:s24] =	ssyncset.done $0x0  }
0x119: {  	s30 =	simm.s32 $0x18770;
	[sflag:s24] =	ssyncadd.s32 $0xFFFFFFD8  }
0x11a: {  	v11 =	vld [tilespmem:s30+$0xFFFFFF80]  }
0x11b: {  	v8 =	vld [tilespmem:s30+$0x10]  }
0x11c: {  	v13 =	vld [tilespmem:s30+$0xFFFFFF90]  }
0x11d: {  	v12 =	vld [tilespmem:s30+$0x0]  }
0x11e: {  	v10 =	vld [tilespmem:s30+$0x20]  }
0x11f: {  	v14 =	vld [tilespmem:s30+$0xFFFFFFA0]  }
0x120: {  	v9 =	vld [tilespmem:s30+$0x30]  }
0x121: {  	v16 =	vld [tilespmem:s30+$0xFFFFFFB0];
	v15 =	vadd.f32 v8, v13  }
0x122: {  	v19 =	vld [tilespmem:s30+$0xFFFFFFC0];
	v17 =	vadd.f32 v12, v11  }
0x123: {  	v11 =	vld [tilespmem:s30+$0x40];
	v18 =	vmul.f32 $2.000000030e-01, v15  }
0x124: {  	v21 =	vadd.f32 v10, v14;
	v13 =	vld [tilespmem:s30+$0x50];
	v20 =	vmul.f32 $2.000000030e-01, v17  }
0x125: {  	v15 =	vmax.f32 v15, v18;
	v18 =	vld [tilespmem:s30+$0xFFFFFFD0]  }
0x126: {  	v23 =	vld [tilespmem:s30+$0xFFFFFFE0];
	v16 =	vadd.f32 v9, v16;
	v57 =	vmul.f32 $2.000000030e-01, v21;
	v17 =	vmax.f32 v17, v20  }
0x127: {  	v14 =	vld [tilespmem:s30+$0x60];
	v17 =	vmul.f32 v17, v0;
	v22 =	vmul.f32 v15, v1  }
0x128: {  	v59 =	vld [tilespmem:s30+$0xFFFFFFF0];
	v58 =	vmul.f32 $2.000000030e-01, v16;
	v20 =	vmax.f32 v21, v57;
	v19 =	vadd.f32 v11, v19  }
0x129: {  	v15 =	vld [tilespmem:s30+$0x70];
	v20 =	vmul.f32 v20, v2;
	v17 =	vadd.f32 v22, v17  }
0x12a: {  	v16 =	vmax.f32 v16, v58;
	v60 =	vmul.f32 $2.000000030e-01, v19;
	v18 =	vadd.f32 v13, v18  }
0x12b: {  	v16 =	vmul.f32 v16, v3;
	v17 =	vadd.f32 v20, v17  }
0x12c: {  	v62 =	vadd.f32 v14, v23;
	v19 =	vmax.f32 v19, v60;
	v61 =	vmul.f32 $2.000000030e-01, v18  }
0x12d: {  	v16 =	vadd.f32 v16, v17;
	v17 =	vmul.f32 v19, v4  }
0x12e: {  	v63 =	vadd.f32 v15, v59;
	v19 =	vmul.f32 $2.000000030e-01, v62;
	v18 =	vmax.f32 v18, v61  }
0x12f: {  	v16 =	vadd.f32 v17, v16;
	v17 =	vmul.f32 v18, v5  }
0x130: {  	v18 =	vmax.f32 v62, v19;
	v19 =	vmul.f32 $2.000000030e-01, v63  }
0x131: {  	v16 =	vadd.f32 v17, v16;
	v17 =	vmul.f32 v18, v6  }
0x132: {  	v18 =	vmax.f32 v63, v19  }
0x133: {  	v16 =	vadd.f32 v17, v16;
	v17 =	vmul.f32 v18, v7;
	_ =	sdelay $0x1  }
0x134: {  	v16 =	vadd.f32 v17, v16;
	_ =	sdelay $0x1  }
0x135: {  	[tilespmem:$0x1EDF0] =	vst v16  }
0x136: {  	[tilespmem:$0x1EE00] =	vst v16  }
0x137: {  	v17 =	vld [tilespmem:$0x1EDF8];
	_ =	sdelay $0x4  }
0x138: {  	v16 =	vadd.f32 v16, v17;
	_ =	sdelay $0x1  }
0x139: {  	[tilespmem:$0x1EDF0] =	vst v16  }
0x13a: {  	[tilespmem:$0x1EE00] =	vst v16  }
0x13b: {  	v17 =	vld [tilespmem:$0x1EDF4];
	_ =	sdelay $0x4  }
0x13c: {  	v16 =	vadd.f32 v17, v16;
	_ =	sdelay $0x1  }
0x13d: {  	v16 =	vmul.f32 $1.442695020e+00, v16;
	_ =	sdelay $0x1  }
0x13e: {  	(erf) = vpow2.f32 v16;
	_ =	sdelay $0x8  }
0x13f: {  	s0 =	simm.s32 $0x240;
	s9 =	simm.s32 $0x0;
	v16 =	vpop (erf)  }
.LBB2_8:
0x140: {  	p1 =	sne.s32 s0, $0x57C0  }
0x141: {  	v12 =	vmul.f32 v16, v12;
	v15 =	vmul.f32 v16, v15;
	[tilespmem:s9+$0x1D770] =	vst v16;
	s30 =	sadd.s32 $0x100, s30;
	s5 =	smov.u32 s0;
	s0 =	sadd.s32 $0x240, s0  }
0x142: {  	v10 =	vmul.f32 v16, v10;
	v13 =	vmul.f32 v16, v13  }
0x143: {  	v8 =	vmul.f32 v16, v8;
	v14 =	vmul.f32 v16, v14;
	[tilespmem:s9+$0x1D760] =	vst v15  }
0x144: {  	v9 =	vmul.f32 v16, v9;
	[tilespmem:s9+$0x1D6F0] =	vst v12  }
0x145: {  	v11 =	vmul.f32 v16, v11;
	[tilespmem:s9+$0x1D740] =	vst v13  }
0x146: {  	[tilespmem:s9+$0x1D710] =	vst v10  }
0x147: {  	[tilespmem:s9+$0x1D720] =	vst v9  }
0x148: {  	[tilespmem:s9+$0x1D730] =	vst v11  }
0x149: {  	[tilespmem:s9+$0x1D750] =	vst v14  }
0x14a: {  	[tilespmem:s9+$0x1D700] =	vst v8  }
0x14b: {  	v11 =	vld [tilespmem:s30+$0xFFFFFF80]  }
0x14c: {  	v8 =	vld [tilespmem:s30+$0x10]  }
0x14d: {  	v13 =	vld [tilespmem:s30+$0xFFFFFF90]  }
0x14e: {  	v12 =	vld [tilespmem:s30+$0x0]  }
0x14f: {  	v10 =	vld [tilespmem:s30+$0x20]  }
0x150: {  	v14 =	vld [tilespmem:s30+$0xFFFFFFA0]  }
0x151: {  	v9 =	vld [tilespmem:s30+$0x30]  }
0x152: {  	v15 =	vadd.f32 v8, v13;
	v16 =	vld [tilespmem:s30+$0xFFFFFFB0]  }
0x153: {  	v17 =	vadd.f32 v12, v11;
	v11 =	vld [tilespmem:s30+$0x40]  }
0x154: {  	v18 =	vmul.f32 $2.000000030e-01, v15;
	v19 =	vld [tilespmem:s30+$0xFFFFFFC0]  }
0x155: {  	v20 =	vmul.f32 $2.000000030e-01, v17;
	v21 =	vadd.f32 v10, v14;
	v13 =	vld [tilespmem:s30+$0x50]  }
0x156: {  	v15 =	vmax.f32 v15, v18;
	v18 =	vld [tilespmem:s30+$0xFFFFFFD0]  }
0x157: {  	v17 =	vmax.f32 v17, v20;
	v20 =	vmul.f32 $2.000000030e-01, v21;
	v16 =	vadd.f32 v9, v16;
	v14 =	vld [tilespmem:s30+$0x60]  }
0x158: {  	v22 =	vmul.f32 v15, v1;
	v17 =	vmul.f32 v17, v0;
	v23 =	vld [tilespmem:s30+$0xFFFFFFE0]  }
0x159: {  	v20 =	vmax.f32 v21, v20;
	v21 =	vmul.f32 $2.000000030e-01, v16;
	v19 =	vadd.f32 v11, v19;
	v15 =	vld [tilespmem:s30+$0x70]  }
0x15a: {  	v17 =	vadd.f32 v22, v17;
	v20 =	vmul.f32 v20, v2;
	v22 =	vld [tilespmem:s30+$0xFFFFFFF0]  }
0x15b: {  	v16 =	vmax.f32 v16, v21;
	v21 =	vmul.f32 $2.000000030e-01, v19;
	v18 =	vadd.f32 v13, v18  }
0x15c: {  	v17 =	vadd.f32 v20, v17;
	v16 =	vmul.f32 v16, v3  }
0x15d: {  	v19 =	vmax.f32 v19, v21;
	v20 =	vmul.f32 $2.000000030e-01, v18;
	v21 =	vadd.f32 v14, v23  }
0x15e: {  	v16 =	vadd.f32 v16, v17;
	v17 =	vmul.f32 v19, v4  }
0x15f: {  	v18 =	vmax.f32 v18, v20;
	v19 =	vmul.f32 $2.000000030e-01, v21;
	v20 =	vadd.f32 v15, v22  }
0x160: {  	v16 =	vadd.f32 v17, v16;
	v17 =	vmul.f32 v18, v5  }
0x161: {  	v18 =	vmax.f32 v21, v19;
	v19 =	vmul.f32 $2.000000030e-01, v20  }
0x162: {  	v16 =	vadd.f32 v17, v16;
	v17 =	vmul.f32 v18, v6  }
0x163: {  	v18 =	vmax.f32 v20, v19  }
0x164: {  	v16 =	vadd.f32 v17, v16;
	v17 =	vmul.f32 v18, v7;
	_ =	sdelay $0x1  }
0x165: {  	v16 =	vadd.f32 v17, v16;
	_ =	sdelay $0x1  }
0x166: {  	[tilespmem:$0x1EDF0] =	vst v16  }
0x167: {  	[tilespmem:$0x1EE00] =	vst v16  }
0x168: {  	v17 =	vld [tilespmem:$0x1EDF8];
	_ =	sdelay $0x4  }
0x169: {  	v16 =	vadd.f32 v16, v17;
	_ =	sdelay $0x1  }
0x16a: {  	[tilespmem:$0x1EDF0] =	vst v16  }
0x16b: {  	[tilespmem:$0x1EE00] =	vst v16  }
0x16c: {  	v17 =	vld [tilespmem:$0x1EDF4];
	_ =	sdelay $0x4  }
0x16d: {  	v16 =	vadd.f32 v17, v16;
	_ =	sdelay $0x1  }
0x16e: {  	v16 =	vmul.f32 $1.442695020e+00, v16;
	_ =	sdelay $0x1  }
0x16f: {  	(erf) = vpow2.f32 v16;
	_ =	sdelay $0x4  }
.Ltmp3:
0x170: {  	(pc) =	sbr.rel @p1 .LBB2_8-.Ltmp3, $2  }
0x171: {  	_ =	sdelay $0x2  }
0x172: {  	s9 =	sshra.s32 s5, $0x2;
	v16 =	vpop (erf)  }
0x173: {  	v0 =	vmul.f32 v16, v15  }
0x174: {  	v1 =	vmul.f32 v16, v12;
	[tilespmem:s9+$0x1D770] =	vst v16  }
0x175: {  	v2 =	vmul.f32 v16, v13;
	[tilespmem:s9+$0x1D760] =	vst v0  }
0x176: {  	v59 =	vmul.f32 v16, v10;
	[tilespmem:s9+$0x1D6F0] =	vst v1  }
0x177: {  	v60 =	vmul.f32 v16, v9;
	[tilespmem:s9+$0x1D740] =	vst v2  }
0x178: {  	v61 =	vmul.f32 v16, v11;
	[tilespmem:s9+$0x1D710] =	vst v59  }
0x179: {  	v62 =	vmul.f32 v16, v14;
	[tilespmem:s9+$0x1D720] =	vst v60  }
0x17a: {  	v63 =	vmul.f32 v16, v8;
	[tilespmem:s9+$0x1D730] =	vst v61  }
0x17b: {  	[tilespmem:s9+$0x1D750] =	vst v62  }
0x17c: {  	[tilespmem:s9+$0x1D700] =	vst v63  }
0x17d: {  	[spmem:s1] =	stream.indirect.scatter.add.f32 [tilespmem:s26], [sflag:$0x3], $0x90, s21, s25, $0xb8;
	[tilespmem:$0x1EE10] =	vst v63  }
0x17e: {  	_ =	swait.ge [sflag:s15], $0x1680  }
0x17f: {  	[sflag:s15] =	ssyncset.done $0x0  }
0x180: {  	[sflag:s15] =	ssyncadd.s32 $0xFFFFE980  }
0x181: {  	[bflag:$0x0] =	sbarrier.arrive $0xFFFF  }
0x182: {  	[hbm:s11], [sflag:s7] =	dma.local [spmem:s14], $0x2BE0  }
0x183: {  	s29 =	sadd.s32 $0x1, s29;
	_ =	swait.ge [sflag:s15], $0x2BE0  }
0x184: {  	p1 =	sne.s32 s29, s13;
	[sflag:s15] =	ssyncset.done $0x0  }
.Ltmp4:
0x185: {  	s0 =	simm.s32 @!p0 $0x3;
	[sflag:s15] =	ssyncadd.s32 $0xFFFFD420;
	(pc) =	sbr.rel @p1 .LBB2_1-.Ltmp4, $4  }
0x186: {  	[hbm:s12], [sflag:s7] =	dma.local @!p0 [spmem:s16], $0x120  }
0x187: {  	_ =	swait.ge @!p0 [sflag:s0], $0x120  }
0x188: {  	[sflag:s0] =	ssyncset.done @!p0 $0x0  }
0x189: {  	[sflag:s0] =	ssyncadd.s32 @!p0 $0xFFFFFEE0  }
0x18a: {  	_ =	sfence.sel $0x180000  }
0x18b: {  	[bflag:$0x0] =	sbarrier.arrive $0xFFFF  }
0x18c: {  	_ =	strace $0x9000004A  }
0x18d: {  	[bflag:$0x2] =	sbarrier.arrive $0xFFFF  }
0x18e: {  	s0 =	rddreg [dreg:$0x2]  }
0x18f: {  	s0 =	sadd.s32 @!p0 $0x100000, s0  }
0x190: {  	[sflag:s0] =	ssyncadd.tile.s32 @!p0 $0x1;
	_ =	shalt  }
.Lfunc_end2:
_tile_overlayer_lowered:
.L_overlay_start_2:
0x191: {  	(tag) =	ssettag $0x2  }
0x192: {  	s0 =	rddreg [dreg:$0x0];
	s2 =	stileid.u32  }
0x193: {  	s1 =	rddreg [dreg:$0x1];
	p0 =	sne.s32 s2, $0x0  }
0x194: {  	s3 =	rddreg [dreg:$0x2];
	[bflag:$0x3] =	sbarrier.arrive $0xFFFF;
	s2 =	simm.s32 @!p0 $0x1C03  }
0x195: {  	[timem:s3], [sflag:s2] =	dma.local @!p0 [hbm:s0], s1  }
0x196: {  	s0 =	simm.s32 @!p0 $0x3  }
0x197: {  	_ =	swait.ge @!p0 [sflag:s0], s1  }
0x198: {  	s1 =	ssub.s32 @!p0 $0x0, s1;
	[sflag:s0] =	ssyncset.done @!p0 $0x0  }
0x199: {  	[sflag:s0] =	ssyncadd.s32 @!p0 s1  }
0x19a: {  	[bflag:$0x3] =	sbarrier.arrive $0xFFFF  }
0x19b: {  	_ =	shalt  }

// kernel: kernel.8.cloned.1.call-start
scs
__scs_entry_jumppad:
0x0: {  	(pc) =	sbr.rel $0x88, $3  }
0x1: {  	(tag) =	ssettag $0x0;
	lr =	simm.s32 $0x1  }
0x2: {  	[smem:$0x3F9A] =	sst lr;
	_ =	strace $0xD0000000  }
0x3: {  	_ = 	snop  }
0x4: {  	_ = 	snop  }
0x5: {  	_ = 	snop  }
0x6: {  	_ = 	snop  }
0x7: {  	_ = 	snop  }
__scs_overlays_trampoline_lowered:
0x8: {  	[smem:$0x3FA9] =	sst s0  }
0x9: {  	[smem:$0x3FAA] =	sst s1  }
0xa: {  	[smem:$0x3FAB] =	sst s2  }
0xb: {  	[smem:$0x3FAC] =	sst s3  }
0xc: {  	[smem:$0x3FAD] =	sst s4  }
0xd: {  	[smem:$0x3FAE] =	sst s5  }
0xe: {  	[smem:$0x3FAF] =	sst s6  }
0xf: {  	[smem:$0x3FB0] =	sst s7  }
0x10: {  	[smem:$0x3FB1] =	sst s8  }
0x11: {  	[smem:$0x3FB2] =	sst s9;
	s0 =	simm.s32 @!p0 $0x0  }
0x12: {  	s1 =	sld [smem:$0x3F98];
	s0 =	simm.s32 @p0 $0x1  }
0x13: {  	[smem:$0x3FB3] =	sst s0;
	s0 =	simm.s32 @!p1 $0x0  }
0x14: {  	s2 =	sld [smem:$0x3F97];
	s0 =	simm.s32 @p1 $0x1  }
0x15: {  	[smem:$0x3FB4] =	sst s0;
	s0 =	simm.s32 @!p2 $0x0  }
0x16: {  	s3 =	sld [smem:$0x3FDB];
	s0 =	simm.s32 @p2 $0x1  }
0x17: {  	s4 =	simm.s32 $0x1BF5;
	[smem:$0x3FB6] =	sst s0  }
0x18: {  	s0 =	sld [smem:$0x3F99];
	_ =	swait.ge [sflag:s4], $0x0  }
0x19: {  	s7 =	sld [smem:$0x3F9A]  }
0x1a: {  	s8 =	sadd.s32 $0xFFFFE003, lr  }
0x1b: {  	s9 =	sadd.s32 $0xFFFFFEF7, lr;
	s5 =	simm.s32 $0xFFFFFFFF;
	p2 =	slt.u32 s8, $0xFFFFF086  }
0x1c: {  	p1 =	slt.u32 s9, $0xF7A;
	s5 =	simm.s32 @!p2 $0x0  }
0x1d: {  	s5 =	simm.s32 @p1 $0x1;
	p0 =	seq.s32 s7, s2  }
0x1e: {  	s7 =	smul.u32 @!p0 $0xF7A, s2;
	p2 =	seq.s32 @!p0 s5, $0x0  }
0x1f: {  	s9 =	smul.u32 $0xF7A, s1;
	s8 =	simm.s32 @!p0 $0x1BF5;
	p2 =	por !p2, p0  }
0x20: {  	[sflag:s8] =	ssyncset.s32 @!p0 $0xFFFFF086;
	s6 =	sadd.s32 @!p0 s3, s7;
	s7 =	simm.s32 @!p0 $0x108  }
0x21: {  	s3 =	sadd.s32 s3, s9;
	s6 =	sadd.s32 @!p0 $0x88, s6;
	s7 =	simm.s32 @p2 $0x1082  }
0x22: {  	[simem:s7], [sflag:s8] =	dma.local @!p0 [hbm:s6], $0xF7A  }
0x23: {  	s9 =	sor.u32 $0xD0000000, s2;
	s6 =	simm.s32 $0x108;
	_ =	swait.ge @!p0 [sflag:s8], $0x0  }
0x24: {  	s3 =	sadd.s32 $0x88, s3;
	s6 =	simm.s32 @!p1 $0x1082;
	[sflag:s4] =	ssyncset.s32 $0xFFFFF086  }
0x25: {  	[simem:s6], [sflag:s4] =	dma.local [hbm:s3], $0xF7A  }
0x26: {  	[smem:$0x3F9A] =	sst s1;
	(tag) =	ssettag s2;
	_ =	strace s9  }
0x27: {  	s1 =	sld [smem:$0x3FAA]  }
0x28: {  	s2 =	sld [smem:$0x3FAB]  }
0x29: {  	s4 =	sld [smem:$0x3FAD]  }
0x2a: {  	p0 =	seq.s32 s5, $0x0;
	s5 =	sld [smem:$0x3FAE]  }
0x2b: {  	s6 =	sld [smem:$0x3FAF]  }
0x2c: {  	s7 =	sld [smem:$0x3FB0]  }
0x2d: {  	s3 =	simm.s32 $0x108;
	s8 =	sld [smem:$0x3FB1]  }
0x2e: {  	s3 =	simm.s32 @!p0 $0x1082;
	s9 =	sld [smem:$0x3FB2]  }
0x2f: {  	lr =	sadd.s32 s0, s3;
	s0 =	sld [smem:$0x3FA9]  }
0x30: {  	s3 =	sld [smem:$0x3FAC]  }
0x31: {  	[smem:$0x3FB5] =	sst s10  }
0x32: {  	s10 =	sld [smem:$0x3FB3];
	_ =	sdelay $0x3  }
0x33: {  	p0 =	seq.s32 s10, $0x1;
	s10 =	sld [smem:$0x3FB5];
	_ =	sdelay $0x3  }
0x34: {  	[smem:$0x3FB5] =	sst s10  }
0x35: {  	s10 =	sld [smem:$0x3FB4];
	_ =	sdelay $0x3  }
0x36: {  	p1 =	seq.s32 s10, $0x1;
	s10 =	sld [smem:$0x3FB5];
	_ =	sdelay $0x3  }
0x37: {  	[smem:$0x3FB5] =	sst s10  }
0x38: {  	s10 =	sld [smem:$0x3FB6]  }
0x39: {  	_ = 	snop;
	(pc) =	sbr.ind lr, $3  }
0x3a: {  	_ = 	snop  }
0x3b: {  	_ = 	snop  }
0x3c: {  	p2 =	seq.s32 s10, $0x1;
	s10 =	sld [smem:$0x3FB5]  }
0x3d: {  	_ =	shalt  }
0x3e: {  	_ =	shalt  }
0x3f: {  	_ =	shalt  }
0x40: {  	_ =	shalt  }
0x41: {  	_ =	shalt  }
0x42: {  	_ =	shalt  }
0x43: {  	_ =	shalt  }
0x44: {  	_ =	shalt  }
0x45: {  	_ =	shalt  }
0x46: {  	_ =	shalt  }
0x47: {  	_ =	shalt  }
0x48: {  	_ =	shalt  }
0x49: {  	_ =	shalt  }
0x4a: {  	_ =	shalt  }
0x4b: {  	_ =	shalt  }
0x4c: {  	_ =	shalt  }
0x4d: {  	_ =	shalt  }
0x4e: {  	_ =	shalt  }
0x4f: {  	_ =	shalt  }
0x50: {  	_ =	shalt  }
0x51: {  	_ =	shalt  }
0x52: {  	_ =	shalt  }
0x53: {  	_ =	shalt  }
0x54: {  	_ =	shalt  }
0x55: {  	_ =	shalt  }
0x56: {  	_ =	shalt  }
0x57: {  	_ =	shalt  }
0x58: {  	_ =	shalt  }
0x59: {  	_ =	shalt  }
0x5a: {  	_ =	shalt  }
0x5b: {  	_ =	shalt  }
0x5c: {  	_ =	shalt  }
0x5d: {  	_ =	shalt  }
0x5e: {  	_ =	shalt  }
0x5f: {  	_ =	shalt  }
0x60: {  	_ =	shalt  }
0x61: {  	_ =	shalt  }
0x62: {  	_ =	shalt  }
0x63: {  	_ =	shalt  }
0x64: {  	_ =	shalt  }
0x65: {  	_ =	shalt  }
0x66: {  	_ =	shalt  }
0x67: {  	_ =	shalt  }
0x68: {  	_ =	shalt  }
0x69: {  	_ =	shalt  }
0x6a: {  	_ =	shalt  }
0x6b: {  	_ =	shalt  }
0x6c: {  	_ =	shalt  }
0x6d: {  	_ =	shalt  }
0x6e: {  	_ =	shalt  }
0x6f: {  	_ =	shalt  }
0x70: {  	_ =	shalt  }
0x71: {  	_ =	shalt  }
0x72: {  	_ =	shalt  }
0x73: {  	_ =	shalt  }
0x74: {  	_ =	shalt  }
0x75: {  	_ =	shalt  }
0x76: {  	_ =	shalt  }
0x77: {  	_ =	shalt  }
0x78: {  	_ =	shalt  }
0x79: {  	_ =	shalt  }
0x7a: {  	_ =	shalt  }
0x7b: {  	_ =	shalt  }
0x7c: {  	_ =	shalt  }
0x7d: {  	_ =	shalt  }
0x7e: {  	_ =	shalt  }
0x7f: {  	_ =	shalt  }
0x80: {  	_ =	shalt  }
0x81: {  	_ =	shalt  }
0x82: {  	_ =	shalt  }
0x83: {  	_ =	shalt  }
0x84: {  	_ =	shalt  }
0x85: {  	_ =	shalt  }
0x86: {  	_ =	shalt  }
0x87: {  	_ =	shalt  }
.Lfunc_end0:
.L_simem_size_0:
called_computation_lowered:
.L_overlay_start_0:
0x88: {  	s2 =	sld [smem:$0x3FD9]  }
0x89: {  	s3 =	sld [smem:$0x3FFE];
	_ =	sdelay $0x1  }
0x8a: {  	s1 =	srdreg.scid  }
0x8b: {  	s0 =	sand.u32 $0x1, s1  }
0x8c: {  	s17 =	sshll.u32 s0, $0xA;
	s2 =	sadd.s32 s3, s2  }
0x8d: {  	s2 =	sadd.s32 s2, s17  }
0x8e: {  	[smem:$0x3FC1] =	sst s2  }
0x8f: {  	_ = 	snop  }
0x90: {  	s2 =	sld [smem:$0x3FD0];
	(tm) =	ssettm $0x1  }
0x91: {  	s18 =	sld [smem:$0x3FFB];
	_ =	sdelay $0x3  }
0x92: {  	_ =	strace s18  }
0x93: {  	s3 =	sld [smem:$0x3FFC];
	_ =	sdelay $0x3  }
0x94: {  	_ =	strace s3  }
0x95: {  	s3 =	sld [smem:$0x3FFD];
	_ =	sdelay $0x3  }
0x96: {  	_ =	strace s3  }
0x97: {  	_ =	strace $0x8FFFFFFF  }
0x98: {  	s19 =	sld [smem:$0x3FDB];
	_ =	sdelay $0x1  }
0x99: {  	s4 =	simm.s32 $_scs_section_size  }
0x9a: {  	s5 =	simm.s32 $_size__tile_overlayer_lowered;
	s6 =	simm.s32 $_tile_overlayer_lowered  }
0x9b: {  	s22 =	simm.s32 $0x1BFF;
	s21 =	sshll.u32 s6, $0x1;
	s3 =	sadd.s32 s4, s19  }
0x9c: {  	s7 =	simm.s32 $0x0;
	s20 =	sshll.u32 s5, $0x1;
	s5 =	sadd.s32 s21, s3  }
0x9d: {  	[timem:s7], [sflag:s22] =	dma.local [hbm:s5], s20  }
0x9e: {  	_ =	swait.ge [sflag:s22], s20  }
0x9f: {  	s4 =	ssub.s32 $0x0, s20;
	[sflag:s22] =	ssyncset.done $0x0  }
0xa0: {  	[sflag:s22] =	ssyncadd.s32 s4;
	_ =	sdelay $0x1  }
0xa1: {  	s23 =	simm.s32 $0x1B8B  }
0xa2: {  	_ =	swait.ge [sflag:s23], $0x1  }
0xa3: {  	[sflag:s23] =	ssyncset.done $0x0  }
0xa4: {  	s25 =	simm.s32 $0x1B8E;
	s24 =	sld [smem:$0x3FFE];
	[sflag:s23] =	ssyncadd.s32 $0xFFFFFFFF  }
0xa5: {  	s26 =	simm.s32 $execute0_lowered;
	[smem:$0x3FD2] =	sst s25  }
0xa6: {  	s5 =	sshll.u32 s26, $0x1;
	_ =	strace $0x80000046;
	[dreg:$0x1] =	wrdreg $0xFFFFFFFF  }
0xa7: {  	s28 =	simm.s32 $_size_execute0_lowered;
	s3 =	sadd.s32 s3, s5;
	[dreg:$0x0] =	wrdreg $0x0  }
0xa8: {  	s5 =	sshll.u32 s28, $0x1;
	[dreg:$0x2] =	wrdreg s3  }
0xa9: {  	[dreg:$0x3] =	wrdreg s5  }
0xaa: {  	[dreg:$0x4] =	wrdreg $0xC0  }
0xab: {  	_ =	task [dreg:s7], $0x5FFFF  }
0xac: {  	[dreg:$0x1] =	wrdreg $0xFFFFFFFF  }
0xad: {  	[dreg:$0x0] =	wrdreg $0x60  }
0xae: {  	[dreg:$0x2] =	wrdreg s24  }
0xaf: {  	[dreg:$0x3] =	wrdreg s2  }
0xb0: {  	[dreg:$0x4] =	wrdreg $0x0  }
0xb1: {  	[dreg:$0x5] =	wrdreg $0x9  }
0xb2: {  	_ =	task.clear_ibuf [dreg:s7], $0x6FFFF;
	_ =	strace $0x90000046  }
0xb3: {  	s29 =	simm.s32 $0x9;
	_ =	strace $0x80000048  }
0xb4: {  	_ =	swait.ge [sflag:s29], $0x1  }
0xb5: {  	[sflag:s29] =	ssyncadd.s32 $0xFFFFFFFF  }
0xb6: {  	_ =	strace $0x90000048  }
0xb7: {  	_ =	sfence  }
0xb8: {  	s30 =	sld [smem:$0x0];
	_ =	sdelay $0x2  }
0xb9: {  	s31 =	sshll.u32 s1, $0xD;
	s1 =	sshrl.u32 s1, $0x2  }
0xba: {  	s3 =	sand.u32 $0x4000, s31;
	s1 =	sadd.s32 s1, s30  }
0xbb: {  	s0 =	sor.u32 s3, s0;
	s1 =	sshll.u32 s1, $0x11  }
0xbc: {  	s0 =	sor.u32 s1, s0  }
0xbd: {  	s0 =	sadd.s32 $0x8F2B, s0  }
0xbe: {  	[sflag:s0] =	ssyncadd.remote.s32 $0x1  }
0xbf: {  	_ =	sfence.sel $0xFFFF  }
0xc0: {  	[dreg:$0x0] =	wrdreg $0xFFFFFFFF;
	(pc) =	sbr.abs _section_cstart, $3  }
0xc1: {  	[dreg:$0x1] =	wrdreg $0xFFFFFFFF  }
0xc2: {  	_ =	task.clear_ibuf [dreg:s7], $0x2FFFF;
	_ =	strace $0x9FFFFFFF  }
0xc3: {  	(tm) =	ssettm $0x7FFFFFFF  }
tec
execute0_lowered:
.L_overlay_start_1:
0x0: {  	(tag) =	ssettag $0x1  }
0x1: {  	s0 =	rddreg [dreg:$0x0];
	s1 =	srdreg.scid  }
0x2: {  	s9 =	stileid.u32;
	s2 =	rddreg [dreg:$0x2]  }
0x3: {  	s15 =	simm.s32 $0x3;
	s18 =	simm.s32 $0xC350;
	s19 =	simm.s32 $0x50  }
0x4: {  	s20 =	simm.s32 $0xEAB0;
	s21 =	simm.s32 $0xEA60;
	s22 =	simm.s32 $0xFEB0  }
0x5: {  	s23 =	simm.s32 $0xEA88;
	s24 =	simm.s32 $0x1;
	s25 =	simm.s32 $0x28  }
0x6: {  	s28 =	simm.s32 $0x2;
	s29 =	simm.s32 $0x0;
	s1 =	sand.u32 $0x1, s1  }
0x7: {  	s3 =	sshll.u32 s9, $0x1;
	s5 =	sadd.s32 $0x2200, s0;
	s6 =	sadd.s32 $0x15C00, s0  }
0x8: {  	s12 =	smul.u32 $0xC300, s9;
	s26 =	sshll.u32 s9, $0x6;
	s16 =	sadd.s32 $0xC3000, s2  }
0x9: {  	p0 =	sne.s32 s9, $0x0;
	s8 =	sor.u32 s1, s3;
	s3 =	simm.s32 $0x0  }
0xa: {  	s7 =	ssub.s32 $0x2, s1;
	s1 =	smul.u32 $0xC3500, s1;
	s16 =	sshrl.u32 @!p0 s16, $0x3  }
0xb: {  	s4 =	smul.u32 $0x4E2, s8;
	[smem:$0x7FF] =	sst s3;
	s11 =	sshrl.u32 s7, $0x1  }
0xc: {  	s14 =	sadd.s32 s12, s2;
	s8 =	smul.u32 $0x1388, s8;
	_ =	strace $0x80000047  }
0xd: {  	s13 =	ssub.s32 s7, s11;
	s7 =	sor.u32 $0x1C03, s26;
	s30 =	sadd.s32 s12, s1  }
0xe: {  	s1 =	sshrl.u32 s1, $0x3;
	s14 =	sshrl.u32 s14, $0x3;
	s26 =	simm.s32 $0x112B0  }
0xf: {  	s10 =	sadd.s32 s4, s0;
	s4 =	sadd.s32 $0x273200, s0;
	s0 =	sadd.s32 $0x17600, s0  }
0x10: {  	s31 =	sshrl.u32 s8, $0x3;
	s12 =	sshrl.u32 s30, $0x3;
	s13 =	smax.u32 s13, $0x1  }
0x11: {  	s10 =	sadd.s32 $0x278200, s10;
	s11 =	sadd.s32 s0, s12;
	s0 =	sadd.s32 s0, s1  }
0x12: {  	[dreg:$0x4] =	wrdreg s10;
	s10 =	sadd.s32 s4, s31;
	s12 =	sadd.s32 $0x18600, s0  }
.LBB2_1:
0x13: {  	[spmem:s14], [sflag:s7] =	dma.local [hbm:s6], $0x1860  }
0x14: {  	_ =	swait.ge [sflag:s15], $0x1860  }
0x15: {  	[sflag:s15] =	ssyncset.done $0x0  }
0x16: {  	s0 =	simm.s32 @!p0 $0x3;
	[sflag:s15] =	ssyncadd.s32 $0xFFFFE7A0  }
0x17: {  	[spmem:s16], [sflag:s7] =	dma.local @!p0 [hbm:s6], $0xA0  }
0x18: {  	_ =	swait.ge @!p0 [sflag:s0], $0xA0  }
0x19: {  	[sflag:s0] =	ssyncset.done @!p0 $0x0  }
0x1a: {  	[sflag:s0] =	ssyncadd.s32 @!p0 $0xFFFFFF60  }
0x1b: {  	s1 =	simm.s32 $0x11F30;
	s0 =	rddreg [dreg:$0x1]  }
0x1c: {  	[tilespmem:s1], [sflag:$0x3] =	stream.linear.gather [hbm4b:s0+s3], $0x40, $0x38;
	[tilespmem:$0x11F90] =	vst v63  }
0x1d: {  	_ =	swait.ge [sflag:s15], $0x40  }
0x1e: {  	[sflag:s15] =	ssyncset.done $0x0  }
0x1f: {  	s31 =	rddreg [dreg:$0x4];
	[sflag:s15] =	ssyncadd.s32 $0xFFFFFFC0  }
0x20: {  	[tilespmem:s18], [sflag:$0x3] =	stream.linear.gather [hbm4b:s31+s3], $0x2710, $0x38;
	[tilespmem:$0x11F90] =	vst v63  }
0x21: {  	_ =	swait.ge [sflag:s15], $0x2710  }
0x22: {  	[sflag:s15] =	ssyncset.done $0x0  }
0x23: {  	[sflag:s15] =	ssyncadd.s32 $0xFFFFD8F0  }
0x24: {  	[bflag:$0x0] =	sbarrier.arrive $0xFFFF  }
0x25: {  	v0 =	vld [tilespmem:$0x11F30]  }
0x26: {  	v1 =	vld [tilespmem:$0x11F40]  }
0x27: {  	v2 =	vld [tilespmem:$0x11F50]  }
0x28: {  	v3 =	vld [tilespmem:$0x11F60];
	[tilespmem:s20], [sflag:$0x1] =	stream.indirect.gather [hbm4b:s5+s19], $0x40, s18, s19, $0xb8  }
0x29: {  	s30 =	simm.s32 $0x0  }
0x2a: {  	[tilespmem:s21], [sflag:$0x1] =	stream.linear.gather [hbm4b:s10+s3], $0x28, $0x38;
	[tilespmem:$0x11F90] =	vst v63  }
.LBB2_2:
0x2b: {  	s0 =	sshllo.u32 s30, $0x1  }
0x2c: {  	s1 =	smul.u32 $0x140, s0  }
0x2d: {  	s0 =	smul.u32 $0x28, s0;
	_ =	sdelay $0x1  }
0x2e: {  	s1 =	sshra.s32 s1, $0x2;
	s0 =	sadd.s32 s8, s0  }
0x2f: {  	s1 =	sadd.s32 $0xC350, s1;
	s0 =	sshrl.u32 s0, $0x3  }
0x30: {  	[tilespmem:s22], [sflag:$0x2] =	stream.indirect.gather [hbm4b:s5+s19], $0x40, s1, s19, $0xb8;
	[tilespmem:$0x11F90] =	vst v63  }
0x31: {  	s17 =	simm.s32 $0x0;
	s0 =	sadd.s32 s4, s0  }
0x32: {  	[tilespmem:s23], [sflag:$0x2] =	stream.linear.gather [hbm4b:s0+s17], $0x28, $0x38;
	[tilespmem:$0x11F90] =	vst v63  }
0x33: {  	_ =	swait.ge [sflag:s24], $0x1400  }
0x34: {  	[sflag:s24] =	ssyncset.done $0x0  }
0x35: {  	[sflag:s24] =	ssyncadd.s32 $0xFFFFEC00  }
0x36: {  	_ =	swait.ge [sflag:s24], $0x28  }
0x37: {  	[sflag:s24] =	ssyncset.done $0x0  }
0x38: {  	s31 =	simm.s32 $0xEAF0;
	[sflag:s24] =	ssyncadd.s32 $0xFFFFFFD8  }
0x39: {  	v6 =	vld [tilespmem:s31+$0xFFFFFFC0]  }
0x3a: {  	v4 =	vld [tilespmem:s31+$0x10]  }
0x3b: {  	v7 =	vld [tilespmem:s31+$0xFFFFFFD0]  }
0x3c: {  	v8 =	vld [tilespmem:s31+$0x0]  }
0x3d: {  	v5 =	vld [tilespmem:s31+$0x20]  }
0x3e: {  	v9 =	vld [tilespmem:s31+$0xFFFFFFE0]  }
0x3f: {  	v10 =	vld [tilespmem:s31+$0x30]  }
0x40: {  	v11 =	vld [tilespmem:s31+$0xFFFFFFF0];
	_ =	sdelay $0x1  }
0x41: {  	v7 =	vadd.f32 v4, v7;
	v6 =	vadd.f32 v8, v6;
	_ =	sdelay $0x1  }
0x42: {  	v9 =	vadd.f32 v5, v9;
	v12 =	vmul.f32 $2.000000030e-01, v7;
	v13 =	vmul.f32 $2.000000030e-01, v6  }
0x43: {  	v11 =	vadd.f32 v10, v11  }
0x44: {  	v62 =	vmul.f32 $2.000000030e-01, v9;
	v7 =	vmax.f32 v7, v12;
	v6 =	vmax.f32 v6, v13  }
0x45: {  	v6 =	vmul.f32 v6, v0;
	v7 =	vmul.f32 v7, v1  }
0x46: {  	v63 =	vmul.f32 $2.000000030e-01, v11;
	v9 =	vmax.f32 v9, v62  }
0x47: {  	v6 =	vadd.f32 v7, v6;
	v7 =	vmul.f32 v9, v2  }
0x48: {  	v9 =	vmax.f32 v11, v63  }
0x49: {  	v6 =	vadd.f32 v7, v6;
	v7 =	vmul.f32 v9, v3;
	_ =	sdelay $0x1  }
0x4a: {  	v6 =	vadd.f32 v7, v6;
	_ =	sdelay $0x1  }
0x4b: {  	[tilespmem:$0x11F70] =	vst v6  }
0x4c: {  	[tilespmem:$0x11F80] =	vst v6  }
0x4d: {  	v7 =	vld [tilespmem:$0x11F78];
	_ =	sdelay $0x4  }
0x4e: {  	v6 =	vadd.f32 v6, v7;
	_ =	sdelay $0x1  }
0x4f: {  	v6 =	vmul.f32 $1.442695020e+00, v6;
	_ =	sdelay $0x1  }
0x50: {  	(erf) = vpow2.f32 v6;
	_ =	sdelay $0x8  }
0x51: {  	s9 =	simm.s32 $0x0;
	v7 =	vpop (erf)  }
0x52: {  	s1 =	simm.s32 $0x140;
	s0 =	sshll.u32 s30, $0x1;
	v6 =	vmul.f32 v7, v8;
	v8 =	vmul.f32 v7, v10;
	[tilespmem:s9+$0x112F0] =	vst v7  }
.LBB2_3:
0x53: {  	p1 =	sne.s32 s1, $0x30C0  }
0x54: {  	v4 =	vmul.f32 v7, v4;
	v5 =	vmul.f32 v7, v5;
	s31 =	sadd.s32 $0x80, s31;
	s17 =	smov.u32 s1;
	s1 =	sadd.s32 $0x140, s1  }
0x55: {  	[tilespmem:s9+$0x112E0] =	vst v8  }
0x56: {  	[tilespmem:s9+$0x112B0] =	vst v6  }
0x57: {  	[tilespmem:s9+$0x112C0] =	vst v4  }
0x58: {  	[tilespmem:s9+$0x112D0] =	vst v5  }
0x59: {  	v6 =	vld [tilespmem:s31+$0xFFFFFFC0]  }
0x5a: {  	v4 =	vld [tilespmem:s31+$0x10]  }
0x5b: {  	v7 =	vld [tilespmem:s31+$0xFFFFFFD0]  }
0x5c: {  	v8 =	vld [tilespmem:s31+$0x0]  }
0x5d: {  	v5 =	vld [tilespmem:s31+$0x20]  }
0x5e: {  	v9 =	vld [tilespmem:s31+$0xFFFFFFE0]  }
0x5f: {  	v10 =	vld [tilespmem:s31+$0x30]  }
0x60: {  	v7 =	vadd.f32 v4, v7;
	v11 =	vld [tilespmem:s31+$0xFFFFFFF0]  }
0x61: {  	v6 =	vadd.f32 v8, v6  }
0x62: {  	v12 =	vmul.f32 $2.000000030e-01, v7  }
0x63: {  	v13 =	vmul.f32 $2.000000030e-01, v6;
	v9 =	vadd.f32 v5, v9  }
0x64: {  	v7 =	vmax.f32 v7, v12  }
0x65: {  	v6 =	vmax.f32 v6, v13;
	v12 =	vmul.f32 $2.000000030e-01, v9;
	v11 =	vadd.f32 v10, v11  }
0x66: {  	v7 =	vmul.f32 v7, v1;
	v6 =	vmul.f32 v6, v0  }
0x67: {  	v9 =	vmax.f32 v9, v12;
	v12 =	vmul.f32 $2.000000030e-01, v11  }
0x68: {  	v6 =	vadd.f32 v7, v6;
	v7 =	vmul.f32 v9, v2  }
0x69: {  	v9 =	vmax.f32 v11, v12  }
0x6a: {  	v6 =	vadd.f32 v7, v6;
	v7 =	vmul.f32 v9, v3;
	_ =	sdelay $0x1  }
0x6b: {  	v6 =	vadd.f32 v7, v6;
	_ =	sdelay $0x1  }
0x6c: {  	[tilespmem:$0x11F70] =	vst v6  }
0x6d: {  	[tilespmem:$0x11F80] =	vst v6  }
0x6e: {  	v7 =	vld [tilespmem:$0x11F78];
	_ =	sdelay $0x4  }
0x6f: {  	v6 =	vadd.f32 v6, v7;
	_ =	sdelay $0x1  }
0x70: {  	v6 =	vmul.f32 $1.442695020e+00, v6;
	_ =	sdelay $0x1  }
0x71: {  	(erf) = vpow2.f32 v6;
	_ =	sdelay $0x5  }
.Ltmp0:
0x72: {  	(pc) =	sbr.rel @p1 .LBB2_3-.Ltmp0, $3  }
0x73: {  	_ =	sdelay $0x1  }
0x74: {  	s9 =	sshra.s32 s17, $0x2;
	v7 =	vpop (erf)  }
0x75: {  	v6 =	vmul.f32 v7, v8;
	v8 =	vmul.f32 v7, v10;
	[tilespmem:s9+$0x112F0] =	vst v7  }
0x76: {  	_ = 	snop  }
0x77: {  	v4 =	vmul.f32 v7, v4;
	[tilespmem:s9+$0x112E0] =	vst v8  }
0x78: {  	v5 =	vmul.f32 v7, v5;
	s0 =	sadd.s32 $0x2, s0;
	[tilespmem:s9+$0x112B0] =	vst v6  }
0x79: {  	s1 =	smul.u32 $0x140, s0;
	[tilespmem:s9+$0x112C0] =	vst v4  }
0x7a: {  	s0 =	smul.u32 $0x28, s0;
	[tilespmem:s9+$0x112D0] =	vst v5  }
0x7b: {  	[spmem:s2] =	stream.indirect.scatter.add.f32 [tilespmem:s26], [sflag:$0x3], $0x50, s21, s25, $0xb8;
	[tilespmem:$0x11F90] =	vst v63  }
0x7c: {  	_ =	swait.ge [sflag:s15], $0xC80  }
0x7d: {  	s1 =	sshra.s32 s1, $0x2;
	s0 =	sadd.s32 s8, s0;
	[sflag:s15] =	ssyncset.done $0x0  }
0x7e: {  	s1 =	sadd.s32 $0xC350, s1;
	s0 =	sshrl.u32 s0, $0x3;
	[sflag:s15] =	ssyncadd.s32 $0xFFFFF380  }
0x7f: {  	[tilespmem:s20], [sflag:$0x1] =	stream.indirect.gather [hbm4b:s5+s19], $0x40, s1, s19, $0xb8;
	[tilespmem:$0x11F90] =	vst v63  }
0x80: {  	s17 =	simm.s32 $0x0;
	s0 =	sadd.s32 s4, s0  }
0x81: {  	[tilespmem:s21], [sflag:$0x1] =	stream.linear.gather [hbm4b:s0+s17], $0x28, $0x38;
	[tilespmem:$0x11F90] =	vst v63  }
0x82: {  	_ =	swait.ge [sflag:s28], $0x1400  }
0x83: {  	[sflag:s28] =	ssyncset.done $0x0  }
0x84: {  	[sflag:s28] =	ssyncadd.s32 $0xFFFFEC00  }
0x85: {  	_ =	swait.ge [sflag:s28], $0x28  }
0x86: {  	[sflag:s28] =	ssyncset.done $0x0  }
0x87: {  	s31 =	simm.s32 $0xFEF0;
	[sflag:s28] =	ssyncadd.s32 $0xFFFFFFD8  }
0x88: {  	v6 =	vld [tilespmem:s31+$0xFFFFFFC0]  }
0x89: {  	v4 =	vld [tilespmem:s31+$0x10]  }
0x8a: {  	v7 =	vld [tilespmem:s31+$0xFFFFFFD0]  }
0x8b: {  	v8 =	vld [tilespmem:s31+$0x0]  }
0x8c: {  	v5 =	vld [tilespmem:s31+$0x20]  }
0x8d: {  	v9 =	vld [tilespmem:s31+$0xFFFFFFE0]  }
0x8e: {  	v10 =	vld [tilespmem:s31+$0x30]  }
0x8f: {  	v11 =	vld [tilespmem:s31+$0xFFFFFFF0];
	_ =	sdelay $0x1  }
0x90: {  	v7 =	vadd.f32 v4, v7;
	v6 =	vadd.f32 v8, v6;
	_ =	sdelay $0x1  }
0x91: {  	v9 =	vadd.f32 v5, v9;
	v12 =	vmul.f32 $2.000000030e-01, v7;
	v13 =	vmul.f32 $2.000000030e-01, v6  }
0x92: {  	v11 =	vadd.f32 v10, v11  }
0x93: {  	v62 =	vmul.f32 $2.000000030e-01, v9;
	v7 =	vmax.f32 v7, v12;
	v6 =	vmax.f32 v6, v13  }
0x94: {  	v6 =	vmul.f32 v6, v0;
	v7 =	vmul.f32 v7, v1  }
0x95: {  	v63 =	vmul.f32 $2.000000030e-01, v11;
	v9 =	vmax.f32 v9, v62  }
0x96: {  	v6 =	vadd.f32 v7, v6;
	v7 =	vmul.f32 v9, v2  }
0x97: {  	v9 =	vmax.f32 v11, v63  }
0x98: {  	v6 =	vadd.f32 v7, v6;
	v7 =	vmul.f32 v9, v3;
	_ =	sdelay $0x1  }
0x99: {  	v6 =	vadd.f32 v7, v6;
	_ =	sdelay $0x1  }
0x9a: {  	[tilespmem:$0x11F70] =	vst v6  }
0x9b: {  	[tilespmem:$0x11F80] =	vst v6  }
0x9c: {  	v7 =	vld [tilespmem:$0x11F78];
	_ =	sdelay $0x4  }
0x9d: {  	v6 =	vadd.f32 v6, v7;
	_ =	sdelay $0x1  }
0x9e: {  	v6 =	vmul.f32 $1.442695020e+00, v6;
	_ =	sdelay $0x1  }
0x9f: {  	(erf) = vpow2.f32 v6;
	_ =	sdelay $0x8  }
0xa0: {  	s9 =	simm.s32 $0x0;
	v7 =	vpop (erf)  }
0xa1: {  	s0 =	simm.s32 $0x140;
	v6 =	vmul.f32 v7, v8;
	v8 =	vmul.f32 v7, v10;
	[tilespmem:s9+$0x112F0] =	vst v7  }
.LBB2_5:
0xa2: {  	p1 =	sne.s32 s0, $0x30C0  }
0xa3: {  	v4 =	vmul.f32 v7, v4;
	v5 =	vmul.f32 v7, v5;
	s31 =	sadd.s32 $0x80, s31;
	s1 =	smov.u32 s0;
	s0 =	sadd.s32 $0x140, s0  }
0xa4: {  	[tilespmem:s9+$0x112E0] =	vst v8  }
0xa5: {  	[tilespmem:s9+$0x112B0] =	vst v6  }
0xa6: {  	[tilespmem:s9+$0x112C0] =	vst v4  }
0xa7: {  	[tilespmem:s9+$0x112D0] =	vst v5  }
0xa8: {  	v6 =	vld [tilespmem:s31+$0xFFFFFFC0]  }
0xa9: {  	v4 =	vld [tilespmem:s31+$0x10]  }
0xaa: {  	v7 =	vld [tilespmem:s31+$0xFFFFFFD0]  }
0xab: {  	v8 =	vld [tilespmem:s31+$0x0]  }
0xac: {  	v5 =	vld [tilespmem:s31+$0x20]  }
0xad: {  	v9 =	vld [tilespmem:s31+$0xFFFFFFE0]  }
0xae: {  	v10 =	vld [tilespmem:s31+$0x30]  }
0xaf: {  	v7 =	vadd.f32 v4, v7;
	v11 =	vld [tilespmem:s31+$0xFFFFFFF0]  }
0xb0: {  	v6 =	vadd.f32 v8, v6  }
0xb1: {  	v12 =	vmul.f32 $2.000000030e-01, v7  }
0xb2: {  	v13 =	vmul.f32 $2.000000030e-01, v6;
	v9 =	vadd.f32 v5, v9  }
0xb3: {  	v7 =	vmax.f32 v7, v12  }
0xb4: {  	v6 =	vmax.f32 v6, v13;
	v12 =	vmul.f32 $2.000000030e-01, v9;
	v11 =	vadd.f32 v10, v11  }
0xb5: {  	v7 =	vmul.f32 v7, v1;
	v6 =	vmul.f32 v6, v0  }
0xb6: {  	v9 =	vmax.f32 v9, v12;
	v12 =	vmul.f32 $2.000000030e-01, v11  }
0xb7: {  	v6 =	vadd.f32 v7, v6;
	v7 =	vmul.f32 v9, v2  }
0xb8: {  	v9 =	vmax.f32 v11, v12  }
0xb9: {  	v6 =	vadd.f32 v7, v6;
	v7 =	vmul.f32 v9, v3;
	_ =	sdelay $0x1  }
0xba: {  	v6 =	vadd.f32 v7, v6;
	_ =	sdelay $0x1  }
0xbb: {  	[tilespmem:$0x11F70] =	vst v6  }
0xbc: {  	[tilespmem:$0x11F80] =	vst v6  }
0xbd: {  	v7 =	vld [tilespmem:$0x11F78];
	_ =	sdelay $0x4  }
0xbe: {  	v6 =	vadd.f32 v6, v7;
	_ =	sdelay $0x1  }
0xbf: {  	v6 =	vmul.f32 $1.442695020e+00, v6;
	_ =	sdelay $0x1  }
0xc0: {  	(erf) = vpow2.f32 v6;
	_ =	sdelay $0x5  }
.Ltmp1:
0xc1: {  	(pc) =	sbr.rel @p1 .LBB2_5-.Ltmp1, $3  }
0xc2: {  	_ =	sdelay $0x1  }
0xc3: {  	s9 =	sshra.s32 s1, $0x2;
	v7 =	vpop (erf)  }
0xc4: {  	v6 =	vmul.f32 v7, v8;
	v8 =	vmul.f32 v7, v10;
	[tilespmem:s9+$0x112F0] =	vst v7  }
0xc5: {  	_ = 	snop  }
0xc6: {  	v4 =	vmul.f32 v7, v4;
	[tilespmem:s9+$0x112E0] =	vst v8  }
0xc7: {  	v5 =	vmul.f32 v7, v5;
	s30 =	sadd.s32 $0x1, s30;
	[tilespmem:s9+$0x112B0] =	vst v6  }
0xc8: {  	p1 =	sne.s32 s30, $0x3E;
	[tilespmem:s9+$0x112C0] =	vst v4  }
.Ltmp2:
0xc9: {  	[tilespmem:s9+$0x112D0] =	vst v5;
	(pc) =	sbr.rel @p1 .LBB2_2-.Ltmp2, $4  }
0xca: {  	[spmem:s2] =	stream.indirect.scatter.add.f32 [tilespmem:s26], [sflag:$0x3], $0x50, s23, s25, $0xb8;
	[tilespmem:$0x11F90] =	vst v63  }
0xcb: {  	_ =	swait.ge [sflag:s15], $0xC80  }
0xcc: {  	[sflag:s15] =	ssyncset.done $0x0  }
0xcd: {  	[sflag:s15] =	ssyncadd.s32 $0xFFFFF380  }
0xce: {  	_ =	swait.ge [sflag:s24], $0x1400  }
0xcf: {  	[sflag:s24] =	ssyncset.done $0x0  }
0xd0: {  	[sflag:s24] =	ssyncadd.s32 $0xFFFFEC00  }
0xd1: {  	_ =	swait.ge [sflag:s24], $0x28  }
0xd2: {  	[sflag:s24] =	ssyncset.done $0x0  }
0xd3: {  	s30 =	simm.s32 $0xEAF0;
	[sflag:s24] =	ssyncadd.s32 $0xFFFFFFD8  }
0xd4: {  	v6 =	vld [tilespmem:s30+$0xFFFFFFC0]  }
0xd5: {  	v4 =	vld [tilespmem:s30+$0x10]  }
0xd6: {  	v7 =	vld [tilespmem:s30+$0xFFFFFFD0]  }
0xd7: {  	v8 =	vld [tilespmem:s30+$0x0]  }
0xd8: {  	v5 =	vld [tilespmem:s30+$0x20]  }
0xd9: {  	v9 =	vld [tilespmem:s30+$0xFFFFFFE0]  }
0xda: {  	v10 =	vld [tilespmem:s30+$0x30]  }
0xdb: {  	v11 =	vld [tilespmem:s30+$0xFFFFFFF0];
	_ =	sdelay $0x1  }
0xdc: {  	v7 =	vadd.f32 v4, v7;
	v6 =	vadd.f32 v8, v6;
	_ =	sdelay $0x1  }
0xdd: {  	v9 =	vadd.f32 v5, v9;
	v12 =	vmul.f32 $2.000000030e-01, v7;
	v13 =	vmul.f32 $2.000000030e-01, v6  }
0xde: {  	v11 =	vadd.f32 v10, v11  }
0xdf: {  	v62 =	vmul.f32 $2.000000030e-01, v9;
	v7 =	vmax.f32 v7, v12;
	v6 =	vmax.f32 v6, v13  }
0xe0: {  	v6 =	vmul.f32 v6, v0;
	v7 =	vmul.f32 v7, v1  }
0xe1: {  	v63 =	vmul.f32 $2.000000030e-01, v11;
	v9 =	vmax.f32 v9, v62  }
0xe2: {  	v6 =	vadd.f32 v7, v6;
	v7 =	vmul.f32 v9, v2  }
0xe3: {  	v9 =	vmax.f32 v11, v63  }
0xe4: {  	v6 =	vadd.f32 v7, v6;
	v7 =	vmul.f32 v9, v3;
	_ =	sdelay $0x1  }
0xe5: {  	v6 =	vadd.f32 v7, v6;
	_ =	sdelay $0x1  }
0xe6: {  	[tilespmem:$0x11F70] =	vst v6  }
0xe7: {  	[tilespmem:$0x11F80] =	vst v6  }
0xe8: {  	v7 =	vld [tilespmem:$0x11F78];
	_ =	sdelay $0x4  }
0xe9: {  	v6 =	vadd.f32 v6, v7;
	_ =	sdelay $0x1  }
0xea: {  	v6 =	vmul.f32 $1.442695020e+00, v6;
	_ =	sdelay $0x1  }
0xeb: {  	(erf) = vpow2.f32 v6;
	_ =	sdelay $0x8  }
0xec: {  	s9 =	simm.s32 $0x0;
	v7 =	vpop (erf)  }
0xed: {  	s0 =	simm.s32 $0x140;
	v6 =	vmul.f32 v7, v8;
	v8 =	vmul.f32 v7, v10;
	[tilespmem:s9+$0x112F0] =	vst v7  }
.LBB2_8:
0xee: {  	p1 =	sne.s32 s0, $0x30C0  }
0xef: {  	v4 =	vmul.f32 v7, v4;
	v5 =	vmul.f32 v7, v5;
	s30 =	sadd.s32 $0x80, s30;
	s1 =	smov.u32 s0;
	s0 =	sadd.s32 $0x140, s0  }
0xf0: {  	[tilespmem:s9+$0x112E0] =	vst v8  }
0xf1: {  	[tilespmem:s9+$0x112B0] =	vst v6  }
0xf2: {  	[tilespmem:s9+$0x112C0] =	vst v4  }
0xf3: {  	[tilespmem:s9+$0x112D0] =	vst v5  }
0xf4: {  	v6 =	vld [tilespmem:s30+$0xFFFFFFC0]  }
0xf5: {  	v4 =	vld [tilespmem:s30+$0x10]  }
0xf6: {  	v7 =	vld [tilespmem:s30+$0xFFFFFFD0]  }
0xf7: {  	v8 =	vld [tilespmem:s30+$0x0]  }
0xf8: {  	v5 =	vld [tilespmem:s30+$0x20]  }
0xf9: {  	v9 =	vld [tilespmem:s30+$0xFFFFFFE0]  }
0xfa: {  	v10 =	vld [tilespmem:s30+$0x30]  }
0xfb: {  	v7 =	vadd.f32 v4, v7;
	v11 =	vld [tilespmem:s30+$0xFFFFFFF0]  }
0xfc: {  	v6 =	vadd.f32 v8, v6  }
0xfd: {  	v12 =	vmul.f32 $2.000000030e-01, v7  }
0xfe: {  	v13 =	vmul.f32 $2.000000030e-01, v6;
	v9 =	vadd.f32 v5, v9  }
0xff: {  	v7 =	vmax.f32 v7, v12  }
0x100: {  	v6 =	vmax.f32 v6, v13;
	v12 =	vmul.f32 $2.000000030e-01, v9;
	v11 =	vadd.f32 v10, v11  }
0x101: {  	v7 =	vmul.f32 v7, v1;
	v6 =	vmul.f32 v6, v0  }
0x102: {  	v9 =	vmax.f32 v9, v12;
	v12 =	vmul.f32 $2.000000030e-01, v11  }
0x103: {  	v6 =	vadd.f32 v7, v6;
	v7 =	vmul.f32 v9, v2  }
0x104: {  	v9 =	vmax.f32 v11, v12  }
0x105: {  	v6 =	vadd.f32 v7, v6;
	v7 =	vmul.f32 v9, v3;
	_ =	sdelay $0x1  }
0x106: {  	v6 =	vadd.f32 v7, v6;
	_ =	sdelay $0x1  }
0x107: {  	[tilespmem:$0x11F70] =	vst v6  }
0x108: {  	[tilespmem:$0x11F80] =	vst v6  }
0x109: {  	v7 =	vld [tilespmem:$0x11F78];
	_ =	sdelay $0x4  }
0x10a: {  	v6 =	vadd.f32 v6, v7;
	_ =	sdelay $0x1  }
0x10b: {  	v6 =	vmul.f32 $1.442695020e+00, v6;
	_ =	sdelay $0x1  }
0x10c: {  	(erf) = vpow2.f32 v6;
	_ =	sdelay $0x5  }
.Ltmp3:
0x10d: {  	(pc) =	sbr.rel @p1 .LBB2_8-.Ltmp3, $3  }
0x10e: {  	_ =	sdelay $0x1  }
0x10f: {  	s9 =	sshra.s32 s1, $0x2;
	v7 =	vpop (erf)  }
0x110: {  	v6 =	vmul.f32 v7, v8;
	v8 =	vmul.f32 v7, v10;
	[tilespmem:s9+$0x112F0] =	vst v7  }
0x111: {  	_ = 	snop  }
0x112: {  	v0 =	vmul.f32 v7, v4;
	[tilespmem:s9+$0x112E0] =	vst v8  }
0x113: {  	v1 =	vmul.f32 v7, v5;
	[tilespmem:s9+$0x112B0] =	vst v6  }
0x114: {  	[tilespmem:s9+$0x112C0] =	vst v0  }
0x115: {  	[tilespmem:s9+$0x112D0] =	vst v1  }
0x116: {  	[spmem:s2] =	stream.indirect.scatter.add.f32 [tilespmem:s26], [sflag:$0x3], $0x50, s21, s25, $0xb8;
	[tilespmem:$0x11F90] =	vst v63  }
0x117: {  	_ =	swait.ge [sflag:s15], $0xC80  }
0x118: {  	[sflag:s15] =	ssyncset.done $0x0  }
0x119: {  	[sflag:s15] =	ssyncadd.s32 $0xFFFFF380  }
0x11a: {  	[bflag:$0x0] =	sbarrier.arrive $0xFFFF  }
0x11b: {  	[hbm:s11], [sflag:s7] =	dma.local [spmem:s14], $0x1860  }
0x11c: {  	s29 =	sadd.s32 $0x1, s29;
	_ =	swait.ge [sflag:s15], $0x1860  }
0x11d: {  	p1 =	sne.s32 s29, s13;
	[sflag:s15] =	ssyncset.done $0x0  }
.Ltmp4:
0x11e: {  	s0 =	simm.s32 @!p0 $0x3;
	[sflag:s15] =	ssyncadd.s32 $0xFFFFE7A0;
	(pc) =	sbr.rel @p1 .LBB2_1-.Ltmp4, $4  }
0x11f: {  	[hbm:s12], [sflag:s7] =	dma.local @!p0 [spmem:s16], $0xA0  }
0x120: {  	_ =	swait.ge @!p0 [sflag:s0], $0xA0  }
0x121: {  	[sflag:s0] =	ssyncset.done @!p0 $0x0  }
0x122: {  	[sflag:s0] =	ssyncadd.s32 @!p0 $0xFFFFFF60  }
0x123: {  	_ =	sfence.sel $0x180000  }
0x124: {  	[bflag:$0x0] =	sbarrier.arrive $0xFFFF  }
0x125: {  	_ =	strace $0x90000047  }
0x126: {  	[bflag:$0x2] =	sbarrier.arrive $0xFFFF  }
0x127: {  	s0 =	rddreg [dreg:$0x3]  }
0x128: {  	s0 =	sadd.s32 @!p0 $0x100000, s0  }
0x129: {  	[sflag:s0] =	ssyncadd.tile.s32 @!p0 $0x1;
	_ =	shalt  }
.Lfunc_end2:
_tile_overlayer_lowered:
.L_overlay_start_2:
0x12a: {  	(tag) =	ssettag $0x2  }
0x12b: {  	s0 =	rddreg [dreg:$0x0];
	s2 =	stileid.u32  }
0x12c: {  	s1 =	rddreg [dreg:$0x1];
	p0 =	sne.s32 s2, $0x0  }
0x12d: {  	s3 =	rddreg [dreg:$0x2];
	[bflag:$0x3] =	sbarrier.arrive $0xFFFF;
	s2 =	simm.s32 @!p0 $0x1C03  }
0x12e: {  	[timem:s3], [sflag:s2] =	dma.local @!p0 [hbm:s0], s1  }
0x12f: {  	s0 =	simm.s32 @!p0 $0x3  }
0x130: {  	_ =	swait.ge @!p0 [sflag:s0], s1  }
0x131: {  	s1 =	ssub.s32 @!p0 $0x0, s1;
	[sflag:s0] =	ssyncset.done @!p0 $0x0  }
0x132: {  	[sflag:s0] =	ssyncadd.s32 @!p0 s1  }
0x133: {  	[bflag:$0x3] =	sbarrier.arrive $0xFFFF  }
0x134: {  	_ =	shalt  }

</sc_bundles>
